<compile_context>
chip_gen: v7x
topology: tpu7x:2x2x1
jax: 0.10.2.dev20260603
libtpu: 0.0.44.dev20260713+nightly
codegen_flags: <defaults>
</compile_context>

<pallas_src>
import functools

import jax
import jax.numpy as jnp
from jax import lax
from jax.experimental import pallas as pl
from jax.experimental.pallas import tpu as pltpu
from jax.experimental.pallas import tpu_sc as plsc

N = 10000
E = 160000
IN_DIM = 256
HID = 512
OUT_DIM = 256
ALPHA = 0.1

NSL = 4
FSL = 128
NPAD = 10240
BN = 1280
GRID = 8

NC, NS = 2, 16

CONV_B = 128
EP = 163840
PADN = EP - E
NPADR = NPAD - N
CONV_ROWS = EP // CONV_B
CONV_RPT = CONV_ROWS // NS
HRPT = CONV_RPT // 2
ACC_RPT = NPAD // NS

DEG_RPT = CONV_ROWS // (NC * NS)
RPT_N = NPAD // NS

_mesh = plsc.VectorSubcoreMesh(core_axis_name="c", subcore_axis_name="s")


@functools.partial(
    pl.kernel,
    mesh=_mesh,
    out_type=jax.ShapeDtypeStruct((NC * NPAD,), jnp.float32),
    scratch_types=[
        pltpu.VMEM((DEG_RPT, CONV_B), jnp.int32),
        pltpu.VMEM((CONV_B,), jnp.float32),
        pltpu.VMEM((RPT_N,), jnp.float32),
        pltpu.VMEM_SHARED((NPAD,), jnp.float32),
    ],
)
def _deg_kernel(dst_hbm, out_hbm, idx_v, ones_v, zero_v, deg_sh):
    c = lax.axis_index("c")
    s = lax.axis_index("s")
    w = c * NS + s
    zeros16 = jnp.zeros((16,), jnp.float32)
    ones16 = jnp.ones((16,), jnp.float32)

    @pl.loop(0, RPT_N // 16)
    def _(i):
        zero_v[pl.ds(i * 16, 16)] = zeros16

    @pl.loop(0, CONV_B // 16)
    def _(i):
        ones_v[pl.ds(i * 16, 16)] = ones16

    pltpu.sync_copy(zero_v, deg_sh.at[pl.ds(s * RPT_N, RPT_N)])
    plsc.subcore_barrier()

    pltpu.sync_copy(dst_hbm.at[pl.ds(w * DEG_RPT, DEG_RPT)], idx_v)

    @pl.loop(0, DEG_RPT)
    def _(j):
        pltpu.sync_copy(ones_v, deg_sh.at[idx_v.at[j]], add=True)

    plsc.subcore_barrier()
    pltpu.sync_copy(deg_sh.at[pl.ds(s * RPT_N, RPT_N)],
                    out_hbm.at[pl.ds(c * NPAD + s * RPT_N, RPT_N)])


@functools.partial(
    pl.kernel,
    mesh=_mesh,
    out_type=jax.ShapeDtypeStruct((NSL * NPAD, FSL), jnp.float32),
    scratch_types=[
        pltpu.VMEM((HRPT, CONV_B), jnp.int32),
        pltpu.VMEM((HRPT, CONV_B), jnp.int32),
        pltpu.VMEM((CONV_B, FSL), jnp.float32),
        pltpu.VMEM((CONV_B, FSL), jnp.float32),
        pltpu.VMEM_SHARED((NPAD, FSL), jnp.float32),
        pltpu.SemaphoreType.DMA,
        pltpu.SemaphoreType.DMA,
        pltpu.SemaphoreType.DMA,
    ],
)
def _conv_kernel(hs_hbm, src_hbm, dst_hbm, agg_hbm,
                 src_v, dst_v, rows0_v, rows1_v, acc_sh,
                 gsem0, gsem1, csem):
    c = lax.axis_index("c")
    s = lax.axis_index("s")
    zeros16 = jnp.zeros((16,), jnp.float32)
    offn = jnp.full((16,), N, jnp.int32)

    def _zero_fill_rows0():
        @pl.loop(0, CONV_B)
        def _(r):
            @pl.loop(0, FSL // 16)
            def _(k):
                rows0_v[r, pl.ds(k * 16, 16)] = zeros16

    def _zero_acc_rows():
        @pl.loop(0, ACC_RPT // CONV_B)
        def _(k):
            pltpu.sync_copy(rows0_v,
                            acc_sh.at[pl.ds(s * ACC_RPT + k * CONV_B,
                                            CONV_B)])

    _zero_fill_rows0()
    _zero_acc_rows()
    plsc.subcore_barrier()

    for j in range(NSL // NC):
        q = NC * c + j

        for half in range(2):
            r0 = s * CONV_RPT + half * HRPT
            pltpu.sync_copy(dst_hbm.at[pl.ds(r0, HRPT)], dst_v)
            pltpu.sync_copy(src_hbm.at[pl.ds(r0, HRPT)], src_v)
            off = offn * q

            @pl.loop(0, HRPT)
            def _(r):
                @pl.loop(0, CONV_B // 16)
                def _(k):
                    src_v[r, pl.ds(k * 16, 16)] = (
                        src_v[r, pl.ds(k * 16, 16)] + off)

            def _gather(b, rows_ref, sem):
                return pltpu.make_async_copy(
                    hs_hbm.at[src_v.at[b]], rows_ref, sem)

            _gather(0, rows0_v, gsem0).start()

            @pl.loop(0, HRPT // 2)
            def _(g):
                b = 2 * g
                _gather(b, rows0_v, gsem0).wait()
                _gather(b + 1, rows1_v, gsem1).start()
                pltpu.sync_copy(rows0_v, acc_sh.at[dst_v.at[b]], add=True)
                _gather(b + 1, rows1_v, gsem1).wait()

                @pl.when(b + 2 < HRPT)
                def _():
                    _gather(b + 2, rows0_v, gsem0).start()

                pltpu.sync_copy(rows1_v, acc_sh.at[dst_v.at[b + 1]],
                                add=True)

        plsc.subcore_barrier()
        row0 = q * NPAD + s * ACC_RPT
        cout = pltpu.make_async_copy(
            acc_sh.at[pl.ds(s * ACC_RPT, ACC_RPT)],
            agg_hbm.at[pl.ds(row0, ACC_RPT)], csem)
        cout.start()
        if j + 1 < NSL // NC:
            _zero_fill_rows0()
            cout.wait()
            _zero_acc_rows()
        else:
            cout.wait()
        plsc.subcore_barrier()


def _lin1_body(x_ref, w_ref, b_ref, p_ref, h_ref, hs_ref):
    h = jnp.dot(x_ref[...].astype(jnp.bfloat16), w_ref[...],
                preferred_element_type=jnp.float32)
    h = jnp.maximum(h + b_ref[...], 0.0)
    dinv = lax.rsqrt(1.0 + p_ref[0, :] + p_ref[1, :])
    h_ref[...] = h
    hs = h * dinv[:, None]
    for qq in range(NSL):
        hs_ref[qq, :, :] = hs[:, qq * FSL:(qq + 1) * FSL]


_lin1 = pl.pallas_call(
    _lin1_body,
    grid=(GRID,),
    in_specs=[
        pl.BlockSpec((BN, IN_DIM), lambda i: (i, 0)),
        pl.BlockSpec((IN_DIM, HID), lambda i: (0, 0)),
        pl.BlockSpec((1, HID), lambda i: (0, 0)),
        pl.BlockSpec((2, BN), lambda i: (0, i)),
    ],
    out_specs=[
        pl.BlockSpec((BN, HID), lambda i: (i, 0)),
        pl.BlockSpec((NSL, BN, FSL), lambda i: (0, i, 0)),
    ],
    out_shape=[
        jax.ShapeDtypeStruct((N, HID), jnp.float32),
        jax.ShapeDtypeStruct((NSL, N, FSL), jnp.float32),
    ],
)


def _conv_mm_body(agg_ref, h_ref, p_ref, w_ref, h1_ref, hs1_ref):
    aggb = jnp.concatenate([agg_ref[qq] for qq in range(NSL)], axis=1)
    dinv = lax.rsqrt(1.0 + p_ref[0, :] + p_ref[1, :])
    hb = h_ref[...]
    t = ((1.0 - ALPHA)
         * (aggb * dinv[:, None] + hb * (dinv * dinv)[:, None])
         + ALPHA * hb)
    h1 = jnp.dot(t.astype(jnp.bfloat16), w_ref[...],
                 preferred_element_type=jnp.float32)
    h1_ref[...] = h1
    hs1 = h1 * dinv[:, None]
    for qq in range(NSL):
        hs1_ref[qq, :, :] = hs1[:, qq * FSL:(qq + 1) * FSL]


_conv_mm = pl.pallas_call(
    _conv_mm_body,
    grid=(GRID,),
    in_specs=[
        pl.BlockSpec((NSL, BN, FSL), lambda i: (0, i, 0)),
        pl.BlockSpec((BN, HID), lambda i: (i, 0)),
        pl.BlockSpec((2, BN), lambda i: (0, i)),
        pl.BlockSpec((HID, HID), lambda i: (0, 0)),
    ],
    out_specs=[
        pl.BlockSpec((BN, HID), lambda i: (i, 0)),
        pl.BlockSpec((NSL, BN, FSL), lambda i: (0, i, 0)),
    ],
    out_shape=[
        jax.ShapeDtypeStruct((N, HID), jnp.float32),
        jax.ShapeDtypeStruct((NSL, N, FSL), jnp.float32),
    ],
)


def _final_body(agg_ref, h_ref, x0_ref, p_ref, w_ref, wl2_ref, b2_ref,
                emb_ref, out_ref):
    aggb = jnp.concatenate([agg_ref[qq] for qq in range(NSL)], axis=1)
    dinv = lax.rsqrt(1.0 + p_ref[0, :] + p_ref[1, :])
    t = ((1.0 - ALPHA)
         * (aggb * dinv[:, None] + h_ref[...] * (dinv * dinv)[:, None])
         + ALPHA * x0_ref[...])
    emb = jnp.dot(t.astype(jnp.bfloat16), w_ref[...],
                  preferred_element_type=jnp.float32)
    emb_ref[...] = emb
    out_ref[...] = (jnp.dot(emb.astype(jnp.bfloat16), wl2_ref[...],
                            preferred_element_type=jnp.float32)
                    + b2_ref[...])


_final = pl.pallas_call(
    _final_body,
    grid=(GRID,),
    in_specs=[
        pl.BlockSpec((NSL, BN, FSL), lambda i: (0, i, 0)),
        pl.BlockSpec((BN, HID), lambda i: (i, 0)),
        pl.BlockSpec((BN, HID), lambda i: (i, 0)),
        pl.BlockSpec((2, BN), lambda i: (0, i)),
        pl.BlockSpec((HID, HID), lambda i: (0, 0)),
        pl.BlockSpec((HID, OUT_DIM), lambda i: (0, 0)),
        pl.BlockSpec((1, OUT_DIM), lambda i: (0, 0)),
    ],
    out_specs=[
        pl.BlockSpec((BN, HID), lambda i: (i, 0)),
        pl.BlockSpec((BN, OUT_DIM), lambda i: (i, 0)),
    ],
    out_shape=[
        jax.ShapeDtypeStruct((N, HID), jnp.float32),
        jax.ShapeDtypeStruct((N, OUT_DIM), jnp.float32),
    ],
)


def kernel(x, edge_index, w_lin1, b_lin1, w_conv1, w_conv2, w_lin2, b_lin2):
    src = edge_index[0]
    dst = edge_index[1]
    padi = jnp.arange(PADN, dtype=jnp.int32)
    srcp = jnp.concatenate([src, padi % N]).reshape(CONV_ROWS, CONV_B)
    dstp = jnp.concatenate([dst, N + padi % NPADR]).reshape(CONV_ROWS, CONV_B)

    bf16 = jnp.bfloat16
    parts = _deg_kernel(dstp).reshape(NC, NPAD)
    h, hs4 = _lin1(x, w_lin1.T.astype(bf16), b_lin1.reshape(1, HID), parts)
    agg1 = _conv_kernel(hs4.reshape(NSL * N, FSL), srcp, dstp)
    h1, hs1 = _conv_mm(agg1.reshape(NSL, NPAD, FSL), h, parts,
                       w_conv1.astype(bf16))
    agg2 = _conv_kernel(hs1.reshape(NSL * N, FSL), srcp, dstp)
    emb, out = _final(agg2.reshape(NSL, NPAD, FSL), h1, h, parts,
                      w_conv2.astype(bf16), w_lin2.T.astype(bf16),
                      b_lin2.reshape(1, OUT_DIM))
    return (emb, out)

# --- scband reference (transcript-rebuilt; emitter-appended) ---
"""Pipeline reference for scband-gcn2-28200755265751 (READ-ONLY COPY).

The authoritative reference and input builder live on the scoring server;
editing this copy changes nothing except your own understanding.
"""

import jax, jax.numpy as jnp
import numpy as np

N = 10000
E = 160000
IN_DIM = 256
HID = 512
OUT_DIM = 256
ALPHA = 0.1


def setup_inputs(seed: int = 0) -> dict:
    key = jax.random.key(seed)
    ks = jax.random.split(key, 8)
    x = jax.random.normal(ks[0], (N, IN_DIM), dtype=jnp.float32)
    edge_index = jax.random.randint(ks[1], (2, E), 0, N, dtype=jnp.int32)
    w_lin1 = jax.random.normal(ks[2], (HID, IN_DIM), dtype=jnp.float32) * 0.05
    b_lin1 = jnp.zeros((HID,), dtype=jnp.float32)
    w_conv1 = jax.random.normal(ks[3], (HID, HID), dtype=jnp.float32) * 0.05
    w_conv2 = jax.random.normal(ks[4], (HID, HID), dtype=jnp.float32) * 0.05
    w_lin2 = jax.random.normal(ks[5], (OUT_DIM, HID), dtype=jnp.float32) * 0.05
    b_lin2 = jnp.zeros((OUT_DIM,), dtype=jnp.float32)
    return {"x": x, "edge_index": edge_index, "w_lin1": w_lin1, "b_lin1": b_lin1,
            "w_conv1": w_conv1, "w_conv2": w_conv2, "w_lin2": w_lin2, "b_lin2": b_lin2}


def _gcn_norm(edge_index):
    # add self loops + symmetric normalization (PyG gcn_norm, fill_value=1)
    loop = jnp.arange(N, dtype=edge_index.dtype)
    src = jnp.concatenate([edge_index[0], loop])
    dst = jnp.concatenate([edge_index[1], loop])
    ones = jnp.ones((src.shape[0],), dtype=jnp.float32)
    deg = jax.ops.segment_sum(ones, dst, num_segments=N)
    deg_inv_sqrt = jnp.where(deg > 0, 1.0 / jnp.sqrt(deg), 0.0)
    norm = deg_inv_sqrt[src] * deg_inv_sqrt[dst]
    return src, dst, norm


def _gcn2_conv(x, x0, src, dst, norm, w):
    # propagate: out[dst] += norm * x[src]
    msg = x[src] * norm[:, None]
    agg = jax.ops.segment_sum(msg, dst, num_segments=N)
    # alpha-residual (theta=None -> beta=1, shared weights)
    h = (1.0 - ALPHA) * agg + ALPHA * x0
    return h @ w


def reference(x, edge_index, w_lin1, b_lin1, w_conv1, w_conv2, w_lin2, b_lin2):
    src, dst, norm = _gcn_norm(edge_index)
    h = x @ w_lin1.T + b_lin1
    h = jax.nn.relu(h)
    # dropout p=0.0 -> identity
    x0 = h
    h = _gcn2_conv(h, x0, src, dst, norm, w_conv1)
    embedding = _gcn2_conv(h, x0, src, dst, norm, w_conv2)
    out = embedding @ w_lin2.T + b_lin2
    return (embedding, out)

if __name__ == "__main__":
    import jax
    _d = setup_inputs()
    print(jax.jit(kernel)(*tuple(_d.values())))

</pallas_src>

<mosaic_0001>
#map = affine_map<(d0, d1) -> (0, 0)>
module attributes {stable_mosaic.version = 14 : i64} {
  func.func @_conv_kernel(%arg0: i32, %arg1: i32, %arg2: memref<40000x128xf32, #tpu.memory_space<hbm>>, %arg3: memref<1280x128xi32, #tpu.memory_space<hbm>>, %arg4: memref<1280x128xi32, #tpu.memory_space<hbm>>, %arg5: memref<40960x128xf32, #tpu.memory_space<hbm>>, %arg6: memref<40x128xi32, #tpu.memory_space<vmem>>, %arg7: memref<40x128xi32, #tpu.memory_space<vmem>>, %arg8: memref<128x128xf32, #tpu.memory_space<vmem>>, %arg9: memref<128x128xf32, #tpu.memory_space<vmem>>, %arg10: memref<10240x128xf32, #tpu.memory_space<vmem_shared>>, %arg11: memref<!tpu.dma_semaphore, #tpu.memory_space<semaphore_mem>>, %arg12: memref<!tpu.dma_semaphore, #tpu.memory_space<semaphore_mem>>, %arg13: memref<!tpu.dma_semaphore, #tpu.memory_space<semaphore_mem>>) attributes {dimension_semantics = [#tpu.dimension_semantics<core_parallel>, #tpu.dimension_semantics<subcore_parallel>], iteration_bounds = array<i64: 2, 16>, scalar_prefetch = 0 : i64, scratch_operands = 8 : i64, tpu.core_type = #tpu.core_type<sc_vector_subcore>, window_params = [{transform_indices = #map}, {transform_indices = #map}, {transform_indices = #map}, {transform_indices = #map}]} {
    %broadcast_in_dim3A = arith.constant 0.000000e+00 : f32
    %broadcast_in_dim3A_0 = vector.broadcast %broadcast_in_dim3A : f32 to vector<16xf32>
    %broadcast_in_dim3A_1 = arith.constant 10000 : i32
    %broadcast_in_dim3A_2 = vector.broadcast %broadcast_in_dim3A_1 : i32 to vector<16xi32>
    %scan3A = arith.constant 0 : i32
    %scan3A_3 = arith.constant 128 : i32
    %scan3A_4 = arith.addi %scan3A, %scan3A_3 : i32
    %scan3A_5 = arith.constant 1 : i32
    scf.for %scan3A_152 = %scan3A to %scan3A_4 step %scan3A_5  : i32 {
      %mul3A_153 = arith.constant 1 : i32
      %mul3A_154 = arith.muli %scan3A_152, %mul3A_153 : i32
      %add3A_155 = arith.constant 0 : i32
      %add3A_156 = arith.addi %add3A_155, %mul3A_154 : i32
      %scan3A_157 = arith.constant 0 : i32
      %scan3A_158 = arith.constant 8 : i32
      %scan3A_159 = arith.addi %scan3A_157, %scan3A_158 : i32
      %scan3A_160 = arith.constant 1 : i32
      scf.for %scan3A_162 = %scan3A_157 to %scan3A_159 step %scan3A_160  : i32 {
        %mul3A_163 = arith.constant 1 : i32
        %mul3A_164 = arith.muli %scan3A_162, %mul3A_163 : i32
        %add3A_165 = arith.constant 0 : i32
        %add3A_166 = arith.addi %add3A_165, %mul3A_164 : i32
        %mul3A_167 = arith.constant 16 : i32
        %mul3A_168 = arith.muli %add3A_166, %mul3A_167 : i32
        %swap3A = arith.index_cast %add3A_156 : i32 to index
        %swap3A_169 = arith.index_cast %mul3A_168 : i32 to index
        %swap3A_170 = tpu.vector_load %arg8[%swap3A, %swap3A_169] {strides = array<i32>} : memref<128x128xf32, #tpu.memory_space<vmem>>, vector<1x16xf32>,
        %swap3A_171 = vector.shape_cast %swap3A_170 : vector<1x16xf32> to vector<16xf32>
        %swap3A_172 = vector.shape_cast %broadcast_in_dim3A_0 : vector<16xf32> to vector<1x16xf32>
        tpu.vector_store %arg8[%swap3A, %swap3A_169], %swap3A_172 {strides = array<i32>} : memref<128x128xf32, #tpu.memory_space<vmem>>, vector<1x16xf32>,
      }
      %scan3A_161 = arith.constant 8 : i32
    }
    %scan3A_6 = arith.constant 128 : i32
    %scan3A_7 = arith.constant 0 : i32
    %scan3A_8 = arith.constant 5 : i32
    %scan3A_9 = arith.addi %scan3A_7, %scan3A_8 : i32
    %scan3A_10 = arith.constant 1 : i32
    scf.for %scan3A_152 = %scan3A_7 to %scan3A_9 step %scan3A_10  : i32 {
      %mul3A_153 = arith.constant 1 : i32
      %mul3A_154 = arith.muli %scan3A_152, %mul3A_153 : i32
      %add3A_155 = arith.constant 0 : i32
      %add3A_156 = arith.addi %add3A_155, %mul3A_154 : i32
      %mul3A_157 = arith.constant 640 : i32
      %mul3A_158 = arith.muli %arg1, %mul3A_157 : i32
      %mul3A_159 = arith.constant 128 : i32
      %mul3A_160 = arith.muli %add3A_156, %mul3A_159 : i32
      %add3A_161 = arith.addi %mul3A_158, %mul3A_160 : i32
      "tpu.region"() ({
        %run_scoped3A = tpu.sem_alloc : memref<!tpu.dma_semaphore, #tpu.memory_space<semaphore_mem>>
        %dma_start3A_162 = arith.constant 0 : i32
        %dma_start3A_163 = tpu.memref_slice %arg10[%add3A_161, %dma_start3A_162] : memref<10240x128xf32, #tpu.memory_space<vmem_shared>> -> memref<128x128xf32, #tpu.memory_space<vmem_shared>>
        %dma_start3A_164 = arith.constant 0 : i32
        %dma_start3A_165 = tpu.memref_slice %arg10[%add3A_161, %dma_start3A_164] : memref<10240x128xf32, #tpu.memory_space<vmem_shared>> -> memref<128x128xf32, #tpu.memory_space<vmem_shared>>
        tpu.enqueue_dma source(%arg8 : memref<128x128xf32, #tpu.memory_space<vmem>>) target(%dma_start3A_165 : memref<128x128xf32, #tpu.memory_space<vmem_shared>>) target_semaphore(%run_scoped3A : memref<!tpu.dma_semaphore, #tpu.memory_space<semaphore_mem>>)
        %dma_wait3A_166 = arith.constant 0 : i32
        %dma_wait3A_167 = tpu.memref_slice %arg10[%add3A_161, %dma_wait3A_166] : memref<10240x128xf32, #tpu.memory_space<vmem_shared>> -> memref<128x128xf32, #tpu.memory_space<vmem_shared>>
        %dma_wait3A_168 = arith.constant 0 : i32
        %dma_wait3A_169 = tpu.memref_slice %arg10[%add3A_161, %dma_wait3A_168] : memref<10240x128xf32, #tpu.memory_space<vmem_shared>> -> memref<128x128xf32, #tpu.memory_space<vmem_shared>>
        tpu.wait_dma2 semaphore(%run_scoped3A : memref<!tpu.dma_semaphore, #tpu.memory_space<semaphore_mem>>) src(%arg8 : memref<128x128xf32, #tpu.memory_space<vmem>>) dst(%dma_wait3A_169 : memref<128x128xf32, #tpu.memory_space<vmem_shared>>)
        tpu.yield
      }) : () -> ()
    }
    %scan3A_11 = arith.constant 5 : i32
    %barrier3A = arith.constant 0 : index
    tpu.barrier barrier_id(%barrier3A)
    %mul3A = arith.constant 2 : i32
    %mul3A_12 = arith.muli %mul3A, %arg0 : i32
    %add3A = arith.constant 0 : i32
    %add3A_13 = arith.addi %mul3A_12, %add3A : i32
    %mul3A_14 = arith.constant 80 : i32
    %mul3A_15 = arith.muli %arg1, %mul3A_14 : i32
    %add3A_16 = arith.constant 0 : i32
    %add3A_17 = arith.addi %mul3A_15, %add3A_16 : i32
    "tpu.region"() ({
      %run_scoped3A = tpu.sem_alloc : memref<!tpu.dma_semaphore, #tpu.memory_space<semaphore_mem>>
      %dma_start3A_152 = arith.constant 0 : i32
      %dma_start3A_153 = tpu.memref_slice %arg4[%add3A_17, %dma_start3A_152] : memref<1280x128xi32, #tpu.memory_space<hbm>> -> memref<40x128xi32, #tpu.memory_space<hbm>>
      %dma_start3A_154 = arith.constant 0 : i32
      %dma_start3A_155 = tpu.memref_slice %arg4[%add3A_17, %dma_start3A_154] : memref<1280x128xi32, #tpu.memory_space<hbm>> -> memref<40x128xi32, #tpu.memory_space<hbm>>
      tpu.enqueue_dma source(%dma_start3A_155 : memref<40x128xi32, #tpu.memory_space<hbm>>) target(%arg7 : memref<40x128xi32, #tpu.memory_space<vmem>>) target_semaphore(%run_scoped3A : memref<!tpu.dma_semaphore, #tpu.memory_space<semaphore_mem>>)
      %dma_wait3A_156 = arith.constant 0 : i32
      %dma_wait3A_157 = tpu.memref_slice %arg4[%add3A_17, %dma_wait3A_156] : memref<1280x128xi32, #tpu.memory_space<hbm>> -> memref<40x128xi32, #tpu.memory_space<hbm>>
      %dma_wait3A_158 = arith.constant 0 : i32
      %dma_wait3A_159 = tpu.memref_slice %arg4[%add3A_17, %dma_wait3A_158] : memref<1280x128xi32, #tpu.memory_space<hbm>> -> memref<40x128xi32, #tpu.memory_space<hbm>>
      tpu.wait_dma2 semaphore(%run_scoped3A : memref<!tpu.dma_semaphore, #tpu.memory_space<semaphore_mem>>) src(%dma_wait3A_159 : memref<40x128xi32, #tpu.memory_space<hbm>>) dst(%arg7 : memref<40x128xi32, #tpu.memory_space<vmem>>)
      tpu.yield
    }) : () -> ()
    "tpu.region"() ({
      %run_scoped3A = tpu.sem_alloc : memref<!tpu.dma_semaphore, #tpu.memory_space<semaphore_mem>>
      %dma_start3A_152 = arith.constant 0 : i32
      %dma_start3A_153 = tpu.memref_slice %arg3[%add3A_17, %dma_start3A_152] : memref<1280x128xi32, #tpu.memory_space<hbm>> -> memref<40x128xi32, #tpu.memory_space<hbm>>
      %dma_start3A_154 = arith.constant 0 : i32
      %dma_start3A_155 = tpu.memref_slice %arg3[%add3A_17, %dma_start3A_154] : memref<1280x128xi32, #tpu.memory_space<hbm>> -> memref<40x128xi32, #tpu.memory_space<hbm>>
      tpu.enqueue_dma source(%dma_start3A_155 : memref<40x128xi32, #tpu.memory_space<hbm>>) target(%arg6 : memref<40x128xi32, #tpu.memory_space<vmem>>) target_semaphore(%run_scoped3A : memref<!tpu.dma_semaphore, #tpu.memory_space<semaphore_mem>>)
      %dma_wait3A_156 = arith.constant 0 : i32
      %dma_wait3A_157 = tpu.memref_slice %arg3[%add3A_17, %dma_wait3A_156] : memref<1280x128xi32, #tpu.memory_space<hbm>> -> memref<40x128xi32, #tpu.memory_space<hbm>>
      %dma_wait3A_158 = arith.constant 0 : i32
      %dma_wait3A_159 = tpu.memref_slice %arg3[%add3A_17, %dma_wait3A_158] : memref<1280x128xi32, #tpu.memory_space<hbm>> -> memref<40x128xi32, #tpu.memory_space<hbm>>
      tpu.wait_dma2 semaphore(%run_scoped3A : memref<!tpu.dma_semaphore, #tpu.memory_space<semaphore_mem>>) src(%dma_wait3A_159 : memref<40x128xi32, #tpu.memory_space<hbm>>) dst(%arg6 : memref<40x128xi32, #tpu.memory_space<vmem>>)
      tpu.yield
    }) : () -> ()
    %mul3A_18 = vector.broadcast %add3A_13 : i32 to vector<16xi32>
    %mul3A_19 = arith.muli %broadcast_in_dim3A_2, %mul3A_18 : vector<16xi32>
    %scan3A_20 = arith.constant 0 : i32
    %scan3A_21 = arith.constant 40 : i32
    %scan3A_22 = arith.addi %scan3A_20, %scan3A_21 : i32
    %scan3A_23 = arith.constant 1 : i32
    scf.for %scan3A_152 = %scan3A_20 to %scan3A_22 step %scan3A_23  : i32 {
      %mul3A_153 = arith.constant 1 : i32
      %mul3A_154 = arith.muli %scan3A_152, %mul3A_153 : i32
      %add3A_155 = arith.constant 0 : i32
      %add3A_156 = arith.addi %add3A_155, %mul3A_154 : i32
      %scan3A_157 = arith.constant 0 : i32
      %scan3A_158 = arith.constant 8 : i32
      %scan3A_159 = arith.addi %scan3A_157, %scan3A_158 : i32
      %scan3A_160 = arith.constant 1 : i32
      scf.for %scan3A_162 = %scan3A_157 to %scan3A_159 step %scan3A_160  : i32 {
        %mul3A_163 = arith.constant 1 : i32
        %mul3A_164 = arith.muli %scan3A_162, %mul3A_163 : i32
        %add3A_165 = arith.constant 0 : i32
        %add3A_166 = arith.addi %add3A_165, %mul3A_164 : i32
        %mul3A_167 = arith.constant 16 : i32
        %mul3A_168 = arith.muli %add3A_166, %mul3A_167 : i32
        %get3A = arith.index_cast %add3A_156 : i32 to index
        %get3A_169 = arith.index_cast %mul3A_168 : i32 to index
        %get3A_170 = tpu.vector_load %arg6[%get3A, %get3A_169] {strides = array<i32>} : memref<40x128xi32, #tpu.memory_space<vmem>>, vector<1x16xi32>,
        %get3A_171 = vector.shape_cast %get3A_170 : vector<1x16xi32> to vector<16xi32>
        %add3A_172 = arith.addi %get3A_171, %mul3A_19 : vector<16xi32>
        %mul3A_173 = arith.constant 16 : i32
        %mul3A_174 = arith.muli %add3A_166, %mul3A_173 : i32
        %swap3A = arith.index_cast %add3A_156 : i32 to index
        %swap3A_175 = arith.index_cast %mul3A_174 : i32 to index
        %swap3A_176 = tpu.vector_load %arg6[%swap3A, %swap3A_175] {strides = array<i32>} : memref<40x128xi32, #tpu.memory_space<vmem>>, vector<1x16xi32>,
        %swap3A_177 = vector.shape_cast %swap3A_176 : vector<1x16xi32> to vector<16xi32>
        %swap3A_178 = vector.shape_cast %add3A_172 : vector<16xi32> to vector<1x16xi32>
        tpu.vector_store %arg6[%swap3A, %swap3A_175], %swap3A_178 {strides = array<i32>} : memref<40x128xi32, #tpu.memory_space<vmem>>, vector<1x16xi32>,
      }
      %scan3A_161 = arith.constant 8 : i32
    }
    %scan3A_24 = arith.constant 40 : i32
    %dma_start3A = arith.constant 0 : i32
    %dma_start3A_25 = arith.constant 0 : i32
    %dma_start3A_26 = tpu.memref_slice %arg6[%dma_start3A, %dma_start3A_25] : memref<40x128xi32, #tpu.memory_space<vmem>> -> memref<1x128xi32, #tpu.memory_space<vmem>>
    %dma_start3A_27 = tpu.memref_squeeze %dma_start3A_26 : memref<1x128xi32, #tpu.memory_space<vmem>> -> memref<128xi32, #tpu.memory_space<vmem>>
    %dma_start3A_28 = arith.constant 0 : i32
    %dma_start3A_29 = arith.constant 0 : i32
    %dma_start3A_30 = tpu.memref_slice %arg2[%dma_start3A_28, %dma_start3A_29] : memref<40000x128xf32, #tpu.memory_space<hbm>> -> memref<40000x128xf32, #tpu.memory_space<hbm>>
    tpu.enqueue_indirect_dma source(%dma_start3A_30 : memref<40000x128xf32, #tpu.memory_space<hbm>>) target(%arg8 : memref<128x128xf32, #tpu.memory_space<vmem>>) offsets(%dma_start3A_27 : memref<128xi32, #tpu.memory_space<vmem>>) semaphore(%arg11 : memref<!tpu.dma_semaphore, #tpu.memory_space<semaphore_mem>>)
    %scan3A_31 = arith.constant 0 : i32
    %scan3A_32 = arith.constant 20 : i32
    %scan3A_33 = arith.addi %scan3A_31, %scan3A_32 : i32
    %scan3A_34 = arith.constant 1 : i32
    scf.for %scan3A_152 = %scan3A_31 to %scan3A_33 step %scan3A_34  : i32 {
      %mul3A_153 = arith.constant 1 : i32
      %mul3A_154 = arith.muli %scan3A_152, %mul3A_153 : i32
      %add3A_155 = arith.constant 0 : i32
      %add3A_156 = arith.addi %add3A_155, %mul3A_154 : i32
      %mul3A_157 = arith.constant 2 : i32
      %mul3A_158 = arith.muli %mul3A_157, %add3A_156 : i32
      %dma_wait3A_159 = arith.constant 0 : i32
      %dma_wait3A_160 = tpu.memref_slice %arg6[%mul3A_158, %dma_wait3A_159] : memref<40x128xi32, #tpu.memory_space<vmem>> -> memref<1x128xi32, #tpu.memory_space<vmem>>
      %dma_wait3A_161 = tpu.memref_squeeze %dma_wait3A_160 : memref<1x128xi32, #tpu.memory_space<vmem>> -> memref<128xi32, #tpu.memory_space<vmem>>
      %dma_wait3A_162 = arith.constant 0 : i32
      %dma_wait3A_163 = arith.constant 0 : i32
      %dma_wait3A_164 = tpu.memref_slice %arg2[%dma_wait3A_162, %dma_wait3A_163] : memref<40000x128xf32, #tpu.memory_space<hbm>> -> memref<40000x128xf32, #tpu.memory_space<hbm>>
      tpu.wait_indirect_dma semaphore(%arg11 : memref<!tpu.dma_semaphore, #tpu.memory_space<semaphore_mem>>) src(%dma_wait3A_164 : memref<40000x128xf32, #tpu.memory_space<hbm>>) dst(%arg8 : memref<128x128xf32, #tpu.memory_space<vmem>>)
      %add3A_165 = arith.constant 1 : i32
      %add3A_166 = arith.addi %mul3A_158, %add3A_165 : i32
      %dma_start3A_167 = arith.constant 0 : i32
      %dma_start3A_168 = tpu.memref_slice %arg6[%add3A_166, %dma_start3A_167] : memref<40x128xi32, #tpu.memory_space<vmem>> -> memref<1x128xi32, #tpu.memory_space<vmem>>
      %dma_start3A_169 = tpu.memref_squeeze %dma_start3A_168 : memref<1x128xi32, #tpu.memory_space<vmem>> -> memref<128xi32, #tpu.memory_space<vmem>>
      %dma_start3A_170 = arith.constant 0 : i32
      %dma_start3A_171 = arith.constant 0 : i32
      %dma_start3A_172 = tpu.memref_slice %arg2[%dma_start3A_170, %dma_start3A_171] : memref<40000x128xf32, #tpu.memory_space<hbm>> -> memref<40000x128xf32, #tpu.memory_space<hbm>>
      tpu.enqueue_indirect_dma source(%dma_start3A_172 : memref<40000x128xf32, #tpu.memory_space<hbm>>) target(%arg9 : memref<128x128xf32, #tpu.memory_space<vmem>>) offsets(%dma_start3A_169 : memref<128xi32, #tpu.memory_space<vmem>>) semaphore(%arg12 : memref<!tpu.dma_semaphore, #tpu.memory_space<semaphore_mem>>)
      "tpu.region"() ({
        %run_scoped3A = tpu.sem_alloc : memref<!tpu.dma_semaphore, #tpu.memory_space<semaphore_mem>>
        %dma_start3A_187 = arith.constant 0 : i32
        %dma_start3A_188 = tpu.memref_slice %arg7[%mul3A_158, %dma_start3A_187] : memref<40x128xi32, #tpu.memory_space<vmem>> -> memref<1x128xi32, #tpu.memory_space<vmem>>
        %dma_start3A_189 = tpu.memref_squeeze %dma_start3A_188 : memref<1x128xi32, #tpu.memory_space<vmem>> -> memref<128xi32, #tpu.memory_space<vmem>>
        %dma_start3A_190 = arith.constant 0 : i32
        %dma_start3A_191 = arith.constant 0 : i32
        %dma_start3A_192 = tpu.memref_slice %arg10[%dma_start3A_190, %dma_start3A_191] : memref<10240x128xf32, #tpu.memory_space<vmem_shared>> -> memref<10240x128xf32, #tpu.memory_space<vmem_shared>>
        tpu.enqueue_indirect_dma source(%arg8 : memref<128x128xf32, #tpu.memory_space<vmem>>) target(%dma_start3A_192 : memref<10240x128xf32, #tpu.memory_space<vmem_shared>>) offsets(%dma_start3A_189 : memref<128xi32, #tpu.memory_space<vmem>>) semaphore(%run_scoped3A : memref<!tpu.dma_semaphore, #tpu.memory_space<semaphore_mem>>) {add = true}
        %dma_wait3A_193 = arith.constant 0 : i32
        %dma_wait3A_194 = tpu.memref_slice %arg7[%mul3A_158, %dma_wait3A_193] : memref<40x128xi32, #tpu.memory_space<vmem>> -> memref<1x128xi32, #tpu.memory_space<vmem>>
        %dma_wait3A_195 = tpu.memref_squeeze %dma_wait3A_194 : memref<1x128xi32, #tpu.memory_space<vmem>> -> memref<128xi32, #tpu.memory_space<vmem>>
        %dma_wait3A_196 = arith.constant 0 : i32
        %dma_wait3A_197 = arith.constant 0 : i32
        %dma_wait3A_198 = tpu.memref_slice %arg10[%dma_wait3A_196, %dma_wait3A_197] : memref<10240x128xf32, #tpu.memory_space<vmem_shared>> -> memref<10240x128xf32, #tpu.memory_space<vmem_shared>>
        tpu.wait_indirect_dma semaphore(%run_scoped3A : memref<!tpu.dma_semaphore, #tpu.memory_space<semaphore_mem>>) src(%arg8 : memref<128x128xf32, #tpu.memory_space<vmem>>) dst(%dma_wait3A_198 : memref<10240x128xf32, #tpu.memory_space<vmem_shared>>)
        tpu.yield
      }) : () -> ()
      %add3A_173 = arith.constant 1 : i32
      %add3A_174 = arith.addi %mul3A_158, %add3A_173 : i32
      %dma_wait3A_175 = arith.constant 0 : i32
      %dma_wait3A_176 = tpu.memref_slice %arg6[%add3A_174, %dma_wait3A_175] : memref<40x128xi32, #tpu.memory_space<vmem>> -> memref<1x128xi32, #tpu.memory_space<vmem>>
      %dma_wait3A_177 = tpu.memref_squeeze %dma_wait3A_176 : memref<1x128xi32, #tpu.memory_space<vmem>> -> memref<128xi32, #tpu.memory_space<vmem>>
      %dma_wait3A_178 = arith.constant 0 : i32
      %dma_wait3A_179 = arith.constant 0 : i32
      %dma_wait3A_180 = tpu.memref_slice %arg2[%dma_wait3A_178, %dma_wait3A_179] : memref<40000x128xf32, #tpu.memory_space<hbm>> -> memref<40000x128xf32, #tpu.memory_space<hbm>>
      tpu.wait_indirect_dma semaphore(%arg12 : memref<!tpu.dma_semaphore, #tpu.memory_space<semaphore_mem>>) src(%dma_wait3A_180 : memref<40000x128xf32, #tpu.memory_space<hbm>>) dst(%arg9 : memref<128x128xf32, #tpu.memory_space<vmem>>)
      %add3A_181 = arith.constant 2 : i32
      %add3A_182 = arith.addi %mul3A_158, %add3A_181 : i32
      %lt3A = arith.constant 40 : i32
      %lt3A_183 = arith.cmpi slt, %add3A_182, %lt3A : i32
      %convert_element_type3A = arith.extui %lt3A_183 : i1 to i32
      %cond3A = arith.constant 0 : i32
      %cond3A_184 = arith.cmpi ne, %convert_element_type3A, %cond3A : i32
      scf.if %cond3A_184 {
        %add3A_187 = arith.constant 2 : i32
        %add3A_188 = arith.addi %mul3A_158, %add3A_187 : i32
        %dma_start3A_189 = arith.constant 0 : i32
        %dma_start3A_190 = tpu.memref_slice %arg6[%add3A_188, %dma_start3A_189] : memref<40x128xi32, #tpu.memory_space<vmem>> -> memref<1x128xi32, #tpu.memory_space<vmem>>
        %dma_start3A_191 = tpu.memref_squeeze %dma_start3A_190 : memref<1x128xi32, #tpu.memory_space<vmem>> -> memref<128xi32, #tpu.memory_space<vmem>>
        %dma_start3A_192 = arith.constant 0 : i32
        %dma_start3A_193 = arith.constant 0 : i32
        %dma_start3A_194 = tpu.memref_slice %arg2[%dma_start3A_192, %dma_start3A_193] : memref<40000x128xf32, #tpu.memory_space<hbm>> -> memref<40000x128xf32, #tpu.memory_space<hbm>>
        tpu.enqueue_indirect_dma source(%dma_start3A_194 : memref<40000x128xf32, #tpu.memory_space<hbm>>) target(%arg8 : memref<128x128xf32, #tpu.memory_space<vmem>>) offsets(%dma_start3A_191 : memref<128xi32, #tpu.memory_space<vmem>>) semaphore(%arg11 : memref<!tpu.dma_semaphore, #tpu.memory_space<semaphore_mem>>)
      } else {
      }
      %add3A_185 = arith.constant 1 : i32
      %add3A_186 = arith.addi %mul3A_158, %add3A_185 : i32
      "tpu.region"() ({
        %run_scoped3A = tpu.sem_alloc : memref<!tpu.dma_semaphore, #tpu.memory_space<semaphore_mem>>
        %dma_start3A_187 = arith.constant 0 : i32
        %dma_start3A_188 = tpu.memref_slice %arg7[%add3A_186, %dma_start3A_187] : memref<40x128xi32, #tpu.memory_space<vmem>> -> memref<1x128xi32, #tpu.memory_space<vmem>>
        %dma_start3A_189 = tpu.memref_squeeze %dma_start3A_188 : memref<1x128xi32, #tpu.memory_space<vmem>> -> memref<128xi32, #tpu.memory_space<vmem>>
        %dma_start3A_190 = arith.constant 0 : i32
        %dma_start3A_191 = arith.constant 0 : i32
        %dma_start3A_192 = tpu.memref_slice %arg10[%dma_start3A_190, %dma_start3A_191] : memref<10240x128xf32, #tpu.memory_space<vmem_shared>> -> memref<10240x128xf32, #tpu.memory_space<vmem_shared>>
        tpu.enqueue_indirect_dma source(%arg9 : memref<128x128xf32, #tpu.memory_space<vmem>>) target(%dma_start3A_192 : memref<10240x128xf32, #tpu.memory_space<vmem_shared>>) offsets(%dma_start3A_189 : memref<128xi32, #tpu.memory_space<vmem>>) semaphore(%run_scoped3A : memref<!tpu.dma_semaphore, #tpu.memory_space<semaphore_mem>>) {add = true}
        %dma_wait3A_193 = arith.constant 0 : i32
        %dma_wait3A_194 = tpu.memref_slice %arg7[%add3A_186, %dma_wait3A_193] : memref<40x128xi32, #tpu.memory_space<vmem>> -> memref<1x128xi32, #tpu.memory_space<vmem>>
        %dma_wait3A_195 = tpu.memref_squeeze %dma_wait3A_194 : memref<1x128xi32, #tpu.memory_space<vmem>> -> memref<128xi32, #tpu.memory_space<vmem>>
        %dma_wait3A_196 = arith.constant 0 : i32
        %dma_wait3A_197 = arith.constant 0 : i32
        %dma_wait3A_198 = tpu.memref_slice %arg10[%dma_wait3A_196, %dma_wait3A_197] : memref<10240x128xf32, #tpu.memory_space<vmem_shared>> -> memref<10240x128xf32, #tpu.memory_space<vmem_shared>>
        tpu.wait_indirect_dma semaphore(%run_scoped3A : memref<!tpu.dma_semaphore, #tpu.memory_space<semaphore_mem>>) src(%arg9 : memref<128x128xf32, #tpu.memory_space<vmem>>) dst(%dma_wait3A_198 : memref<10240x128xf32, #tpu.memory_space<vmem_shared>>)
        tpu.yield
      }) : () -> ()
    }
    %scan3A_35 = arith.constant 20 : i32
    %mul3A_36 = arith.constant 80 : i32
    %mul3A_37 = arith.muli %arg1, %mul3A_36 : i32
    %add3A_38 = arith.constant 40 : i32
    %add3A_39 = arith.addi %mul3A_37, %add3A_38 : i32
    "tpu.region"() ({
      %run_scoped3A = tpu.sem_alloc : memref<!tpu.dma_semaphore, #tpu.memory_space<semaphore_mem>>
      %dma_start3A_152 = arith.constant 0 : i32
      %dma_start3A_153 = tpu.memref_slice %arg4[%add3A_39, %dma_start3A_152] : memref<1280x128xi32, #tpu.memory_space<hbm>> -> memref<40x128xi32, #tpu.memory_space<hbm>>
      %dma_start3A_154 = arith.constant 0 : i32
      %dma_start3A_155 = tpu.memref_slice %arg4[%add3A_39, %dma_start3A_154] : memref<1280x128xi32, #tpu.memory_space<hbm>> -> memref<40x128xi32, #tpu.memory_space<hbm>>
      tpu.enqueue_dma source(%dma_start3A_155 : memref<40x128xi32, #tpu.memory_space<hbm>>) target(%arg7 : memref<40x128xi32, #tpu.memory_space<vmem>>) target_semaphore(%run_scoped3A : memref<!tpu.dma_semaphore, #tpu.memory_space<semaphore_mem>>)
      %dma_wait3A_156 = arith.constant 0 : i32
      %dma_wait3A_157 = tpu.memref_slice %arg4[%add3A_39, %dma_wait3A_156] : memref<1280x128xi32, #tpu.memory_space<hbm>> -> memref<40x128xi32, #tpu.memory_space<hbm>>
      %dma_wait3A_158 = arith.constant 0 : i32
      %dma_wait3A_159 = tpu.memref_slice %arg4[%add3A_39, %dma_wait3A_158] : memref<1280x128xi32, #tpu.memory_space<hbm>> -> memref<40x128xi32, #tpu.memory_space<hbm>>
      tpu.wait_dma2 semaphore(%run_scoped3A : memref<!tpu.dma_semaphore, #tpu.memory_space<semaphore_mem>>) src(%dma_wait3A_159 : memref<40x128xi32, #tpu.memory_space<hbm>>) dst(%arg7 : memref<40x128xi32, #tpu.memory_space<vmem>>)
      tpu.yield
    }) : () -> ()
    "tpu.region"() ({
      %run_scoped3A = tpu.sem_alloc : memref<!tpu.dma_semaphore, #tpu.memory_space<semaphore_mem>>
      %dma_start3A_152 = arith.constant 0 : i32
      %dma_start3A_153 = tpu.memref_slice %arg3[%add3A_39, %dma_start3A_152] : memref<1280x128xi32, #tpu.memory_space<hbm>> -> memref<40x128xi32, #tpu.memory_space<hbm>>
      %dma_start3A_154 = arith.constant 0 : i32
      %dma_start3A_155 = tpu.memref_slice %arg3[%add3A_39, %dma_start3A_154] : memref<1280x128xi32, #tpu.memory_space<hbm>> -> memref<40x128xi32, #tpu.memory_space<hbm>>
      tpu.enqueue_dma source(%dma_start3A_155 : memref<40x128xi32, #tpu.memory_space<hbm>>) target(%arg6 : memref<40x128xi32, #tpu.memory_space<vmem>>) target_semaphore(%run_scoped3A : memref<!tpu.dma_semaphore, #tpu.memory_space<semaphore_mem>>)
      %dma_wait3A_156 = arith.constant 0 : i32
      %dma_wait3A_157 = tpu.memref_slice %arg3[%add3A_39, %dma_wait3A_156] : memref<1280x128xi32, #tpu.memory_space<hbm>> -> memref<40x128xi32, #tpu.memory_space<hbm>>
      %dma_wait3A_158 = arith.constant 0 : i32
      %dma_wait3A_159 = tpu.memref_slice %arg3[%add3A_39, %dma_wait3A_158] : memref<1280x128xi32, #tpu.memory_space<hbm>> -> memref<40x128xi32, #tpu.memory_space<hbm>>
      tpu.wait_dma2 semaphore(%run_scoped3A : memref<!tpu.dma_semaphore, #tpu.memory_space<semaphore_mem>>) src(%dma_wait3A_159 : memref<40x128xi32, #tpu.memory_space<hbm>>) dst(%arg6 : memref<40x128xi32, #tpu.memory_space<vmem>>)
      tpu.yield
    }) : () -> ()
    %mul3A_40 = vector.broadcast %add3A_13 : i32 to vector<16xi32>
    %mul3A_41 = arith.muli %broadcast_in_dim3A_2, %mul3A_40 : vector<16xi32>
    %scan3A_42 = arith.constant 0 : i32
    %scan3A_43 = arith.constant 40 : i32
    %scan3A_44 = arith.addi %scan3A_42, %scan3A_43 : i32
    %scan3A_45 = arith.constant 1 : i32
    scf.for %scan3A_152 = %scan3A_42 to %scan3A_44 step %scan3A_45  : i32 {
      %mul3A_153 = arith.constant 1 : i32
      %mul3A_154 = arith.muli %scan3A_152, %mul3A_153 : i32
      %add3A_155 = arith.constant 0 : i32
      %add3A_156 = arith.addi %add3A_155, %mul3A_154 : i32
      %scan3A_157 = arith.constant 0 : i32
      %scan3A_158 = arith.constant 8 : i32
      %scan3A_159 = arith.addi %scan3A_157, %scan3A_158 : i32
      %scan3A_160 = arith.constant 1 : i32
      scf.for %scan3A_162 = %scan3A_157 to %scan3A_159 step %scan3A_160  : i32 {
        %mul3A_163 = arith.constant 1 : i32
        %mul3A_164 = arith.muli %scan3A_162, %mul3A_163 : i32
        %add3A_165 = arith.constant 0 : i32
        %add3A_166 = arith.addi %add3A_165, %mul3A_164 : i32
        %mul3A_167 = arith.constant 16 : i32
        %mul3A_168 = arith.muli %add3A_166, %mul3A_167 : i32
        %get3A = arith.index_cast %add3A_156 : i32 to index
        %get3A_169 = arith.index_cast %mul3A_168 : i32 to index
        %get3A_170 = tpu.vector_load %arg6[%get3A, %get3A_169] {strides = array<i32>} : memref<40x128xi32, #tpu.memory_space<vmem>>, vector<1x16xi32>,
        %get3A_171 = vector.shape_cast %get3A_170 : vector<1x16xi32> to vector<16xi32>
        %add3A_172 = arith.addi %get3A_171, %mul3A_41 : vector<16xi32>
        %mul3A_173 = arith.constant 16 : i32
        %mul3A_174 = arith.muli %add3A_166, %mul3A_173 : i32
        %swap3A = arith.index_cast %add3A_156 : i32 to index
        %swap3A_175 = arith.index_cast %mul3A_174 : i32 to index
        %swap3A_176 = tpu.vector_load %arg6[%swap3A, %swap3A_175] {strides = array<i32>} : memref<40x128xi32, #tpu.memory_space<vmem>>, vector<1x16xi32>,
        %swap3A_177 = vector.shape_cast %swap3A_176 : vector<1x16xi32> to vector<16xi32>
        %swap3A_178 = vector.shape_cast %add3A_172 : vector<16xi32> to vector<1x16xi32>
        tpu.vector_store %arg6[%swap3A, %swap3A_175], %swap3A_178 {strides = array<i32>} : memref<40x128xi32, #tpu.memory_space<vmem>>, vector<1x16xi32>,
      }
      %scan3A_161 = arith.constant 8 : i32
    }
    %scan3A_46 = arith.constant 40 : i32
    %dma_start3A_47 = arith.constant 0 : i32
    %dma_start3A_48 = arith.constant 0 : i32
    %dma_start3A_49 = tpu.memref_slice %arg6[%dma_start3A_47, %dma_start3A_48] : memref<40x128xi32, #tpu.memory_space<vmem>> -> memref<1x128xi32, #tpu.memory_space<vmem>>
    %dma_start3A_50 = tpu.memref_squeeze %dma_start3A_49 : memref<1x128xi32, #tpu.memory_space<vmem>> -> memref<128xi32, #tpu.memory_space<vmem>>
    %dma_start3A_51 = arith.constant 0 : i32
    %dma_start3A_52 = arith.constant 0 : i32
    %dma_start3A_53 = tpu.memref_slice %arg2[%dma_start3A_51, %dma_start3A_52] : memref<40000x128xf32, #tpu.memory_space<hbm>> -> memref<40000x128xf32, #tpu.memory_space<hbm>>
    tpu.enqueue_indirect_dma source(%dma_start3A_53 : memref<40000x128xf32, #tpu.memory_space<hbm>>) target(%arg8 : memref<128x128xf32, #tpu.memory_space<vmem>>) offsets(%dma_start3A_50 : memref<128xi32, #tpu.memory_space<vmem>>) semaphore(%arg11 : memref<!tpu.dma_semaphore, #tpu.memory_space<semaphore_mem>>)
    %scan3A_54 = arith.constant 0 : i32
    %scan3A_55 = arith.constant 20 : i32
    %scan3A_56 = arith.addi %scan3A_54, %scan3A_55 : i32
    %scan3A_57 = arith.constant 1 : i32
    scf.for %scan3A_152 = %scan3A_54 to %scan3A_56 step %scan3A_57  : i32 {
      %mul3A_153 = arith.constant 1 : i32
      %mul3A_154 = arith.muli %scan3A_152, %mul3A_153 : i32
      %add3A_155 = arith.constant 0 : i32
      %add3A_156 = arith.addi %add3A_155, %mul3A_154 : i32
      %mul3A_157 = arith.constant 2 : i32
      %mul3A_158 = arith.muli %mul3A_157, %add3A_156 : i32
      %dma_wait3A_159 = arith.constant 0 : i32
      %dma_wait3A_160 = tpu.memref_slice %arg6[%mul3A_158, %dma_wait3A_159] : memref<40x128xi32, #tpu.memory_space<vmem>> -> memref<1x128xi32, #tpu.memory_space<vmem>>
      %dma_wait3A_161 = tpu.memref_squeeze %dma_wait3A_160 : memref<1x128xi32, #tpu.memory_space<vmem>> -> memref<128xi32, #tpu.memory_space<vmem>>
      %dma_wait3A_162 = arith.constant 0 : i32
      %dma_wait3A_163 = arith.constant 0 : i32
      %dma_wait3A_164 = tpu.memref_slice %arg2[%dma_wait3A_162, %dma_wait3A_163] : memref<40000x128xf32, #tpu.memory_space<hbm>> -> memref<40000x128xf32, #tpu.memory_space<hbm>>
      tpu.wait_indirect_dma semaphore(%arg11 : memref<!tpu.dma_semaphore, #tpu.memory_space<semaphore_mem>>) src(%dma_wait3A_164 : memref<40000x128xf32, #tpu.memory_space<hbm>>) dst(%arg8 : memref<128x128xf32, #tpu.memory_space<vmem>>)
      %add3A_165 = arith.constant 1 : i32
      %add3A_166 = arith.addi %mul3A_158, %add3A_165 : i32
      %dma_start3A_167 = arith.constant 0 : i32
      %dma_start3A_168 = tpu.memref_slice %arg6[%add3A_166, %dma_start3A_167] : memref<40x128xi32, #tpu.memory_space<vmem>> -> memref<1x128xi32, #tpu.memory_space<vmem>>
      %dma_start3A_169 = tpu.memref_squeeze %dma_start3A_168 : memref<1x128xi32, #tpu.memory_space<vmem>> -> memref<128xi32, #tpu.memory_space<vmem>>
      %dma_start3A_170 = arith.constant 0 : i32
      %dma_start3A_171 = arith.constant 0 : i32
      %dma_start3A_172 = tpu.memref_slice %arg2[%dma_start3A_170, %dma_start3A_171] : memref<40000x128xf32, #tpu.memory_space<hbm>> -> memref<40000x128xf32, #tpu.memory_space<hbm>>
      tpu.enqueue_indirect_dma source(%dma_start3A_172 : memref<40000x128xf32, #tpu.memory_space<hbm>>) target(%arg9 : memref<128x128xf32, #tpu.memory_space<vmem>>) offsets(%dma_start3A_169 : memref<128xi32, #tpu.memory_space<vmem>>) semaphore(%arg12 : memref<!tpu.dma_semaphore, #tpu.memory_space<semaphore_mem>>)
      "tpu.region"() ({
        %run_scoped3A = tpu.sem_alloc : memref<!tpu.dma_semaphore, #tpu.memory_space<semaphore_mem>>
        %dma_start3A_187 = arith.constant 0 : i32
        %dma_start3A_188 = tpu.memref_slice %arg7[%mul3A_158, %dma_start3A_187] : memref<40x128xi32, #tpu.memory_space<vmem>> -> memref<1x128xi32, #tpu.memory_space<vmem>>
        %dma_start3A_189 = tpu.memref_squeeze %dma_start3A_188 : memref<1x128xi32, #tpu.memory_space<vmem>> -> memref<128xi32, #tpu.memory_space<vmem>>
        %dma_start3A_190 = arith.constant 0 : i32
        %dma_start3A_191 = arith.constant 0 : i32
        %dma_start3A_192 = tpu.memref_slice %arg10[%dma_start3A_190, %dma_start3A_191] : memref<10240x128xf32, #tpu.memory_space<vmem_shared>> -> memref<10240x128xf32, #tpu.memory_space<vmem_shared>>
        tpu.enqueue_indirect_dma source(%arg8 : memref<128x128xf32, #tpu.memory_space<vmem>>) target(%dma_start3A_192 : memref<10240x128xf32, #tpu.memory_space<vmem_shared>>) offsets(%dma_start3A_189 : memref<128xi32, #tpu.memory_space<vmem>>) semaphore(%run_scoped3A : memref<!tpu.dma_semaphore, #tpu.memory_space<semaphore_mem>>) {add = true}
        %dma_wait3A_193 = arith.constant 0 : i32
        %dma_wait3A_194 = tpu.memref_slice %arg7[%mul3A_158, %dma_wait3A_193] : memref<40x128xi32, #tpu.memory_space<vmem>> -> memref<1x128xi32, #tpu.memory_space<vmem>>
        %dma_wait3A_195 = tpu.memref_squeeze %dma_wait3A_194 : memref<1x128xi32, #tpu.memory_space<vmem>> -> memref<128xi32, #tpu.memory_space<vmem>>
        %dma_wait3A_196 = arith.constant 0 : i32
        %dma_wait3A_197 = arith.constant 0 : i32
        %dma_wait3A_198 = tpu.memref_slice %arg10[%dma_wait3A_196, %dma_wait3A_197] : memref<10240x128xf32, #tpu.memory_space<vmem_shared>> -> memref<10240x128xf32, #tpu.memory_space<vmem_shared>>
        tpu.wait_indirect_dma semaphore(%run_scoped3A : memref<!tpu.dma_semaphore, #tpu.memory_space<semaphore_mem>>) src(%arg8 : memref<128x128xf32, #tpu.memory_space<vmem>>) dst(%dma_wait3A_198 : memref<10240x128xf32, #tpu.memory_space<vmem_shared>>)
        tpu.yield
      }) : () -> ()
      %add3A_173 = arith.constant 1 : i32
      %add3A_174 = arith.addi %mul3A_158, %add3A_173 : i32
      %dma_wait3A_175 = arith.constant 0 : i32
      %dma_wait3A_176 = tpu.memref_slice %arg6[%add3A_174, %dma_wait3A_175] : memref<40x128xi32, #tpu.memory_space<vmem>> -> memref<1x128xi32, #tpu.memory_space<vmem>>
      %dma_wait3A_177 = tpu.memref_squeeze %dma_wait3A_176 : memref<1x128xi32, #tpu.memory_space<vmem>> -> memref<128xi32, #tpu.memory_space<vmem>>
      %dma_wait3A_178 = arith.constant 0 : i32
      %dma_wait3A_179 = arith.constant 0 : i32
      %dma_wait3A_180 = tpu.memref_slice %arg2[%dma_wait3A_178, %dma_wait3A_179] : memref<40000x128xf32, #tpu.memory_space<hbm>> -> memref<40000x128xf32, #tpu.memory_space<hbm>>
      tpu.wait_indirect_dma semaphore(%arg12 : memref<!tpu.dma_semaphore, #tpu.memory_space<semaphore_mem>>) src(%dma_wait3A_180 : memref<40000x128xf32, #tpu.memory_space<hbm>>) dst(%arg9 : memref<128x128xf32, #tpu.memory_space<vmem>>)
      %add3A_181 = arith.constant 2 : i32
      %add3A_182 = arith.addi %mul3A_158, %add3A_181 : i32
      %lt3A = arith.constant 40 : i32
      %lt3A_183 = arith.cmpi slt, %add3A_182, %lt3A : i32
      %convert_element_type3A = arith.extui %lt3A_183 : i1 to i32
      %cond3A = arith.constant 0 : i32
      %cond3A_184 = arith.cmpi ne, %convert_element_type3A, %cond3A : i32
      scf.if %cond3A_184 {
        %add3A_187 = arith.constant 2 : i32
        %add3A_188 = arith.addi %mul3A_158, %add3A_187 : i32
        %dma_start3A_189 = arith.constant 0 : i32
        %dma_start3A_190 = tpu.memref_slice %arg6[%add3A_188, %dma_start3A_189] : memref<40x128xi32, #tpu.memory_space<vmem>> -> memref<1x128xi32, #tpu.memory_space<vmem>>
        %dma_start3A_191 = tpu.memref_squeeze %dma_start3A_190 : memref<1x128xi32, #tpu.memory_space<vmem>> -> memref<128xi32, #tpu.memory_space<vmem>>
        %dma_start3A_192 = arith.constant 0 : i32
        %dma_start3A_193 = arith.constant 0 : i32
        %dma_start3A_194 = tpu.memref_slice %arg2[%dma_start3A_192, %dma_start3A_193] : memref<40000x128xf32, #tpu.memory_space<hbm>> -> memref<40000x128xf32, #tpu.memory_space<hbm>>
        tpu.enqueue_indirect_dma source(%dma_start3A_194 : memref<40000x128xf32, #tpu.memory_space<hbm>>) target(%arg8 : memref<128x128xf32, #tpu.memory_space<vmem>>) offsets(%dma_start3A_191 : memref<128xi32, #tpu.memory_space<vmem>>) semaphore(%arg11 : memref<!tpu.dma_semaphore, #tpu.memory_space<semaphore_mem>>)
      } else {
      }
      %add3A_185 = arith.constant 1 : i32
      %add3A_186 = arith.addi %mul3A_158, %add3A_185 : i32
      "tpu.region"() ({
        %run_scoped3A = tpu.sem_alloc : memref<!tpu.dma_semaphore, #tpu.memory_space<semaphore_mem>>
        %dma_start3A_187 = arith.constant 0 : i32
        %dma_start3A_188 = tpu.memref_slice %arg7[%add3A_186, %dma_start3A_187] : memref<40x128xi32, #tpu.memory_space<vmem>> -> memref<1x128xi32, #tpu.memory_space<vmem>>
        %dma_start3A_189 = tpu.memref_squeeze %dma_start3A_188 : memref<1x128xi32, #tpu.memory_space<vmem>> -> memref<128xi32, #tpu.memory_space<vmem>>
        %dma_start3A_190 = arith.constant 0 : i32
        %dma_start3A_191 = arith.constant 0 : i32
        %dma_start3A_192 = tpu.memref_slice %arg10[%dma_start3A_190, %dma_start3A_191] : memref<10240x128xf32, #tpu.memory_space<vmem_shared>> -> memref<10240x128xf32, #tpu.memory_space<vmem_shared>>
        tpu.enqueue_indirect_dma source(%arg9 : memref<128x128xf32, #tpu.memory_space<vmem>>) target(%dma_start3A_192 : memref<10240x128xf32, #tpu.memory_space<vmem_shared>>) offsets(%dma_start3A_189 : memref<128xi32, #tpu.memory_space<vmem>>) semaphore(%run_scoped3A : memref<!tpu.dma_semaphore, #tpu.memory_space<semaphore_mem>>) {add = true}
        %dma_wait3A_193 = arith.constant 0 : i32
        %dma_wait3A_194 = tpu.memref_slice %arg7[%add3A_186, %dma_wait3A_193] : memref<40x128xi32, #tpu.memory_space<vmem>> -> memref<1x128xi32, #tpu.memory_space<vmem>>
        %dma_wait3A_195 = tpu.memref_squeeze %dma_wait3A_194 : memref<1x128xi32, #tpu.memory_space<vmem>> -> memref<128xi32, #tpu.memory_space<vmem>>
        %dma_wait3A_196 = arith.constant 0 : i32
        %dma_wait3A_197 = arith.constant 0 : i32
        %dma_wait3A_198 = tpu.memref_slice %arg10[%dma_wait3A_196, %dma_wait3A_197] : memref<10240x128xf32, #tpu.memory_space<vmem_shared>> -> memref<10240x128xf32, #tpu.memory_space<vmem_shared>>
        tpu.wait_indirect_dma semaphore(%run_scoped3A : memref<!tpu.dma_semaphore, #tpu.memory_space<semaphore_mem>>) src(%arg9 : memref<128x128xf32, #tpu.memory_space<vmem>>) dst(%dma_wait3A_198 : memref<10240x128xf32, #tpu.memory_space<vmem_shared>>)
        tpu.yield
      }) : () -> ()
    }
    %scan3A_58 = arith.constant 20 : i32
    %barrier3A_59 = arith.constant 0 : index
    tpu.barrier barrier_id(%barrier3A_59)
    %mul3A_60 = arith.constant 10240 : i32
    %mul3A_61 = arith.muli %add3A_13, %mul3A_60 : i32
    %mul3A_62 = arith.constant 640 : i32
    %mul3A_63 = arith.muli %arg1, %mul3A_62 : i32
    %add3A_64 = arith.addi %mul3A_61, %mul3A_63 : i32
    %mul3A_65 = arith.constant 640 : i32
    %mul3A_66 = arith.muli %arg1, %mul3A_65 : i32
    %dma_start3A_67 = arith.constant 0 : i32
    %dma_start3A_68 = tpu.memref_slice %arg5[%add3A_64, %dma_start3A_67] : memref<40960x128xf32, #tpu.memory_space<hbm>> -> memref<640x128xf32, #tpu.memory_space<hbm>>
    %dma_start3A_69 = arith.constant 0 : i32
    %dma_start3A_70 = tpu.memref_slice %arg10[%mul3A_66, %dma_start3A_69] : memref<10240x128xf32, #tpu.memory_space<vmem_shared>> -> memref<640x128xf32, #tpu.memory_space<vmem_shared>>
    tpu.enqueue_dma source(%dma_start3A_70 : memref<640x128xf32, #tpu.memory_space<vmem_shared>>) target(%dma_start3A_68 : memref<640x128xf32, #tpu.memory_space<hbm>>) target_semaphore(%arg13 : memref<!tpu.dma_semaphore, #tpu.memory_space<semaphore_mem>>)
    %scan3A_71 = arith.constant 0 : i32
    %scan3A_72 = arith.constant 128 : i32
    %scan3A_73 = arith.addi %scan3A_71, %scan3A_72 : i32
    %scan3A_74 = arith.constant 1 : i32
    scf.for %scan3A_152 = %scan3A_71 to %scan3A_73 step %scan3A_74  : i32 {
      %mul3A_153 = arith.constant 1 : i32
      %mul3A_154 = arith.muli %scan3A_152, %mul3A_153 : i32
      %add3A_155 = arith.constant 0 : i32
      %add3A_156 = arith.addi %add3A_155, %mul3A_154 : i32
      %scan3A_157 = arith.constant 0 : i32
      %scan3A_158 = arith.constant 8 : i32
      %scan3A_159 = arith.addi %scan3A_157, %scan3A_158 : i32
      %scan3A_160 = arith.constant 1 : i32
      scf.for %scan3A_162 = %scan3A_157 to %scan3A_159 step %scan3A_160  : i32 {
        %mul3A_163 = arith.constant 1 : i32
        %mul3A_164 = arith.muli %scan3A_162, %mul3A_163 : i32
        %add3A_165 = arith.constant 0 : i32
        %add3A_166 = arith.addi %add3A_165, %mul3A_164 : i32
        %mul3A_167 = arith.constant 16 : i32
        %mul3A_168 = arith.muli %add3A_166, %mul3A_167 : i32
        %swap3A = arith.index_cast %add3A_156 : i32 to index
        %swap3A_169 = arith.index_cast %mul3A_168 : i32 to index
        %swap3A_170 = tpu.vector_load %arg8[%swap3A, %swap3A_169] {strides = array<i32>} : memref<128x128xf32, #tpu.memory_space<vmem>>, vector<1x16xf32>,
        %swap3A_171 = vector.shape_cast %swap3A_170 : vector<1x16xf32> to vector<16xf32>
        %swap3A_172 = vector.shape_cast %broadcast_in_dim3A_0 : vector<16xf32> to vector<1x16xf32>
        tpu.vector_store %arg8[%swap3A, %swap3A_169], %swap3A_172 {strides = array<i32>} : memref<128x128xf32, #tpu.memory_space<vmem>>, vector<1x16xf32>,
      }
      %scan3A_161 = arith.constant 8 : i32
    }
    %scan3A_75 = arith.constant 128 : i32
    %dma_wait3A = arith.constant 0 : i32
    %dma_wait3A_76 = tpu.memref_slice %arg5[%add3A_64, %dma_wait3A] : memref<40960x128xf32, #tpu.memory_space<hbm>> -> memref<640x128xf32, #tpu.memory_space<hbm>>
    %dma_wait3A_77 = arith.constant 0 : i32
    %dma_wait3A_78 = tpu.memref_slice %arg10[%mul3A_66, %dma_wait3A_77] : memref<10240x128xf32, #tpu.memory_space<vmem_shared>> -> memref<640x128xf32, #tpu.memory_space<vmem_shared>>
    tpu.wait_dma2 semaphore(%arg13 : memref<!tpu.dma_semaphore, #tpu.memory_space<semaphore_mem>>) src(%dma_wait3A_78 : memref<640x128xf32, #tpu.memory_space<vmem_shared>>) dst(%dma_wait3A_76 : memref<640x128xf32, #tpu.memory_space<hbm>>)
    %scan3A_79 = arith.constant 0 : i32
    %scan3A_80 = arith.constant 5 : i32
    %scan3A_81 = arith.addi %scan3A_79, %scan3A_80 : i32
    %scan3A_82 = arith.constant 1 : i32
    scf.for %scan3A_152 = %scan3A_79 to %scan3A_81 step %scan3A_82  : i32 {
      %mul3A_153 = arith.constant 1 : i32
      %mul3A_154 = arith.muli %scan3A_152, %mul3A_153 : i32
      %add3A_155 = arith.constant 0 : i32
      %add3A_156 = arith.addi %add3A_155, %mul3A_154 : i32
      %mul3A_157 = arith.constant 640 : i32
      %mul3A_158 = arith.muli %arg1, %mul3A_157 : i32
      %mul3A_159 = arith.constant 128 : i32
      %mul3A_160 = arith.muli %add3A_156, %mul3A_159 : i32
      %add3A_161 = arith.addi %mul3A_158, %mul3A_160 : i32
      "tpu.region"() ({
        %run_scoped3A = tpu.sem_alloc : memref<!tpu.dma_semaphore, #tpu.memory_space<semaphore_mem>>
        %dma_start3A_162 = arith.constant 0 : i32
        %dma_start3A_163 = tpu.memref_slice %arg10[%add3A_161, %dma_start3A_162] : memref<10240x128xf32, #tpu.memory_space<vmem_shared>> -> memref<128x128xf32, #tpu.memory_space<vmem_shared>>
        %dma_start3A_164 = arith.constant 0 : i32
        %dma_start3A_165 = tpu.memref_slice %arg10[%add3A_161, %dma_start3A_164] : memref<10240x128xf32, #tpu.memory_space<vmem_shared>> -> memref<128x128xf32, #tpu.memory_space<vmem_shared>>
        tpu.enqueue_dma source(%arg8 : memref<128x128xf32, #tpu.memory_space<vmem>>) target(%dma_start3A_165 : memref<128x128xf32, #tpu.memory_space<vmem_shared>>) target_semaphore(%run_scoped3A : memref<!tpu.dma_semaphore, #tpu.memory_space<semaphore_mem>>)
        %dma_wait3A_166 = arith.constant 0 : i32
        %dma_wait3A_167 = tpu.memref_slice %arg10[%add3A_161, %dma_wait3A_166] : memref<10240x128xf32, #tpu.memory_space<vmem_shared>> -> memref<128x128xf32, #tpu.memory_space<vmem_shared>>
        %dma_wait3A_168 = arith.constant 0 : i32
        %dma_wait3A_169 = tpu.memref_slice %arg10[%add3A_161, %dma_wait3A_168] : memref<10240x128xf32, #tpu.memory_space<vmem_shared>> -> memref<128x128xf32, #tpu.memory_space<vmem_shared>>
        tpu.wait_dma2 semaphore(%run_scoped3A : memref<!tpu.dma_semaphore, #tpu.memory_space<semaphore_mem>>) src(%arg8 : memref<128x128xf32, #tpu.memory_space<vmem>>) dst(%dma_wait3A_169 : memref<128x128xf32, #tpu.memory_space<vmem_shared>>)
        tpu.yield
      }) : () -> ()
    }
    %scan3A_83 = arith.constant 5 : i32
    %barrier3A_84 = arith.constant 0 : index
    tpu.barrier barrier_id(%barrier3A_84)
    %mul3A_85 = arith.constant 2 : i32
    %mul3A_86 = arith.muli %mul3A_85, %arg0 : i32
    %add3A_87 = arith.constant 1 : i32
    %add3A_88 = arith.addi %mul3A_86, %add3A_87 : i32
    %mul3A_89 = arith.constant 80 : i32
    %mul3A_90 = arith.muli %arg1, %mul3A_89 : i32
    %add3A_91 = arith.constant 0 : i32
    %add3A_92 = arith.addi %mul3A_90, %add3A_91 : i32
    "tpu.region"() ({
      %run_scoped3A = tpu.sem_alloc : memref<!tpu.dma_semaphore, #tpu.memory_space<semaphore_mem>>
      %dma_start3A_152 = arith.constant 0 : i32
      %dma_start3A_153 = tpu.memref_slice %arg4[%add3A_92, %dma_start3A_152] : memref<1280x128xi32, #tpu.memory_space<hbm>> -> memref<40x128xi32, #tpu.memory_space<hbm>>
      %dma_start3A_154 = arith.constant 0 : i32
      %dma_start3A_155 = tpu.memref_slice %arg4[%add3A_92, %dma_start3A_154] : memref<1280x128xi32, #tpu.memory_space<hbm>> -> memref<40x128xi32, #tpu.memory_space<hbm>>
      tpu.enqueue_dma source(%dma_start3A_155 : memref<40x128xi32, #tpu.memory_space<hbm>>) target(%arg7 : memref<40x128xi32, #tpu.memory_space<vmem>>) target_semaphore(%run_scoped3A : memref<!tpu.dma_semaphore, #tpu.memory_space<semaphore_mem>>)
      %dma_wait3A_156 = arith.constant 0 : i32
      %dma_wait3A_157 = tpu.memref_slice %arg4[%add3A_92, %dma_wait3A_156] : memref<1280x128xi32, #tpu.memory_space<hbm>> -> memref<40x128xi32, #tpu.memory_space<hbm>>
      %dma_wait3A_158 = arith.constant 0 : i32
      %dma_wait3A_159 = tpu.memref_slice %arg4[%add3A_92, %dma_wait3A_158] : memref<1280x128xi32, #tpu.memory_space<hbm>> -> memref<40x128xi32, #tpu.memory_space<hbm>>
      tpu.wait_dma2 semaphore(%run_scoped3A : memref<!tpu.dma_semaphore, #tpu.memory_space<semaphore_mem>>) src(%dma_wait3A_159 : memref<40x128xi32, #tpu.memory_space<hbm>>) dst(%arg7 : memref<40x128xi32, #tpu.memory_space<vmem>>)
      tpu.yield
    }) : () -> ()
    "tpu.region"() ({
      %run_scoped3A = tpu.sem_alloc : memref<!tpu.dma_semaphore, #tpu.memory_space<semaphore_mem>>
      %dma_start3A_152 = arith.constant 0 : i32
      %dma_start3A_153 = tpu.memref_slice %arg3[%add3A_92, %dma_start3A_152] : memref<1280x128xi32, #tpu.memory_space<hbm>> -> memref<40x128xi32, #tpu.memory_space<hbm>>
      %dma_start3A_154 = arith.constant 0 : i32
      %dma_start3A_155 = tpu.memref_slice %arg3[%add3A_92, %dma_start3A_154] : memref<1280x128xi32, #tpu.memory_space<hbm>> -> memref<40x128xi32, #tpu.memory_space<hbm>>
      tpu.enqueue_dma source(%dma_start3A_155 : memref<40x128xi32, #tpu.memory_space<hbm>>) target(%arg6 : memref<40x128xi32, #tpu.memory_space<vmem>>) target_semaphore(%run_scoped3A : memref<!tpu.dma_semaphore, #tpu.memory_space<semaphore_mem>>)
      %dma_wait3A_156 = arith.constant 0 : i32
      %dma_wait3A_157 = tpu.memref_slice %arg3[%add3A_92, %dma_wait3A_156] : memref<1280x128xi32, #tpu.memory_space<hbm>> -> memref<40x128xi32, #tpu.memory_space<hbm>>
      %dma_wait3A_158 = arith.constant 0 : i32
      %dma_wait3A_159 = tpu.memref_slice %arg3[%add3A_92, %dma_wait3A_158] : memref<1280x128xi32, #tpu.memory_space<hbm>> -> memref<40x128xi32, #tpu.memory_space<hbm>>
      tpu.wait_dma2 semaphore(%run_scoped3A : memref<!tpu.dma_semaphore, #tpu.memory_space<semaphore_mem>>) src(%dma_wait3A_159 : memref<40x128xi32, #tpu.memory_space<hbm>>) dst(%arg6 : memref<40x128xi32, #tpu.memory_space<vmem>>)
      tpu.yield
    }) : () -> ()
    %mul3A_93 = vector.broadcast %add3A_88 : i32 to vector<16xi32>
    %mul3A_94 = arith.muli %broadcast_in_dim3A_2, %mul3A_93 : vector<16xi32>
    %scan3A_95 = arith.constant 0 : i32
    %scan3A_96 = arith.constant 40 : i32
    %scan3A_97 = arith.addi %scan3A_95, %scan3A_96 : i32
    %scan3A_98 = arith.constant 1 : i32
    scf.for %scan3A_152 = %scan3A_95 to %scan3A_97 step %scan3A_98  : i32 {
      %mul3A_153 = arith.constant 1 : i32
      %mul3A_154 = arith.muli %scan3A_152, %mul3A_153 : i32
      %add3A_155 = arith.constant 0 : i32
      %add3A_156 = arith.addi %add3A_155, %mul3A_154 : i32
      %scan3A_157 = arith.constant 0 : i32
      %scan3A_158 = arith.constant 8 : i32
      %scan3A_159 = arith.addi %scan3A_157, %scan3A_158 : i32
      %scan3A_160 = arith.constant 1 : i32
      scf.for %scan3A_162 = %scan3A_157 to %scan3A_159 step %scan3A_160  : i32 {
        %mul3A_163 = arith.constant 1 : i32
        %mul3A_164 = arith.muli %scan3A_162, %mul3A_163 : i32
        %add3A_165 = arith.constant 0 : i32
        %add3A_166 = arith.addi %add3A_165, %mul3A_164 : i32
        %mul3A_167 = arith.constant 16 : i32
        %mul3A_168 = arith.muli %add3A_166, %mul3A_167 : i32
        %get3A = arith.index_cast %add3A_156 : i32 to index
        %get3A_169 = arith.index_cast %mul3A_168 : i32 to index
        %get3A_170 = tpu.vector_load %arg6[%get3A, %get3A_169] {strides = array<i32>} : memref<40x128xi32, #tpu.memory_space<vmem>>, vector<1x16xi32>,
        %get3A_171 = vector.shape_cast %get3A_170 : vector<1x16xi32> to vector<16xi32>
        %add3A_172 = arith.addi %get3A_171, %mul3A_94 : vector<16xi32>
        %mul3A_173 = arith.constant 16 : i32
        %mul3A_174 = arith.muli %add3A_166, %mul3A_173 : i32
        %swap3A = arith.index_cast %add3A_156 : i32 to index
        %swap3A_175 = arith.index_cast %mul3A_174 : i32 to index
        %swap3A_176 = tpu.vector_load %arg6[%swap3A, %swap3A_175] {strides = array<i32>} : memref<40x128xi32, #tpu.memory_space<vmem>>, vector<1x16xi32>,
        %swap3A_177 = vector.shape_cast %swap3A_176 : vector<1x16xi32> to vector<16xi32>
        %swap3A_178 = vector.shape_cast %add3A_172 : vector<16xi32> to vector<1x16xi32>
        tpu.vector_store %arg6[%swap3A, %swap3A_175], %swap3A_178 {strides = array<i32>} : memref<40x128xi32, #tpu.memory_space<vmem>>, vector<1x16xi32>,
      }
      %scan3A_161 = arith.constant 8 : i32
    }
    %scan3A_99 = arith.constant 40 : i32
    %dma_start3A_100 = arith.constant 0 : i32
    %dma_start3A_101 = arith.constant 0 : i32
    %dma_start3A_102 = tpu.memref_slice %arg6[%dma_start3A_100, %dma_start3A_101] : memref<40x128xi32, #tpu.memory_space<vmem>> -> memref<1x128xi32, #tpu.memory_space<vmem>>
    %dma_start3A_103 = tpu.memref_squeeze %dma_start3A_102 : memref<1x128xi32, #tpu.memory_space<vmem>> -> memref<128xi32, #tpu.memory_space<vmem>>
    %dma_start3A_104 = arith.constant 0 : i32
    %dma_start3A_105 = arith.constant 0 : i32
    %dma_start3A_106 = tpu.memref_slice %arg2[%dma_start3A_104, %dma_start3A_105] : memref<40000x128xf32, #tpu.memory_space<hbm>> -> memref<40000x128xf32, #tpu.memory_space<hbm>>
    tpu.enqueue_indirect_dma source(%dma_start3A_106 : memref<40000x128xf32, #tpu.memory_space<hbm>>) target(%arg8 : memref<128x128xf32, #tpu.memory_space<vmem>>) offsets(%dma_start3A_103 : memref<128xi32, #tpu.memory_space<vmem>>) semaphore(%arg11 : memref<!tpu.dma_semaphore, #tpu.memory_space<semaphore_mem>>)
    %scan3A_107 = arith.constant 0 : i32
    %scan3A_108 = arith.constant 20 : i32
    %scan3A_109 = arith.addi %scan3A_107, %scan3A_108 : i32
    %scan3A_110 = arith.constant 1 : i32
    scf.for %scan3A_152 = %scan3A_107 to %scan3A_109 step %scan3A_110  : i32 {
      %mul3A_153 = arith.constant 1 : i32
      %mul3A_154 = arith.muli %scan3A_152, %mul3A_153 : i32
      %add3A_155 = arith.constant 0 : i32
      %add3A_156 = arith.addi %add3A_155, %mul3A_154 : i32
      %mul3A_157 = arith.constant 2 : i32
      %mul3A_158 = arith.muli %mul3A_157, %add3A_156 : i32
      %dma_wait3A_159 = arith.constant 0 : i32
      %dma_wait3A_160 = tpu.memref_slice %arg6[%mul3A_158, %dma_wait3A_159] : memref<40x128xi32, #tpu.memory_space<vmem>> -> memref<1x128xi32, #tpu.memory_space<vmem>>
      %dma_wait3A_161 = tpu.memref_squeeze %dma_wait3A_160 : memref<1x128xi32, #tpu.memory_space<vmem>> -> memref<128xi32, #tpu.memory_space<vmem>>
      %dma_wait3A_162 = arith.constant 0 : i32
      %dma_wait3A_163 = arith.constant 0 : i32
      %dma_wait3A_164 = tpu.memref_slice %arg2[%dma_wait3A_162, %dma_wait3A_163] : memref<40000x128xf32, #tpu.memory_space<hbm>> -> memref<40000x128xf32, #tpu.memory_space<hbm>>
      tpu.wait_indirect_dma semaphore(%arg11 : memref<!tpu.dma_semaphore, #tpu.memory_space<semaphore_mem>>) src(%dma_wait3A_164 : memref<40000x128xf32, #tpu.memory_space<hbm>>) dst(%arg8 : memref<128x128xf32, #tpu.memory_space<vmem>>)
      %add3A_165 = arith.constant 1 : i32
      %add3A_166 = arith.addi %mul3A_158, %add3A_165 : i32
      %dma_start3A_167 = arith.constant 0 : i32
      %dma_start3A_168 = tpu.memref_slice %arg6[%add3A_166, %dma_start3A_167] : memref<40x128xi32, #tpu.memory_space<vmem>> -> memref<1x128xi32, #tpu.memory_space<vmem>>
      %dma_start3A_169 = tpu.memref_squeeze %dma_start3A_168 : memref<1x128xi32, #tpu.memory_space<vmem>> -> memref<128xi32, #tpu.memory_space<vmem>>
      %dma_start3A_170 = arith.constant 0 : i32
      %dma_start3A_171 = arith.constant 0 : i32
      %dma_start3A_172 = tpu.memref_slice %arg2[%dma_start3A_170, %dma_start3A_171] : memref<40000x128xf32, #tpu.memory_space<hbm>> -> memref<40000x128xf32, #tpu.memory_space<hbm>>
      tpu.enqueue_indirect_dma source(%dma_start3A_172 : memref<40000x128xf32, #tpu.memory_space<hbm>>) target(%arg9 : memref<128x128xf32, #tpu.memory_space<vmem>>) offsets(%dma_start3A_169 : memref<128xi32, #tpu.memory_space<vmem>>) semaphore(%arg12 : memref<!tpu.dma_semaphore, #tpu.memory_space<semaphore_mem>>)
      "tpu.region"() ({
        %run_scoped3A = tpu.sem_alloc : memref<!tpu.dma_semaphore, #tpu.memory_space<semaphore_mem>>
        %dma_start3A_187 = arith.constant 0 : i32
        %dma_start3A_188 = tpu.memref_slice %arg7[%mul3A_158, %dma_start3A_187] : memref<40x128xi32, #tpu.memory_space<vmem>> -> memref<1x128xi32, #tpu.memory_space<vmem>>
        %dma_start3A_189 = tpu.memref_squeeze %dma_start3A_188 : memref<1x128xi32, #tpu.memory_space<vmem>> -> memref<128xi32, #tpu.memory_space<vmem>>
        %dma_start3A_190 = arith.constant 0 : i32
        %dma_start3A_191 = arith.constant 0 : i32
        %dma_start3A_192 = tpu.memref_slice %arg10[%dma_start3A_190, %dma_start3A_191] : memref<10240x128xf32, #tpu.memory_space<vmem_shared>> -> memref<10240x128xf32, #tpu.memory_space<vmem_shared>>
        tpu.enqueue_indirect_dma source(%arg8 : memref<128x128xf32, #tpu.memory_space<vmem>>) target(%dma_start3A_192 : memref<10240x128xf32, #tpu.memory_space<vmem_shared>>) offsets(%dma_start3A_189 : memref<128xi32, #tpu.memory_space<vmem>>) semaphore(%run_scoped3A : memref<!tpu.dma_semaphore, #tpu.memory_space<semaphore_mem>>) {add = true}
        %dma_wait3A_193 = arith.constant 0 : i32
        %dma_wait3A_194 = tpu.memref_slice %arg7[%mul3A_158, %dma_wait3A_193] : memref<40x128xi32, #tpu.memory_space<vmem>> -> memref<1x128xi32, #tpu.memory_space<vmem>>
        %dma_wait3A_195 = tpu.memref_squeeze %dma_wait3A_194 : memref<1x128xi32, #tpu.memory_space<vmem>> -> memref<128xi32, #tpu.memory_space<vmem>>
        %dma_wait3A_196 = arith.constant 0 : i32
        %dma_wait3A_197 = arith.constant 0 : i32
        %dma_wait3A_198 = tpu.memref_slice %arg10[%dma_wait3A_196, %dma_wait3A_197] : memref<10240x128xf32, #tpu.memory_space<vmem_shared>> -> memref<10240x128xf32, #tpu.memory_space<vmem_shared>>
        tpu.wait_indirect_dma semaphore(%run_scoped3A : memref<!tpu.dma_semaphore, #tpu.memory_space<semaphore_mem>>) src(%arg8 : memref<128x128xf32, #tpu.memory_space<vmem>>) dst(%dma_wait3A_198 : memref<10240x128xf32, #tpu.memory_space<vmem_shared>>)
        tpu.yield
      }) : () -> ()
      %add3A_173 = arith.constant 1 : i32
      %add3A_174 = arith.addi %mul3A_158, %add3A_173 : i32
      %dma_wait3A_175 = arith.constant 0 : i32
      %dma_wait3A_176 = tpu.memref_slice %arg6[%add3A_174, %dma_wait3A_175] : memref<40x128xi32, #tpu.memory_space<vmem>> -> memref<1x128xi32, #tpu.memory_space<vmem>>
      %dma_wait3A_177 = tpu.memref_squeeze %dma_wait3A_176 : memref<1x128xi32, #tpu.memory_space<vmem>> -> memref<128xi32, #tpu.memory_space<vmem>>
      %dma_wait3A_178 = arith.constant 0 : i32
      %dma_wait3A_179 = arith.constant 0 : i32
      %dma_wait3A_180 = tpu.memref_slice %arg2[%dma_wait3A_178, %dma_wait3A_179] : memref<40000x128xf32, #tpu.memory_space<hbm>> -> memref<40000x128xf32, #tpu.memory_space<hbm>>
      tpu.wait_indirect_dma semaphore(%arg12 : memref<!tpu.dma_semaphore, #tpu.memory_space<semaphore_mem>>) src(%dma_wait3A_180 : memref<40000x128xf32, #tpu.memory_space<hbm>>) dst(%arg9 : memref<128x128xf32, #tpu.memory_space<vmem>>)
      %add3A_181 = arith.constant 2 : i32
      %add3A_182 = arith.addi %mul3A_158, %add3A_181 : i32
      %lt3A = arith.constant 40 : i32
      %lt3A_183 = arith.cmpi slt, %add3A_182, %lt3A : i32
      %convert_element_type3A = arith.extui %lt3A_183 : i1 to i32
      %cond3A = arith.constant 0 : i32
      %cond3A_184 = arith.cmpi ne, %convert_element_type3A, %cond3A : i32
      scf.if %cond3A_184 {
        %add3A_187 = arith.constant 2 : i32
        %add3A_188 = arith.addi %mul3A_158, %add3A_187 : i32
        %dma_start3A_189 = arith.constant 0 : i32
        %dma_start3A_190 = tpu.memref_slice %arg6[%add3A_188, %dma_start3A_189] : memref<40x128xi32, #tpu.memory_space<vmem>> -> memref<1x128xi32, #tpu.memory_space<vmem>>
        %dma_start3A_191 = tpu.memref_squeeze %dma_start3A_190 : memref<1x128xi32, #tpu.memory_space<vmem>> -> memref<128xi32, #tpu.memory_space<vmem>>
        %dma_start3A_192 = arith.constant 0 : i32
        %dma_start3A_193 = arith.constant 0 : i32
        %dma_start3A_194 = tpu.memref_slice %arg2[%dma_start3A_192, %dma_start3A_193] : memref<40000x128xf32, #tpu.memory_space<hbm>> -> memref<40000x128xf32, #tpu.memory_space<hbm>>
        tpu.enqueue_indirect_dma source(%dma_start3A_194 : memref<40000x128xf32, #tpu.memory_space<hbm>>) target(%arg8 : memref<128x128xf32, #tpu.memory_space<vmem>>) offsets(%dma_start3A_191 : memref<128xi32, #tpu.memory_space<vmem>>) semaphore(%arg11 : memref<!tpu.dma_semaphore, #tpu.memory_space<semaphore_mem>>)
      } else {
      }
      %add3A_185 = arith.constant 1 : i32
      %add3A_186 = arith.addi %mul3A_158, %add3A_185 : i32
      "tpu.region"() ({
        %run_scoped3A = tpu.sem_alloc : memref<!tpu.dma_semaphore, #tpu.memory_space<semaphore_mem>>
        %dma_start3A_187 = arith.constant 0 : i32
        %dma_start3A_188 = tpu.memref_slice %arg7[%add3A_186, %dma_start3A_187] : memref<40x128xi32, #tpu.memory_space<vmem>> -> memref<1x128xi32, #tpu.memory_space<vmem>>
        %dma_start3A_189 = tpu.memref_squeeze %dma_start3A_188 : memref<1x128xi32, #tpu.memory_space<vmem>> -> memref<128xi32, #tpu.memory_space<vmem>>
        %dma_start3A_190 = arith.constant 0 : i32
        %dma_start3A_191 = arith.constant 0 : i32
        %dma_start3A_192 = tpu.memref_slice %arg10[%dma_start3A_190, %dma_start3A_191] : memref<10240x128xf32, #tpu.memory_space<vmem_shared>> -> memref<10240x128xf32, #tpu.memory_space<vmem_shared>>
        tpu.enqueue_indirect_dma source(%arg9 : memref<128x128xf32, #tpu.memory_space<vmem>>) target(%dma_start3A_192 : memref<10240x128xf32, #tpu.memory_space<vmem_shared>>) offsets(%dma_start3A_189 : memref<128xi32, #tpu.memory_space<vmem>>) semaphore(%run_scoped3A : memref<!tpu.dma_semaphore, #tpu.memory_space<semaphore_mem>>) {add = true}
        %dma_wait3A_193 = arith.constant 0 : i32
        %dma_wait3A_194 = tpu.memref_slice %arg7[%add3A_186, %dma_wait3A_193] : memref<40x128xi32, #tpu.memory_space<vmem>> -> memref<1x128xi32, #tpu.memory_space<vmem>>
        %dma_wait3A_195 = tpu.memref_squeeze %dma_wait3A_194 : memref<1x128xi32, #tpu.memory_space<vmem>> -> memref<128xi32, #tpu.memory_space<vmem>>
        %dma_wait3A_196 = arith.constant 0 : i32
        %dma_wait3A_197 = arith.constant 0 : i32
        %dma_wait3A_198 = tpu.memref_slice %arg10[%dma_wait3A_196, %dma_wait3A_197] : memref<10240x128xf32, #tpu.memory_space<vmem_shared>> -> memref<10240x128xf32, #tpu.memory_space<vmem_shared>>
        tpu.wait_indirect_dma semaphore(%run_scoped3A : memref<!tpu.dma_semaphore, #tpu.memory_space<semaphore_mem>>) src(%arg9 : memref<128x128xf32, #tpu.memory_space<vmem>>) dst(%dma_wait3A_198 : memref<10240x128xf32, #tpu.memory_space<vmem_shared>>)
        tpu.yield
      }) : () -> ()
    }
    %scan3A_111 = arith.constant 20 : i32
    %mul3A_112 = arith.constant 80 : i32
    %mul3A_113 = arith.muli %arg1, %mul3A_112 : i32
    %add3A_114 = arith.constant 40 : i32
    %add3A_115 = arith.addi %mul3A_113, %add3A_114 : i32
    "tpu.region"() ({
      %run_scoped3A = tpu.sem_alloc : memref<!tpu.dma_semaphore, #tpu.memory_space<semaphore_mem>>
      %dma_start3A_152 = arith.constant 0 : i32
      %dma_start3A_153 = tpu.memref_slice %arg4[%add3A_115, %dma_start3A_152] : memref<1280x128xi32, #tpu.memory_space<hbm>> -> memref<40x128xi32, #tpu.memory_space<hbm>>
      %dma_start3A_154 = arith.constant 0 : i32
      %dma_start3A_155 = tpu.memref_slice %arg4[%add3A_115, %dma_start3A_154] : memref<1280x128xi32, #tpu.memory_space<hbm>> -> memref<40x128xi32, #tpu.memory_space<hbm>>
      tpu.enqueue_dma source(%dma_start3A_155 : memref<40x128xi32, #tpu.memory_space<hbm>>) target(%arg7 : memref<40x128xi32, #tpu.memory_space<vmem>>) target_semaphore(%run_scoped3A : memref<!tpu.dma_semaphore, #tpu.memory_space<semaphore_mem>>)
      %dma_wait3A_156 = arith.constant 0 : i32
      %dma_wait3A_157 = tpu.memref_slice %arg4[%add3A_115, %dma_wait3A_156] : memref<1280x128xi32, #tpu.memory_space<hbm>> -> memref<40x128xi32, #tpu.memory_space<hbm>>
      %dma_wait3A_158 = arith.constant 0 : i32
      %dma_wait3A_159 = tpu.memref_slice %arg4[%add3A_115, %dma_wait3A_158] : memref<1280x128xi32, #tpu.memory_space<hbm>> -> memref<40x128xi32, #tpu.memory_space<hbm>>
      tpu.wait_dma2 semaphore(%run_scoped3A : memref<!tpu.dma_semaphore, #tpu.memory_space<semaphore_mem>>) src(%dma_wait3A_159 : memref<40x128xi32, #tpu.memory_space<hbm>>) dst(%arg7 : memref<40x128xi32, #tpu.memory_space<vmem>>)
      tpu.yield
    }) : () -> ()
    "tpu.region"() ({
      %run_scoped3A = tpu.sem_alloc : memref<!tpu.dma_semaphore, #tpu.memory_space<semaphore_mem>>
      %dma_start3A_152 = arith.constant 0 : i32
      %dma_start3A_153 = tpu.memref_slice %arg3[%add3A_115, %dma_start3A_152] : memref<1280x128xi32, #tpu.memory_space<hbm>> -> memref<40x128xi32, #tpu.memory_space<hbm>>
      %dma_start3A_154 = arith.constant 0 : i32
      %dma_start3A_155 = tpu.memref_slice %arg3[%add3A_115, %dma_start3A_154] : memref<1280x128xi32, #tpu.memory_space<hbm>> -> memref<40x128xi32, #tpu.memory_space<hbm>>
      tpu.enqueue_dma source(%dma_start3A_155 : memref<40x128xi32, #tpu.memory_space<hbm>>) target(%arg6 : memref<40x128xi32, #tpu.memory_space<vmem>>) target_semaphore(%run_scoped3A : memref<!tpu.dma_semaphore, #tpu.memory_space<semaphore_mem>>)
      %dma_wait3A_156 = arith.constant 0 : i32
      %dma_wait3A_157 = tpu.memref_slice %arg3[%add3A_115, %dma_wait3A_156] : memref<1280x128xi32, #tpu.memory_space<hbm>> -> memref<40x128xi32, #tpu.memory_space<hbm>>
      %dma_wait3A_158 = arith.constant 0 : i32
      %dma_wait3A_159 = tpu.memref_slice %arg3[%add3A_115, %dma_wait3A_158] : memref<1280x128xi32, #tpu.memory_space<hbm>> -> memref<40x128xi32, #tpu.memory_space<hbm>>
      tpu.wait_dma2 semaphore(%run_scoped3A : memref<!tpu.dma_semaphore, #tpu.memory_space<semaphore_mem>>) src(%dma_wait3A_159 : memref<40x128xi32, #tpu.memory_space<hbm>>) dst(%arg6 : memref<40x128xi32, #tpu.memory_space<vmem>>)
      tpu.yield
    }) : () -> ()
    %mul3A_116 = vector.broadcast %add3A_88 : i32 to vector<16xi32>
    %mul3A_117 = arith.muli %broadcast_in_dim3A_2, %mul3A_116 : vector<16xi32>
    %scan3A_118 = arith.constant 0 : i32
    %scan3A_119 = arith.constant 40 : i32
    %scan3A_120 = arith.addi %scan3A_118, %scan3A_119 : i32
    %scan3A_121 = arith.constant 1 : i32
    scf.for %scan3A_152 = %scan3A_118 to %scan3A_120 step %scan3A_121  : i32 {
      %mul3A_153 = arith.constant 1 : i32
      %mul3A_154 = arith.muli %scan3A_152, %mul3A_153 : i32
      %add3A_155 = arith.constant 0 : i32
      %add3A_156 = arith.addi %add3A_155, %mul3A_154 : i32
      %scan3A_157 = arith.constant 0 : i32
      %scan3A_158 = arith.constant 8 : i32
      %scan3A_159 = arith.addi %scan3A_157, %scan3A_158 : i32
      %scan3A_160 = arith.constant 1 : i32
      scf.for %scan3A_162 = %scan3A_157 to %scan3A_159 step %scan3A_160  : i32 {
        %mul3A_163 = arith.constant 1 : i32
        %mul3A_164 = arith.muli %scan3A_162, %mul3A_163 : i32
        %add3A_165 = arith.constant 0 : i32
        %add3A_166 = arith.addi %add3A_165, %mul3A_164 : i32
        %mul3A_167 = arith.constant 16 : i32
        %mul3A_168 = arith.muli %add3A_166, %mul3A_167 : i32
        %get3A = arith.index_cast %add3A_156 : i32 to index
        %get3A_169 = arith.index_cast %mul3A_168 : i32 to index
        %get3A_170 = tpu.vector_load %arg6[%get3A, %get3A_169] {strides = array<i32>} : memref<40x128xi32, #tpu.memory_space<vmem>>, vector<1x16xi32>,
        %get3A_171 = vector.shape_cast %get3A_170 : vector<1x16xi32> to vector<16xi32>
        %add3A_172 = arith.addi %get3A_171, %mul3A_117 : vector<16xi32>
        %mul3A_173 = arith.constant 16 : i32
        %mul3A_174 = arith.muli %add3A_166, %mul3A_173 : i32
        %swap3A = arith.index_cast %add3A_156 : i32 to index
        %swap3A_175 = arith.index_cast %mul3A_174 : i32 to index
        %swap3A_176 = tpu.vector_load %arg6[%swap3A, %swap3A_175] {strides = array<i32>} : memref<40x128xi32, #tpu.memory_space<vmem>>, vector<1x16xi32>,
        %swap3A_177 = vector.shape_cast %swap3A_176 : vector<1x16xi32> to vector<16xi32>
        %swap3A_178 = vector.shape_cast %add3A_172 : vector<16xi32> to vector<1x16xi32>
        tpu.vector_store %arg6[%swap3A, %swap3A_175], %swap3A_178 {strides = array<i32>} : memref<40x128xi32, #tpu.memory_space<vmem>>, vector<1x16xi32>,
      }
      %scan3A_161 = arith.constant 8 : i32
    }
    %scan3A_122 = arith.constant 40 : i32
    %dma_start3A_123 = arith.constant 0 : i32
    %dma_start3A_124 = arith.constant 0 : i32
    %dma_start3A_125 = tpu.memref_slice %arg6[%dma_start3A_123, %dma_start3A_124] : memref<40x128xi32, #tpu.memory_space<vmem>> -> memref<1x128xi32, #tpu.memory_space<vmem>>
    %dma_start3A_126 = tpu.memref_squeeze %dma_start3A_125 : memref<1x128xi32, #tpu.memory_space<vmem>> -> memref<128xi32, #tpu.memory_space<vmem>>
    %dma_start3A_127 = arith.constant 0 : i32
    %dma_start3A_128 = arith.constant 0 : i32
    %dma_start3A_129 = tpu.memref_slice %arg2[%dma_start3A_127, %dma_start3A_128] : memref<40000x128xf32, #tpu.memory_space<hbm>> -> memref<40000x128xf32, #tpu.memory_space<hbm>>
    tpu.enqueue_indirect_dma source(%dma_start3A_129 : memref<40000x128xf32, #tpu.memory_space<hbm>>) target(%arg8 : memref<128x128xf32, #tpu.memory_space<vmem>>) offsets(%dma_start3A_126 : memref<128xi32, #tpu.memory_space<vmem>>) semaphore(%arg11 : memref<!tpu.dma_semaphore, #tpu.memory_space<semaphore_mem>>)
    %scan3A_130 = arith.constant 0 : i32
    %scan3A_131 = arith.constant 20 : i32
    %scan3A_132 = arith.addi %scan3A_130, %scan3A_131 : i32
    %scan3A_133 = arith.constant 1 : i32
    scf.for %scan3A_152 = %scan3A_130 to %scan3A_132 step %scan3A_133  : i32 {
      %mul3A_153 = arith.constant 1 : i32
      %mul3A_154 = arith.muli %scan3A_152, %mul3A_153 : i32
      %add3A_155 = arith.constant 0 : i32
      %add3A_156 = arith.addi %add3A_155, %mul3A_154 : i32
      %mul3A_157 = arith.constant 2 : i32
      %mul3A_158 = arith.muli %mul3A_157, %add3A_156 : i32
      %dma_wait3A_159 = arith.constant 0 : i32
      %dma_wait3A_160 = tpu.memref_slice %arg6[%mul3A_158, %dma_wait3A_159] : memref<40x128xi32, #tpu.memory_space<vmem>> -> memref<1x128xi32, #tpu.memory_space<vmem>>
      %dma_wait3A_161 = tpu.memref_squeeze %dma_wait3A_160 : memref<1x128xi32, #tpu.memory_space<vmem>> -> memref<128xi32, #tpu.memory_space<vmem>>
      %dma_wait3A_162 = arith.constant 0 : i32
      %dma_wait3A_163 = arith.constant 0 : i32
      %dma_wait3A_164 = tpu.memref_slice %arg2[%dma_wait3A_162, %dma_wait3A_163] : memref<40000x128xf32, #tpu.memory_space<hbm>> -> memref<40000x128xf32, #tpu.memory_space<hbm>>
      tpu.wait_indirect_dma semaphore(%arg11 : memref<!tpu.dma_semaphore, #tpu.memory_space<semaphore_mem>>) src(%dma_wait3A_164 : memref<40000x128xf32, #tpu.memory_space<hbm>>) dst(%arg8 : memref<128x128xf32, #tpu.memory_space<vmem>>)
      %add3A_165 = arith.constant 1 : i32
      %add3A_166 = arith.addi %mul3A_158, %add3A_165 : i32
      %dma_start3A_167 = arith.constant 0 : i32
      %dma_start3A_168 = tpu.memref_slice %arg6[%add3A_166, %dma_start3A_167] : memref<40x128xi32, #tpu.memory_space<vmem>> -> memref<1x128xi32, #tpu.memory_space<vmem>>
      %dma_start3A_169 = tpu.memref_squeeze %dma_start3A_168 : memref<1x128xi32, #tpu.memory_space<vmem>> -> memref<128xi32, #tpu.memory_space<vmem>>
      %dma_start3A_170 = arith.constant 0 : i32
      %dma_start3A_171 = arith.constant 0 : i32
      %dma_start3A_172 = tpu.memref_slice %arg2[%dma_start3A_170, %dma_start3A_171] : memref<40000x128xf32, #tpu.memory_space<hbm>> -> memref<40000x128xf32, #tpu.memory_space<hbm>>
      tpu.enqueue_indirect_dma source(%dma_start3A_172 : memref<40000x128xf32, #tpu.memory_space<hbm>>) target(%arg9 : memref<128x128xf32, #tpu.memory_space<vmem>>) offsets(%dma_start3A_169 : memref<128xi32, #tpu.memory_space<vmem>>) semaphore(%arg12 : memref<!tpu.dma_semaphore, #tpu.memory_space<semaphore_mem>>)
      "tpu.region"() ({
        %run_scoped3A = tpu.sem_alloc : memref<!tpu.dma_semaphore, #tpu.memory_space<semaphore_mem>>
        %dma_start3A_187 = arith.constant 0 : i32
        %dma_start3A_188 = tpu.memref_slice %arg7[%mul3A_158, %dma_start3A_187] : memref<40x128xi32, #tpu.memory_space<vmem>> -> memref<1x128xi32, #tpu.memory_space<vmem>>
        %dma_start3A_189 = tpu.memref_squeeze %dma_start3A_188 : memref<1x128xi32, #tpu.memory_space<vmem>> -> memref<128xi32, #tpu.memory_space<vmem>>
        %dma_start3A_190 = arith.constant 0 : i32
        %dma_start3A_191 = arith.constant 0 : i32
        %dma_start3A_192 = tpu.memref_slice %arg10[%dma_start3A_190, %dma_start3A_191] : memref<10240x128xf32, #tpu.memory_space<vmem_shared>> -> memref<10240x128xf32, #tpu.memory_space<vmem_shared>>
        tpu.enqueue_indirect_dma source(%arg8 : memref<128x128xf32, #tpu.memory_space<vmem>>) target(%dma_start3A_192 : memref<10240x128xf32, #tpu.memory_space<vmem_shared>>) offsets(%dma_start3A_189 : memref<128xi32, #tpu.memory_space<vmem>>) semaphore(%run_scoped3A : memref<!tpu.dma_semaphore, #tpu.memory_space<semaphore_mem>>) {add = true}
        %dma_wait3A_193 = arith.constant 0 : i32
        %dma_wait3A_194 = tpu.memref_slice %arg7[%mul3A_158, %dma_wait3A_193] : memref<40x128xi32, #tpu.memory_space<vmem>> -> memref<1x128xi32, #tpu.memory_space<vmem>>
        %dma_wait3A_195 = tpu.memref_squeeze %dma_wait3A_194 : memref<1x128xi32, #tpu.memory_space<vmem>> -> memref<128xi32, #tpu.memory_space<vmem>>
        %dma_wait3A_196 = arith.constant 0 : i32
        %dma_wait3A_197 = arith.constant 0 : i32
        %dma_wait3A_198 = tpu.memref_slice %arg10[%dma_wait3A_196, %dma_wait3A_197] : memref<10240x128xf32, #tpu.memory_space<vmem_shared>> -> memref<10240x128xf32, #tpu.memory_space<vmem_shared>>
        tpu.wait_indirect_dma semaphore(%run_scoped3A : memref<!tpu.dma_semaphore, #tpu.memory_space<semaphore_mem>>) src(%arg8 : memref<128x128xf32, #tpu.memory_space<vmem>>) dst(%dma_wait3A_198 : memref<10240x128xf32, #tpu.memory_space<vmem_shared>>)
        tpu.yield
      }) : () -> ()
      %add3A_173 = arith.constant 1 : i32
      %add3A_174 = arith.addi %mul3A_158, %add3A_173 : i32
      %dma_wait3A_175 = arith.constant 0 : i32
      %dma_wait3A_176 = tpu.memref_slice %arg6[%add3A_174, %dma_wait3A_175] : memref<40x128xi32, #tpu.memory_space<vmem>> -> memref<1x128xi32, #tpu.memory_space<vmem>>
      %dma_wait3A_177 = tpu.memref_squeeze %dma_wait3A_176 : memref<1x128xi32, #tpu.memory_space<vmem>> -> memref<128xi32, #tpu.memory_space<vmem>>
      %dma_wait3A_178 = arith.constant 0 : i32
      %dma_wait3A_179 = arith.constant 0 : i32
      %dma_wait3A_180 = tpu.memref_slice %arg2[%dma_wait3A_178, %dma_wait3A_179] : memref<40000x128xf32, #tpu.memory_space<hbm>> -> memref<40000x128xf32, #tpu.memory_space<hbm>>
      tpu.wait_indirect_dma semaphore(%arg12 : memref<!tpu.dma_semaphore, #tpu.memory_space<semaphore_mem>>) src(%dma_wait3A_180 : memref<40000x128xf32, #tpu.memory_space<hbm>>) dst(%arg9 : memref<128x128xf32, #tpu.memory_space<vmem>>)
      %add3A_181 = arith.constant 2 : i32
      %add3A_182 = arith.addi %mul3A_158, %add3A_181 : i32
      %lt3A = arith.constant 40 : i32
      %lt3A_183 = arith.cmpi slt, %add3A_182, %lt3A : i32
      %convert_element_type3A = arith.extui %lt3A_183 : i1 to i32
      %cond3A = arith.constant 0 : i32
      %cond3A_184 = arith.cmpi ne, %convert_element_type3A, %cond3A : i32
      scf.if %cond3A_184 {
        %add3A_187 = arith.constant 2 : i32
        %add3A_188 = arith.addi %mul3A_158, %add3A_187 : i32
        %dma_start3A_189 = arith.constant 0 : i32
        %dma_start3A_190 = tpu.memref_slice %arg6[%add3A_188, %dma_start3A_189] : memref<40x128xi32, #tpu.memory_space<vmem>> -> memref<1x128xi32, #tpu.memory_space<vmem>>
        %dma_start3A_191 = tpu.memref_squeeze %dma_start3A_190 : memref<1x128xi32, #tpu.memory_space<vmem>> -> memref<128xi32, #tpu.memory_space<vmem>>
        %dma_start3A_192 = arith.constant 0 : i32
        %dma_start3A_193 = arith.constant 0 : i32
        %dma_start3A_194 = tpu.memref_slice %arg2[%dma_start3A_192, %dma_start3A_193] : memref<40000x128xf32, #tpu.memory_space<hbm>> -> memref<40000x128xf32, #tpu.memory_space<hbm>>
        tpu.enqueue_indirect_dma source(%dma_start3A_194 : memref<40000x128xf32, #tpu.memory_space<hbm>>) target(%arg8 : memref<128x128xf32, #tpu.memory_space<vmem>>) offsets(%dma_start3A_191 : memref<128xi32, #tpu.memory_space<vmem>>) semaphore(%arg11 : memref<!tpu.dma_semaphore, #tpu.memory_space<semaphore_mem>>)
      } else {
      }
      %add3A_185 = arith.constant 1 : i32
      %add3A_186 = arith.addi %mul3A_158, %add3A_185 : i32
      "tpu.region"() ({
        %run_scoped3A = tpu.sem_alloc : memref<!tpu.dma_semaphore, #tpu.memory_space<semaphore_mem>>
        %dma_start3A_187 = arith.constant 0 : i32
        %dma_start3A_188 = tpu.memref_slice %arg7[%add3A_186, %dma_start3A_187] : memref<40x128xi32, #tpu.memory_space<vmem>> -> memref<1x128xi32, #tpu.memory_space<vmem>>
        %dma_start3A_189 = tpu.memref_squeeze %dma_start3A_188 : memref<1x128xi32, #tpu.memory_space<vmem>> -> memref<128xi32, #tpu.memory_space<vmem>>
        %dma_start3A_190 = arith.constant 0 : i32
        %dma_start3A_191 = arith.constant 0 : i32
        %dma_start3A_192 = tpu.memref_slice %arg10[%dma_start3A_190, %dma_start3A_191] : memref<10240x128xf32, #tpu.memory_space<vmem_shared>> -> memref<10240x128xf32, #tpu.memory_space<vmem_shared>>
        tpu.enqueue_indirect_dma source(%arg9 : memref<128x128xf32, #tpu.memory_space<vmem>>) target(%dma_start3A_192 : memref<10240x128xf32, #tpu.memory_space<vmem_shared>>) offsets(%dma_start3A_189 : memref<128xi32, #tpu.memory_space<vmem>>) semaphore(%run_scoped3A : memref<!tpu.dma_semaphore, #tpu.memory_space<semaphore_mem>>) {add = true}
        %dma_wait3A_193 = arith.constant 0 : i32
        %dma_wait3A_194 = tpu.memref_slice %arg7[%add3A_186, %dma_wait3A_193] : memref<40x128xi32, #tpu.memory_space<vmem>> -> memref<1x128xi32, #tpu.memory_space<vmem>>
        %dma_wait3A_195 = tpu.memref_squeeze %dma_wait3A_194 : memref<1x128xi32, #tpu.memory_space<vmem>> -> memref<128xi32, #tpu.memory_space<vmem>>
        %dma_wait3A_196 = arith.constant 0 : i32
        %dma_wait3A_197 = arith.constant 0 : i32
        %dma_wait3A_198 = tpu.memref_slice %arg10[%dma_wait3A_196, %dma_wait3A_197] : memref<10240x128xf32, #tpu.memory_space<vmem_shared>> -> memref<10240x128xf32, #tpu.memory_space<vmem_shared>>
        tpu.wait_indirect_dma semaphore(%run_scoped3A : memref<!tpu.dma_semaphore, #tpu.memory_space<semaphore_mem>>) src(%arg9 : memref<128x128xf32, #tpu.memory_space<vmem>>) dst(%dma_wait3A_198 : memref<10240x128xf32, #tpu.memory_space<vmem_shared>>)
        tpu.yield
      }) : () -> ()
    }
    %scan3A_134 = arith.constant 20 : i32
    %barrier3A_135 = arith.constant 0 : index
    tpu.barrier barrier_id(%barrier3A_135)
    %mul3A_136 = arith.constant 10240 : i32
    %mul3A_137 = arith.muli %add3A_88, %mul3A_136 : i32
    %mul3A_138 = arith.constant 640 : i32
    %mul3A_139 = arith.muli %arg1, %mul3A_138 : i32
    %add3A_140 = arith.addi %mul3A_137, %mul3A_139 : i32
    %mul3A_141 = arith.constant 640 : i32
    %mul3A_142 = arith.muli %arg1, %mul3A_141 : i32
    %dma_start3A_143 = arith.constant 0 : i32
    %dma_start3A_144 = tpu.memref_slice %arg5[%add3A_140, %dma_start3A_143] : memref<40960x128xf32, #tpu.memory_space<hbm>> -> memref<640x128xf32, #tpu.memory_space<hbm>>
    %dma_start3A_145 = arith.constant 0 : i32
    %dma_start3A_146 = tpu.memref_slice %arg10[%mul3A_142, %dma_start3A_145] : memref<10240x128xf32, #tpu.memory_space<vmem_shared>> -> memref<640x128xf32, #tpu.memory_space<vmem_shared>>
    tpu.enqueue_dma source(%dma_start3A_146 : memref<640x128xf32, #tpu.memory_space<vmem_shared>>) target(%dma_start3A_144 : memref<640x128xf32, #tpu.memory_space<hbm>>) target_semaphore(%arg13 : memref<!tpu.dma_semaphore, #tpu.memory_space<semaphore_mem>>)
    %dma_wait3A_147 = arith.constant 0 : i32
    %dma_wait3A_148 = tpu.memref_slice %arg5[%add3A_140, %dma_wait3A_147] : memref<40960x128xf32, #tpu.memory_space<hbm>> -> memref<640x128xf32, #tpu.memory_space<hbm>>
    %dma_wait3A_149 = arith.constant 0 : i32
    %dma_wait3A_150 = tpu.memref_slice %arg10[%mul3A_142, %dma_wait3A_149] : memref<10240x128xf32, #tpu.memory_space<vmem_shared>> -> memref<640x128xf32, #tpu.memory_space<vmem_shared>>
    tpu.wait_dma2 semaphore(%arg13 : memref<!tpu.dma_semaphore, #tpu.memory_space<semaphore_mem>>) src(%dma_wait3A_150 : memref<640x128xf32, #tpu.memory_space<vmem_shared>>) dst(%dma_wait3A_148 : memref<640x128xf32, #tpu.memory_space<hbm>>)
    %barrier3A_151 = arith.constant 0 : index
    tpu.barrier barrier_id(%barrier3A_151)
    return
  }
}

#map = affine_map<(d0, d1) -> (0, 0)>
#map1 = affine_map<(d0, d1) -> (0)>
module attributes {stable_mosaic.version = 14 : i64} {
  func.func @_deg_kernel(%arg0: i32, %arg1: i32, %arg2: memref<1280x128xi32, #tpu.memory_space<hbm>>, %arg3: memref<20480xf32, #tpu.memory_space<hbm>>, %arg4: memref<40x128xi32, #tpu.memory_space<vmem>>, %arg5: memref<128xf32, #tpu.memory_space<vmem>>, %arg6: memref<640xf32, #tpu.memory_space<vmem>>, %arg7: memref<10240xf32, #tpu.memory_space<vmem_shared>>) attributes {dimension_semantics = [#tpu.dimension_semantics<core_parallel>, #tpu.dimension_semantics<subcore_parallel>], iteration_bounds = array<i64: 2, 16>, scalar_prefetch = 0 : i64, scratch_operands = 4 : i64, tpu.core_type = #tpu.core_type<sc_vector_subcore>, window_params = [{transform_indices = #map}, {transform_indices = #map1}]} {
    %mul3A = arith.constant 16 : i32
    %mul3A_0 = arith.muli %arg0, %mul3A : i32
    %add3A = arith.addi %mul3A_0, %arg1 : i32
    %broadcast_in_dim3A = arith.constant 0.000000e+00 : f32
    %broadcast_in_dim3A_1 = vector.broadcast %broadcast_in_dim3A : f32 to vector<16xf32>
    %broadcast_in_dim3A_2 = arith.constant 1.000000e+00 : f32
    %broadcast_in_dim3A_3 = vector.broadcast %broadcast_in_dim3A_2 : f32 to vector<16xf32>
    %scan3A = arith.constant 0 : i32
    %scan3A_4 = arith.constant 40 : i32
    %scan3A_5 = arith.addi %scan3A, %scan3A_4 : i32
    %scan3A_6 = arith.constant 1 : i32
    scf.for %scan3A_30 = %scan3A to %scan3A_5 step %scan3A_6  : i32 {
      %mul3A_31 = arith.constant 1 : i32
      %mul3A_32 = arith.muli %scan3A_30, %mul3A_31 : i32
      %add3A_33 = arith.constant 0 : i32
      %add3A_34 = arith.addi %add3A_33, %mul3A_32 : i32
      %mul3A_35 = arith.constant 16 : i32
      %mul3A_36 = arith.muli %add3A_34, %mul3A_35 : i32
      %swap3A = arith.index_cast %mul3A_36 : i32 to index
      %swap3A_37 = tpu.vector_load %arg6[%swap3A] {strides = array<i32>} : memref<640xf32, #tpu.memory_space<vmem>>, vector<16xf32>,
      %swap3A_38 = vector.shape_cast %swap3A_37 : vector<16xf32> to vector<16xf32>
      %swap3A_39 = vector.shape_cast %broadcast_in_dim3A_1 : vector<16xf32> to vector<16xf32>
      tpu.vector_store %arg6[%swap3A], %swap3A_39 {strides = array<i32>} : memref<640xf32, #tpu.memory_space<vmem>>, vector<16xf32>,
    }
    %scan3A_7 = arith.constant 40 : i32
    %scan3A_8 = arith.constant 0 : i32
    %scan3A_9 = arith.constant 8 : i32
    %scan3A_10 = arith.addi %scan3A_8, %scan3A_9 : i32
    %scan3A_11 = arith.constant 1 : i32
    scf.for %scan3A_30 = %scan3A_8 to %scan3A_10 step %scan3A_11  : i32 {
      %mul3A_31 = arith.constant 1 : i32
      %mul3A_32 = arith.muli %scan3A_30, %mul3A_31 : i32
      %add3A_33 = arith.constant 0 : i32
      %add3A_34 = arith.addi %add3A_33, %mul3A_32 : i32
      %mul3A_35 = arith.constant 16 : i32
      %mul3A_36 = arith.muli %add3A_34, %mul3A_35 : i32
      %swap3A = arith.index_cast %mul3A_36 : i32 to index
      %swap3A_37 = tpu.vector_load %arg5[%swap3A] {strides = array<i32>} : memref<128xf32, #tpu.memory_space<vmem>>, vector<16xf32>,
      %swap3A_38 = vector.shape_cast %swap3A_37 : vector<16xf32> to vector<16xf32>
      %swap3A_39 = vector.shape_cast %broadcast_in_dim3A_3 : vector<16xf32> to vector<16xf32>
      tpu.vector_store %arg5[%swap3A], %swap3A_39 {strides = array<i32>} : memref<128xf32, #tpu.memory_space<vmem>>, vector<16xf32>,
    }
    %scan3A_12 = arith.constant 8 : i32
    %mul3A_13 = arith.constant 640 : i32
    %mul3A_14 = arith.muli %arg1, %mul3A_13 : i32
    "tpu.region"() ({
      %run_scoped3A = tpu.sem_alloc : memref<!tpu.dma_semaphore, #tpu.memory_space<semaphore_mem>>
      %dma_start3A = tpu.memref_slice %arg7[%mul3A_14] : memref<10240xf32, #tpu.memory_space<vmem_shared>> -> memref<640xf32, #tpu.memory_space<vmem_shared>>
      %dma_start3A_30 = tpu.memref_slice %arg7[%mul3A_14] : memref<10240xf32, #tpu.memory_space<vmem_shared>> -> memref<640xf32, #tpu.memory_space<vmem_shared>>
      tpu.enqueue_dma source(%arg6 : memref<640xf32, #tpu.memory_space<vmem>>) target(%dma_start3A_30 : memref<640xf32, #tpu.memory_space<vmem_shared>>) target_semaphore(%run_scoped3A : memref<!tpu.dma_semaphore, #tpu.memory_space<semaphore_mem>>)
      %dma_wait3A = tpu.memref_slice %arg7[%mul3A_14] : memref<10240xf32, #tpu.memory_space<vmem_shared>> -> memref<640xf32, #tpu.memory_space<vmem_shared>>
      %dma_wait3A_31 = tpu.memref_slice %arg7[%mul3A_14] : memref<10240xf32, #tpu.memory_space<vmem_shared>> -> memref<640xf32, #tpu.memory_space<vmem_shared>>
      tpu.wait_dma2 semaphore(%run_scoped3A : memref<!tpu.dma_semaphore, #tpu.memory_space<semaphore_mem>>) src(%arg6 : memref<640xf32, #tpu.memory_space<vmem>>) dst(%dma_wait3A_31 : memref<640xf32, #tpu.memory_space<vmem_shared>>)
      tpu.yield
    }) : () -> ()
    %barrier3A = arith.constant 0 : index
    tpu.barrier barrier_id(%barrier3A)
    %mul3A_15 = arith.constant 40 : i32
    %mul3A_16 = arith.muli %add3A, %mul3A_15 : i32
    "tpu.region"() ({
      %run_scoped3A = tpu.sem_alloc : memref<!tpu.dma_semaphore, #tpu.memory_space<semaphore_mem>>
      %dma_start3A = arith.constant 0 : i32
      %dma_start3A_30 = tpu.memref_slice %arg2[%mul3A_16, %dma_start3A] : memref<1280x128xi32, #tpu.memory_space<hbm>> -> memref<40x128xi32, #tpu.memory_space<hbm>>
      %dma_start3A_31 = arith.constant 0 : i32
      %dma_start3A_32 = tpu.memref_slice %arg2[%mul3A_16, %dma_start3A_31] : memref<1280x128xi32, #tpu.memory_space<hbm>> -> memref<40x128xi32, #tpu.memory_space<hbm>>
      tpu.enqueue_dma source(%dma_start3A_32 : memref<40x128xi32, #tpu.memory_space<hbm>>) target(%arg4 : memref<40x128xi32, #tpu.memory_space<vmem>>) target_semaphore(%run_scoped3A : memref<!tpu.dma_semaphore, #tpu.memory_space<semaphore_mem>>)
      %dma_wait3A = arith.constant 0 : i32
      %dma_wait3A_33 = tpu.memref_slice %arg2[%mul3A_16, %dma_wait3A] : memref<1280x128xi32, #tpu.memory_space<hbm>> -> memref<40x128xi32, #tpu.memory_space<hbm>>
      %dma_wait3A_34 = arith.constant 0 : i32
      %dma_wait3A_35 = tpu.memref_slice %arg2[%mul3A_16, %dma_wait3A_34] : memref<1280x128xi32, #tpu.memory_space<hbm>> -> memref<40x128xi32, #tpu.memory_space<hbm>>
      tpu.wait_dma2 semaphore(%run_scoped3A : memref<!tpu.dma_semaphore, #tpu.memory_space<semaphore_mem>>) src(%dma_wait3A_35 : memref<40x128xi32, #tpu.memory_space<hbm>>) dst(%arg4 : memref<40x128xi32, #tpu.memory_space<vmem>>)
      tpu.yield
    }) : () -> ()
    %scan3A_17 = arith.constant 0 : i32
    %scan3A_18 = arith.constant 40 : i32
    %scan3A_19 = arith.addi %scan3A_17, %scan3A_18 : i32
    %scan3A_20 = arith.constant 1 : i32
    scf.for %scan3A_30 = %scan3A_17 to %scan3A_19 step %scan3A_20  : i32 {
      %mul3A_31 = arith.constant 1 : i32
      %mul3A_32 = arith.muli %scan3A_30, %mul3A_31 : i32
      %add3A_33 = arith.constant 0 : i32
      %add3A_34 = arith.addi %add3A_33, %mul3A_32 : i32
      "tpu.region"() ({
        %run_scoped3A = tpu.sem_alloc : memref<!tpu.dma_semaphore, #tpu.memory_space<semaphore_mem>>
        %dma_start3A = arith.constant 0 : i32
        %dma_start3A_35 = tpu.memref_slice %arg4[%add3A_34, %dma_start3A] : memref<40x128xi32, #tpu.memory_space<vmem>> -> memref<1x128xi32, #tpu.memory_space<vmem>>
        %dma_start3A_36 = tpu.memref_squeeze %dma_start3A_35 : memref<1x128xi32, #tpu.memory_space<vmem>> -> memref<128xi32, #tpu.memory_space<vmem>>
        %dma_start3A_37 = arith.constant 0 : i32
        %dma_start3A_38 = tpu.memref_slice %arg7[%dma_start3A_37] : memref<10240xf32, #tpu.memory_space<vmem_shared>> -> memref<10240xf32, #tpu.memory_space<vmem_shared>>
        tpu.enqueue_indirect_dma source(%arg5 : memref<128xf32, #tpu.memory_space<vmem>>) target(%dma_start3A_38 : memref<10240xf32, #tpu.memory_space<vmem_shared>>) offsets(%dma_start3A_36 : memref<128xi32, #tpu.memory_space<vmem>>) semaphore(%run_scoped3A : memref<!tpu.dma_semaphore, #tpu.memory_space<semaphore_mem>>) {add = true}
        %dma_wait3A = arith.constant 0 : i32
        %dma_wait3A_39 = tpu.memref_slice %arg4[%add3A_34, %dma_wait3A] : memref<40x128xi32, #tpu.memory_space<vmem>> -> memref<1x128xi32, #tpu.memory_space<vmem>>
        %dma_wait3A_40 = tpu.memref_squeeze %dma_wait3A_39 : memref<1x128xi32, #tpu.memory_space<vmem>> -> memref<128xi32, #tpu.memory_space<vmem>>
        %dma_wait3A_41 = arith.constant 0 : i32
        %dma_wait3A_42 = tpu.memref_slice %arg7[%dma_wait3A_41] : memref<10240xf32, #tpu.memory_space<vmem_shared>> -> memref<10240xf32, #tpu.memory_space<vmem_shared>>
        tpu.wait_indirect_dma semaphore(%run_scoped3A : memref<!tpu.dma_semaphore, #tpu.memory_space<semaphore_mem>>) src(%arg5 : memref<128xf32, #tpu.memory_space<vmem>>) dst(%dma_wait3A_42 : memref<10240xf32, #tpu.memory_space<vmem_shared>>)
        tpu.yield
      }) : () -> ()
    }
    %scan3A_21 = arith.constant 40 : i32
    %barrier3A_22 = arith.constant 0 : index
    tpu.barrier barrier_id(%barrier3A_22)
    %mul3A_23 = arith.constant 640 : i32
    %mul3A_24 = arith.muli %arg1, %mul3A_23 : i32
    %mul3A_25 = arith.constant 10240 : i32
    %mul3A_26 = arith.muli %arg0, %mul3A_25 : i32
    %mul3A_27 = arith.constant 640 : i32
    %mul3A_28 = arith.muli %arg1, %mul3A_27 : i32
    %add3A_29 = arith.addi %mul3A_26, %mul3A_28 : i32
    "tpu.region"() ({
      %run_scoped3A = tpu.sem_alloc : memref<!tpu.dma_semaphore, #tpu.memory_space<semaphore_mem>>
      %dma_start3A = tpu.memref_slice %arg3[%add3A_29] : memref<20480xf32, #tpu.memory_space<hbm>> -> memref<640xf32, #tpu.memory_space<hbm>>
      %dma_start3A_30 = tpu.memref_slice %arg7[%mul3A_24] : memref<10240xf32, #tpu.memory_space<vmem_shared>> -> memref<640xf32, #tpu.memory_space<vmem_shared>>
      tpu.enqueue_dma source(%dma_start3A_30 : memref<640xf32, #tpu.memory_space<vmem_shared>>) target(%dma_start3A : memref<640xf32, #tpu.memory_space<hbm>>) target_semaphore(%run_scoped3A : memref<!tpu.dma_semaphore, #tpu.memory_space<semaphore_mem>>)
      %dma_wait3A = tpu.memref_slice %arg3[%add3A_29] : memref<20480xf32, #tpu.memory_space<hbm>> -> memref<640xf32, #tpu.memory_space<hbm>>
      %dma_wait3A_31 = tpu.memref_slice %arg7[%mul3A_24] : memref<10240xf32, #tpu.memory_space<vmem_shared>> -> memref<640xf32, #tpu.memory_space<vmem_shared>>
      tpu.wait_dma2 semaphore(%run_scoped3A : memref<!tpu.dma_semaphore, #tpu.memory_space<semaphore_mem>>) src(%dma_wait3A_31 : memref<640xf32, #tpu.memory_space<vmem_shared>>) dst(%dma_wait3A : memref<640xf32, #tpu.memory_space<hbm>>)
      tpu.yield
    }) : () -> ()
    return
  }
}

#map = affine_map<(d0, d1) -> (0, 0)>
module attributes {stable_mosaic.version = 14 : i64} {
  func.func @_conv_kernel(%arg0: i32, %arg1: i32, %arg2: memref<40000x128xf32, #tpu.memory_space<hbm>>, %arg3: memref<1280x128xi32, #tpu.memory_space<hbm>>, %arg4: memref<1280x128xi32, #tpu.memory_space<hbm>>, %arg5: memref<40960x128xf32, #tpu.memory_space<hbm>>, %arg6: memref<40x128xi32, #tpu.memory_space<vmem>>, %arg7: memref<40x128xi32, #tpu.memory_space<vmem>>, %arg8: memref<128x128xf32, #tpu.memory_space<vmem>>, %arg9: memref<128x128xf32, #tpu.memory_space<vmem>>, %arg10: memref<10240x128xf32, #tpu.memory_space<vmem_shared>>, %arg11: memref<!tpu.dma_semaphore, #tpu.memory_space<semaphore_mem>>, %arg12: memref<!tpu.dma_semaphore, #tpu.memory_space<semaphore_mem>>, %arg13: memref<!tpu.dma_semaphore, #tpu.memory_space<semaphore_mem>>) attributes {dimension_semantics = [#tpu.dimension_semantics<core_parallel>, #tpu.dimension_semantics<subcore_parallel>], iteration_bounds = array<i64: 2, 16>, scalar_prefetch = 0 : i64, scratch_operands = 8 : i64, tpu.core_type = #tpu.core_type<sc_vector_subcore>, window_params = [{transform_indices = #map}, {transform_indices = #map}, {transform_indices = #map}, {transform_indices = #map}]} {
    %broadcast_in_dim3A = arith.constant 0.000000e+00 : f32
    %broadcast_in_dim3A_0 = vector.broadcast %broadcast_in_dim3A : f32 to vector<16xf32>
    %broadcast_in_dim3A_1 = arith.constant 10000 : i32
    %broadcast_in_dim3A_2 = vector.broadcast %broadcast_in_dim3A_1 : i32 to vector<16xi32>
    %scan3A = arith.constant 0 : i32
    %scan3A_3 = arith.constant 128 : i32
    %scan3A_4 = arith.addi %scan3A, %scan3A_3 : i32
    %scan3A_5 = arith.constant 1 : i32
    scf.for %scan3A_152 = %scan3A to %scan3A_4 step %scan3A_5  : i32 {
      %mul3A_153 = arith.constant 1 : i32
      %mul3A_154 = arith.muli %scan3A_152, %mul3A_153 : i32
      %add3A_155 = arith.constant 0 : i32
      %add3A_156 = arith.addi %add3A_155, %mul3A_154 : i32
      %scan3A_157 = arith.constant 0 : i32
      %scan3A_158 = arith.constant 8 : i32
      %scan3A_159 = arith.addi %scan3A_157, %scan3A_158 : i32
      %scan3A_160 = arith.constant 1 : i32
      scf.for %scan3A_162 = %scan3A_157 to %scan3A_159 step %scan3A_160  : i32 {
        %mul3A_163 = arith.constant 1 : i32
        %mul3A_164 = arith.muli %scan3A_162, %mul3A_163 : i32
        %add3A_165 = arith.constant 0 : i32
        %add3A_166 = arith.addi %add3A_165, %mul3A_164 : i32
        %mul3A_167 = arith.constant 16 : i32
        %mul3A_168 = arith.muli %add3A_166, %mul3A_167 : i32
        %swap3A = arith.index_cast %add3A_156 : i32 to index
        %swap3A_169 = arith.index_cast %mul3A_168 : i32 to index
        %swap3A_170 = tpu.vector_load %arg8[%swap3A, %swap3A_169] {strides = array<i32>} : memref<128x128xf32, #tpu.memory_space<vmem>>, vector<1x16xf32>,
        %swap3A_171 = vector.shape_cast %swap3A_170 : vector<1x16xf32> to vector<16xf32>
        %swap3A_172 = vector.shape_cast %broadcast_in_dim3A_0 : vector<16xf32> to vector<1x16xf32>
        tpu.vector_store %arg8[%swap3A, %swap3A_169], %swap3A_172 {strides = array<i32>} : memref<128x128xf32, #tpu.memory_space<vmem>>, vector<1x16xf32>,
      }
      %scan3A_161 = arith.constant 8 : i32
    }
    %scan3A_6 = arith.constant 128 : i32
    %scan3A_7 = arith.constant 0 : i32
    %scan3A_8 = arith.constant 5 : i32
    %scan3A_9 = arith.addi %scan3A_7, %scan3A_8 : i32
    %scan3A_10 = arith.constant 1 : i32
    scf.for %scan3A_152 = %scan3A_7 to %scan3A_9 step %scan3A_10  : i32 {
      %mul3A_153 = arith.constant 1 : i32
      %mul3A_154 = arith.muli %scan3A_152, %mul3A_153 : i32
      %add3A_155 = arith.constant 0 : i32
      %add3A_156 = arith.addi %add3A_155, %mul3A_154 : i32
      %mul3A_157 = arith.constant 640 : i32
      %mul3A_158 = arith.muli %arg1, %mul3A_157 : i32
      %mul3A_159 = arith.constant 128 : i32
      %mul3A_160 = arith.muli %add3A_156, %mul3A_159 : i32
      %add3A_161 = arith.addi %mul3A_158, %mul3A_160 : i32
      "tpu.region"() ({
        %run_scoped3A = tpu.sem_alloc : memref<!tpu.dma_semaphore, #tpu.memory_space<semaphore_mem>>
        %dma_start3A_162 = arith.constant 0 : i32
        %dma_start3A_163 = tpu.memref_slice %arg10[%add3A_161, %dma_start3A_162] : memref<10240x128xf32, #tpu.memory_space<vmem_shared>> -> memref<128x128xf32, #tpu.memory_space<vmem_shared>>
        %dma_start3A_164 = arith.constant 0 : i32
        %dma_start3A_165 = tpu.memref_slice %arg10[%add3A_161, %dma_start3A_164] : memref<10240x128xf32, #tpu.memory_space<vmem_shared>> -> memref<128x128xf32, #tpu.memory_space<vmem_shared>>
        tpu.enqueue_dma source(%arg8 : memref<128x128xf32, #tpu.memory_space<vmem>>) target(%dma_start3A_165 : memref<128x128xf32, #tpu.memory_space<vmem_shared>>) target_semaphore(%run_scoped3A : memref<!tpu.dma_semaphore, #tpu.memory_space<semaphore_mem>>)
        %dma_wait3A_166 = arith.constant 0 : i32
        %dma_wait3A_167 = tpu.memref_slice %arg10[%add3A_161, %dma_wait3A_166] : memref<10240x128xf32, #tpu.memory_space<vmem_shared>> -> memref<128x128xf32, #tpu.memory_space<vmem_shared>>
        %dma_wait3A_168 = arith.constant 0 : i32
        %dma_wait3A_169 = tpu.memref_slice %arg10[%add3A_161, %dma_wait3A_168] : memref<10240x128xf32, #tpu.memory_space<vmem_shared>> -> memref<128x128xf32, #tpu.memory_space<vmem_shared>>
        tpu.wait_dma2 semaphore(%run_scoped3A : memref<!tpu.dma_semaphore, #tpu.memory_space<semaphore_mem>>) src(%arg8 : memref<128x128xf32, #tpu.memory_space<vmem>>) dst(%dma_wait3A_169 : memref<128x128xf32, #tpu.memory_space<vmem_shared>>)
        tpu.yield
      }) : () -> ()
    }
    %scan3A_11 = arith.constant 5 : i32
    %barrier3A = arith.constant 0 : index
    tpu.barrier barrier_id(%barrier3A)
    %mul3A = arith.constant 2 : i32
    %mul3A_12 = arith.muli %mul3A, %arg0 : i32
    %add3A = arith.constant 0 : i32
    %add3A_13 = arith.addi %mul3A_12, %add3A : i32
    %mul3A_14 = arith.constant 80 : i32
    %mul3A_15 = arith.muli %arg1, %mul3A_14 : i32
    %add3A_16 = arith.constant 0 : i32
    %add3A_17 = arith.addi %mul3A_15, %add3A_16 : i32
    "tpu.region"() ({
      %run_scoped3A = tpu.sem_alloc : memref<!tpu.dma_semaphore, #tpu.memory_space<semaphore_mem>>
      %dma_start3A_152 = arith.constant 0 : i32
      %dma_start3A_153 = tpu.memref_slice %arg4[%add3A_17, %dma_start3A_152] : memref<1280x128xi32, #tpu.memory_space<hbm>> -> memref<40x128xi32, #tpu.memory_space<hbm>>
      %dma_start3A_154 = arith.constant 0 : i32
      %dma_start3A_155 = tpu.memref_slice %arg4[%add3A_17, %dma_start3A_154] : memref<1280x128xi32, #tpu.memory_space<hbm>> -> memref<40x128xi32, #tpu.memory_space<hbm>>
      tpu.enqueue_dma source(%dma_start3A_155 : memref<40x128xi32, #tpu.memory_space<hbm>>) target(%arg7 : memref<40x128xi32, #tpu.memory_space<vmem>>) target_semaphore(%run_scoped3A : memref<!tpu.dma_semaphore, #tpu.memory_space<semaphore_mem>>)
      %dma_wait3A_156 = arith.constant 0 : i32
      %dma_wait3A_157 = tpu.memref_slice %arg4[%add3A_17, %dma_wait3A_156] : memref<1280x128xi32, #tpu.memory_space<hbm>> -> memref<40x128xi32, #tpu.memory_space<hbm>>
      %dma_wait3A_158 = arith.constant 0 : i32
      %dma_wait3A_159 = tpu.memref_slice %arg4[%add3A_17, %dma_wait3A_158] : memref<1280x128xi32, #tpu.memory_space<hbm>> -> memref<40x128xi32, #tpu.memory_space<hbm>>
      tpu.wait_dma2 semaphore(%run_scoped3A : memref<!tpu.dma_semaphore, #tpu.memory_space<semaphore_mem>>) src(%dma_wait3A_159 : memref<40x128xi32, #tpu.memory_space<hbm>>) dst(%arg7 : memref<40x128xi32, #tpu.memory_space<vmem>>)
      tpu.yield
    }) : () -> ()
    "tpu.region"() ({
      %run_scoped3A = tpu.sem_alloc : memref<!tpu.dma_semaphore, #tpu.memory_space<semaphore_mem>>
      %dma_start3A_152 = arith.constant 0 : i32
      %dma_start3A_153 = tpu.memref_slice %arg3[%add3A_17, %dma_start3A_152] : memref<1280x128xi32, #tpu.memory_space<hbm>> -> memref<40x128xi32, #tpu.memory_space<hbm>>
      %dma_start3A_154 = arith.constant 0 : i32
      %dma_start3A_155 = tpu.memref_slice %arg3[%add3A_17, %dma_start3A_154] : memref<1280x128xi32, #tpu.memory_space<hbm>> -> memref<40x128xi32, #tpu.memory_space<hbm>>
      tpu.enqueue_dma source(%dma_start3A_155 : memref<40x128xi32, #tpu.memory_space<hbm>>) target(%arg6 : memref<40x128xi32, #tpu.memory_space<vmem>>) target_semaphore(%run_scoped3A : memref<!tpu.dma_semaphore, #tpu.memory_space<semaphore_mem>>)
      %dma_wait3A_156 = arith.constant 0 : i32
      %dma_wait3A_157 = tpu.memref_slice %arg3[%add3A_17, %dma_wait3A_156] : memref<1280x128xi32, #tpu.memory_space<hbm>> -> memref<40x128xi32, #tpu.memory_space<hbm>>
      %dma_wait3A_158 = arith.constant 0 : i32
      %dma_wait3A_159 = tpu.memref_slice %arg3[%add3A_17, %dma_wait3A_158] : memref<1280x128xi32, #tpu.memory_space<hbm>> -> memref<40x128xi32, #tpu.memory_space<hbm>>
      tpu.wait_dma2 semaphore(%run_scoped3A : memref<!tpu.dma_semaphore, #tpu.memory_space<semaphore_mem>>) src(%dma_wait3A_159 : memref<40x128xi32, #tpu.memory_space<hbm>>) dst(%arg6 : memref<40x128xi32, #tpu.memory_space<vmem>>)
      tpu.yield
    }) : () -> ()
    %mul3A_18 = vector.broadcast %add3A_13 : i32 to vector<16xi32>
    %mul3A_19 = arith.muli %broadcast_in_dim3A_2, %mul3A_18 : vector<16xi32>
    %scan3A_20 = arith.constant 0 : i32
    %scan3A_21 = arith.constant 40 : i32
    %scan3A_22 = arith.addi %scan3A_20, %scan3A_21 : i32
    %scan3A_23 = arith.constant 1 : i32
    scf.for %scan3A_152 = %scan3A_20 to %scan3A_22 step %scan3A_23  : i32 {
      %mul3A_153 = arith.constant 1 : i32
      %mul3A_154 = arith.muli %scan3A_152, %mul3A_153 : i32
      %add3A_155 = arith.constant 0 : i32
      %add3A_156 = arith.addi %add3A_155, %mul3A_154 : i32
      %scan3A_157 = arith.constant 0 : i32
      %scan3A_158 = arith.constant 8 : i32
      %scan3A_159 = arith.addi %scan3A_157, %scan3A_158 : i32
      %scan3A_160 = arith.constant 1 : i32
      scf.for %scan3A_162 = %scan3A_157 to %scan3A_159 step %scan3A_160  : i32 {
        %mul3A_163 = arith.constant 1 : i32
        %mul3A_164 = arith.muli %scan3A_162, %mul3A_163 : i32
        %add3A_165 = arith.constant 0 : i32
        %add3A_166 = arith.addi %add3A_165, %mul3A_164 : i32
        %mul3A_167 = arith.constant 16 : i32
        %mul3A_168 = arith.muli %add3A_166, %mul3A_167 : i32
        %get3A = arith.index_cast %add3A_156 : i32 to index
        %get3A_169 = arith.index_cast %mul3A_168 : i32 to index
        %get3A_170 = tpu.vector_load %arg6[%get3A, %get3A_169] {strides = array<i32>} : memref<40x128xi32, #tpu.memory_space<vmem>>, vector<1x16xi32>,
        %get3A_171 = vector.shape_cast %get3A_170 : vector<1x16xi32> to vector<16xi32>
        %add3A_172 = arith.addi %get3A_171, %mul3A_19 : vector<16xi32>
        %mul3A_173 = arith.constant 16 : i32
        %mul3A_174 = arith.muli %add3A_166, %mul3A_173 : i32
        %swap3A = arith.index_cast %add3A_156 : i32 to index
        %swap3A_175 = arith.index_cast %mul3A_174 : i32 to index
        %swap3A_176 = tpu.vector_load %arg6[%swap3A, %swap3A_175] {strides = array<i32>} : memref<40x128xi32, #tpu.memory_space<vmem>>, vector<1x16xi32>,
        %swap3A_177 = vector.shape_cast %swap3A_176 : vector<1x16xi32> to vector<16xi32>
        %swap3A_178 = vector.shape_cast %add3A_172 : vector<16xi32> to vector<1x16xi32>
        tpu.vector_store %arg6[%swap3A, %swap3A_175], %swap3A_178 {strides = array<i32>} : memref<40x128xi32, #tpu.memory_space<vmem>>, vector<1x16xi32>,
      }
      %scan3A_161 = arith.constant 8 : i32
    }
    %scan3A_24 = arith.constant 40 : i32
    %dma_start3A = arith.constant 0 : i32
    %dma_start3A_25 = arith.constant 0 : i32
    %dma_start3A_26 = tpu.memref_slice %arg6[%dma_start3A, %dma_start3A_25] : memref<40x128xi32, #tpu.memory_space<vmem>> -> memref<1x128xi32, #tpu.memory_space<vmem>>
    %dma_start3A_27 = tpu.memref_squeeze %dma_start3A_26 : memref<1x128xi32, #tpu.memory_space<vmem>> -> memref<128xi32, #tpu.memory_space<vmem>>
    %dma_start3A_28 = arith.constant 0 : i32
    %dma_start3A_29 = arith.constant 0 : i32
    %dma_start3A_30 = tpu.memref_slice %arg2[%dma_start3A_28, %dma_start3A_29] : memref<40000x128xf32, #tpu.memory_space<hbm>> -> memref<40000x128xf32, #tpu.memory_space<hbm>>
    tpu.enqueue_indirect_dma source(%dma_start3A_30 : memref<40000x128xf32, #tpu.memory_space<hbm>>) target(%arg8 : memref<128x128xf32, #tpu.memory_space<vmem>>) offsets(%dma_start3A_27 : memref<128xi32, #tpu.memory_space<vmem>>) semaphore(%arg11 : memref<!tpu.dma_semaphore, #tpu.memory_space<semaphore_mem>>)
    %scan3A_31 = arith.constant 0 : i32
    %scan3A_32 = arith.constant 20 : i32
    %scan3A_33 = arith.addi %scan3A_31, %scan3A_32 : i32
    %scan3A_34 = arith.constant 1 : i32
    scf.for %scan3A_152 = %scan3A_31 to %scan3A_33 step %scan3A_34  : i32 {
      %mul3A_153 = arith.constant 1 : i32
      %mul3A_154 = arith.muli %scan3A_152, %mul3A_153 : i32
      %add3A_155 = arith.constant 0 : i32
      %add3A_156 = arith.addi %add3A_155, %mul3A_154 : i32
      %mul3A_157 = arith.constant 2 : i32
      %mul3A_158 = arith.muli %mul3A_157, %add3A_156 : i32
      %dma_wait3A_159 = arith.constant 0 : i32
      %dma_wait3A_160 = tpu.memref_slice %arg6[%mul3A_158, %dma_wait3A_159] : memref<40x128xi32, #tpu.memory_space<vmem>> -> memref<1x128xi32, #tpu.memory_space<vmem>>
      %dma_wait3A_161 = tpu.memref_squeeze %dma_wait3A_160 : memref<1x128xi32, #tpu.memory_space<vmem>> -> memref<128xi32, #tpu.memory_space<vmem>>
      %dma_wait3A_162 = arith.constant 0 : i32
      %dma_wait3A_163 = arith.constant 0 : i32
      %dma_wait3A_164 = tpu.memref_slice %arg2[%dma_wait3A_162, %dma_wait3A_163] : memref<40000x128xf32, #tpu.memory_space<hbm>> -> memref<40000x128xf32, #tpu.memory_space<hbm>>
      tpu.wait_indirect_dma semaphore(%arg11 : memref<!tpu.dma_semaphore, #tpu.memory_space<semaphore_mem>>) src(%dma_wait3A_164 : memref<40000x128xf32, #tpu.memory_space<hbm>>) dst(%arg8 : memref<128x128xf32, #tpu.memory_space<vmem>>)
      %add3A_165 = arith.constant 1 : i32
      %add3A_166 = arith.addi %mul3A_158, %add3A_165 : i32
      %dma_start3A_167 = arith.constant 0 : i32
      %dma_start3A_168 = tpu.memref_slice %arg6[%add3A_166, %dma_start3A_167] : memref<40x128xi32, #tpu.memory_space<vmem>> -> memref<1x128xi32, #tpu.memory_space<vmem>>
      %dma_start3A_169 = tpu.memref_squeeze %dma_start3A_168 : memref<1x128xi32, #tpu.memory_space<vmem>> -> memref<128xi32, #tpu.memory_space<vmem>>
      %dma_start3A_170 = arith.constant 0 : i32
      %dma_start3A_171 = arith.constant 0 : i32
      %dma_start3A_172 = tpu.memref_slice %arg2[%dma_start3A_170, %dma_start3A_171] : memref<40000x128xf32, #tpu.memory_space<hbm>> -> memref<40000x128xf32, #tpu.memory_space<hbm>>
      tpu.enqueue_indirect_dma source(%dma_start3A_172 : memref<40000x128xf32, #tpu.memory_space<hbm>>) target(%arg9 : memref<128x128xf32, #tpu.memory_space<vmem>>) offsets(%dma_start3A_169 : memref<128xi32, #tpu.memory_space<vmem>>) semaphore(%arg12 : memref<!tpu.dma_semaphore, #tpu.memory_space<semaphore_mem>>)
      "tpu.region"() ({
        %run_scoped3A = tpu.sem_alloc : memref<!tpu.dma_semaphore, #tpu.memory_space<semaphore_mem>>
        %dma_start3A_187 = arith.constant 0 : i32
        %dma_start3A_188 = tpu.memref_slice %arg7[%mul3A_158, %dma_start3A_187] : memref<40x128xi32, #tpu.memory_space<vmem>> -> memref<1x128xi32, #tpu.memory_space<vmem>>
        %dma_start3A_189 = tpu.memref_squeeze %dma_start3A_188 : memref<1x128xi32, #tpu.memory_space<vmem>> -> memref<128xi32, #tpu.memory_space<vmem>>
        %dma_start3A_190 = arith.constant 0 : i32
        %dma_start3A_191 = arith.constant 0 : i32
        %dma_start3A_192 = tpu.memref_slice %arg10[%dma_start3A_190, %dma_start3A_191] : memref<10240x128xf32, #tpu.memory_space<vmem_shared>> -> memref<10240x128xf32, #tpu.memory_space<vmem_shared>>
        tpu.enqueue_indirect_dma source(%arg8 : memref<128x128xf32, #tpu.memory_space<vmem>>) target(%dma_start3A_192 : memref<10240x128xf32, #tpu.memory_space<vmem_shared>>) offsets(%dma_start3A_189 : memref<128xi32, #tpu.memory_space<vmem>>) semaphore(%run_scoped3A : memref<!tpu.dma_semaphore, #tpu.memory_space<semaphore_mem>>) {add = true}
        %dma_wait3A_193 = arith.constant 0 : i32
        %dma_wait3A_194 = tpu.memref_slice %arg7[%mul3A_158, %dma_wait3A_193] : memref<40x128xi32, #tpu.memory_space<vmem>> -> memref<1x128xi32, #tpu.memory_space<vmem>>
        %dma_wait3A_195 = tpu.memref_squeeze %dma_wait3A_194 : memref<1x128xi32, #tpu.memory_space<vmem>> -> memref<128xi32, #tpu.memory_space<vmem>>
        %dma_wait3A_196 = arith.constant 0 : i32
        %dma_wait3A_197 = arith.constant 0 : i32
        %dma_wait3A_198 = tpu.memref_slice %arg10[%dma_wait3A_196, %dma_wait3A_197] : memref<10240x128xf32, #tpu.memory_space<vmem_shared>> -> memref<10240x128xf32, #tpu.memory_space<vmem_shared>>
        tpu.wait_indirect_dma semaphore(%run_scoped3A : memref<!tpu.dma_semaphore, #tpu.memory_space<semaphore_mem>>) src(%arg8 : memref<128x128xf32, #tpu.memory_space<vmem>>) dst(%dma_wait3A_198 : memref<10240x128xf32, #tpu.memory_space<vmem_shared>>)
        tpu.yield
      }) : () -> ()
      %add3A_173 = arith.constant 1 : i32
      %add3A_174 = arith.addi %mul3A_158, %add3A_173 : i32
      %dma_wait3A_175 = arith.constant 0 : i32
      %dma_wait3A_176 = tpu.memref_slice %arg6[%add3A_174, %dma_wait3A_175] : memref<40x128xi32, #tpu.memory_space<vmem>> -> memref<1x128xi32, #tpu.memory_space<vmem>>
      %dma_wait3A_177 = tpu.memref_squeeze %dma_wait3A_176 : memref<1x128xi32, #tpu.memory_space<vmem>> -> memref<128xi32, #tpu.memory_space<vmem>>
      %dma_wait3A_178 = arith.constant 0 : i32
      %dma_wait3A_179 = arith.constant 0 : i32
      %dma_wait3A_180 = tpu.memref_slice %arg2[%dma_wait3A_178, %dma_wait3A_179] : memref<40000x128xf32, #tpu.memory_space<hbm>> -> memref<40000x128xf32, #tpu.memory_space<hbm>>
      tpu.wait_indirect_dma semaphore(%arg12 : memref<!tpu.dma_semaphore, #tpu.memory_space<semaphore_mem>>) src(%dma_wait3A_180 : memref<40000x128xf32, #tpu.memory_space<hbm>>) dst(%arg9 : memref<128x128xf32, #tpu.memory_space<vmem>>)
      %add3A_181 = arith.constant 2 : i32
      %add3A_182 = arith.addi %mul3A_158, %add3A_181 : i32
      %lt3A = arith.constant 40 : i32
      %lt3A_183 = arith.cmpi slt, %add3A_182, %lt3A : i32
      %convert_element_type3A = arith.extui %lt3A_183 : i1 to i32
      %cond3A = arith.constant 0 : i32
      %cond3A_184 = arith.cmpi ne, %convert_element_type3A, %cond3A : i32
      scf.if %cond3A_184 {
        %add3A_187 = arith.constant 2 : i32
        %add3A_188 = arith.addi %mul3A_158, %add3A_187 : i32
        %dma_start3A_189 = arith.constant 0 : i32
        %dma_start3A_190 = tpu.memref_slice %arg6[%add3A_188, %dma_start3A_189] : memref<40x128xi32, #tpu.memory_space<vmem>> -> memref<1x128xi32, #tpu.memory_space<vmem>>
        %dma_start3A_191 = tpu.memref_squeeze %dma_start3A_190 : memref<1x128xi32, #tpu.memory_space<vmem>> -> memref<128xi32, #tpu.memory_space<vmem>>
        %dma_start3A_192 = arith.constant 0 : i32
        %dma_start3A_193 = arith.constant 0 : i32
        %dma_start3A_194 = tpu.memref_slice %arg2[%dma_start3A_192, %dma_start3A_193] : memref<40000x128xf32, #tpu.memory_space<hbm>> -> memref<40000x128xf32, #tpu.memory_space<hbm>>
        tpu.enqueue_indirect_dma source(%dma_start3A_194 : memref<40000x128xf32, #tpu.memory_space<hbm>>) target(%arg8 : memref<128x128xf32, #tpu.memory_space<vmem>>) offsets(%dma_start3A_191 : memref<128xi32, #tpu.memory_space<vmem>>) semaphore(%arg11 : memref<!tpu.dma_semaphore, #tpu.memory_space<semaphore_mem>>)
      } else {
      }
      %add3A_185 = arith.constant 1 : i32
      %add3A_186 = arith.addi %mul3A_158, %add3A_185 : i32
      "tpu.region"() ({
        %run_scoped3A = tpu.sem_alloc : memref<!tpu.dma_semaphore, #tpu.memory_space<semaphore_mem>>
        %dma_start3A_187 = arith.constant 0 : i32
        %dma_start3A_188 = tpu.memref_slice %arg7[%add3A_186, %dma_start3A_187] : memref<40x128xi32, #tpu.memory_space<vmem>> -> memref<1x128xi32, #tpu.memory_space<vmem>>
        %dma_start3A_189 = tpu.memref_squeeze %dma_start3A_188 : memref<1x128xi32, #tpu.memory_space<vmem>> -> memref<128xi32, #tpu.memory_space<vmem>>
        %dma_start3A_190 = arith.constant 0 : i32
        %dma_start3A_191 = arith.constant 0 : i32
        %dma_start3A_192 = tpu.memref_slice %arg10[%dma_start3A_190, %dma_start3A_191] : memref<10240x128xf32, #tpu.memory_space<vmem_shared>> -> memref<10240x128xf32, #tpu.memory_space<vmem_shared>>
        tpu.enqueue_indirect_dma source(%arg9 : memref<128x128xf32, #tpu.memory_space<vmem>>) target(%dma_start3A_192 : memref<10240x128xf32, #tpu.memory_space<vmem_shared>>) offsets(%dma_start3A_189 : memref<128xi32, #tpu.memory_space<vmem>>) semaphore(%run_scoped3A : memref<!tpu.dma_semaphore, #tpu.memory_space<semaphore_mem>>) {add = true}
        %dma_wait3A_193 = arith.constant 0 : i32
        %dma_wait3A_194 = tpu.memref_slice %arg7[%add3A_186, %dma_wait3A_193] : memref<40x128xi32, #tpu.memory_space<vmem>> -> memref<1x128xi32, #tpu.memory_space<vmem>>
        %dma_wait3A_195 = tpu.memref_squeeze %dma_wait3A_194 : memref<1x128xi32, #tpu.memory_space<vmem>> -> memref<128xi32, #tpu.memory_space<vmem>>
        %dma_wait3A_196 = arith.constant 0 : i32
        %dma_wait3A_197 = arith.constant 0 : i32
        %dma_wait3A_198 = tpu.memref_slice %arg10[%dma_wait3A_196, %dma_wait3A_197] : memref<10240x128xf32, #tpu.memory_space<vmem_shared>> -> memref<10240x128xf32, #tpu.memory_space<vmem_shared>>
        tpu.wait_indirect_dma semaphore(%run_scoped3A : memref<!tpu.dma_semaphore, #tpu.memory_space<semaphore_mem>>) src(%arg9 : memref<128x128xf32, #tpu.memory_space<vmem>>) dst(%dma_wait3A_198 : memref<10240x128xf32, #tpu.memory_space<vmem_shared>>)
        tpu.yield
      }) : () -> ()
    }
    %scan3A_35 = arith.constant 20 : i32
    %mul3A_36 = arith.constant 80 : i32
    %mul3A_37 = arith.muli %arg1, %mul3A_36 : i32
    %add3A_38 = arith.constant 40 : i32
    %add3A_39 = arith.addi %mul3A_37, %add3A_38 : i32
    "tpu.region"() ({
      %run_scoped3A = tpu.sem_alloc : memref<!tpu.dma_semaphore, #tpu.memory_space<semaphore_mem>>
      %dma_start3A_152 = arith.constant 0 : i32
      %dma_start3A_153 = tpu.memref_slice %arg4[%add3A_39, %dma_start3A_152] : memref<1280x128xi32, #tpu.memory_space<hbm>> -> memref<40x128xi32, #tpu.memory_space<hbm>>
      %dma_start3A_154 = arith.constant 0 : i32
      %dma_start3A_155 = tpu.memref_slice %arg4[%add3A_39, %dma_start3A_154] : memref<1280x128xi32, #tpu.memory_space<hbm>> -> memref<40x128xi32, #tpu.memory_space<hbm>>
      tpu.enqueue_dma source(%dma_start3A_155 : memref<40x128xi32, #tpu.memory_space<hbm>>) target(%arg7 : memref<40x128xi32, #tpu.memory_space<vmem>>) target_semaphore(%run_scoped3A : memref<!tpu.dma_semaphore, #tpu.memory_space<semaphore_mem>>)
      %dma_wait3A_156 = arith.constant 0 : i32
      %dma_wait3A_157 = tpu.memref_slice %arg4[%add3A_39, %dma_wait3A_156] : memref<1280x128xi32, #tpu.memory_space<hbm>> -> memref<40x128xi32, #tpu.memory_space<hbm>>
      %dma_wait3A_158 = arith.constant 0 : i32
      %dma_wait3A_159 = tpu.memref_slice %arg4[%add3A_39, %dma_wait3A_158] : memref<1280x128xi32, #tpu.memory_space<hbm>> -> memref<40x128xi32, #tpu.memory_space<hbm>>
      tpu.wait_dma2 semaphore(%run_scoped3A : memref<!tpu.dma_semaphore, #tpu.memory_space<semaphore_mem>>) src(%dma_wait3A_159 : memref<40x128xi32, #tpu.memory_space<hbm>>) dst(%arg7 : memref<40x128xi32, #tpu.memory_space<vmem>>)
      tpu.yield
    }) : () -> ()
    "tpu.region"() ({
      %run_scoped3A = tpu.sem_alloc : memref<!tpu.dma_semaphore, #tpu.memory_space<semaphore_mem>>
      %dma_start3A_152 = arith.constant 0 : i32
      %dma_start3A_153 = tpu.memref_slice %arg3[%add3A_39, %dma_start3A_152] : memref<1280x128xi32, #tpu.memory_space<hbm>> -> memref<40x128xi32, #tpu.memory_space<hbm>>
      %dma_start3A_154 = arith.constant 0 : i32
      %dma_start3A_155 = tpu.memref_slice %arg3[%add3A_39, %dma_start3A_154] : memref<1280x128xi32, #tpu.memory_space<hbm>> -> memref<40x128xi32, #tpu.memory_space<hbm>>
      tpu.enqueue_dma source(%dma_start3A_155 : memref<40x128xi32, #tpu.memory_space<hbm>>) target(%arg6 : memref<40x128xi32, #tpu.memory_space<vmem>>) target_semaphore(%run_scoped3A : memref<!tpu.dma_semaphore, #tpu.memory_space<semaphore_mem>>)
      %dma_wait3A_156 = arith.constant 0 : i32
      %dma_wait3A_157 = tpu.memref_slice %arg3[%add3A_39, %dma_wait3A_156] : memref<1280x128xi32, #tpu.memory_space<hbm>> -> memref<40x128xi32, #tpu.memory_space<hbm>>
      %dma_wait3A_158 = arith.constant 0 : i32
      %dma_wait3A_159 = tpu.memref_slice %arg3[%add3A_39, %dma_wait3A_158] : memref<1280x128xi32, #tpu.memory_space<hbm>> -> memref<40x128xi32, #tpu.memory_space<hbm>>
      tpu.wait_dma2 semaphore(%run_scoped3A : memref<!tpu.dma_semaphore, #tpu.memory_space<semaphore_mem>>) src(%dma_wait3A_159 : memref<40x128xi32, #tpu.memory_space<hbm>>) dst(%arg6 : memref<40x128xi32, #tpu.memory_space<vmem>>)
      tpu.yield
    }) : () -> ()
    %mul3A_40 = vector.broadcast %add3A_13 : i32 to vector<16xi32>
    %mul3A_41 = arith.muli %broadcast_in_dim3A_2, %mul3A_40 : vector<16xi32>
    %scan3A_42 = arith.constant 0 : i32
    %scan3A_43 = arith.constant 40 : i32
    %scan3A_44 = arith.addi %scan3A_42, %scan3A_43 : i32
    %scan3A_45 = arith.constant 1 : i32
    scf.for %scan3A_152 = %scan3A_42 to %scan3A_44 step %scan3A_45  : i32 {
      %mul3A_153 = arith.constant 1 : i32
      %mul3A_154 = arith.muli %scan3A_152, %mul3A_153 : i32
      %add3A_155 = arith.constant 0 : i32
      %add3A_156 = arith.addi %add3A_155, %mul3A_154 : i32
      %scan3A_157 = arith.constant 0 : i32
      %scan3A_158 = arith.constant 8 : i32
      %scan3A_159 = arith.addi %scan3A_157, %scan3A_158 : i32
      %scan3A_160 = arith.constant 1 : i32
      scf.for %scan3A_162 = %scan3A_157 to %scan3A_159 step %scan3A_160  : i32 {
        %mul3A_163 = arith.constant 1 : i32
        %mul3A_164 = arith.muli %scan3A_162, %mul3A_163 : i32
        %add3A_165 = arith.constant 0 : i32
        %add3A_166 = arith.addi %add3A_165, %mul3A_164 : i32
        %mul3A_167 = arith.constant 16 : i32
        %mul3A_168 = arith.muli %add3A_166, %mul3A_167 : i32
        %get3A = arith.index_cast %add3A_156 : i32 to index
        %get3A_169 = arith.index_cast %mul3A_168 : i32 to index
        %get3A_170 = tpu.vector_load %arg6[%get3A, %get3A_169] {strides = array<i32>} : memref<40x128xi32, #tpu.memory_space<vmem>>, vector<1x16xi32>,
        %get3A_171 = vector.shape_cast %get3A_170 : vector<1x16xi32> to vector<16xi32>
        %add3A_172 = arith.addi %get3A_171, %mul3A_41 : vector<16xi32>
        %mul3A_173 = arith.constant 16 : i32
        %mul3A_174 = arith.muli %add3A_166, %mul3A_173 : i32
        %swap3A = arith.index_cast %add3A_156 : i32 to index
        %swap3A_175 = arith.index_cast %mul3A_174 : i32 to index
        %swap3A_176 = tpu.vector_load %arg6[%swap3A, %swap3A_175] {strides = array<i32>} : memref<40x128xi32, #tpu.memory_space<vmem>>, vector<1x16xi32>,
        %swap3A_177 = vector.shape_cast %swap3A_176 : vector<1x16xi32> to vector<16xi32>
        %swap3A_178 = vector.shape_cast %add3A_172 : vector<16xi32> to vector<1x16xi32>
        tpu.vector_store %arg6[%swap3A, %swap3A_175], %swap3A_178 {strides = array<i32>} : memref<40x128xi32, #tpu.memory_space<vmem>>, vector<1x16xi32>,
      }
      %scan3A_161 = arith.constant 8 : i32
    }
    %scan3A_46 = arith.constant 40 : i32
    %dma_start3A_47 = arith.constant 0 : i32
    %dma_start3A_48 = arith.constant 0 : i32
    %dma_start3A_49 = tpu.memref_slice %arg6[%dma_start3A_47, %dma_start3A_48] : memref<40x128xi32, #tpu.memory_space<vmem>> -> memref<1x128xi32, #tpu.memory_space<vmem>>
    %dma_start3A_50 = tpu.memref_squeeze %dma_start3A_49 : memref<1x128xi32, #tpu.memory_space<vmem>> -> memref<128xi32, #tpu.memory_space<vmem>>
    %dma_start3A_51 = arith.constant 0 : i32
    %dma_start3A_52 = arith.constant 0 : i32
    %dma_start3A_53 = tpu.memref_slice %arg2[%dma_start3A_51, %dma_start3A_52] : memref<40000x128xf32, #tpu.memory_space<hbm>> -> memref<40000x128xf32, #tpu.memory_space<hbm>>
    tpu.enqueue_indirect_dma source(%dma_start3A_53 : memref<40000x128xf32, #tpu.memory_space<hbm>>) target(%arg8 : memref<128x128xf32, #tpu.memory_space<vmem>>) offsets(%dma_start3A_50 : memref<128xi32, #tpu.memory_space<vmem>>) semaphore(%arg11 : memref<!tpu.dma_semaphore, #tpu.memory_space<semaphore_mem>>)
    %scan3A_54 = arith.constant 0 : i32
    %scan3A_55 = arith.constant 20 : i32
    %scan3A_56 = arith.addi %scan3A_54, %scan3A_55 : i32
    %scan3A_57 = arith.constant 1 : i32
    scf.for %scan3A_152 = %scan3A_54 to %scan3A_56 step %scan3A_57  : i32 {
      %mul3A_153 = arith.constant 1 : i32
      %mul3A_154 = arith.muli %scan3A_152, %mul3A_153 : i32
      %add3A_155 = arith.constant 0 : i32
      %add3A_156 = arith.addi %add3A_155, %mul3A_154 : i32
      %mul3A_157 = arith.constant 2 : i32
      %mul3A_158 = arith.muli %mul3A_157, %add3A_156 : i32
      %dma_wait3A_159 = arith.constant 0 : i32
      %dma_wait3A_160 = tpu.memref_slice %arg6[%mul3A_158, %dma_wait3A_159] : memref<40x128xi32, #tpu.memory_space<vmem>> -> memref<1x128xi32, #tpu.memory_space<vmem>>
      %dma_wait3A_161 = tpu.memref_squeeze %dma_wait3A_160 : memref<1x128xi32, #tpu.memory_space<vmem>> -> memref<128xi32, #tpu.memory_space<vmem>>
      %dma_wait3A_162 = arith.constant 0 : i32
      %dma_wait3A_163 = arith.constant 0 : i32
      %dma_wait3A_164 = tpu.memref_slice %arg2[%dma_wait3A_162, %dma_wait3A_163] : memref<40000x128xf32, #tpu.memory_space<hbm>> -> memref<40000x128xf32, #tpu.memory_space<hbm>>
      tpu.wait_indirect_dma semaphore(%arg11 : memref<!tpu.dma_semaphore, #tpu.memory_space<semaphore_mem>>) src(%dma_wait3A_164 : memref<40000x128xf32, #tpu.memory_space<hbm>>) dst(%arg8 : memref<128x128xf32, #tpu.memory_space<vmem>>)
      %add3A_165 = arith.constant 1 : i32
      %add3A_166 = arith.addi %mul3A_158, %add3A_165 : i32
      %dma_start3A_167 = arith.constant 0 : i32
      %dma_start3A_168 = tpu.memref_slice %arg6[%add3A_166, %dma_start3A_167] : memref<40x128xi32, #tpu.memory_space<vmem>> -> memref<1x128xi32, #tpu.memory_space<vmem>>
      %dma_start3A_169 = tpu.memref_squeeze %dma_start3A_168 : memref<1x128xi32, #tpu.memory_space<vmem>> -> memref<128xi32, #tpu.memory_space<vmem>>
      %dma_start3A_170 = arith.constant 0 : i32
      %dma_start3A_171 = arith.constant 0 : i32
      %dma_start3A_172 = tpu.memref_slice %arg2[%dma_start3A_170, %dma_start3A_171] : memref<40000x128xf32, #tpu.memory_space<hbm>> -> memref<40000x128xf32, #tpu.memory_space<hbm>>
      tpu.enqueue_indirect_dma source(%dma_start3A_172 : memref<40000x128xf32, #tpu.memory_space<hbm>>) target(%arg9 : memref<128x128xf32, #tpu.memory_space<vmem>>) offsets(%dma_start3A_169 : memref<128xi32, #tpu.memory_space<vmem>>) semaphore(%arg12 : memref<!tpu.dma_semaphore, #tpu.memory_space<semaphore_mem>>)
      "tpu.region"() ({
        %run_scoped3A = tpu.sem_alloc : memref<!tpu.dma_semaphore, #tpu.memory_space<semaphore_mem>>
        %dma_start3A_187 = arith.constant 0 : i32
        %dma_start3A_188 = tpu.memref_slice %arg7[%mul3A_158, %dma_start3A_187] : memref<40x128xi32, #tpu.memory_space<vmem>> -> memref<1x128xi32, #tpu.memory_space<vmem>>
        %dma_start3A_189 = tpu.memref_squeeze %dma_start3A_188 : memref<1x128xi32, #tpu.memory_space<vmem>> -> memref<128xi32, #tpu.memory_space<vmem>>
        %dma_start3A_190 = arith.constant 0 : i32
        %dma_start3A_191 = arith.constant 0 : i32
        %dma_start3A_192 = tpu.memref_slice %arg10[%dma_start3A_190, %dma_start3A_191] : memref<10240x128xf32, #tpu.memory_space<vmem_shared>> -> memref<10240x128xf32, #tpu.memory_space<vmem_shared>>
        tpu.enqueue_indirect_dma source(%arg8 : memref<128x128xf32, #tpu.memory_space<vmem>>) target(%dma_start3A_192 : memref<10240x128xf32, #tpu.memory_space<vmem_shared>>) offsets(%dma_start3A_189 : memref<128xi32, #tpu.memory_space<vmem>>) semaphore(%run_scoped3A : memref<!tpu.dma_semaphore, #tpu.memory_space<semaphore_mem>>) {add = true}
        %dma_wait3A_193 = arith.constant 0 : i32
        %dma_wait3A_194 = tpu.memref_slice %arg7[%mul3A_158, %dma_wait3A_193] : memref<40x128xi32, #tpu.memory_space<vmem>> -> memref<1x128xi32, #tpu.memory_space<vmem>>
        %dma_wait3A_195 = tpu.memref_squeeze %dma_wait3A_194 : memref<1x128xi32, #tpu.memory_space<vmem>> -> memref<128xi32, #tpu.memory_space<vmem>>
        %dma_wait3A_196 = arith.constant 0 : i32
        %dma_wait3A_197 = arith.constant 0 : i32
        %dma_wait3A_198 = tpu.memref_slice %arg10[%dma_wait3A_196, %dma_wait3A_197] : memref<10240x128xf32, #tpu.memory_space<vmem_shared>> -> memref<10240x128xf32, #tpu.memory_space<vmem_shared>>
        tpu.wait_indirect_dma semaphore(%run_scoped3A : memref<!tpu.dma_semaphore, #tpu.memory_space<semaphore_mem>>) src(%arg8 : memref<128x128xf32, #tpu.memory_space<vmem>>) dst(%dma_wait3A_198 : memref<10240x128xf32, #tpu.memory_space<vmem_shared>>)
        tpu.yield
      }) : () -> ()
      %add3A_173 = arith.constant 1 : i32
      %add3A_174 = arith.addi %mul3A_158, %add3A_173 : i32
      %dma_wait3A_175 = arith.constant 0 : i32
      %dma_wait3A_176 = tpu.memref_slice %arg6[%add3A_174, %dma_wait3A_175] : memref<40x128xi32, #tpu.memory_space<vmem>> -> memref<1x128xi32, #tpu.memory_space<vmem>>
      %dma_wait3A_177 = tpu.memref_squeeze %dma_wait3A_176 : memref<1x128xi32, #tpu.memory_space<vmem>> -> memref<128xi32, #tpu.memory_space<vmem>>
      %dma_wait3A_178 = arith.constant 0 : i32
      %dma_wait3A_179 = arith.constant 0 : i32
      %dma_wait3A_180 = tpu.memref_slice %arg2[%dma_wait3A_178, %dma_wait3A_179] : memref<40000x128xf32, #tpu.memory_space<hbm>> -> memref<40000x128xf32, #tpu.memory_space<hbm>>
      tpu.wait_indirect_dma semaphore(%arg12 : memref<!tpu.dma_semaphore, #tpu.memory_space<semaphore_mem>>) src(%dma_wait3A_180 : memref<40000x128xf32, #tpu.memory_space<hbm>>) dst(%arg9 : memref<128x128xf32, #tpu.memory_space<vmem>>)
      %add3A_181 = arith.constant 2 : i32
      %add3A_182 = arith.addi %mul3A_158, %add3A_181 : i32
      %lt3A = arith.constant 40 : i32
      %lt3A_183 = arith.cmpi slt, %add3A_182, %lt3A : i32
      %convert_element_type3A = arith.extui %lt3A_183 : i1 to i32
      %cond3A = arith.constant 0 : i32
      %cond3A_184 = arith.cmpi ne, %convert_element_type3A, %cond3A : i32
      scf.if %cond3A_184 {
        %add3A_187 = arith.constant 2 : i32
        %add3A_188 = arith.addi %mul3A_158, %add3A_187 : i32
        %dma_start3A_189 = arith.constant 0 : i32
        %dma_start3A_190 = tpu.memref_slice %arg6[%add3A_188, %dma_start3A_189] : memref<40x128xi32, #tpu.memory_space<vmem>> -> memref<1x128xi32, #tpu.memory_space<vmem>>
        %dma_start3A_191 = tpu.memref_squeeze %dma_start3A_190 : memref<1x128xi32, #tpu.memory_space<vmem>> -> memref<128xi32, #tpu.memory_space<vmem>>
        %dma_start3A_192 = arith.constant 0 : i32
        %dma_start3A_193 = arith.constant 0 : i32
        %dma_start3A_194 = tpu.memref_slice %arg2[%dma_start3A_192, %dma_start3A_193] : memref<40000x128xf32, #tpu.memory_space<hbm>> -> memref<40000x128xf32, #tpu.memory_space<hbm>>
        tpu.enqueue_indirect_dma source(%dma_start3A_194 : memref<40000x128xf32, #tpu.memory_space<hbm>>) target(%arg8 : memref<128x128xf32, #tpu.memory_space<vmem>>) offsets(%dma_start3A_191 : memref<128xi32, #tpu.memory_space<vmem>>) semaphore(%arg11 : memref<!tpu.dma_semaphore, #tpu.memory_space<semaphore_mem>>)
      } else {
      }
      %add3A_185 = arith.constant 1 : i32
      %add3A_186 = arith.addi %mul3A_158, %add3A_185 : i32
      "tpu.region"() ({
        %run_scoped3A = tpu.sem_alloc : memref<!tpu.dma_semaphore, #tpu.memory_space<semaphore_mem>>
        %dma_start3A_187 = arith.constant 0 : i32
        %dma_start3A_188 = tpu.memref_slice %arg7[%add3A_186, %dma_start3A_187] : memref<40x128xi32, #tpu.memory_space<vmem>> -> memref<1x128xi32, #tpu.memory_space<vmem>>
        %dma_start3A_189 = tpu.memref_squeeze %dma_start3A_188 : memref<1x128xi32, #tpu.memory_space<vmem>> -> memref<128xi32, #tpu.memory_space<vmem>>
        %dma_start3A_190 = arith.constant 0 : i32
        %dma_start3A_191 = arith.constant 0 : i32
        %dma_start3A_192 = tpu.memref_slice %arg10[%dma_start3A_190, %dma_start3A_191] : memref<10240x128xf32, #tpu.memory_space<vmem_shared>> -> memref<10240x128xf32, #tpu.memory_space<vmem_shared>>
        tpu.enqueue_indirect_dma source(%arg9 : memref<128x128xf32, #tpu.memory_space<vmem>>) target(%dma_start3A_192 : memref<10240x128xf32, #tpu.memory_space<vmem_shared>>) offsets(%dma_start3A_189 : memref<128xi32, #tpu.memory_space<vmem>>) semaphore(%run_scoped3A : memref<!tpu.dma_semaphore, #tpu.memory_space<semaphore_mem>>) {add = true}
        %dma_wait3A_193 = arith.constant 0 : i32
        %dma_wait3A_194 = tpu.memref_slice %arg7[%add3A_186, %dma_wait3A_193] : memref<40x128xi32, #tpu.memory_space<vmem>> -> memref<1x128xi32, #tpu.memory_space<vmem>>
        %dma_wait3A_195 = tpu.memref_squeeze %dma_wait3A_194 : memref<1x128xi32, #tpu.memory_space<vmem>> -> memref<128xi32, #tpu.memory_space<vmem>>
        %dma_wait3A_196 = arith.constant 0 : i32
        %dma_wait3A_197 = arith.constant 0 : i32
        %dma_wait3A_198 = tpu.memref_slice %arg10[%dma_wait3A_196, %dma_wait3A_197] : memref<10240x128xf32, #tpu.memory_space<vmem_shared>> -> memref<10240x128xf32, #tpu.memory_space<vmem_shared>>
        tpu.wait_indirect_dma semaphore(%run_scoped3A : memref<!tpu.dma_semaphore, #tpu.memory_space<semaphore_mem>>) src(%arg9 : memref<128x128xf32, #tpu.memory_space<vmem>>) dst(%dma_wait3A_198 : memref<10240x128xf32, #tpu.memory_space<vmem_shared>>)
        tpu.yield
      }) : () -> ()
    }
    %scan3A_58 = arith.constant 20 : i32
    %barrier3A_59 = arith.constant 0 : index
    tpu.barrier barrier_id(%barrier3A_59)
    %mul3A_60 = arith.constant 10240 : i32
    %mul3A_61 = arith.muli %add3A_13, %mul3A_60 : i32
    %mul3A_62 = arith.constant 640 : i32
    %mul3A_63 = arith.muli %arg1, %mul3A_62 : i32
    %add3A_64 = arith.addi %mul3A_61, %mul3A_63 : i32
    %mul3A_65 = arith.constant 640 : i32
    %mul3A_66 = arith.muli %arg1, %mul3A_65 : i32
    %dma_start3A_67 = arith.constant 0 : i32
    %dma_start3A_68 = tpu.memref_slice %arg5[%add3A_64, %dma_start3A_67] : memref<40960x128xf32, #tpu.memory_space<hbm>> -> memref<640x128xf32, #tpu.memory_space<hbm>>
    %dma_start3A_69 = arith.constant 0 : i32
    %dma_start3A_70 = tpu.memref_slice %arg10[%mul3A_66, %dma_start3A_69] : memref<10240x128xf32, #tpu.memory_space<vmem_shared>> -> memref<640x128xf32, #tpu.memory_space<vmem_shared>>
    tpu.enqueue_dma source(%dma_start3A_70 : memref<640x128xf32, #tpu.memory_space<vmem_shared>>) target(%dma_start3A_68 : memref<640x128xf32, #tpu.memory_space<hbm>>) target_semaphore(%arg13 : memref<!tpu.dma_semaphore, #tpu.memory_space<semaphore_mem>>)
    %scan3A_71 = arith.constant 0 : i32
    %scan3A_72 = arith.constant 128 : i32
    %scan3A_73 = arith.addi %scan3A_71, %scan3A_72 : i32
    %scan3A_74 = arith.constant 1 : i32
    scf.for %scan3A_152 = %scan3A_71 to %scan3A_73 step %scan3A_74  : i32 {
      %mul3A_153 = arith.constant 1 : i32
      %mul3A_154 = arith.muli %scan3A_152, %mul3A_153 : i32
      %add3A_155 = arith.constant 0 : i32
      %add3A_156 = arith.addi %add3A_155, %mul3A_154 : i32
      %scan3A_157 = arith.constant 0 : i32
      %scan3A_158 = arith.constant 8 : i32
      %scan3A_159 = arith.addi %scan3A_157, %scan3A_158 : i32
      %scan3A_160 = arith.constant 1 : i32
      scf.for %scan3A_162 = %scan3A_157 to %scan3A_159 step %scan3A_160  : i32 {
        %mul3A_163 = arith.constant 1 : i32
        %mul3A_164 = arith.muli %scan3A_162, %mul3A_163 : i32
        %add3A_165 = arith.constant 0 : i32
        %add3A_166 = arith.addi %add3A_165, %mul3A_164 : i32
        %mul3A_167 = arith.constant 16 : i32
        %mul3A_168 = arith.muli %add3A_166, %mul3A_167 : i32
        %swap3A = arith.index_cast %add3A_156 : i32 to index
        %swap3A_169 = arith.index_cast %mul3A_168 : i32 to index
        %swap3A_170 = tpu.vector_load %arg8[%swap3A, %swap3A_169] {strides = array<i32>} : memref<128x128xf32, #tpu.memory_space<vmem>>, vector<1x16xf32>,
        %swap3A_171 = vector.shape_cast %swap3A_170 : vector<1x16xf32> to vector<16xf32>
        %swap3A_172 = vector.shape_cast %broadcast_in_dim3A_0 : vector<16xf32> to vector<1x16xf32>
        tpu.vector_store %arg8[%swap3A, %swap3A_169], %swap3A_172 {strides = array<i32>} : memref<128x128xf32, #tpu.memory_space<vmem>>, vector<1x16xf32>,
      }
      %scan3A_161 = arith.constant 8 : i32
    }
    %scan3A_75 = arith.constant 128 : i32
    %dma_wait3A = arith.constant 0 : i32
    %dma_wait3A_76 = tpu.memref_slice %arg5[%add3A_64, %dma_wait3A] : memref<40960x128xf32, #tpu.memory_space<hbm>> -> memref<640x128xf32, #tpu.memory_space<hbm>>
    %dma_wait3A_77 = arith.constant 0 : i32
    %dma_wait3A_78 = tpu.memref_slice %arg10[%mul3A_66, %dma_wait3A_77] : memref<10240x128xf32, #tpu.memory_space<vmem_shared>> -> memref<640x128xf32, #tpu.memory_space<vmem_shared>>
    tpu.wait_dma2 semaphore(%arg13 : memref<!tpu.dma_semaphore, #tpu.memory_space<semaphore_mem>>) src(%dma_wait3A_78 : memref<640x128xf32, #tpu.memory_space<vmem_shared>>) dst(%dma_wait3A_76 : memref<640x128xf32, #tpu.memory_space<hbm>>)
    %scan3A_79 = arith.constant 0 : i32
    %scan3A_80 = arith.constant 5 : i32
    %scan3A_81 = arith.addi %scan3A_79, %scan3A_80 : i32
    %scan3A_82 = arith.constant 1 : i32
    scf.for %scan3A_152 = %scan3A_79 to %scan3A_81 step %scan3A_82  : i32 {
      %mul3A_153 = arith.constant 1 : i32
      %mul3A_154 = arith.muli %scan3A_152, %mul3A_153 : i32
      %add3A_155 = arith.constant 0 : i32
      %add3A_156 = arith.addi %add3A_155, %mul3A_154 : i32
      %mul3A_157 = arith.constant 640 : i32
      %mul3A_158 = arith.muli %arg1, %mul3A_157 : i32
      %mul3A_159 = arith.constant 128 : i32
      %mul3A_160 = arith.muli %add3A_156, %mul3A_159 : i32
      %add3A_161 = arith.addi %mul3A_158, %mul3A_160 : i32
      "tpu.region"() ({
        %run_scoped3A = tpu.sem_alloc : memref<!tpu.dma_semaphore, #tpu.memory_space<semaphore_mem>>
        %dma_start3A_162 = arith.constant 0 : i32
        %dma_start3A_163 = tpu.memref_slice %arg10[%add3A_161, %dma_start3A_162] : memref<10240x128xf32, #tpu.memory_space<vmem_shared>> -> memref<128x128xf32, #tpu.memory_space<vmem_shared>>
        %dma_start3A_164 = arith.constant 0 : i32
        %dma_start3A_165 = tpu.memref_slice %arg10[%add3A_161, %dma_start3A_164] : memref<10240x128xf32, #tpu.memory_space<vmem_shared>> -> memref<128x128xf32, #tpu.memory_space<vmem_shared>>
        tpu.enqueue_dma source(%arg8 : memref<128x128xf32, #tpu.memory_space<vmem>>) target(%dma_start3A_165 : memref<128x128xf32, #tpu.memory_space<vmem_shared>>) target_semaphore(%run_scoped3A : memref<!tpu.dma_semaphore, #tpu.memory_space<semaphore_mem>>)
        %dma_wait3A_166 = arith.constant 0 : i32
        %dma_wait3A_167 = tpu.memref_slice %arg10[%add3A_161, %dma_wait3A_166] : memref<10240x128xf32, #tpu.memory_space<vmem_shared>> -> memref<128x128xf32, #tpu.memory_space<vmem_shared>>
        %dma_wait3A_168 = arith.constant 0 : i32
        %dma_wait3A_169 = tpu.memref_slice %arg10[%add3A_161, %dma_wait3A_168] : memref<10240x128xf32, #tpu.memory_space<vmem_shared>> -> memref<128x128xf32, #tpu.memory_space<vmem_shared>>
        tpu.wait_dma2 semaphore(%run_scoped3A : memref<!tpu.dma_semaphore, #tpu.memory_space<semaphore_mem>>) src(%arg8 : memref<128x128xf32, #tpu.memory_space<vmem>>) dst(%dma_wait3A_169 : memref<128x128xf32, #tpu.memory_space<vmem_shared>>)
        tpu.yield
      }) : () -> ()
    }
    %scan3A_83 = arith.constant 5 : i32
    %barrier3A_84 = arith.constant 0 : index
    tpu.barrier barrier_id(%barrier3A_84)
    %mul3A_85 = arith.constant 2 : i32
    %mul3A_86 = arith.muli %mul3A_85, %arg0 : i32
    %add3A_87 = arith.constant 1 : i32
    %add3A_88 = arith.addi %mul3A_86, %add3A_87 : i32
    %mul3A_89 = arith.constant 80 : i32
    %mul3A_90 = arith.muli %arg1, %mul3A_89 : i32
    %add3A_91 = arith.constant 0 : i32
    %add3A_92 = arith.addi %mul3A_90, %add3A_91 : i32
    "tpu.region"() ({
      %run_scoped3A = tpu.sem_alloc : memref<!tpu.dma_semaphore, #tpu.memory_space<semaphore_mem>>
      %dma_start3A_152 = arith.constant 0 : i32
      %dma_start3A_153 = tpu.memref_slice %arg4[%add3A_92, %dma_start3A_152] : memref<1280x128xi32, #tpu.memory_space<hbm>> -> memref<40x128xi32, #tpu.memory_space<hbm>>
      %dma_start3A_154 = arith.constant 0 : i32
      %dma_start3A_155 = tpu.memref_slice %arg4[%add3A_92, %dma_start3A_154] : memref<1280x128xi32, #tpu.memory_space<hbm>> -> memref<40x128xi32, #tpu.memory_space<hbm>>
      tpu.enqueue_dma source(%dma_start3A_155 : memref<40x128xi32, #tpu.memory_space<hbm>>) target(%arg7 : memref<40x128xi32, #tpu.memory_space<vmem>>) target_semaphore(%run_scoped3A : memref<!tpu.dma_semaphore, #tpu.memory_space<semaphore_mem>>)
      %dma_wait3A_156 = arith.constant 0 : i32
      %dma_wait3A_157 = tpu.memref_slice %arg4[%add3A_92, %dma_wait3A_156] : memref<1280x128xi32, #tpu.memory_space<hbm>> -> memref<40x128xi32, #tpu.memory_space<hbm>>
      %dma_wait3A_158 = arith.constant 0 : i32
      %dma_wait3A_159 = tpu.memref_slice %arg4[%add3A_92, %dma_wait3A_158] : memref<1280x128xi32, #tpu.memory_space<hbm>> -> memref<40x128xi32, #tpu.memory_space<hbm>>
      tpu.wait_dma2 semaphore(%run_scoped3A : memref<!tpu.dma_semaphore, #tpu.memory_space<semaphore_mem>>) src(%dma_wait3A_159 : memref<40x128xi32, #tpu.memory_space<hbm>>) dst(%arg7 : memref<40x128xi32, #tpu.memory_space<vmem>>)
      tpu.yield
    }) : () -> ()
    "tpu.region"() ({
      %run_scoped3A = tpu.sem_alloc : memref<!tpu.dma_semaphore, #tpu.memory_space<semaphore_mem>>
      %dma_start3A_152 = arith.constant 0 : i32
      %dma_start3A_153 = tpu.memref_slice %arg3[%add3A_92, %dma_start3A_152] : memref<1280x128xi32, #tpu.memory_space<hbm>> -> memref<40x128xi32, #tpu.memory_space<hbm>>
      %dma_start3A_154 = arith.constant 0 : i32
      %dma_start3A_155 = tpu.memref_slice %arg3[%add3A_92, %dma_start3A_154] : memref<1280x128xi32, #tpu.memory_space<hbm>> -> memref<40x128xi32, #tpu.memory_space<hbm>>
      tpu.enqueue_dma source(%dma_start3A_155 : memref<40x128xi32, #tpu.memory_space<hbm>>) target(%arg6 : memref<40x128xi32, #tpu.memory_space<vmem>>) target_semaphore(%run_scoped3A : memref<!tpu.dma_semaphore, #tpu.memory_space<semaphore_mem>>)
      %dma_wait3A_156 = arith.constant 0 : i32
      %dma_wait3A_157 = tpu.memref_slice %arg3[%add3A_92, %dma_wait3A_156] : memref<1280x128xi32, #tpu.memory_space<hbm>> -> memref<40x128xi32, #tpu.memory_space<hbm>>
      %dma_wait3A_158 = arith.constant 0 : i32
      %dma_wait3A_159 = tpu.memref_slice %arg3[%add3A_92, %dma_wait3A_158] : memref<1280x128xi32, #tpu.memory_space<hbm>> -> memref<40x128xi32, #tpu.memory_space<hbm>>
      tpu.wait_dma2 semaphore(%run_scoped3A : memref<!tpu.dma_semaphore, #tpu.memory_space<semaphore_mem>>) src(%dma_wait3A_159 : memref<40x128xi32, #tpu.memory_space<hbm>>) dst(%arg6 : memref<40x128xi32, #tpu.memory_space<vmem>>)
      tpu.yield
    }) : () -> ()
    %mul3A_93 = vector.broadcast %add3A_88 : i32 to vector<16xi32>
    %mul3A_94 = arith.muli %broadcast_in_dim3A_2, %mul3A_93 : vector<16xi32>
    %scan3A_95 = arith.constant 0 : i32
    %scan3A_96 = arith.constant 40 : i32
    %scan3A_97 = arith.addi %scan3A_95, %scan3A_96 : i32
    %scan3A_98 = arith.constant 1 : i32
    scf.for %scan3A_152 = %scan3A_95 to %scan3A_97 step %scan3A_98  : i32 {
      %mul3A_153 = arith.constant 1 : i32
      %mul3A_154 = arith.muli %scan3A_152, %mul3A_153 : i32
      %add3A_155 = arith.constant 0 : i32
      %add3A_156 = arith.addi %add3A_155, %mul3A_154 : i32
      %scan3A_157 = arith.constant 0 : i32
      %scan3A_158 = arith.constant 8 : i32
      %scan3A_159 = arith.addi %scan3A_157, %scan3A_158 : i32
      %scan3A_160 = arith.constant 1 : i32
      scf.for %scan3A_162 = %scan3A_157 to %scan3A_159 step %scan3A_160  : i32 {
        %mul3A_163 = arith.constant 1 : i32
        %mul3A_164 = arith.muli %scan3A_162, %mul3A_163 : i32
        %add3A_165 = arith.constant 0 : i32
        %add3A_166 = arith.addi %add3A_165, %mul3A_164 : i32
        %mul3A_167 = arith.constant 16 : i32
        %mul3A_168 = arith.muli %add3A_166, %mul3A_167 : i32
        %get3A = arith.index_cast %add3A_156 : i32 to index
        %get3A_169 = arith.index_cast %mul3A_168 : i32 to index
        %get3A_170 = tpu.vector_load %arg6[%get3A, %get3A_169] {strides = array<i32>} : memref<40x128xi32, #tpu.memory_space<vmem>>, vector<1x16xi32>,
        %get3A_171 = vector.shape_cast %get3A_170 : vector<1x16xi32> to vector<16xi32>
        %add3A_172 = arith.addi %get3A_171, %mul3A_94 : vector<16xi32>
        %mul3A_173 = arith.constant 16 : i32
        %mul3A_174 = arith.muli %add3A_166, %mul3A_173 : i32
        %swap3A = arith.index_cast %add3A_156 : i32 to index
        %swap3A_175 = arith.index_cast %mul3A_174 : i32 to index
        %swap3A_176 = tpu.vector_load %arg6[%swap3A, %swap3A_175] {strides = array<i32>} : memref<40x128xi32, #tpu.memory_space<vmem>>, vector<1x16xi32>,
        %swap3A_177 = vector.shape_cast %swap3A_176 : vector<1x16xi32> to vector<16xi32>
        %swap3A_178 = vector.shape_cast %add3A_172 : vector<16xi32> to vector<1x16xi32>
        tpu.vector_store %arg6[%swap3A, %swap3A_175], %swap3A_178 {strides = array<i32>} : memref<40x128xi32, #tpu.memory_space<vmem>>, vector<1x16xi32>,
      }
      %scan3A_161 = arith.constant 8 : i32
    }
    %scan3A_99 = arith.constant 40 : i32
    %dma_start3A_100 = arith.constant 0 : i32
    %dma_start3A_101 = arith.constant 0 : i32
    %dma_start3A_102 = tpu.memref_slice %arg6[%dma_start3A_100, %dma_start3A_101] : memref<40x128xi32, #tpu.memory_space<vmem>> -> memref<1x128xi32, #tpu.memory_space<vmem>>
    %dma_start3A_103 = tpu.memref_squeeze %dma_start3A_102 : memref<1x128xi32, #tpu.memory_space<vmem>> -> memref<128xi32, #tpu.memory_space<vmem>>
    %dma_start3A_104 = arith.constant 0 : i32
    %dma_start3A_105 = arith.constant 0 : i32
    %dma_start3A_106 = tpu.memref_slice %arg2[%dma_start3A_104, %dma_start3A_105] : memref<40000x128xf32, #tpu.memory_space<hbm>> -> memref<40000x128xf32, #tpu.memory_space<hbm>>
    tpu.enqueue_indirect_dma source(%dma_start3A_106 : memref<40000x128xf32, #tpu.memory_space<hbm>>) target(%arg8 : memref<128x128xf32, #tpu.memory_space<vmem>>) offsets(%dma_start3A_103 : memref<128xi32, #tpu.memory_space<vmem>>) semaphore(%arg11 : memref<!tpu.dma_semaphore, #tpu.memory_space<semaphore_mem>>)
    %scan3A_107 = arith.constant 0 : i32
    %scan3A_108 = arith.constant 20 : i32
    %scan3A_109 = arith.addi %scan3A_107, %scan3A_108 : i32
    %scan3A_110 = arith.constant 1 : i32
    scf.for %scan3A_152 = %scan3A_107 to %scan3A_109 step %scan3A_110  : i32 {
      %mul3A_153 = arith.constant 1 : i32
      %mul3A_154 = arith.muli %scan3A_152, %mul3A_153 : i32
      %add3A_155 = arith.constant 0 : i32
      %add3A_156 = arith.addi %add3A_155, %mul3A_154 : i32
      %mul3A_157 = arith.constant 2 : i32
      %mul3A_158 = arith.muli %mul3A_157, %add3A_156 : i32
      %dma_wait3A_159 = arith.constant 0 : i32
      %dma_wait3A_160 = tpu.memref_slice %arg6[%mul3A_158, %dma_wait3A_159] : memref<40x128xi32, #tpu.memory_space<vmem>> -> memref<1x128xi32, #tpu.memory_space<vmem>>
      %dma_wait3A_161 = tpu.memref_squeeze %dma_wait3A_160 : memref<1x128xi32, #tpu.memory_space<vmem>> -> memref<128xi32, #tpu.memory_space<vmem>>
      %dma_wait3A_162 = arith.constant 0 : i32
      %dma_wait3A_163 = arith.constant 0 : i32
      %dma_wait3A_164 = tpu.memref_slice %arg2[%dma_wait3A_162, %dma_wait3A_163] : memref<40000x128xf32, #tpu.memory_space<hbm>> -> memref<40000x128xf32, #tpu.memory_space<hbm>>
      tpu.wait_indirect_dma semaphore(%arg11 : memref<!tpu.dma_semaphore, #tpu.memory_space<semaphore_mem>>) src(%dma_wait3A_164 : memref<40000x128xf32, #tpu.memory_space<hbm>>) dst(%arg8 : memref<128x128xf32, #tpu.memory_space<vmem>>)
      %add3A_165 = arith.constant 1 : i32
      %add3A_166 = arith.addi %mul3A_158, %add3A_165 : i32
      %dma_start3A_167 = arith.constant 0 : i32
      %dma_start3A_168 = tpu.memref_slice %arg6[%add3A_166, %dma_start3A_167] : memref<40x128xi32, #tpu.memory_space<vmem>> -> memref<1x128xi32, #tpu.memory_space<vmem>>
      %dma_start3A_169 = tpu.memref_squeeze %dma_start3A_168 : memref<1x128xi32, #tpu.memory_space<vmem>> -> memref<128xi32, #tpu.memory_space<vmem>>
      %dma_start3A_170 = arith.constant 0 : i32
      %dma_start3A_171 = arith.constant 0 : i32
      %dma_start3A_172 = tpu.memref_slice %arg2[%dma_start3A_170, %dma_start3A_171] : memref<40000x128xf32, #tpu.memory_space<hbm>> -> memref<40000x128xf32, #tpu.memory_space<hbm>>
      tpu.enqueue_indirect_dma source(%dma_start3A_172 : memref<40000x128xf32, #tpu.memory_space<hbm>>) target(%arg9 : memref<128x128xf32, #tpu.memory_space<vmem>>) offsets(%dma_start3A_169 : memref<128xi32, #tpu.memory_space<vmem>>) semaphore(%arg12 : memref<!tpu.dma_semaphore, #tpu.memory_space<semaphore_mem>>)
      "tpu.region"() ({
        %run_scoped3A = tpu.sem_alloc : memref<!tpu.dma_semaphore, #tpu.memory_space<semaphore_mem>>
        %dma_start3A_187 = arith.constant 0 : i32
        %dma_start3A_188 = tpu.memref_slice %arg7[%mul3A_158, %dma_start3A_187] : memref<40x128xi32, #tpu.memory_space<vmem>> -> memref<1x128xi32, #tpu.memory_space<vmem>>
        %dma_start3A_189 = tpu.memref_squeeze %dma_start3A_188 : memref<1x128xi32, #tpu.memory_space<vmem>> -> memref<128xi32, #tpu.memory_space<vmem>>
        %dma_start3A_190 = arith.constant 0 : i32
        %dma_start3A_191 = arith.constant 0 : i32
        %dma_start3A_192 = tpu.memref_slice %arg10[%dma_start3A_190, %dma_start3A_191] : memref<10240x128xf32, #tpu.memory_space<vmem_shared>> -> memref<10240x128xf32, #tpu.memory_space<vmem_shared>>
        tpu.enqueue_indirect_dma source(%arg8 : memref<128x128xf32, #tpu.memory_space<vmem>>) target(%dma_start3A_192 : memref<10240x128xf32, #tpu.memory_space<vmem_shared>>) offsets(%dma_start3A_189 : memref<128xi32, #tpu.memory_space<vmem>>) semaphore(%run_scoped3A : memref<!tpu.dma_semaphore, #tpu.memory_space<semaphore_mem>>) {add = true}
        %dma_wait3A_193 = arith.constant 0 : i32
        %dma_wait3A_194 = tpu.memref_slice %arg7[%mul3A_158, %dma_wait3A_193] : memref<40x128xi32, #tpu.memory_space<vmem>> -> memref<1x128xi32, #tpu.memory_space<vmem>>
        %dma_wait3A_195 = tpu.memref_squeeze %dma_wait3A_194 : memref<1x128xi32, #tpu.memory_space<vmem>> -> memref<128xi32, #tpu.memory_space<vmem>>
        %dma_wait3A_196 = arith.constant 0 : i32
        %dma_wait3A_197 = arith.constant 0 : i32
        %dma_wait3A_198 = tpu.memref_slice %arg10[%dma_wait3A_196, %dma_wait3A_197] : memref<10240x128xf32, #tpu.memory_space<vmem_shared>> -> memref<10240x128xf32, #tpu.memory_space<vmem_shared>>
        tpu.wait_indirect_dma semaphore(%run_scoped3A : memref<!tpu.dma_semaphore, #tpu.memory_space<semaphore_mem>>) src(%arg8 : memref<128x128xf32, #tpu.memory_space<vmem>>) dst(%dma_wait3A_198 : memref<10240x128xf32, #tpu.memory_space<vmem_shared>>)
        tpu.yield
      }) : () -> ()
      %add3A_173 = arith.constant 1 : i32
      %add3A_174 = arith.addi %mul3A_158, %add3A_173 : i32
      %dma_wait3A_175 = arith.constant 0 : i32
      %dma_wait3A_176 = tpu.memref_slice %arg6[%add3A_174, %dma_wait3A_175] : memref<40x128xi32, #tpu.memory_space<vmem>> -> memref<1x128xi32, #tpu.memory_space<vmem>>
      %dma_wait3A_177 = tpu.memref_squeeze %dma_wait3A_176 : memref<1x128xi32, #tpu.memory_space<vmem>> -> memref<128xi32, #tpu.memory_space<vmem>>
      %dma_wait3A_178 = arith.constant 0 : i32
      %dma_wait3A_179 = arith.constant 0 : i32
      %dma_wait3A_180 = tpu.memref_slice %arg2[%dma_wait3A_178, %dma_wait3A_179] : memref<40000x128xf32, #tpu.memory_space<hbm>> -> memref<40000x128xf32, #tpu.memory_space<hbm>>
      tpu.wait_indirect_dma semaphore(%arg12 : memref<!tpu.dma_semaphore, #tpu.memory_space<semaphore_mem>>) src(%dma_wait3A_180 : memref<40000x128xf32, #tpu.memory_space<hbm>>) dst(%arg9 : memref<128x128xf32, #tpu.memory_space<vmem>>)
      %add3A_181 = arith.constant 2 : i32
      %add3A_182 = arith.addi %mul3A_158, %add3A_181 : i32
      %lt3A = arith.constant 40 : i32
      %lt3A_183 = arith.cmpi slt, %add3A_182, %lt3A : i32
      %convert_element_type3A = arith.extui %lt3A_183 : i1 to i32
      %cond3A = arith.constant 0 : i32
      %cond3A_184 = arith.cmpi ne, %convert_element_type3A, %cond3A : i32
      scf.if %cond3A_184 {
        %add3A_187 = arith.constant 2 : i32
        %add3A_188 = arith.addi %mul3A_158, %add3A_187 : i32
        %dma_start3A_189 = arith.constant 0 : i32
        %dma_start3A_190 = tpu.memref_slice %arg6[%add3A_188, %dma_start3A_189] : memref<40x128xi32, #tpu.memory_space<vmem>> -> memref<1x128xi32, #tpu.memory_space<vmem>>
        %dma_start3A_191 = tpu.memref_squeeze %dma_start3A_190 : memref<1x128xi32, #tpu.memory_space<vmem>> -> memref<128xi32, #tpu.memory_space<vmem>>
        %dma_start3A_192 = arith.constant 0 : i32
        %dma_start3A_193 = arith.constant 0 : i32
        %dma_start3A_194 = tpu.memref_slice %arg2[%dma_start3A_192, %dma_start3A_193] : memref<40000x128xf32, #tpu.memory_space<hbm>> -> memref<40000x128xf32, #tpu.memory_space<hbm>>
        tpu.enqueue_indirect_dma source(%dma_start3A_194 : memref<40000x128xf32, #tpu.memory_space<hbm>>) target(%arg8 : memref<128x128xf32, #tpu.memory_space<vmem>>) offsets(%dma_start3A_191 : memref<128xi32, #tpu.memory_space<vmem>>) semaphore(%arg11 : memref<!tpu.dma_semaphore, #tpu.memory_space<semaphore_mem>>)
      } else {
      }
      %add3A_185 = arith.constant 1 : i32
      %add3A_186 = arith.addi %mul3A_158, %add3A_185 : i32
      "tpu.region"() ({
        %run_scoped3A = tpu.sem_alloc : memref<!tpu.dma_semaphore, #tpu.memory_space<semaphore_mem>>
        %dma_start3A_187 = arith.constant 0 : i32
        %dma_start3A_188 = tpu.memref_slice %arg7[%add3A_186, %dma_start3A_187] : memref<40x128xi32, #tpu.memory_space<vmem>> -> memref<1x128xi32, #tpu.memory_space<vmem>>
        %dma_start3A_189 = tpu.memref_squeeze %dma_start3A_188 : memref<1x128xi32, #tpu.memory_space<vmem>> -> memref<128xi32, #tpu.memory_space<vmem>>
        %dma_start3A_190 = arith.constant 0 : i32
        %dma_start3A_191 = arith.constant 0 : i32
        %dma_start3A_192 = tpu.memref_slice %arg10[%dma_start3A_190, %dma_start3A_191] : memref<10240x128xf32, #tpu.memory_space<vmem_shared>> -> memref<10240x128xf32, #tpu.memory_space<vmem_shared>>
        tpu.enqueue_indirect_dma source(%arg9 : memref<128x128xf32, #tpu.memory_space<vmem>>) target(%dma_start3A_192 : memref<10240x128xf32, #tpu.memory_space<vmem_shared>>) offsets(%dma_start3A_189 : memref<128xi32, #tpu.memory_space<vmem>>) semaphore(%run_scoped3A : memref<!tpu.dma_semaphore, #tpu.memory_space<semaphore_mem>>) {add = true}
        %dma_wait3A_193 = arith.constant 0 : i32
        %dma_wait3A_194 = tpu.memref_slice %arg7[%add3A_186, %dma_wait3A_193] : memref<40x128xi32, #tpu.memory_space<vmem>> -> memref<1x128xi32, #tpu.memory_space<vmem>>
        %dma_wait3A_195 = tpu.memref_squeeze %dma_wait3A_194 : memref<1x128xi32, #tpu.memory_space<vmem>> -> memref<128xi32, #tpu.memory_space<vmem>>
        %dma_wait3A_196 = arith.constant 0 : i32
        %dma_wait3A_197 = arith.constant 0 : i32
        %dma_wait3A_198 = tpu.memref_slice %arg10[%dma_wait3A_196, %dma_wait3A_197] : memref<10240x128xf32, #tpu.memory_space<vmem_shared>> -> memref<10240x128xf32, #tpu.memory_space<vmem_shared>>
        tpu.wait_indirect_dma semaphore(%run_scoped3A : memref<!tpu.dma_semaphore, #tpu.memory_space<semaphore_mem>>) src(%arg9 : memref<128x128xf32, #tpu.memory_space<vmem>>) dst(%dma_wait3A_198 : memref<10240x128xf32, #tpu.memory_space<vmem_shared>>)
        tpu.yield
      }) : () -> ()
    }
    %scan3A_111 = arith.constant 20 : i32
    %mul3A_112 = arith.constant 80 : i32
    %mul3A_113 = arith.muli %arg1, %mul3A_112 : i32
    %add3A_114 = arith.constant 40 : i32
    %add3A_115 = arith.addi %mul3A_113, %add3A_114 : i32
    "tpu.region"() ({
      %run_scoped3A = tpu.sem_alloc : memref<!tpu.dma_semaphore, #tpu.memory_space<semaphore_mem>>
      %dma_start3A_152 = arith.constant 0 : i32
      %dma_start3A_153 = tpu.memref_slice %arg4[%add3A_115, %dma_start3A_152] : memref<1280x128xi32, #tpu.memory_space<hbm>> -> memref<40x128xi32, #tpu.memory_space<hbm>>
      %dma_start3A_154 = arith.constant 0 : i32
      %dma_start3A_155 = tpu.memref_slice %arg4[%add3A_115, %dma_start3A_154] : memref<1280x128xi32, #tpu.memory_space<hbm>> -> memref<40x128xi32, #tpu.memory_space<hbm>>
      tpu.enqueue_dma source(%dma_start3A_155 : memref<40x128xi32, #tpu.memory_space<hbm>>) target(%arg7 : memref<40x128xi32, #tpu.memory_space<vmem>>) target_semaphore(%run_scoped3A : memref<!tpu.dma_semaphore, #tpu.memory_space<semaphore_mem>>)
      %dma_wait3A_156 = arith.constant 0 : i32
      %dma_wait3A_157 = tpu.memref_slice %arg4[%add3A_115, %dma_wait3A_156] : memref<1280x128xi32, #tpu.memory_space<hbm>> -> memref<40x128xi32, #tpu.memory_space<hbm>>
      %dma_wait3A_158 = arith.constant 0 : i32
      %dma_wait3A_159 = tpu.memref_slice %arg4[%add3A_115, %dma_wait3A_158] : memref<1280x128xi32, #tpu.memory_space<hbm>> -> memref<40x128xi32, #tpu.memory_space<hbm>>
      tpu.wait_dma2 semaphore(%run_scoped3A : memref<!tpu.dma_semaphore, #tpu.memory_space<semaphore_mem>>) src(%dma_wait3A_159 : memref<40x128xi32, #tpu.memory_space<hbm>>) dst(%arg7 : memref<40x128xi32, #tpu.memory_space<vmem>>)
      tpu.yield
    }) : () -> ()
    "tpu.region"() ({
      %run_scoped3A = tpu.sem_alloc : memref<!tpu.dma_semaphore, #tpu.memory_space<semaphore_mem>>
      %dma_start3A_152 = arith.constant 0 : i32
      %dma_start3A_153 = tpu.memref_slice %arg3[%add3A_115, %dma_start3A_152] : memref<1280x128xi32, #tpu.memory_space<hbm>> -> memref<40x128xi32, #tpu.memory_space<hbm>>
      %dma_start3A_154 = arith.constant 0 : i32
      %dma_start3A_155 = tpu.memref_slice %arg3[%add3A_115, %dma_start3A_154] : memref<1280x128xi32, #tpu.memory_space<hbm>> -> memref<40x128xi32, #tpu.memory_space<hbm>>
      tpu.enqueue_dma source(%dma_start3A_155 : memref<40x128xi32, #tpu.memory_space<hbm>>) target(%arg6 : memref<40x128xi32, #tpu.memory_space<vmem>>) target_semaphore(%run_scoped3A : memref<!tpu.dma_semaphore, #tpu.memory_space<semaphore_mem>>)
      %dma_wait3A_156 = arith.constant 0 : i32
      %dma_wait3A_157 = tpu.memref_slice %arg3[%add3A_115, %dma_wait3A_156] : memref<1280x128xi32, #tpu.memory_space<hbm>> -> memref<40x128xi32, #tpu.memory_space<hbm>>
      %dma_wait3A_158 = arith.constant 0 : i32
      %dma_wait3A_159 = tpu.memref_slice %arg3[%add3A_115, %dma_wait3A_158] : memref<1280x128xi32, #tpu.memory_space<hbm>> -> memref<40x128xi32, #tpu.memory_space<hbm>>
      tpu.wait_dma2 semaphore(%run_scoped3A : memref<!tpu.dma_semaphore, #tpu.memory_space<semaphore_mem>>) src(%dma_wait3A_159 : memref<40x128xi32, #tpu.memory_space<hbm>>) dst(%arg6 : memref<40x128xi32, #tpu.memory_space<vmem>>)
      tpu.yield
    }) : () -> ()
    %mul3A_116 = vector.broadcast %add3A_88 : i32 to vector<16xi32>
    %mul3A_117 = arith.muli %broadcast_in_dim3A_2, %mul3A_116 : vector<16xi32>
    %scan3A_118 = arith.constant 0 : i32
    %scan3A_119 = arith.constant 40 : i32
    %scan3A_120 = arith.addi %scan3A_118, %scan3A_119 : i32
    %scan3A_121 = arith.constant 1 : i32
    scf.for %scan3A_152 = %scan3A_118 to %scan3A_120 step %scan3A_121  : i32 {
      %mul3A_153 = arith.constant 1 : i32
      %mul3A_154 = arith.muli %scan3A_152, %mul3A_153 : i32
      %add3A_155 = arith.constant 0 : i32
      %add3A_156 = arith.addi %add3A_155, %mul3A_154 : i32
      %scan3A_157 = arith.constant 0 : i32
      %scan3A_158 = arith.constant 8 : i32
      %scan3A_159 = arith.addi %scan3A_157, %scan3A_158 : i32
      %scan3A_160 = arith.constant 1 : i32
      scf.for %scan3A_162 = %scan3A_157 to %scan3A_159 step %scan3A_160  : i32 {
        %mul3A_163 = arith.constant 1 : i32
        %mul3A_164 = arith.muli %scan3A_162, %mul3A_163 : i32
        %add3A_165 = arith.constant 0 : i32
        %add3A_166 = arith.addi %add3A_165, %mul3A_164 : i32
        %mul3A_167 = arith.constant 16 : i32
        %mul3A_168 = arith.muli %add3A_166, %mul3A_167 : i32
        %get3A = arith.index_cast %add3A_156 : i32 to index
        %get3A_169 = arith.index_cast %mul3A_168 : i32 to index
        %get3A_170 = tpu.vector_load %arg6[%get3A, %get3A_169] {strides = array<i32>} : memref<40x128xi32, #tpu.memory_space<vmem>>, vector<1x16xi32>,
        %get3A_171 = vector.shape_cast %get3A_170 : vector<1x16xi32> to vector<16xi32>
        %add3A_172 = arith.addi %get3A_171, %mul3A_117 : vector<16xi32>
        %mul3A_173 = arith.constant 16 : i32
        %mul3A_174 = arith.muli %add3A_166, %mul3A_173 : i32
        %swap3A = arith.index_cast %add3A_156 : i32 to index
        %swap3A_175 = arith.index_cast %mul3A_174 : i32 to index
        %swap3A_176 = tpu.vector_load %arg6[%swap3A, %swap3A_175] {strides = array<i32>} : memref<40x128xi32, #tpu.memory_space<vmem>>, vector<1x16xi32>,
        %swap3A_177 = vector.shape_cast %swap3A_176 : vector<1x16xi32> to vector<16xi32>
        %swap3A_178 = vector.shape_cast %add3A_172 : vector<16xi32> to vector<1x16xi32>
        tpu.vector_store %arg6[%swap3A, %swap3A_175], %swap3A_178 {strides = array<i32>} : memref<40x128xi32, #tpu.memory_space<vmem>>, vector<1x16xi32>,
      }
      %scan3A_161 = arith.constant 8 : i32
    }
    %scan3A_122 = arith.constant 40 : i32
    %dma_start3A_123 = arith.constant 0 : i32
    %dma_start3A_124 = arith.constant 0 : i32
    %dma_start3A_125 = tpu.memref_slice %arg6[%dma_start3A_123, %dma_start3A_124] : memref<40x128xi32, #tpu.memory_space<vmem>> -> memref<1x128xi32, #tpu.memory_space<vmem>>
    %dma_start3A_126 = tpu.memref_squeeze %dma_start3A_125 : memref<1x128xi32, #tpu.memory_space<vmem>> -> memref<128xi32, #tpu.memory_space<vmem>>
    %dma_start3A_127 = arith.constant 0 : i32
    %dma_start3A_128 = arith.constant 0 : i32
    %dma_start3A_129 = tpu.memref_slice %arg2[%dma_start3A_127, %dma_start3A_128] : memref<40000x128xf32, #tpu.memory_space<hbm>> -> memref<40000x128xf32, #tpu.memory_space<hbm>>
    tpu.enqueue_indirect_dma source(%dma_start3A_129 : memref<40000x128xf32, #tpu.memory_space<hbm>>) target(%arg8 : memref<128x128xf32, #tpu.memory_space<vmem>>) offsets(%dma_start3A_126 : memref<128xi32, #tpu.memory_space<vmem>>) semaphore(%arg11 : memref<!tpu.dma_semaphore, #tpu.memory_space<semaphore_mem>>)
    %scan3A_130 = arith.constant 0 : i32
    %scan3A_131 = arith.constant 20 : i32
    %scan3A_132 = arith.addi %scan3A_130, %scan3A_131 : i32
    %scan3A_133 = arith.constant 1 : i32
    scf.for %scan3A_152 = %scan3A_130 to %scan3A_132 step %scan3A_133  : i32 {
      %mul3A_153 = arith.constant 1 : i32
      %mul3A_154 = arith.muli %scan3A_152, %mul3A_153 : i32
      %add3A_155 = arith.constant 0 : i32
      %add3A_156 = arith.addi %add3A_155, %mul3A_154 : i32
      %mul3A_157 = arith.constant 2 : i32
      %mul3A_158 = arith.muli %mul3A_157, %add3A_156 : i32
      %dma_wait3A_159 = arith.constant 0 : i32
      %dma_wait3A_160 = tpu.memref_slice %arg6[%mul3A_158, %dma_wait3A_159] : memref<40x128xi32, #tpu.memory_space<vmem>> -> memref<1x128xi32, #tpu.memory_space<vmem>>
      %dma_wait3A_161 = tpu.memref_squeeze %dma_wait3A_160 : memref<1x128xi32, #tpu.memory_space<vmem>> -> memref<128xi32, #tpu.memory_space<vmem>>
      %dma_wait3A_162 = arith.constant 0 : i32
      %dma_wait3A_163 = arith.constant 0 : i32
      %dma_wait3A_164 = tpu.memref_slice %arg2[%dma_wait3A_162, %dma_wait3A_163] : memref<40000x128xf32, #tpu.memory_space<hbm>> -> memref<40000x128xf32, #tpu.memory_space<hbm>>
      tpu.wait_indirect_dma semaphore(%arg11 : memref<!tpu.dma_semaphore, #tpu.memory_space<semaphore_mem>>) src(%dma_wait3A_164 : memref<40000x128xf32, #tpu.memory_space<hbm>>) dst(%arg8 : memref<128x128xf32, #tpu.memory_space<vmem>>)
      %add3A_165 = arith.constant 1 : i32
      %add3A_166 = arith.addi %mul3A_158, %add3A_165 : i32
      %dma_start3A_167 = arith.constant 0 : i32
      %dma_start3A_168 = tpu.memref_slice %arg6[%add3A_166, %dma_start3A_167] : memref<40x128xi32, #tpu.memory_space<vmem>> -> memref<1x128xi32, #tpu.memory_space<vmem>>
      %dma_start3A_169 = tpu.memref_squeeze %dma_start3A_168 : memref<1x128xi32, #tpu.memory_space<vmem>> -> memref<128xi32, #tpu.memory_space<vmem>>
      %dma_start3A_170 = arith.constant 0 : i32
      %dma_start3A_171 = arith.constant 0 : i32
      %dma_start3A_172 = tpu.memref_slice %arg2[%dma_start3A_170, %dma_start3A_171] : memref<40000x128xf32, #tpu.memory_space<hbm>> -> memref<40000x128xf32, #tpu.memory_space<hbm>>
      tpu.enqueue_indirect_dma source(%dma_start3A_172 : memref<40000x128xf32, #tpu.memory_space<hbm>>) target(%arg9 : memref<128x128xf32, #tpu.memory_space<vmem>>) offsets(%dma_start3A_169 : memref<128xi32, #tpu.memory_space<vmem>>) semaphore(%arg12 : memref<!tpu.dma_semaphore, #tpu.memory_space<semaphore_mem>>)
      "tpu.region"() ({
        %run_scoped3A = tpu.sem_alloc : memref<!tpu.dma_semaphore, #tpu.memory_space<semaphore_mem>>
        %dma_start3A_187 = arith.constant 0 : i32
        %dma_start3A_188 = tpu.memref_slice %arg7[%mul3A_158, %dma_start3A_187] : memref<40x128xi32, #tpu.memory_space<vmem>> -> memref<1x128xi32, #tpu.memory_space<vmem>>
        %dma_start3A_189 = tpu.memref_squeeze %dma_start3A_188 : memref<1x128xi32, #tpu.memory_space<vmem>> -> memref<128xi32, #tpu.memory_space<vmem>>
        %dma_start3A_190 = arith.constant 0 : i32
        %dma_start3A_191 = arith.constant 0 : i32
        %dma_start3A_192 = tpu.memref_slice %arg10[%dma_start3A_190, %dma_start3A_191] : memref<10240x128xf32, #tpu.memory_space<vmem_shared>> -> memref<10240x128xf32, #tpu.memory_space<vmem_shared>>
        tpu.enqueue_indirect_dma source(%arg8 : memref<128x128xf32, #tpu.memory_space<vmem>>) target(%dma_start3A_192 : memref<10240x128xf32, #tpu.memory_space<vmem_shared>>) offsets(%dma_start3A_189 : memref<128xi32, #tpu.memory_space<vmem>>) semaphore(%run_scoped3A : memref<!tpu.dma_semaphore, #tpu.memory_space<semaphore_mem>>) {add = true}
        %dma_wait3A_193 = arith.constant 0 : i32
        %dma_wait3A_194 = tpu.memref_slice %arg7[%mul3A_158, %dma_wait3A_193] : memref<40x128xi32, #tpu.memory_space<vmem>> -> memref<1x128xi32, #tpu.memory_space<vmem>>
        %dma_wait3A_195 = tpu.memref_squeeze %dma_wait3A_194 : memref<1x128xi32, #tpu.memory_space<vmem>> -> memref<128xi32, #tpu.memory_space<vmem>>
        %dma_wait3A_196 = arith.constant 0 : i32
        %dma_wait3A_197 = arith.constant 0 : i32
        %dma_wait3A_198 = tpu.memref_slice %arg10[%dma_wait3A_196, %dma_wait3A_197] : memref<10240x128xf32, #tpu.memory_space<vmem_shared>> -> memref<10240x128xf32, #tpu.memory_space<vmem_shared>>
        tpu.wait_indirect_dma semaphore(%run_scoped3A : memref<!tpu.dma_semaphore, #tpu.memory_space<semaphore_mem>>) src(%arg8 : memref<128x128xf32, #tpu.memory_space<vmem>>) dst(%dma_wait3A_198 : memref<10240x128xf32, #tpu.memory_space<vmem_shared>>)
        tpu.yield
      }) : () -> ()
      %add3A_173 = arith.constant 1 : i32
      %add3A_174 = arith.addi %mul3A_158, %add3A_173 : i32
      %dma_wait3A_175 = arith.constant 0 : i32
      %dma_wait3A_176 = tpu.memref_slice %arg6[%add3A_174, %dma_wait3A_175] : memref<40x128xi32, #tpu.memory_space<vmem>> -> memref<1x128xi32, #tpu.memory_space<vmem>>
      %dma_wait3A_177 = tpu.memref_squeeze %dma_wait3A_176 : memref<1x128xi32, #tpu.memory_space<vmem>> -> memref<128xi32, #tpu.memory_space<vmem>>
      %dma_wait3A_178 = arith.constant 0 : i32
      %dma_wait3A_179 = arith.constant 0 : i32
      %dma_wait3A_180 = tpu.memref_slice %arg2[%dma_wait3A_178, %dma_wait3A_179] : memref<40000x128xf32, #tpu.memory_space<hbm>> -> memref<40000x128xf32, #tpu.memory_space<hbm>>
      tpu.wait_indirect_dma semaphore(%arg12 : memref<!tpu.dma_semaphore, #tpu.memory_space<semaphore_mem>>) src(%dma_wait3A_180 : memref<40000x128xf32, #tpu.memory_space<hbm>>) dst(%arg9 : memref<128x128xf32, #tpu.memory_space<vmem>>)
      %add3A_181 = arith.constant 2 : i32
      %add3A_182 = arith.addi %mul3A_158, %add3A_181 : i32
      %lt3A = arith.constant 40 : i32
      %lt3A_183 = arith.cmpi slt, %add3A_182, %lt3A : i32
      %convert_element_type3A = arith.extui %lt3A_183 : i1 to i32
      %cond3A = arith.constant 0 : i32
      %cond3A_184 = arith.cmpi ne, %convert_element_type3A, %cond3A : i32
      scf.if %cond3A_184 {
        %add3A_187 = arith.constant 2 : i32
        %add3A_188 = arith.addi %mul3A_158, %add3A_187 : i32
        %dma_start3A_189 = arith.constant 0 : i32
        %dma_start3A_190 = tpu.memref_slice %arg6[%add3A_188, %dma_start3A_189] : memref<40x128xi32, #tpu.memory_space<vmem>> -> memref<1x128xi32, #tpu.memory_space<vmem>>
        %dma_start3A_191 = tpu.memref_squeeze %dma_start3A_190 : memref<1x128xi32, #tpu.memory_space<vmem>> -> memref<128xi32, #tpu.memory_space<vmem>>
        %dma_start3A_192 = arith.constant 0 : i32
        %dma_start3A_193 = arith.constant 0 : i32
        %dma_start3A_194 = tpu.memref_slice %arg2[%dma_start3A_192, %dma_start3A_193] : memref<40000x128xf32, #tpu.memory_space<hbm>> -> memref<40000x128xf32, #tpu.memory_space<hbm>>
        tpu.enqueue_indirect_dma source(%dma_start3A_194 : memref<40000x128xf32, #tpu.memory_space<hbm>>) target(%arg8 : memref<128x128xf32, #tpu.memory_space<vmem>>) offsets(%dma_start3A_191 : memref<128xi32, #tpu.memory_space<vmem>>) semaphore(%arg11 : memref<!tpu.dma_semaphore, #tpu.memory_space<semaphore_mem>>)
      } else {
      }
      %add3A_185 = arith.constant 1 : i32
      %add3A_186 = arith.addi %mul3A_158, %add3A_185 : i32
      "tpu.region"() ({
        %run_scoped3A = tpu.sem_alloc : memref<!tpu.dma_semaphore, #tpu.memory_space<semaphore_mem>>
        %dma_start3A_187 = arith.constant 0 : i32
        %dma_start3A_188 = tpu.memref_slice %arg7[%add3A_186, %dma_start3A_187] : memref<40x128xi32, #tpu.memory_space<vmem>> -> memref<1x128xi32, #tpu.memory_space<vmem>>
        %dma_start3A_189 = tpu.memref_squeeze %dma_start3A_188 : memref<1x128xi32, #tpu.memory_space<vmem>> -> memref<128xi32, #tpu.memory_space<vmem>>
        %dma_start3A_190 = arith.constant 0 : i32
        %dma_start3A_191 = arith.constant 0 : i32
        %dma_start3A_192 = tpu.memref_slice %arg10[%dma_start3A_190, %dma_start3A_191] : memref<10240x128xf32, #tpu.memory_space<vmem_shared>> -> memref<10240x128xf32, #tpu.memory_space<vmem_shared>>
        tpu.enqueue_indirect_dma source(%arg9 : memref<128x128xf32, #tpu.memory_space<vmem>>) target(%dma_start3A_192 : memref<10240x128xf32, #tpu.memory_space<vmem_shared>>) offsets(%dma_start3A_189 : memref<128xi32, #tpu.memory_space<vmem>>) semaphore(%run_scoped3A : memref<!tpu.dma_semaphore, #tpu.memory_space<semaphore_mem>>) {add = true}
        %dma_wait3A_193 = arith.constant 0 : i32
        %dma_wait3A_194 = tpu.memref_slice %arg7[%add3A_186, %dma_wait3A_193] : memref<40x128xi32, #tpu.memory_space<vmem>> -> memref<1x128xi32, #tpu.memory_space<vmem>>
        %dma_wait3A_195 = tpu.memref_squeeze %dma_wait3A_194 : memref<1x128xi32, #tpu.memory_space<vmem>> -> memref<128xi32, #tpu.memory_space<vmem>>
        %dma_wait3A_196 = arith.constant 0 : i32
        %dma_wait3A_197 = arith.constant 0 : i32
        %dma_wait3A_198 = tpu.memref_slice %arg10[%dma_wait3A_196, %dma_wait3A_197] : memref<10240x128xf32, #tpu.memory_space<vmem_shared>> -> memref<10240x128xf32, #tpu.memory_space<vmem_shared>>
        tpu.wait_indirect_dma semaphore(%run_scoped3A : memref<!tpu.dma_semaphore, #tpu.memory_space<semaphore_mem>>) src(%arg9 : memref<128x128xf32, #tpu.memory_space<vmem>>) dst(%dma_wait3A_198 : memref<10240x128xf32, #tpu.memory_space<vmem_shared>>)
        tpu.yield
      }) : () -> ()
    }
    %scan3A_134 = arith.constant 20 : i32
    %barrier3A_135 = arith.constant 0 : index
    tpu.barrier barrier_id(%barrier3A_135)
    %mul3A_136 = arith.constant 10240 : i32
    %mul3A_137 = arith.muli %add3A_88, %mul3A_136 : i32
    %mul3A_138 = arith.constant 640 : i32
    %mul3A_139 = arith.muli %arg1, %mul3A_138 : i32
    %add3A_140 = arith.addi %mul3A_137, %mul3A_139 : i32
    %mul3A_141 = arith.constant 640 : i32
    %mul3A_142 = arith.muli %arg1, %mul3A_141 : i32
    %dma_start3A_143 = arith.constant 0 : i32
    %dma_start3A_144 = tpu.memref_slice %arg5[%add3A_140, %dma_start3A_143] : memref<40960x128xf32, #tpu.memory_space<hbm>> -> memref<640x128xf32, #tpu.memory_space<hbm>>
    %dma_start3A_145 = arith.constant 0 : i32
    %dma_start3A_146 = tpu.memref_slice %arg10[%mul3A_142, %dma_start3A_145] : memref<10240x128xf32, #tpu.memory_space<vmem_shared>> -> memref<640x128xf32, #tpu.memory_space<vmem_shared>>
    tpu.enqueue_dma source(%dma_start3A_146 : memref<640x128xf32, #tpu.memory_space<vmem_shared>>) target(%dma_start3A_144 : memref<640x128xf32, #tpu.memory_space<hbm>>) target_semaphore(%arg13 : memref<!tpu.dma_semaphore, #tpu.memory_space<semaphore_mem>>)
    %dma_wait3A_147 = arith.constant 0 : i32
    %dma_wait3A_148 = tpu.memref_slice %arg5[%add3A_140, %dma_wait3A_147] : memref<40960x128xf32, #tpu.memory_space<hbm>> -> memref<640x128xf32, #tpu.memory_space<hbm>>
    %dma_wait3A_149 = arith.constant 0 : i32
    %dma_wait3A_150 = tpu.memref_slice %arg10[%mul3A_142, %dma_wait3A_149] : memref<10240x128xf32, #tpu.memory_space<vmem_shared>> -> memref<640x128xf32, #tpu.memory_space<vmem_shared>>
    tpu.wait_dma2 semaphore(%arg13 : memref<!tpu.dma_semaphore, #tpu.memory_space<semaphore_mem>>) src(%dma_wait3A_150 : memref<640x128xf32, #tpu.memory_space<vmem_shared>>) dst(%dma_wait3A_148 : memref<640x128xf32, #tpu.memory_space<hbm>>)
    %barrier3A_151 = arith.constant 0 : index
    tpu.barrier barrier_id(%barrier3A_151)
    return
  }
}

module attributes {stable_mosaic.version = 14 : i64} {
  func.func @_lin1_body(%arg0: i32, %arg1: memref<1280x256xf32, #tpu.memory_space<vmem>>, %arg2: memref<256x512xbf16, #tpu.memory_space<vmem>>, %arg3: memref<1x512xf32, #tpu.memory_space<vmem>>, %arg4: memref<2x1280xf32, #tpu.memory_space<vmem>>, %arg5: memref<1280x512xf32, #tpu.memory_space<vmem>>, %arg6: memref<4x1280x128xf32, #tpu.memory_space<vmem>>) attributes {dimension_semantics = [#tpu.dimension_semantics<arbitrary>], iteration_bounds = array<i64: 8>, scalar_prefetch = 0 : i64, scratch_operands = 0 : i64, tpu.core_type = #tpu.core_type<tc>, window_params = [{transform_indices = @transform_0, window_bounds = array<i64: 1280, 256>}, {pipeline_mode = #tpu.pipeline_mode<synchronous>, transform_indices = @transform_1, window_bounds = array<i64: 256, 512>}, {pipeline_mode = #tpu.pipeline_mode<synchronous>, transform_indices = @transform_2, window_bounds = array<i64: 1, 512>}, {transform_indices = @transform_3, window_bounds = array<i64: 2, 1280>}, {transform_indices = @transform_4, window_bounds = array<i64: 1280, 512>}, {transform_indices = @transform_5, window_bounds = array<i64: 4, 1280, 128>}]} {
    %get3A = arith.constant 0 : index
    %get3A_0 = arith.constant 0 : index
    %get3A_1 = vector.load %arg1[%get3A, %get3A_0] : memref<1280x256xf32, #tpu.memory_space<vmem>>, vector<1280x256xf32>
    %convert_element_type3A = arith.truncf %get3A_1 : vector<1280x256xf32> to vector<1280x256xbf16>
    %get3A_2 = arith.constant 0 : index
    %get3A_3 = arith.constant 0 : index
    %get3A_4 = vector.load %arg2[%get3A_2, %get3A_3] : memref<256x512xbf16, #tpu.memory_space<vmem>>, vector<256x512xbf16>
    %dot_general3A = arith.constant dense<0.000000e+00> : vector<1280x512xf32>
    %dot_general3A_5 = tpu.matmul %convert_element_type3A, %get3A_4, %dot_general3A {dimension_numbers = #tpu.dot_dimension_numbers<[1], [0], [0], [1], [0, 0, 1, 1], [], []>, transpose_lhs_hint = false} : vector<1280x256xbf16>, vector<256x512xbf16>, vector<1280x512xf32> -> vector<1280x512xf32>
    %get3A_6 = arith.constant 0 : index
    %get3A_7 = arith.constant 0 : index
    %get3A_8 = vector.load %arg3[%get3A_6, %get3A_7] : memref<1x512xf32, #tpu.memory_space<vmem>>, vector<1x512xf32>
    %add3A = vector.broadcast %get3A_8 : vector<1x512xf32> to vector<1280x512xf32>
    %add3A_9 = arith.addf %dot_general3A_5, %add3A : vector<1280x512xf32>
    %max3A = arith.constant 0.000000e+00 : f32
    %max3A_10 = vector.broadcast %max3A : f32 to vector<1280x512xf32>
    %max3A_11 = arith.maximumf %add3A_9, %max3A_10 : vector<1280x512xf32>
    %get3A_12 = arith.constant 0 : index
    %get3A_13 = arith.constant 0 : index
    %get3A_14 = vector.load %arg4[%get3A_12, %get3A_13] : memref<2x1280xf32, #tpu.memory_space<vmem>>, vector<1x1280xf32>
    %get3A_15 = vector.shape_cast %get3A_14 : vector<1x1280xf32> to vector<1280xf32>
    %add3A_16 = arith.constant 1.000000e+00 : f32
    %add3A_17 = vector.broadcast %add3A_16 : f32 to vector<1280xf32>
    %add3A_18 = arith.addf %add3A_17, %get3A_15 : vector<1280xf32>
    %get3A_19 = arith.constant 1 : index
    %get3A_20 = arith.constant 0 : index
    %get3A_21 = vector.load %arg4[%get3A_19, %get3A_20] : memref<2x1280xf32, #tpu.memory_space<vmem>>, vector<1x1280xf32>
    %get3A_22 = vector.shape_cast %get3A_21 : vector<1x1280xf32> to vector<1280xf32>
    %add3A_23 = arith.addf %add3A_18, %get3A_22 : vector<1280xf32>
    %rsqrt3A = math.rsqrt %add3A_23 : vector<1280xf32>
    %swap3A = arith.constant 0 : index
    %swap3A_24 = arith.constant 0 : index
    %swap3A_25 = vector.load %arg5[%swap3A, %swap3A_24] : memref<1280x512xf32, #tpu.memory_space<vmem>>, vector<1280x512xf32>
    tpu.vector_store %arg5[%swap3A, %swap3A_24], %max3A_11 {strides = array<i32>} : memref<1280x512xf32, #tpu.memory_space<vmem>>, vector<1280x512xf32>,
    %broadcast_in_dim3A = vector.shape_cast %rsqrt3A : vector<1280xf32> to vector<1280x1xf32>
    %mul3A = vector.broadcast %broadcast_in_dim3A : vector<1280x1xf32> to vector<1280x512xf32>
    %mul3A_26 = arith.mulf %max3A_11, %mul3A : vector<1280x512xf32>
    %slice3A = vector.extract_strided_slice %mul3A_26 {offsets = [0, 0], sizes = [1280, 128], strides = [1, 1]} : vector<1280x512xf32> to vector<1280x128xf32>
    %swap3A_27 = arith.constant 0 : index
    %swap3A_28 = arith.constant 0 : index
    %swap3A_29 = arith.constant 0 : index
    %swap3A_30 = vector.load %arg6[%swap3A_27, %swap3A_28, %swap3A_29] : memref<4x1280x128xf32, #tpu.memory_space<vmem>>, vector<1x1280x128xf32>
    %swap3A_31 = vector.shape_cast %swap3A_30 : vector<1x1280x128xf32> to vector<1280x128xf32>
    %swap3A_32 = vector.shape_cast %slice3A : vector<1280x128xf32> to vector<1x1280x128xf32>
    tpu.vector_store %arg6[%swap3A_27, %swap3A_28, %swap3A_29], %swap3A_32 {strides = array<i32>} : memref<4x1280x128xf32, #tpu.memory_space<vmem>>, vector<1x1280x128xf32>,
    %slice3A_33 = vector.extract_strided_slice %mul3A_26 {offsets = [0, 128], sizes = [1280, 128], strides = [1, 1]} : vector<1280x512xf32> to vector<1280x128xf32>
    %swap3A_34 = arith.constant 1 : index
    %swap3A_35 = arith.constant 0 : index
    %swap3A_36 = arith.constant 0 : index
    %swap3A_37 = vector.load %arg6[%swap3A_34, %swap3A_35, %swap3A_36] : memref<4x1280x128xf32, #tpu.memory_space<vmem>>, vector<1x1280x128xf32>
    %swap3A_38 = vector.shape_cast %swap3A_37 : vector<1x1280x128xf32> to vector<1280x128xf32>
    %swap3A_39 = vector.shape_cast %slice3A_33 : vector<1280x128xf32> to vector<1x1280x128xf32>
    tpu.vector_store %arg6[%swap3A_34, %swap3A_35, %swap3A_36], %swap3A_39 {strides = array<i32>} : memref<4x1280x128xf32, #tpu.memory_space<vmem>>, vector<1x1280x128xf32>,
    %slice3A_40 = vector.extract_strided_slice %mul3A_26 {offsets = [0, 256], sizes = [1280, 128], strides = [1, 1]} : vector<1280x512xf32> to vector<1280x128xf32>
    %swap3A_41 = arith.constant 2 : index
    %swap3A_42 = arith.constant 0 : index
    %swap3A_43 = arith.constant 0 : index
    %swap3A_44 = vector.load %arg6[%swap3A_41, %swap3A_42, %swap3A_43] : memref<4x1280x128xf32, #tpu.memory_space<vmem>>, vector<1x1280x128xf32>
    %swap3A_45 = vector.shape_cast %swap3A_44 : vector<1x1280x128xf32> to vector<1280x128xf32>
    %swap3A_46 = vector.shape_cast %slice3A_40 : vector<1280x128xf32> to vector<1x1280x128xf32>
    tpu.vector_store %arg6[%swap3A_41, %swap3A_42, %swap3A_43], %swap3A_46 {strides = array<i32>} : memref<4x1280x128xf32, #tpu.memory_space<vmem>>, vector<1x1280x128xf32>,
    %slice3A_47 = vector.extract_strided_slice %mul3A_26 {offsets = [0, 384], sizes = [1280, 128], strides = [1, 1]} : vector<1280x512xf32> to vector<1280x128xf32>
    %swap3A_48 = arith.constant 3 : index
    %swap3A_49 = arith.constant 0 : index
    %swap3A_50 = arith.constant 0 : index
    %swap3A_51 = vector.load %arg6[%swap3A_48, %swap3A_49, %swap3A_50] : memref<4x1280x128xf32, #tpu.memory_space<vmem>>, vector<1x1280x128xf32>
    %swap3A_52 = vector.shape_cast %swap3A_51 : vector<1x1280x128xf32> to vector<1280x128xf32>
    %swap3A_53 = vector.shape_cast %slice3A_47 : vector<1280x128xf32> to vector<1x1280x128xf32>
    tpu.vector_store %arg6[%swap3A_48, %swap3A_49, %swap3A_50], %swap3A_53 {strides = array<i32>} : memref<4x1280x128xf32, #tpu.memory_space<vmem>>, vector<1x1280x128xf32>,
    return
  }
  func.func @transform_0(%arg0: i32) -> (i32, i32) {
    %c0_i32 = arith.constant 0 : i32
    %c0_i32_0 = arith.constant 0 : i32
    return %arg0, %c0_i32 : i32, i32
  }
  func.func @transform_1(%arg0: i32) -> (i32, i32) {
    %c0_i32 = arith.constant 0 : i32
    %c0_i32_0 = arith.constant 0 : i32
    %c0_i32_1 = arith.constant 0 : i32
    return %c0_i32, %c0_i32_0 : i32, i32
  }
  func.func @transform_2(%arg0: i32) -> (i32, i32) {
    %c0_i32 = arith.constant 0 : i32
    %c0_i32_0 = arith.constant 0 : i32
    %c0_i32_1 = arith.constant 0 : i32
    return %c0_i32, %c0_i32_0 : i32, i32
  }
  func.func @transform_3(%arg0: i32) -> (i32, i32) {
    %c0_i32 = arith.constant 0 : i32
    %c0_i32_0 = arith.constant 0 : i32
    return %c0_i32, %arg0 : i32, i32
  }
  func.func @transform_4(%arg0: i32) -> (i32, i32) {
    %c0_i32 = arith.constant 0 : i32
    %c0_i32_0 = arith.constant 0 : i32
    return %arg0, %c0_i32 : i32, i32
  }
  func.func @transform_5(%arg0: i32) -> (i32, i32, i32) {
    %c0_i32 = arith.constant 0 : i32
    %c0_i32_0 = arith.constant 0 : i32
    %c0_i32_1 = arith.constant 0 : i32
    return %c0_i32, %arg0, %c0_i32_0 : i32, i32, i32
  }
}

module attributes {stable_mosaic.version = 14 : i64} {
  func.func @_conv_mm_body(%arg0: i32, %arg1: memref<4x1280x128xf32, #tpu.memory_space<vmem>>, %arg2: memref<1280x512xf32, #tpu.memory_space<vmem>>, %arg3: memref<2x1280xf32, #tpu.memory_space<vmem>>, %arg4: memref<512x512xbf16, #tpu.memory_space<vmem>>, %arg5: memref<1280x512xf32, #tpu.memory_space<vmem>>, %arg6: memref<4x1280x128xf32, #tpu.memory_space<vmem>>) attributes {dimension_semantics = [#tpu.dimension_semantics<arbitrary>], iteration_bounds = array<i64: 8>, scalar_prefetch = 0 : i64, scratch_operands = 0 : i64, tpu.core_type = #tpu.core_type<tc>, window_params = [{transform_indices = @transform_0, window_bounds = array<i64: 4, 1280, 128>}, {transform_indices = @transform_1, window_bounds = array<i64: 1280, 512>}, {transform_indices = @transform_2, window_bounds = array<i64: 2, 1280>}, {pipeline_mode = #tpu.pipeline_mode<synchronous>, transform_indices = @transform_3, window_bounds = array<i64: 512, 512>}, {transform_indices = @transform_4, window_bounds = array<i64: 1280, 512>}, {transform_indices = @transform_5, window_bounds = array<i64: 4, 1280, 128>}]} {
    %get3A = arith.constant 0 : index
    %get3A_0 = arith.constant 0 : index
    %get3A_1 = arith.constant 0 : index
    %get3A_2 = vector.load %arg1[%get3A, %get3A_0, %get3A_1] : memref<4x1280x128xf32, #tpu.memory_space<vmem>>, vector<1x1280x128xf32>
    %get3A_3 = vector.shape_cast %get3A_2 : vector<1x1280x128xf32> to vector<1280x128xf32>
    %get3A_4 = arith.constant 1 : index
    %get3A_5 = arith.constant 0 : index
    %get3A_6 = arith.constant 0 : index
    %get3A_7 = vector.load %arg1[%get3A_4, %get3A_5, %get3A_6] : memref<4x1280x128xf32, #tpu.memory_space<vmem>>, vector<1x1280x128xf32>
    %get3A_8 = vector.shape_cast %get3A_7 : vector<1x1280x128xf32> to vector<1280x128xf32>
    %get3A_9 = arith.constant 2 : index
    %get3A_10 = arith.constant 0 : index
    %get3A_11 = arith.constant 0 : index
    %get3A_12 = vector.load %arg1[%get3A_9, %get3A_10, %get3A_11] : memref<4x1280x128xf32, #tpu.memory_space<vmem>>, vector<1x1280x128xf32>
    %get3A_13 = vector.shape_cast %get3A_12 : vector<1x1280x128xf32> to vector<1280x128xf32>
    %get3A_14 = arith.constant 3 : index
    %get3A_15 = arith.constant 0 : index
    %get3A_16 = arith.constant 0 : index
    %get3A_17 = vector.load %arg1[%get3A_14, %get3A_15, %get3A_16] : memref<4x1280x128xf32, #tpu.memory_space<vmem>>, vector<1x1280x128xf32>
    %get3A_18 = vector.shape_cast %get3A_17 : vector<1x1280x128xf32> to vector<1280x128xf32>
    %concatenate3A = tpu.concatenate %get3A_3, %get3A_8, %get3A_13, %get3A_18 in 1 : vector<1280x128xf32>, vector<1280x128xf32>, vector<1280x128xf32>, vector<1280x128xf32> -> vector<1280x512xf32>
    %get3A_19 = arith.constant 0 : index
    %get3A_20 = arith.constant 0 : index
    %get3A_21 = vector.load %arg3[%get3A_19, %get3A_20] : memref<2x1280xf32, #tpu.memory_space<vmem>>, vector<1x1280xf32>
    %get3A_22 = vector.shape_cast %get3A_21 : vector<1x1280xf32> to vector<1280xf32>
    %add3A = arith.constant 1.000000e+00 : f32
    %add3A_23 = vector.broadcast %add3A : f32 to vector<1280xf32>
    %add3A_24 = arith.addf %add3A_23, %get3A_22 : vector<1280xf32>
    %get3A_25 = arith.constant 1 : index
    %get3A_26 = arith.constant 0 : index
    %get3A_27 = vector.load %arg3[%get3A_25, %get3A_26] : memref<2x1280xf32, #tpu.memory_space<vmem>>, vector<1x1280xf32>
    %get3A_28 = vector.shape_cast %get3A_27 : vector<1x1280xf32> to vector<1280xf32>
    %add3A_29 = arith.addf %add3A_24, %get3A_28 : vector<1280xf32>
    %rsqrt3A = math.rsqrt %add3A_29 : vector<1280xf32>
    %get3A_30 = arith.constant 0 : index
    %get3A_31 = arith.constant 0 : index
    %get3A_32 = vector.load %arg2[%get3A_30, %get3A_31] : memref<1280x512xf32, #tpu.memory_space<vmem>>, vector<1280x512xf32>
    %broadcast_in_dim3A = vector.shape_cast %rsqrt3A : vector<1280xf32> to vector<1280x1xf32>
    %mul3A = vector.broadcast %broadcast_in_dim3A : vector<1280x1xf32> to vector<1280x512xf32>
    %mul3A_33 = arith.mulf %concatenate3A, %mul3A : vector<1280x512xf32>
    %mul3A_34 = arith.mulf %rsqrt3A, %rsqrt3A : vector<1280xf32>
    %broadcast_in_dim3A_35 = vector.shape_cast %mul3A_34 : vector<1280xf32> to vector<1280x1xf32>
    %mul3A_36 = vector.broadcast %broadcast_in_dim3A_35 : vector<1280x1xf32> to vector<1280x512xf32>
    %mul3A_37 = arith.mulf %get3A_32, %mul3A_36 : vector<1280x512xf32>
    %add3A_38 = arith.addf %mul3A_33, %mul3A_37 : vector<1280x512xf32>
    %mul3A_39 = arith.constant 0.899999976 : f32
    %mul3A_40 = vector.broadcast %mul3A_39 : f32 to vector<1280x512xf32>
    %mul3A_41 = arith.mulf %mul3A_40, %add3A_38 : vector<1280x512xf32>
    %mul3A_42 = arith.constant 1.000000e-01 : f32
    %mul3A_43 = vector.broadcast %mul3A_42 : f32 to vector<1280x512xf32>
    %mul3A_44 = arith.mulf %mul3A_43, %get3A_32 : vector<1280x512xf32>
    %add3A_45 = arith.addf %mul3A_41, %mul3A_44 : vector<1280x512xf32>
    %convert_element_type3A = arith.truncf %add3A_45 : vector<1280x512xf32> to vector<1280x512xbf16>
    %get3A_46 = arith.constant 0 : index
    %get3A_47 = arith.constant 0 : index
    %get3A_48 = vector.load %arg4[%get3A_46, %get3A_47] : memref<512x512xbf16, #tpu.memory_space<vmem>>, vector<512x512xbf16>
    %dot_general3A = arith.constant dense<0.000000e+00> : vector<1280x512xf32>
    %dot_general3A_49 = tpu.matmul %convert_element_type3A, %get3A_48, %dot_general3A {dimension_numbers = #tpu.dot_dimension_numbers<[1], [0], [0], [1], [0, 0, 1, 1], [], []>, transpose_lhs_hint = false} : vector<1280x512xbf16>, vector<512x512xbf16>, vector<1280x512xf32> -> vector<1280x512xf32>
    %swap3A = arith.constant 0 : index
    %swap3A_50 = arith.constant 0 : index
    %swap3A_51 = vector.load %arg5[%swap3A, %swap3A_50] : memref<1280x512xf32, #tpu.memory_space<vmem>>, vector<1280x512xf32>
    tpu.vector_store %arg5[%swap3A, %swap3A_50], %dot_general3A_49 {strides = array<i32>} : memref<1280x512xf32, #tpu.memory_space<vmem>>, vector<1280x512xf32>,
    %broadcast_in_dim3A_52 = vector.shape_cast %rsqrt3A : vector<1280xf32> to vector<1280x1xf32>
    %mul3A_53 = vector.broadcast %broadcast_in_dim3A_52 : vector<1280x1xf32> to vector<1280x512xf32>
    %mul3A_54 = arith.mulf %dot_general3A_49, %mul3A_53 : vector<1280x512xf32>
    %slice3A = vector.extract_strided_slice %mul3A_54 {offsets = [0, 0], sizes = [1280, 128], strides = [1, 1]} : vector<1280x512xf32> to vector<1280x128xf32>
    %swap3A_55 = arith.constant 0 : index
    %swap3A_56 = arith.constant 0 : index
    %swap3A_57 = arith.constant 0 : index
    %swap3A_58 = vector.load %arg6[%swap3A_55, %swap3A_56, %swap3A_57] : memref<4x1280x128xf32, #tpu.memory_space<vmem>>, vector<1x1280x128xf32>
    %swap3A_59 = vector.shape_cast %swap3A_58 : vector<1x1280x128xf32> to vector<1280x128xf32>
    %swap3A_60 = vector.shape_cast %slice3A : vector<1280x128xf32> to vector<1x1280x128xf32>
    tpu.vector_store %arg6[%swap3A_55, %swap3A_56, %swap3A_57], %swap3A_60 {strides = array<i32>} : memref<4x1280x128xf32, #tpu.memory_space<vmem>>, vector<1x1280x128xf32>,
    %slice3A_61 = vector.extract_strided_slice %mul3A_54 {offsets = [0, 128], sizes = [1280, 128], strides = [1, 1]} : vector<1280x512xf32> to vector<1280x128xf32>
    %swap3A_62 = arith.constant 1 : index
    %swap3A_63 = arith.constant 0 : index
    %swap3A_64 = arith.constant 0 : index
    %swap3A_65 = vector.load %arg6[%swap3A_62, %swap3A_63, %swap3A_64] : memref<4x1280x128xf32, #tpu.memory_space<vmem>>, vector<1x1280x128xf32>
    %swap3A_66 = vector.shape_cast %swap3A_65 : vector<1x1280x128xf32> to vector<1280x128xf32>
    %swap3A_67 = vector.shape_cast %slice3A_61 : vector<1280x128xf32> to vector<1x1280x128xf32>
    tpu.vector_store %arg6[%swap3A_62, %swap3A_63, %swap3A_64], %swap3A_67 {strides = array<i32>} : memref<4x1280x128xf32, #tpu.memory_space<vmem>>, vector<1x1280x128xf32>,
    %slice3A_68 = vector.extract_strided_slice %mul3A_54 {offsets = [0, 256], sizes = [1280, 128], strides = [1, 1]} : vector<1280x512xf32> to vector<1280x128xf32>
    %swap3A_69 = arith.constant 2 : index
    %swap3A_70 = arith.constant 0 : index
    %swap3A_71 = arith.constant 0 : index
    %swap3A_72 = vector.load %arg6[%swap3A_69, %swap3A_70, %swap3A_71] : memref<4x1280x128xf32, #tpu.memory_space<vmem>>, vector<1x1280x128xf32>
    %swap3A_73 = vector.shape_cast %swap3A_72 : vector<1x1280x128xf32> to vector<1280x128xf32>
    %swap3A_74 = vector.shape_cast %slice3A_68 : vector<1280x128xf32> to vector<1x1280x128xf32>
    tpu.vector_store %arg6[%swap3A_69, %swap3A_70, %swap3A_71], %swap3A_74 {strides = array<i32>} : memref<4x1280x128xf32, #tpu.memory_space<vmem>>, vector<1x1280x128xf32>,
    %slice3A_75 = vector.extract_strided_slice %mul3A_54 {offsets = [0, 384], sizes = [1280, 128], strides = [1, 1]} : vector<1280x512xf32> to vector<1280x128xf32>
    %swap3A_76 = arith.constant 3 : index
    %swap3A_77 = arith.constant 0 : index
    %swap3A_78 = arith.constant 0 : index
    %swap3A_79 = vector.load %arg6[%swap3A_76, %swap3A_77, %swap3A_78] : memref<4x1280x128xf32, #tpu.memory_space<vmem>>, vector<1x1280x128xf32>
    %swap3A_80 = vector.shape_cast %swap3A_79 : vector<1x1280x128xf32> to vector<1280x128xf32>
    %swap3A_81 = vector.shape_cast %slice3A_75 : vector<1280x128xf32> to vector<1x1280x128xf32>
    tpu.vector_store %arg6[%swap3A_76, %swap3A_77, %swap3A_78], %swap3A_81 {strides = array<i32>} : memref<4x1280x128xf32, #tpu.memory_space<vmem>>, vector<1x1280x128xf32>,
    return
  }
  func.func @transform_0(%arg0: i32) -> (i32, i32, i32) {
    %c0_i32 = arith.constant 0 : i32
    %c0_i32_0 = arith.constant 0 : i32
    %c0_i32_1 = arith.constant 0 : i32
    return %c0_i32, %arg0, %c0_i32_0 : i32, i32, i32
  }
  func.func @transform_1(%arg0: i32) -> (i32, i32) {
    %c0_i32 = arith.constant 0 : i32
    %c0_i32_0 = arith.constant 0 : i32
    return %arg0, %c0_i32 : i32, i32
  }
  func.func @transform_2(%arg0: i32) -> (i32, i32) {
    %c0_i32 = arith.constant 0 : i32
    %c0_i32_0 = arith.constant 0 : i32
    return %c0_i32, %arg0 : i32, i32
  }
  func.func @transform_3(%arg0: i32) -> (i32, i32) {
    %c0_i32 = arith.constant 0 : i32
    %c0_i32_0 = arith.constant 0 : i32
    %c0_i32_1 = arith.constant 0 : i32
    return %c0_i32, %c0_i32_0 : i32, i32
  }
  func.func @transform_4(%arg0: i32) -> (i32, i32) {
    %c0_i32 = arith.constant 0 : i32
    %c0_i32_0 = arith.constant 0 : i32
    return %arg0, %c0_i32 : i32, i32
  }
  func.func @transform_5(%arg0: i32) -> (i32, i32, i32) {
    %c0_i32 = arith.constant 0 : i32
    %c0_i32_0 = arith.constant 0 : i32
    %c0_i32_1 = arith.constant 0 : i32
    return %c0_i32, %arg0, %c0_i32_0 : i32, i32, i32
  }
}

module attributes {stable_mosaic.version = 14 : i64} {
  func.func @_final_body(%arg0: i32, %arg1: memref<4x1280x128xf32, #tpu.memory_space<vmem>>, %arg2: memref<1280x512xf32, #tpu.memory_space<vmem>>, %arg3: memref<1280x512xf32, #tpu.memory_space<vmem>>, %arg4: memref<2x1280xf32, #tpu.memory_space<vmem>>, %arg5: memref<512x512xbf16, #tpu.memory_space<vmem>>, %arg6: memref<512x256xbf16, #tpu.memory_space<vmem>>, %arg7: memref<1x256xf32, #tpu.memory_space<vmem>>, %arg8: memref<1280x512xf32, #tpu.memory_space<vmem>>, %arg9: memref<1280x256xf32, #tpu.memory_space<vmem>>) attributes {dimension_semantics = [#tpu.dimension_semantics<arbitrary>], iteration_bounds = array<i64: 8>, scalar_prefetch = 0 : i64, scratch_operands = 0 : i64, tpu.core_type = #tpu.core_type<tc>, window_params = [{transform_indices = @transform_0, window_bounds = array<i64: 4, 1280, 128>}, {transform_indices = @transform_1, window_bounds = array<i64: 1280, 512>}, {transform_indices = @transform_2, window_bounds = array<i64: 1280, 512>}, {transform_indices = @transform_3, window_bounds = array<i64: 2, 1280>}, {pipeline_mode = #tpu.pipeline_mode<synchronous>, transform_indices = @transform_4, window_bounds = array<i64: 512, 512>}, {pipeline_mode = #tpu.pipeline_mode<synchronous>, transform_indices = @transform_5, window_bounds = array<i64: 512, 256>}, {pipeline_mode = #tpu.pipeline_mode<synchronous>, transform_indices = @transform_6, window_bounds = array<i64: 1, 256>}, {transform_indices = @transform_7, window_bounds = array<i64: 1280, 512>}, {transform_indices = @transform_8, window_bounds = array<i64: 1280, 256>}]} {
    %get3A = arith.constant 0 : index
    %get3A_0 = arith.constant 0 : index
    %get3A_1 = arith.constant 0 : index
    %get3A_2 = vector.load %arg1[%get3A, %get3A_0, %get3A_1] : memref<4x1280x128xf32, #tpu.memory_space<vmem>>, vector<1x1280x128xf32>
    %get3A_3 = vector.shape_cast %get3A_2 : vector<1x1280x128xf32> to vector<1280x128xf32>
    %get3A_4 = arith.constant 1 : index
    %get3A_5 = arith.constant 0 : index
    %get3A_6 = arith.constant 0 : index
    %get3A_7 = vector.load %arg1[%get3A_4, %get3A_5, %get3A_6] : memref<4x1280x128xf32, #tpu.memory_space<vmem>>, vector<1x1280x128xf32>
    %get3A_8 = vector.shape_cast %get3A_7 : vector<1x1280x128xf32> to vector<1280x128xf32>
    %get3A_9 = arith.constant 2 : index
    %get3A_10 = arith.constant 0 : index
    %get3A_11 = arith.constant 0 : index
    %get3A_12 = vector.load %arg1[%get3A_9, %get3A_10, %get3A_11] : memref<4x1280x128xf32, #tpu.memory_space<vmem>>, vector<1x1280x128xf32>
    %get3A_13 = vector.shape_cast %get3A_12 : vector<1x1280x128xf32> to vector<1280x128xf32>
    %get3A_14 = arith.constant 3 : index
    %get3A_15 = arith.constant 0 : index
    %get3A_16 = arith.constant 0 : index
    %get3A_17 = vector.load %arg1[%get3A_14, %get3A_15, %get3A_16] : memref<4x1280x128xf32, #tpu.memory_space<vmem>>, vector<1x1280x128xf32>
    %get3A_18 = vector.shape_cast %get3A_17 : vector<1x1280x128xf32> to vector<1280x128xf32>
    %concatenate3A = tpu.concatenate %get3A_3, %get3A_8, %get3A_13, %get3A_18 in 1 : vector<1280x128xf32>, vector<1280x128xf32>, vector<1280x128xf32>, vector<1280x128xf32> -> vector<1280x512xf32>
    %get3A_19 = arith.constant 0 : index
    %get3A_20 = arith.constant 0 : index
    %get3A_21 = vector.load %arg4[%get3A_19, %get3A_20] : memref<2x1280xf32, #tpu.memory_space<vmem>>, vector<1x1280xf32>
    %get3A_22 = vector.shape_cast %get3A_21 : vector<1x1280xf32> to vector<1280xf32>
    %add3A = arith.constant 1.000000e+00 : f32
    %add3A_23 = vector.broadcast %add3A : f32 to vector<1280xf32>
    %add3A_24 = arith.addf %add3A_23, %get3A_22 : vector<1280xf32>
    %get3A_25 = arith.constant 1 : index
    %get3A_26 = arith.constant 0 : index
    %get3A_27 = vector.load %arg4[%get3A_25, %get3A_26] : memref<2x1280xf32, #tpu.memory_space<vmem>>, vector<1x1280xf32>
    %get3A_28 = vector.shape_cast %get3A_27 : vector<1x1280xf32> to vector<1280xf32>
    %add3A_29 = arith.addf %add3A_24, %get3A_28 : vector<1280xf32>
    %rsqrt3A = math.rsqrt %add3A_29 : vector<1280xf32>
    %broadcast_in_dim3A = vector.shape_cast %rsqrt3A : vector<1280xf32> to vector<1280x1xf32>
    %mul3A = vector.broadcast %broadcast_in_dim3A : vector<1280x1xf32> to vector<1280x512xf32>
    %mul3A_30 = arith.mulf %concatenate3A, %mul3A : vector<1280x512xf32>
    %get3A_31 = arith.constant 0 : index
    %get3A_32 = arith.constant 0 : index
    %get3A_33 = vector.load %arg2[%get3A_31, %get3A_32] : memref<1280x512xf32, #tpu.memory_space<vmem>>, vector<1280x512xf32>
    %mul3A_34 = arith.mulf %rsqrt3A, %rsqrt3A : vector<1280xf32>
    %broadcast_in_dim3A_35 = vector.shape_cast %mul3A_34 : vector<1280xf32> to vector<1280x1xf32>
    %mul3A_36 = vector.broadcast %broadcast_in_dim3A_35 : vector<1280x1xf32> to vector<1280x512xf32>
    %mul3A_37 = arith.mulf %get3A_33, %mul3A_36 : vector<1280x512xf32>
    %add3A_38 = arith.addf %mul3A_30, %mul3A_37 : vector<1280x512xf32>
    %mul3A_39 = arith.constant 0.899999976 : f32
    %mul3A_40 = vector.broadcast %mul3A_39 : f32 to vector<1280x512xf32>
    %mul3A_41 = arith.mulf %mul3A_40, %add3A_38 : vector<1280x512xf32>
    %get3A_42 = arith.constant 0 : index
    %get3A_43 = arith.constant 0 : index
    %get3A_44 = vector.load %arg3[%get3A_42, %get3A_43] : memref<1280x512xf32, #tpu.memory_space<vmem>>, vector<1280x512xf32>
    %mul3A_45 = arith.constant 1.000000e-01 : f32
    %mul3A_46 = vector.broadcast %mul3A_45 : f32 to vector<1280x512xf32>
    %mul3A_47 = arith.mulf %mul3A_46, %get3A_44 : vector<1280x512xf32>
    %add3A_48 = arith.addf %mul3A_41, %mul3A_47 : vector<1280x512xf32>
    %convert_element_type3A = arith.truncf %add3A_48 : vector<1280x512xf32> to vector<1280x512xbf16>
    %get3A_49 = arith.constant 0 : index
    %get3A_50 = arith.constant 0 : index
    %get3A_51 = vector.load %arg5[%get3A_49, %get3A_50] : memref<512x512xbf16, #tpu.memory_space<vmem>>, vector<512x512xbf16>
    %dot_general3A = arith.constant dense<0.000000e+00> : vector<1280x512xf32>
    %dot_general3A_52 = tpu.matmul %convert_element_type3A, %get3A_51, %dot_general3A {dimension_numbers = #tpu.dot_dimension_numbers<[1], [0], [0], [1], [0, 0, 1, 1], [], []>, transpose_lhs_hint = false} : vector<1280x512xbf16>, vector<512x512xbf16>, vector<1280x512xf32> -> vector<1280x512xf32>
    %swap3A = arith.constant 0 : index
    %swap3A_53 = arith.constant 0 : index
    %swap3A_54 = vector.load %arg8[%swap3A, %swap3A_53] : memref<1280x512xf32, #tpu.memory_space<vmem>>, vector<1280x512xf32>
    tpu.vector_store %arg8[%swap3A, %swap3A_53], %dot_general3A_52 {strides = array<i32>} : memref<1280x512xf32, #tpu.memory_space<vmem>>, vector<1280x512xf32>,
    %convert_element_type3A_55 = arith.truncf %dot_general3A_52 : vector<1280x512xf32> to vector<1280x512xbf16>
    %get3A_56 = arith.constant 0 : index
    %get3A_57 = arith.constant 0 : index
    %get3A_58 = vector.load %arg6[%get3A_56, %get3A_57] : memref<512x256xbf16, #tpu.memory_space<vmem>>, vector<512x256xbf16>
    %dot_general3A_59 = arith.constant dense<0.000000e+00> : vector<1280x256xf32>
    %dot_general3A_60 = tpu.matmul %convert_element_type3A_55, %get3A_58, %dot_general3A_59 {dimension_numbers = #tpu.dot_dimension_numbers<[1], [0], [0], [1], [0, 0, 1, 1], [], []>, transpose_lhs_hint = false} : vector<1280x512xbf16>, vector<512x256xbf16>, vector<1280x256xf32> -> vector<1280x256xf32>
    %get3A_61 = arith.constant 0 : index
    %get3A_62 = arith.constant 0 : index
    %get3A_63 = vector.load %arg7[%get3A_61, %get3A_62] : memref<1x256xf32, #tpu.memory_space<vmem>>, vector<1x256xf32>
    %add3A_64 = vector.broadcast %get3A_63 : vector<1x256xf32> to vector<1280x256xf32>
    %add3A_65 = arith.addf %dot_general3A_60, %add3A_64 : vector<1280x256xf32>
    %swap3A_66 = arith.constant 0 : index
    %swap3A_67 = arith.constant 0 : index
    %swap3A_68 = vector.load %arg9[%swap3A_66, %swap3A_67] : memref<1280x256xf32, #tpu.memory_space<vmem>>, vector<1280x256xf32>
    tpu.vector_store %arg9[%swap3A_66, %swap3A_67], %add3A_65 {strides = array<i32>} : memref<1280x256xf32, #tpu.memory_space<vmem>>, vector<1280x256xf32>,
    return
  }
  func.func @transform_0(%arg0: i32) -> (i32, i32, i32) {
    %c0_i32 = arith.constant 0 : i32
    %c0_i32_0 = arith.constant 0 : i32
    %c0_i32_1 = arith.constant 0 : i32
    return %c0_i32, %arg0, %c0_i32_0 : i32, i32, i32
  }
  func.func @transform_1(%arg0: i32) -> (i32, i32) {
    %c0_i32 = arith.constant 0 : i32
    %c0_i32_0 = arith.constant 0 : i32
    return %arg0, %c0_i32 : i32, i32
  }
  func.func @transform_2(%arg0: i32) -> (i32, i32) {
    %c0_i32 = arith.constant 0 : i32
    %c0_i32_0 = arith.constant 0 : i32
    return %arg0, %c0_i32 : i32, i32
  }
  func.func @transform_3(%arg0: i32) -> (i32, i32) {
    %c0_i32 = arith.constant 0 : i32
    %c0_i32_0 = arith.constant 0 : i32
    return %c0_i32, %arg0 : i32, i32
  }
  func.func @transform_4(%arg0: i32) -> (i32, i32) {
    %c0_i32 = arith.constant 0 : i32
    %c0_i32_0 = arith.constant 0 : i32
    %c0_i32_1 = arith.constant 0 : i32
    return %c0_i32, %c0_i32_0 : i32, i32
  }
  func.func @transform_5(%arg0: i32) -> (i32, i32) {
    %c0_i32 = arith.constant 0 : i32
    %c0_i32_0 = arith.constant 0 : i32
    %c0_i32_1 = arith.constant 0 : i32
    return %c0_i32, %c0_i32_0 : i32, i32
  }
  func.func @transform_6(%arg0: i32) -> (i32, i32) {
    %c0_i32 = arith.constant 0 : i32
    %c0_i32_0 = arith.constant 0 : i32
    %c0_i32_1 = arith.constant 0 : i32
    return %c0_i32, %c0_i32_0 : i32, i32
  }
  func.func @transform_7(%arg0: i32) -> (i32, i32) {
    %c0_i32 = arith.constant 0 : i32
    %c0_i32_0 = arith.constant 0 : i32
    return %arg0, %c0_i32 : i32, i32
  }
  func.func @transform_8(%arg0: i32) -> (i32, i32) {
    %c0_i32 = arith.constant 0 : i32
    %c0_i32_0 = arith.constant 0 : i32
    return %arg0, %c0_i32 : i32, i32
  }
}

</mosaic_0001>

<sc_bundles>
// kernel: kernel.11.cloned.1.call-start
scs
__scs_entry_jumppad:
0x0: {  	(pc) =	sbr.rel $0x88, $3  }
0x1: {  	(tag) =	ssettag $0x0;
	lr =	simm.s32 $0x1  }
0x2: {  	[smem:$0x3F99] =	sst lr;
	_ =	strace $0xD0000000  }
0x3: {  	_ = 	snop  }
0x4: {  	_ = 	snop  }
0x5: {  	_ = 	snop  }
0x6: {  	_ = 	snop  }
0x7: {  	_ = 	snop  }
__scs_overlays_trampoline_lowered:
0x8: {  	[smem:$0x3FA8] =	sst s0  }
0x9: {  	[smem:$0x3FA9] =	sst s1  }
0xa: {  	[smem:$0x3FAA] =	sst s2  }
0xb: {  	[smem:$0x3FAB] =	sst s3  }
0xc: {  	[smem:$0x3FAC] =	sst s4  }
0xd: {  	[smem:$0x3FAD] =	sst s5  }
0xe: {  	[smem:$0x3FAE] =	sst s6  }
0xf: {  	[smem:$0x3FAF] =	sst s7  }
0x10: {  	[smem:$0x3FB0] =	sst s8  }
0x11: {  	[smem:$0x3FB1] =	sst s9;
	s0 =	simm.s32 @!p0 $0x0  }
0x12: {  	s1 =	sld [smem:$0x3F97];
	s0 =	simm.s32 @p0 $0x1  }
0x13: {  	[smem:$0x3FB2] =	sst s0;
	s0 =	simm.s32 @!p1 $0x0  }
0x14: {  	s2 =	sld [smem:$0x3F96];
	s0 =	simm.s32 @p1 $0x1  }
0x15: {  	[smem:$0x3FB3] =	sst s0;
	s0 =	simm.s32 @!p2 $0x0  }
0x16: {  	s3 =	sld [smem:$0x3FDB];
	s0 =	simm.s32 @p2 $0x1  }
0x17: {  	s4 =	simm.s32 $0x1BF5;
	[smem:$0x3FB5] =	sst s0  }
0x18: {  	s0 =	sld [smem:$0x3F98];
	_ =	swait.ge [sflag:s4], $0x0  }
0x19: {  	s7 =	sld [smem:$0x3F99]  }
0x1a: {  	s8 =	sadd.s32 $0xFFFFE003, lr  }
0x1b: {  	s9 =	sadd.s32 $0xFFFFFEF7, lr;
	s5 =	simm.s32 $0xFFFFFFFF;
	p2 =	slt.u32 s8, $0xFFFFF086  }
0x1c: {  	p1 =	slt.u32 s9, $0xF7A;
	s5 =	simm.s32 @!p2 $0x0  }
0x1d: {  	s5 =	simm.s32 @p1 $0x1;
	p0 =	seq.s32 s7, s2  }
0x1e: {  	s7 =	smul.u32 @!p0 $0xF7A, s2;
	p2 =	seq.s32 @!p0 s5, $0x0  }
0x1f: {  	s9 =	smul.u32 $0xF7A, s1;
	s8 =	simm.s32 @!p0 $0x1BF5;
	p2 =	por !p2, p0  }
0x20: {  	[sflag:s8] =	ssyncset.s32 @!p0 $0xFFFFF086;
	s6 =	sadd.s32 @!p0 s3, s7;
	s7 =	simm.s32 @!p0 $0x108  }
0x21: {  	s3 =	sadd.s32 s3, s9;
	s6 =	sadd.s32 @!p0 $0x88, s6;
	s7 =	simm.s32 @p2 $0x1082  }
0x22: {  	[simem:s7], [sflag:s8] =	dma.local @!p0 [hbm:s6], $0xF7A  }
0x23: {  	s9 =	sor.u32 $0xD0000000, s2;
	s6 =	simm.s32 $0x108;
	_ =	swait.ge @!p0 [sflag:s8], $0x0  }
0x24: {  	s3 =	sadd.s32 $0x88, s3;
	s6 =	simm.s32 @!p1 $0x1082;
	[sflag:s4] =	ssyncset.s32 $0xFFFFF086  }
0x25: {  	[simem:s6], [sflag:s4] =	dma.local [hbm:s3], $0xF7A  }
0x26: {  	[smem:$0x3F99] =	sst s1;
	(tag) =	ssettag s2;
	_ =	strace s9  }
0x27: {  	s1 =	sld [smem:$0x3FA9]  }
0x28: {  	s2 =	sld [smem:$0x3FAA]  }
0x29: {  	s4 =	sld [smem:$0x3FAC]  }
0x2a: {  	p0 =	seq.s32 s5, $0x0;
	s5 =	sld [smem:$0x3FAD]  }
0x2b: {  	s6 =	sld [smem:$0x3FAE]  }
0x2c: {  	s7 =	sld [smem:$0x3FAF]  }
0x2d: {  	s3 =	simm.s32 $0x108;
	s8 =	sld [smem:$0x3FB0]  }
0x2e: {  	s3 =	simm.s32 @!p0 $0x1082;
	s9 =	sld [smem:$0x3FB1]  }
0x2f: {  	lr =	sadd.s32 s0, s3;
	s0 =	sld [smem:$0x3FA8]  }
0x30: {  	s3 =	sld [smem:$0x3FAB]  }
0x31: {  	[smem:$0x3FB4] =	sst s10  }
0x32: {  	s10 =	sld [smem:$0x3FB2];
	_ =	sdelay $0x3  }
0x33: {  	p0 =	seq.s32 s10, $0x1;
	s10 =	sld [smem:$0x3FB4];
	_ =	sdelay $0x3  }
0x34: {  	[smem:$0x3FB4] =	sst s10  }
0x35: {  	s10 =	sld [smem:$0x3FB3];
	_ =	sdelay $0x3  }
0x36: {  	p1 =	seq.s32 s10, $0x1;
	s10 =	sld [smem:$0x3FB4];
	_ =	sdelay $0x3  }
0x37: {  	[smem:$0x3FB4] =	sst s10  }
0x38: {  	s10 =	sld [smem:$0x3FB5]  }
0x39: {  	_ = 	snop;
	(pc) =	sbr.ind lr, $3  }
0x3a: {  	_ = 	snop  }
0x3b: {  	_ = 	snop  }
0x3c: {  	p2 =	seq.s32 s10, $0x1;
	s10 =	sld [smem:$0x3FB4]  }
0x3d: {  	_ =	shalt  }
0x3e: {  	_ =	shalt  }
0x3f: {  	_ =	shalt  }
0x40: {  	_ =	shalt  }
0x41: {  	_ =	shalt  }
0x42: {  	_ =	shalt  }
0x43: {  	_ =	shalt  }
0x44: {  	_ =	shalt  }
0x45: {  	_ =	shalt  }
0x46: {  	_ =	shalt  }
0x47: {  	_ =	shalt  }
0x48: {  	_ =	shalt  }
0x49: {  	_ =	shalt  }
0x4a: {  	_ =	shalt  }
0x4b: {  	_ =	shalt  }
0x4c: {  	_ =	shalt  }
0x4d: {  	_ =	shalt  }
0x4e: {  	_ =	shalt  }
0x4f: {  	_ =	shalt  }
0x50: {  	_ =	shalt  }
0x51: {  	_ =	shalt  }
0x52: {  	_ =	shalt  }
0x53: {  	_ =	shalt  }
0x54: {  	_ =	shalt  }
0x55: {  	_ =	shalt  }
0x56: {  	_ =	shalt  }
0x57: {  	_ =	shalt  }
0x58: {  	_ =	shalt  }
0x59: {  	_ =	shalt  }
0x5a: {  	_ =	shalt  }
0x5b: {  	_ =	shalt  }
0x5c: {  	_ =	shalt  }
0x5d: {  	_ =	shalt  }
0x5e: {  	_ =	shalt  }
0x5f: {  	_ =	shalt  }
0x60: {  	_ =	shalt  }
0x61: {  	_ =	shalt  }
0x62: {  	_ =	shalt  }
0x63: {  	_ =	shalt  }
0x64: {  	_ =	shalt  }
0x65: {  	_ =	shalt  }
0x66: {  	_ =	shalt  }
0x67: {  	_ =	shalt  }
0x68: {  	_ =	shalt  }
0x69: {  	_ =	shalt  }
0x6a: {  	_ =	shalt  }
0x6b: {  	_ =	shalt  }
0x6c: {  	_ =	shalt  }
0x6d: {  	_ =	shalt  }
0x6e: {  	_ =	shalt  }
0x6f: {  	_ =	shalt  }
0x70: {  	_ =	shalt  }
0x71: {  	_ =	shalt  }
0x72: {  	_ =	shalt  }
0x73: {  	_ =	shalt  }
0x74: {  	_ =	shalt  }
0x75: {  	_ =	shalt  }
0x76: {  	_ =	shalt  }
0x77: {  	_ =	shalt  }
0x78: {  	_ =	shalt  }
0x79: {  	_ =	shalt  }
0x7a: {  	_ =	shalt  }
0x7b: {  	_ =	shalt  }
0x7c: {  	_ =	shalt  }
0x7d: {  	_ =	shalt  }
0x7e: {  	_ =	shalt  }
0x7f: {  	_ =	shalt  }
0x80: {  	_ =	shalt  }
0x81: {  	_ =	shalt  }
0x82: {  	_ =	shalt  }
0x83: {  	_ =	shalt  }
0x84: {  	_ =	shalt  }
0x85: {  	_ =	shalt  }
0x86: {  	_ =	shalt  }
0x87: {  	_ =	shalt  }
.Lfunc_end0:
.L_simem_size_0:
called_computation.1_lowered:
.L_overlay_start_0:
0x88: {  	s2 =	sld [smem:$0x3FD9]  }
0x89: {  	s3 =	sld [smem:$0x3FFE];
	_ =	sdelay $0x1  }
0x8a: {  	s1 =	srdreg.scid  }
0x8b: {  	s0 =	sand.u32 $0x1, s1  }
0x8c: {  	s14 =	sshll.u32 s0, $0xA;
	s2 =	sadd.s32 s3, s2  }
0x8d: {  	s2 =	sadd.s32 s2, s14  }
0x8e: {  	[smem:$0x3FC0] =	sst s2  }
0x8f: {  	_ = 	snop  }
0x90: {  	s2 =	sld [smem:$0x3FD0];
	_ =	sdelay $0x2  }
0x91: {  	s15 =	simm.s32 $0xA;
	s4 =	simm.s32 $0x10  }
0x92: {  	[smem:s4], [sflag:s15] =	dma.local [hbm:s2], $0x1  }
0x93: {  	_ =	swait.eq [sflag:s15], $0x1  }
0x94: {  	[sflag:s15] =	ssyncset.done $0x0  }
0x95: {  	s16 =	sld [smem:$0x10];
	[sflag:s15] =	ssyncadd.s32 $0xFFFFFFFF  }
0x96: {  	s17 =	sld [smem:$0x11];
	(tm) =	ssettm $0x1  }
0x97: {  	s18 =	sld [smem:$0x3FFB];
	_ =	sdelay $0x3  }
0x98: {  	_ =	strace s18  }
0x99: {  	s4 =	sld [smem:$0x3FFC];
	_ =	sdelay $0x3  }
0x9a: {  	_ =	strace s4  }
0x9b: {  	s4 =	sld [smem:$0x3FFD];
	_ =	sdelay $0x3  }
0x9c: {  	_ =	strace s4  }
0x9d: {  	_ =	strace $0x8FFFFFFF  }
0x9e: {  	s19 =	sld [smem:$0x3FDB];
	_ =	sdelay $0x1  }
0x9f: {  	s5 =	simm.s32 $_scs_section_size  }
0xa0: {  	s6 =	simm.s32 $_size__tile_overlayer_lowered;
	s7 =	simm.s32 $_tile_overlayer_lowered  }
0xa1: {  	s22 =	simm.s32 $0x1BFF;
	s21 =	sshll.u32 s7, $0x1;
	s4 =	sadd.s32 s5, s19  }
0xa2: {  	s8 =	simm.s32 $0x0;
	s20 =	sshll.u32 s6, $0x1;
	s6 =	sadd.s32 s21, s4  }
0xa3: {  	[timem:s8], [sflag:s22] =	dma.local [hbm:s6], s20  }
0xa4: {  	_ =	swait.ge [sflag:s22], s20  }
0xa5: {  	s5 =	ssub.s32 $0x0, s20;
	[sflag:s22] =	ssyncset.done $0x0  }
0xa6: {  	[sflag:s22] =	ssyncadd.s32 s5;
	_ =	sdelay $0x1  }
0xa7: {  	s23 =	simm.s32 $0x1B8B  }
0xa8: {  	_ =	swait.ge [sflag:s23], $0x1  }
0xa9: {  	[sflag:s23] =	ssyncset.done $0x0  }
0xaa: {  	s25 =	simm.s32 $0x1B8E;
	s24 =	sld [smem:$0x3FFE];
	[sflag:s23] =	ssyncadd.s32 $0xFFFFFFFF  }
0xab: {  	s26 =	simm.s32 $execute0_lowered;
	[smem:$0x3FD2] =	sst s25  }
0xac: {  	s6 =	sshll.u32 s26, $0x1;
	_ =	strace $0x80000049;
	[dreg:$0x1] =	wrdreg $0xFFFFFFFF  }
0xad: {  	s28 =	simm.s32 $_size_execute0_lowered;
	s4 =	sadd.s32 s4, s6;
	[dreg:$0x0] =	wrdreg $0x0  }
0xae: {  	s6 =	sshll.u32 s28, $0x1;
	[dreg:$0x2] =	wrdreg s4  }
0xaf: {  	[dreg:$0x3] =	wrdreg s6  }
0xb0: {  	[dreg:$0x4] =	wrdreg $0xC0  }
0xb1: {  	_ =	task [dreg:s8], $0x5FFFF  }
0xb2: {  	[dreg:$0x1] =	wrdreg $0xFFFFFFFF  }
0xb3: {  	[dreg:$0x0] =	wrdreg $0x60  }
0xb4: {  	[dreg:$0x2] =	wrdreg s16  }
0xb5: {  	[dreg:$0x3] =	wrdreg s24  }
0xb6: {  	[dreg:$0x4] =	wrdreg s17  }
0xb7: {  	[dreg:$0x5] =	wrdreg $0xA8000  }
0xb8: {  	[dreg:$0x6] =	wrdreg $0x9  }
0xb9: {  	_ =	task.clear_ibuf [dreg:s8], $0x7FFFF;
	_ =	strace $0x90000049  }
0xba: {  	s29 =	simm.s32 $0x9;
	_ =	strace $0x8000004B  }
0xbb: {  	_ =	swait.ge [sflag:s29], $0x1  }
0xbc: {  	[sflag:s29] =	ssyncadd.s32 $0xFFFFFFFF  }
0xbd: {  	_ =	strace $0x9000004B  }
0xbe: {  	_ =	sfence  }
0xbf: {  	s30 =	sld [smem:$0x0];
	_ =	sdelay $0x2  }
0xc0: {  	s31 =	sshll.u32 s1, $0xD;
	s1 =	sshrl.u32 s1, $0x2  }
0xc1: {  	s3 =	sand.u32 $0x4000, s31;
	s1 =	sadd.s32 s1, s30  }
0xc2: {  	s0 =	sor.u32 s3, s0;
	s1 =	sshll.u32 s1, $0x11  }
0xc3: {  	s0 =	sor.u32 s1, s0  }
0xc4: {  	s0 =	sadd.s32 $0x8F2B, s0  }
0xc5: {  	[sflag:s0] =	ssyncadd.remote.s32 $0x1  }
0xc6: {  	_ =	sfence.sel $0xFFFF  }
0xc7: {  	[dreg:$0x0] =	wrdreg $0xFFFFFFFF;
	(pc) =	sbr.abs _section_cstart, $3  }
0xc8: {  	[dreg:$0x1] =	wrdreg $0xFFFFFFFF  }
0xc9: {  	_ =	task.clear_ibuf [dreg:s8], $0x2FFFF;
	_ =	strace $0x9FFFFFFF  }
0xca: {  	(tm) =	ssettm $0x7FFFFFFF  }
0xcb: {  	_ =	shalt  }
tec
execute0_lowered:
.L_overlay_start_1:
0x0: {  	(tag) =	ssettag $0x1  }
0x1: {  	s1 =	rddreg [dreg:$0x0]  }
0x2: {  	s0 =	rddreg [dreg:$0x1]  }
0x3: {  	s3 =	rddreg [dreg:$0x2]  }
0x4: {  	s2 =	rddreg [dreg:$0x3]  }
0x5: {  	s4 =	simm.s32 $0x0;
	s5 =	srdreg.scid;
	s13 =	stileid.u32  }
0x6: {  	s19 =	simm.s32 $0x1400;
	s20 =	simm.s32 $0x80;
	s21 =	simm.s32 $0x1  }
0x7: {  	s22 =	simm.s32 $0x6800;
	s28 =	simm.s32 $0x3;
	s23 =	smul.u32 $0x50000, s13  }
0x8: {  	s29 =	simm.s32 $0x0;
	[smem:$0x7FF] =	sst s4;
	s8 =	smul.u32 $0x500, s13  }
0x9: {  	s9 =	sadd.s32 $0x1A00, s0;
	s6 =	sand.u32 $0x1, s5;
	s11 =	smul.u32 $0x2800, s13  }
0xa: {  	s0 =	sadd.s32 $0xA2E00, s0;
	s24 =	smul.u32 $0x280, s13;
	_ =	strace $0x8000004A  }
0xb: {  	s7 =	ssub.s32 $0x2, s6;
	s17 =	sshll.u32 s6, $0x1;
	s25 =	smul.u32 $0x5000, s6  }
0xc: {  	s18 =	sshllo.u32 s6, $0x1;
	s10 =	sshrl.u32 s7, $0x1;
	s5 =	sshrl.u32 s23, $0x2  }
0xd: {  	s6 =	sadd.s32 s3, s8;
	s11 =	sshrl.u32 s11, $0x3;
	s14 =	smul.u32 $0x2800, s18  }
0xe: {  	v0 =	vmov s17;
	v1 =	vmov s18;
	s17 =	simm.s32 $0x2800;
	s18 =	simm.s32 $0x4;
	s23 =	simm.s32 $0x2  }
0xf: {  	s12 =	ssub.s32 s7, s10;
	s5 =	sadd.s32 s5, s2;
	s7 =	sadd.s32 s9, s8  }
0x10: {  	s11 =	sadd.s32 $0x280, s11;
	s13 =	sadd.s32 s24, s25;
	s25 =	simm.s32 $0x2700  }
0x11: {  	s8 =	sadd.s32 s3, s11;
	s26 =	sshll.u32 s13, $0x4;
	s30 =	sadd.s32 s24, s14  }
0x12: {  	v0 =	vmul.u32 $0x2710, v0;
	v1 =	vmul.u32 $0x2710, v1;
	s9 =	sadd.s32 s9, s11;
	s12 =	smax.u32 s12, $0x1;
	s13 =	sadd.s32 $0x4000, s5  }
0x13: {  	s14 =	sadd.s32 $0x8000, s5;
	s15 =	sadd.s32 $0xC000, s5;
	s16 =	sadd.s32 $0x10000, s5  }
0x14: {  	s24 =	simm.s32 $0x1380;
	s3 =	sadd.s32 s0, s26;
	s31 =	sshll.u32 s30, $0x4;
	v0 =	vbroadcast v0, $0x0;
	v1 =	vbroadcast v1, $0x0  }
0x15: {  	v2 =	vimm.f32 $0.0e+00;
	s26 =	simm.s32 $0x2780;
	[dreg:$0x5] =	wrdreg s3;
	s11 =	sadd.s32 s0, s31  }
.LBB2_1:
0x16: {  	s0 =	simm.s32 $0x0;
	s3 =	simm.s32 $0x200  }
.LBB2_2:
0x17: {  	p0 =	sne.s32 s3, $0xFE00;
	[tilespmem:s0+$0x2870] =	vst v2  }
0x18: {  	[tilespmem:s0+$0x2800] =	vst v2  }
0x19: {  	[tilespmem:s0+$0x2810] =	vst v2  }
.Ltmp0:
0x1a: {  	[tilespmem:s0+$0x2820] =	vst v2;
	(pc) =	sbr.rel @p0 .LBB2_2-.Ltmp0, $4  }
0x1b: {  	[tilespmem:s0+$0x2830] =	vst v2  }
0x1c: {  	[tilespmem:s0+$0x2840] =	vst v2  }
0x1d: {  	[tilespmem:s0+$0x2850] =	vst v2  }
0x1e: {  	[tilespmem:s0+$0x2860] =	vst v2;
	s0 =	sshra.s32 s3, $0x2;
	s3 =	sadd.s32 $0x200, s3  }
0x1f: {  	[tilespmem:s0+$0x2870] =	vst v2  }
0x20: {  	[tilespmem:s0+$0x2800] =	vst v2  }
0x21: {  	[tilespmem:s0+$0x2810] =	vst v2  }
0x22: {  	[tilespmem:s0+$0x2820] =	vst v2  }
0x23: {  	[tilespmem:s0+$0x2830] =	vst v2  }
0x24: {  	[tilespmem:s0+$0x2840] =	vst v2  }
0x25: {  	[tilespmem:s0+$0x2850] =	vst v2  }
0x26: {  	[tilespmem:s0+$0x2860] =	vst v2  }
0x27: {  	[spmem:s5] =	stream.linear.scatter [tilespmem:s17], [sflag:$0x4], $0x4000, $0x38;
	[tilespmem:$0x1E800] =	vst v63  }
0x28: {  	_ =	swait.ge [sflag:s18], $0x4000  }
0x29: {  	[sflag:s18] =	ssyncset.done $0x0  }
0x2a: {  	[sflag:s18] =	ssyncadd.s32 $0xFFFFC000  }
0x2b: {  	[spmem:s13] =	stream.linear.scatter [tilespmem:s17], [sflag:$0x4], $0x4000, $0x38;
	[tilespmem:$0x1E800] =	vst v63  }
0x2c: {  	_ =	swait.ge [sflag:s18], $0x4000  }
0x2d: {  	[sflag:s18] =	ssyncset.done $0x0  }
0x2e: {  	[sflag:s18] =	ssyncadd.s32 $0xFFFFC000  }
0x2f: {  	[spmem:s14] =	stream.linear.scatter [tilespmem:s17], [sflag:$0x4], $0x4000, $0x38;
	[tilespmem:$0x1E800] =	vst v63  }
0x30: {  	_ =	swait.ge [sflag:s18], $0x4000  }
0x31: {  	[sflag:s18] =	ssyncset.done $0x0  }
0x32: {  	[sflag:s18] =	ssyncadd.s32 $0xFFFFC000  }
0x33: {  	[spmem:s15] =	stream.linear.scatter [tilespmem:s17], [sflag:$0x4], $0x4000, $0x38;
	[tilespmem:$0x1E800] =	vst v63  }
0x34: {  	_ =	swait.ge [sflag:s18], $0x4000  }
0x35: {  	[sflag:s18] =	ssyncset.done $0x0  }
0x36: {  	[sflag:s18] =	ssyncadd.s32 $0xFFFFC000  }
0x37: {  	[spmem:s16] =	stream.linear.scatter [tilespmem:s17], [sflag:$0x4], $0x4000, $0x38;
	[tilespmem:$0x1E800] =	vst v63  }
0x38: {  	_ =	swait.ge [sflag:s18], $0x4000  }
0x39: {  	[sflag:s18] =	ssyncset.done $0x0  }
0x3a: {  	[sflag:s18] =	ssyncadd.s32 $0xFFFFC000  }
0x3b: {  	[bflag:$0x0] =	sbarrier.arrive $0xFFFF  }
0x3c: {  	[tilespmem:s19], [sflag:$0x4] =	stream.linear.gather [hbm4b:s6+s4], $0x1400, $0x38;
	[tilespmem:$0x1E800] =	vst v63  }
0x3d: {  	_ =	swait.ge [sflag:s18], $0x1400  }
0x3e: {  	[sflag:s18] =	ssyncset.done $0x0  }
0x3f: {  	[sflag:s18] =	ssyncadd.s32 $0xFFFFEC00  }
0x40: {  	[tilespmem:s4], [sflag:$0x4] =	stream.linear.gather [hbm4b:s7+s4], $0x1400, $0x38;
	[tilespmem:$0x1E800] =	vst v63  }
0x41: {  	_ =	swait.ge [sflag:s18], $0x1400  }
0x42: {  	[sflag:s18] =	ssyncset.done $0x0  }
0x43: {  	s30 =	simm.s32 $0x70;
	[sflag:s18] =	ssyncadd.s32 $0xFFFFEC00  }
0x44: {  	v5 =	vld [tilespmem:s30+$0xFFFFFF90]  }
0x45: {  	v7 =	vld [tilespmem:s30+$0xFFFFFFA0]  }
0x46: {  	v6 =	vld [tilespmem:s30+$0xFFFFFFB0]  }
0x47: {  	v4 =	vld [tilespmem:s30+$0xFFFFFFC0]  }
0x48: {  	v3 =	vld [tilespmem:s30+$0xFFFFFFD0]  }
0x49: {  	s0 =	simm.s32 $0x3C0;
	v8 =	vadd.s32 v0, v5;
	v5 =	vld [tilespmem:s30+$0xFFFFFFE0]  }
.LBB2_4:
0x4a: {  	p0 =	sne.s32 s0, $0x4FC0;
	[tilespmem:s30+$0xFFFFFF90] =	vst v8;
	v7 =	vadd.s32 v0, v7;
	v8 =	vld [tilespmem:s30+$0x0]  }
0x4b: {  	s3 =	sshra.s32 s0, $0x2;
	[tilespmem:s30+$0xFFFFFFA0] =	vst v7;
	v6 =	vadd.s32 v0, v6;
	v9 =	vld [tilespmem:s30+$0xFFFFFFF0]  }
0x4c: {  	v10 =	vld [tilespmem:s3+$0xFFFFFF90];
	[tilespmem:s30+$0xFFFFFFB0] =	vst v6;
	v4 =	vadd.s32 v0, v4  }
.Ltmp1:
0x4d: {  	v7 =	vld [tilespmem:s3+$0xFFFFFFA0];
	[tilespmem:s30+$0xFFFFFFC0] =	vst v4;
	v3 =	vadd.s32 v0, v3;
	(pc) =	sbr.rel @p0 .LBB2_4-.Ltmp1, $4  }
0x4e: {  	v6 =	vld [tilespmem:s3+$0xFFFFFFB0];
	[tilespmem:s30+$0xFFFFFFD0] =	vst v3;
	v3 =	vadd.s32 v0, v5  }
0x4f: {  	v4 =	vld [tilespmem:s3+$0xFFFFFFC0];
	[tilespmem:s30+$0xFFFFFFE0] =	vst v3;
	v5 =	vadd.s32 v0, v8  }
0x50: {  	v3 =	vld [tilespmem:s3+$0xFFFFFFD0];
	v9 =	vadd.s32 v0, v9;
	[tilespmem:s30+$0x0] =	vst v5  }
0x51: {  	s0 =	sadd.s32 $0x200, s0;
	v8 =	vadd.s32 v0, v10;
	v5 =	vld [tilespmem:s3+$0xFFFFFFE0];
	[tilespmem:s30+$0xFFFFFFF0] =	vst v9;
	s30 =	smov.u32 s3  }
0x52: {  	[tilespmem:s30+$0xFFFFFF90] =	vst v8;
	v7 =	vadd.s32 v0, v7;
	v61 =	vld [tilespmem:s30+$0x0]  }
0x53: {  	v62 =	vld [tilespmem:s30+$0xFFFFFFF0];
	[tilespmem:s30+$0xFFFFFFA0] =	vst v7;
	v6 =	vadd.s32 v0, v6  }
0x54: {  	[tilespmem:s30+$0xFFFFFFB0] =	vst v6;
	v4 =	vadd.s32 v0, v4  }
0x55: {  	[tilespmem:s30+$0xFFFFFFC0] =	vst v4;
	v3 =	vadd.s32 v0, v3  }
0x56: {  	[tilespmem:s30+$0xFFFFFFD0] =	vst v3;
	v3 =	vadd.s32 v0, v5  }
0x57: {  	[tilespmem:s30+$0xFFFFFFE0] =	vst v3;
	v3 =	vadd.s32 v0, v61  }
0x58: {  	v63 =	vadd.s32 v0, v62;
	[tilespmem:s30+$0x0] =	vst v3  }
0x59: {  	s0 =	simm.s32 $0x0;
	[tilespmem:s30+$0xFFFFFFF0] =	vst v63  }
0x5a: {  	[tilespmem:s17], [sflag:$0x1] =	stream.indirect.gather [hbm4b:s1+s20], $0x80, s0, s20, $0xb8;
	[tilespmem:$0x1E800] =	vst v63  }
0x5b: {  	_ =	swait.ge [sflag:s21], $0x4000  }
0x5c: {  	[sflag:s21] =	ssyncset.done $0x0  }
0x5d: {  	s3 =	simm.s32 $0x80;
	[sflag:s21] =	ssyncadd.s32 $0xFFFFC000  }
0x5e: {  	[tilespmem:s22], [sflag:$0x2] =	stream.indirect.gather [hbm4b:s1+s20], $0x80, s3, s20, $0xb8;
	[tilespmem:$0x1E800] =	vst v63  }
0x5f: {  	s10 =	simm.s32 $0x1400  }
0x60: {  	[spmem:s2] =	stream.indirect.scatter.add.f32 [tilespmem:s17], [sflag:$0x4], $0x80, s10, s20, $0xb8;
	[tilespmem:$0x1E800] =	vst v63  }
0x61: {  	_ =	swait.ge [sflag:s18], $0x4000  }
0x62: {  	[sflag:s18] =	ssyncset.done $0x0  }
0x63: {  	[sflag:s18] =	ssyncadd.s32 $0xFFFFC000  }
0x64: {  	_ =	swait.ge [sflag:s23], $0x4000  }
0x65: {  	[sflag:s23] =	ssyncset.done $0x0  }
0x66: {  	s30 =	simm.s32 $0x100;
	[sflag:s23] =	ssyncadd.s32 $0xFFFFC000  }
0x67: {  	[tilespmem:s17], [sflag:$0x1] =	stream.indirect.gather [hbm4b:s1+s20], $0x80, s30, s20, $0xb8;
	[tilespmem:$0x1E800] =	vst v63  }
0x68: {  	s31 =	simm.s32 $0x1480  }
0x69: {  	[spmem:s2] =	stream.indirect.scatter.add.f32 [tilespmem:s22], [sflag:$0x4], $0x80, s31, s20, $0xb8;
	[tilespmem:$0x1E800] =	vst v63  }
0x6a: {  	_ =	swait.ge [sflag:s18], $0x4000  }
0x6b: {  	s0 =	simm.s32 $0x400;
	[sflag:s18] =	ssyncset.done $0x0  }
.LBB2_6:
0x6c: {  	p0 =	sne.s32 s0, $0x4800  }
0x6d: {  	[sflag:s18] =	ssyncadd.s32 $0xFFFFC000;
	s3 =	smov.u32 s0;
	s0 =	sadd.s32 $0x400, s0  }
0x6e: {  	_ = 	snop  }
0x6f: {  	_ =	swait.ge [sflag:s21], $0x4000  }
0x70: {  	s3 =	sshra.s32 s3, $0x2;
	[sflag:s21] =	ssyncset.done $0x0  }
0x71: {  	s30 =	sadd.s32 $0x80, s3;
	[sflag:s21] =	ssyncadd.s32 $0xFFFFC000  }
0x72: {  	[tilespmem:s22], [sflag:$0x2] =	stream.indirect.gather [hbm4b:s1+s20], $0x80, s30, s20, $0xb8;
	[tilespmem:$0x1E800] =	vst v63  }
0x73: {  	s30 =	sadd.s32 $0x1400, s3  }
0x74: {  	[spmem:s2] =	stream.indirect.scatter.add.f32 [tilespmem:s17], [sflag:$0x4], $0x80, s30, s20, $0xb8;
	[tilespmem:$0x1E800] =	vst v63  }
0x75: {  	_ =	swait.ge [sflag:s18], $0x4000  }
0x76: {  	[sflag:s18] =	ssyncset.done $0x0  }
0x77: {  	[sflag:s18] =	ssyncadd.s32 $0xFFFFC000  }
0x78: {  	_ =	swait.ge [sflag:s23], $0x4000  }
0x79: {  	[sflag:s23] =	ssyncset.done $0x0  }
0x7a: {  	s30 =	sadd.s32 $0x100, s3;
	[sflag:s23] =	ssyncadd.s32 $0xFFFFC000  }
0x7b: {  	[tilespmem:s17], [sflag:$0x1] =	stream.indirect.gather [hbm4b:s1+s20], $0x80, s30, s20, $0xb8;
	[tilespmem:$0x1E800] =	vst v63  }
.Ltmp2:
0x7c: {  	_ = 	snop;
	(pc) =	sbr.rel @p0 .LBB2_6-.Ltmp2, $4  }
0x7d: {  	s3 =	sadd.s32 $0x1480, s3  }
0x7e: {  	[spmem:s2] =	stream.indirect.scatter.add.f32 [tilespmem:s22], [sflag:$0x4], $0x80, s3, s20, $0xb8;
	[tilespmem:$0x1E800] =	vst v63  }
0x7f: {  	_ =	swait.ge [sflag:s18], $0x4000  }
0x80: {  	[sflag:s18] =	ssyncset.done $0x0  }
0x81: {  	[sflag:s18] =	ssyncadd.s32 $0xFFFFC000  }
0x82: {  	_ =	swait.ge [sflag:s21], $0x4000  }
0x83: {  	[sflag:s21] =	ssyncset.done $0x0  }
0x84: {  	[sflag:s21] =	ssyncadd.s32 $0xFFFFC000  }
0x85: {  	[tilespmem:s22], [sflag:$0x2] =	stream.indirect.gather [hbm4b:s1+s20], $0x80, s24, s20, $0xb8;
	[tilespmem:$0x1E800] =	vst v63  }
0x86: {  	_ = 	snop  }
0x87: {  	[spmem:s2] =	stream.indirect.scatter.add.f32 [tilespmem:s17], [sflag:$0x4], $0x80, s25, s20, $0xb8;
	[tilespmem:$0x1E800] =	vst v63  }
0x88: {  	_ =	swait.ge [sflag:s18], $0x4000  }
0x89: {  	[sflag:s18] =	ssyncset.done $0x0  }
0x8a: {  	[sflag:s18] =	ssyncadd.s32 $0xFFFFC000  }
0x8b: {  	_ =	swait.ge [sflag:s23], $0x4000  }
0x8c: {  	[sflag:s23] =	ssyncset.done $0x0  }
0x8d: {  	[sflag:s23] =	ssyncadd.s32 $0xFFFFC000  }
0x8e: {  	[spmem:s2] =	stream.indirect.scatter.add.f32 [tilespmem:s22], [sflag:$0x4], $0x80, s26, s20, $0xb8;
	[tilespmem:$0x1E800] =	vst v63  }
0x8f: {  	_ =	swait.ge [sflag:s18], $0x4000  }
0x90: {  	[sflag:s18] =	ssyncset.done $0x0  }
0x91: {  	[sflag:s18] =	ssyncadd.s32 $0xFFFFC000  }
0x92: {  	[tilespmem:s19], [sflag:$0x4] =	stream.linear.gather [hbm4b:s8+s4], $0x1400, $0x38;
	[tilespmem:$0x1E800] =	vst v63  }
0x93: {  	_ =	swait.ge [sflag:s18], $0x1400  }
0x94: {  	[sflag:s18] =	ssyncset.done $0x0  }
0x95: {  	[sflag:s18] =	ssyncadd.s32 $0xFFFFEC00  }
0x96: {  	[tilespmem:s4], [sflag:$0x4] =	stream.linear.gather [hbm4b:s9+s4], $0x1400, $0x38;
	[tilespmem:$0x1E800] =	vst v63  }
0x97: {  	_ =	swait.ge [sflag:s18], $0x1400  }
0x98: {  	[sflag:s18] =	ssyncset.done $0x0  }
0x99: {  	s30 =	simm.s32 $0x70;
	[sflag:s18] =	ssyncadd.s32 $0xFFFFEC00  }
0x9a: {  	v5 =	vld [tilespmem:s30+$0xFFFFFF90]  }
0x9b: {  	v7 =	vld [tilespmem:s30+$0xFFFFFFA0]  }
0x9c: {  	v6 =	vld [tilespmem:s30+$0xFFFFFFB0]  }
0x9d: {  	v4 =	vld [tilespmem:s30+$0xFFFFFFC0]  }
0x9e: {  	v3 =	vld [tilespmem:s30+$0xFFFFFFD0]  }
0x9f: {  	s0 =	simm.s32 $0x3C0;
	v8 =	vadd.s32 v0, v5;
	v5 =	vld [tilespmem:s30+$0xFFFFFFE0]  }
.LBB2_8:
0xa0: {  	p0 =	sne.s32 s0, $0x4FC0;
	[tilespmem:s30+$0xFFFFFF90] =	vst v8;
	v7 =	vadd.s32 v0, v7;
	v8 =	vld [tilespmem:s30+$0x0]  }
0xa1: {  	s3 =	sshra.s32 s0, $0x2;
	[tilespmem:s30+$0xFFFFFFA0] =	vst v7;
	v6 =	vadd.s32 v0, v6;
	v9 =	vld [tilespmem:s30+$0xFFFFFFF0]  }
0xa2: {  	v10 =	vld [tilespmem:s3+$0xFFFFFF90];
	[tilespmem:s30+$0xFFFFFFB0] =	vst v6;
	v4 =	vadd.s32 v0, v4  }
.Ltmp3:
0xa3: {  	v7 =	vld [tilespmem:s3+$0xFFFFFFA0];
	[tilespmem:s30+$0xFFFFFFC0] =	vst v4;
	v3 =	vadd.s32 v0, v3;
	(pc) =	sbr.rel @p0 .LBB2_8-.Ltmp3, $4  }
0xa4: {  	v6 =	vld [tilespmem:s3+$0xFFFFFFB0];
	[tilespmem:s30+$0xFFFFFFD0] =	vst v3;
	v3 =	vadd.s32 v0, v5  }
0xa5: {  	v4 =	vld [tilespmem:s3+$0xFFFFFFC0];
	[tilespmem:s30+$0xFFFFFFE0] =	vst v3;
	v5 =	vadd.s32 v0, v8  }
0xa6: {  	v3 =	vld [tilespmem:s3+$0xFFFFFFD0];
	v9 =	vadd.s32 v0, v9;
	[tilespmem:s30+$0x0] =	vst v5  }
0xa7: {  	s0 =	sadd.s32 $0x200, s0;
	v8 =	vadd.s32 v0, v10;
	v5 =	vld [tilespmem:s3+$0xFFFFFFE0];
	[tilespmem:s30+$0xFFFFFFF0] =	vst v9;
	s30 =	smov.u32 s3  }
0xa8: {  	[tilespmem:s30+$0xFFFFFF90] =	vst v8;
	v7 =	vadd.s32 v0, v7;
	v61 =	vld [tilespmem:s30+$0x0]  }
0xa9: {  	v62 =	vld [tilespmem:s30+$0xFFFFFFF0];
	[tilespmem:s30+$0xFFFFFFA0] =	vst v7;
	v6 =	vadd.s32 v0, v6  }
0xaa: {  	[tilespmem:s30+$0xFFFFFFB0] =	vst v6;
	v4 =	vadd.s32 v0, v4  }
0xab: {  	[tilespmem:s30+$0xFFFFFFC0] =	vst v4;
	v3 =	vadd.s32 v0, v3  }
0xac: {  	[tilespmem:s30+$0xFFFFFFD0] =	vst v3;
	v3 =	vadd.s32 v0, v5  }
0xad: {  	[tilespmem:s30+$0xFFFFFFE0] =	vst v3;
	v3 =	vadd.s32 v0, v61  }
0xae: {  	v63 =	vadd.s32 v0, v62;
	[tilespmem:s30+$0x0] =	vst v3  }
0xaf: {  	s0 =	simm.s32 $0x0;
	[tilespmem:s30+$0xFFFFFFF0] =	vst v63  }
0xb0: {  	[tilespmem:s17], [sflag:$0x1] =	stream.indirect.gather [hbm4b:s1+s20], $0x80, s0, s20, $0xb8;
	[tilespmem:$0x1E800] =	vst v63  }
0xb1: {  	_ =	swait.ge [sflag:s21], $0x4000  }
0xb2: {  	[sflag:s21] =	ssyncset.done $0x0  }
0xb3: {  	s3 =	simm.s32 $0x80;
	[sflag:s21] =	ssyncadd.s32 $0xFFFFC000  }
0xb4: {  	[tilespmem:s22], [sflag:$0x2] =	stream.indirect.gather [hbm4b:s1+s20], $0x80, s3, s20, $0xb8;
	[tilespmem:$0x1E800] =	vst v63  }
0xb5: {  	s10 =	simm.s32 $0x1400  }
0xb6: {  	[spmem:s2] =	stream.indirect.scatter.add.f32 [tilespmem:s17], [sflag:$0x4], $0x80, s10, s20, $0xb8;
	[tilespmem:$0x1E800] =	vst v63  }
0xb7: {  	_ =	swait.ge [sflag:s18], $0x4000  }
0xb8: {  	[sflag:s18] =	ssyncset.done $0x0  }
0xb9: {  	[sflag:s18] =	ssyncadd.s32 $0xFFFFC000  }
0xba: {  	_ =	swait.ge [sflag:s23], $0x4000  }
0xbb: {  	[sflag:s23] =	ssyncset.done $0x0  }
0xbc: {  	s30 =	simm.s32 $0x100;
	[sflag:s23] =	ssyncadd.s32 $0xFFFFC000  }
0xbd: {  	[tilespmem:s17], [sflag:$0x1] =	stream.indirect.gather [hbm4b:s1+s20], $0x80, s30, s20, $0xb8;
	[tilespmem:$0x1E800] =	vst v63  }
0xbe: {  	s31 =	simm.s32 $0x1480  }
0xbf: {  	[spmem:s2] =	stream.indirect.scatter.add.f32 [tilespmem:s22], [sflag:$0x4], $0x80, s31, s20, $0xb8;
	[tilespmem:$0x1E800] =	vst v63  }
0xc0: {  	_ =	swait.ge [sflag:s18], $0x4000  }
0xc1: {  	s0 =	simm.s32 $0x400;
	[sflag:s18] =	ssyncset.done $0x0  }
.LBB2_10:
0xc2: {  	p0 =	sne.s32 s0, $0x4800  }
0xc3: {  	[sflag:s18] =	ssyncadd.s32 $0xFFFFC000;
	s3 =	smov.u32 s0;
	s0 =	sadd.s32 $0x400, s0  }
0xc4: {  	_ = 	snop  }
0xc5: {  	_ =	swait.ge [sflag:s21], $0x4000  }
0xc6: {  	s3 =	sshra.s32 s3, $0x2;
	[sflag:s21] =	ssyncset.done $0x0  }
0xc7: {  	s30 =	sadd.s32 $0x80, s3;
	[sflag:s21] =	ssyncadd.s32 $0xFFFFC000  }
0xc8: {  	[tilespmem:s22], [sflag:$0x2] =	stream.indirect.gather [hbm4b:s1+s20], $0x80, s30, s20, $0xb8;
	[tilespmem:$0x1E800] =	vst v63  }
0xc9: {  	s30 =	sadd.s32 $0x1400, s3  }
0xca: {  	[spmem:s2] =	stream.indirect.scatter.add.f32 [tilespmem:s17], [sflag:$0x4], $0x80, s30, s20, $0xb8;
	[tilespmem:$0x1E800] =	vst v63  }
0xcb: {  	_ =	swait.ge [sflag:s18], $0x4000  }
0xcc: {  	[sflag:s18] =	ssyncset.done $0x0  }
0xcd: {  	[sflag:s18] =	ssyncadd.s32 $0xFFFFC000  }
0xce: {  	_ =	swait.ge [sflag:s23], $0x4000  }
0xcf: {  	[sflag:s23] =	ssyncset.done $0x0  }
0xd0: {  	s30 =	sadd.s32 $0x100, s3;
	[sflag:s23] =	ssyncadd.s32 $0xFFFFC000  }
0xd1: {  	[tilespmem:s17], [sflag:$0x1] =	stream.indirect.gather [hbm4b:s1+s20], $0x80, s30, s20, $0xb8;
	[tilespmem:$0x1E800] =	vst v63  }
.Ltmp4:
0xd2: {  	_ = 	snop;
	(pc) =	sbr.rel @p0 .LBB2_10-.Ltmp4, $4  }
0xd3: {  	s3 =	sadd.s32 $0x1480, s3  }
0xd4: {  	[spmem:s2] =	stream.indirect.scatter.add.f32 [tilespmem:s22], [sflag:$0x4], $0x80, s3, s20, $0xb8;
	[tilespmem:$0x1E800] =	vst v63  }
0xd5: {  	_ =	swait.ge [sflag:s18], $0x4000  }
0xd6: {  	[sflag:s18] =	ssyncset.done $0x0  }
0xd7: {  	[sflag:s18] =	ssyncadd.s32 $0xFFFFC000  }
0xd8: {  	_ =	swait.ge [sflag:s21], $0x4000  }
0xd9: {  	[sflag:s21] =	ssyncset.done $0x0  }
0xda: {  	[sflag:s21] =	ssyncadd.s32 $0xFFFFC000  }
0xdb: {  	[tilespmem:s22], [sflag:$0x2] =	stream.indirect.gather [hbm4b:s1+s20], $0x80, s24, s20, $0xb8;
	[tilespmem:$0x1E800] =	vst v63  }
0xdc: {  	_ = 	snop  }
0xdd: {  	[spmem:s2] =	stream.indirect.scatter.add.f32 [tilespmem:s17], [sflag:$0x4], $0x80, s25, s20, $0xb8;
	[tilespmem:$0x1E800] =	vst v63  }
0xde: {  	_ =	swait.ge [sflag:s18], $0x4000  }
0xdf: {  	[sflag:s18] =	ssyncset.done $0x0  }
0xe0: {  	[sflag:s18] =	ssyncadd.s32 $0xFFFFC000  }
0xe1: {  	_ =	swait.ge [sflag:s23], $0x4000  }
0xe2: {  	[sflag:s23] =	ssyncset.done $0x0  }
0xe3: {  	[sflag:s23] =	ssyncadd.s32 $0xFFFFC000  }
0xe4: {  	[spmem:s2] =	stream.indirect.scatter.add.f32 [tilespmem:s22], [sflag:$0x4], $0x80, s26, s20, $0xb8;
	[tilespmem:$0x1E800] =	vst v63  }
0xe5: {  	_ =	swait.ge [sflag:s18], $0x4000  }
0xe6: {  	[sflag:s18] =	ssyncset.done $0x0  }
0xe7: {  	s0 =	stileid.u32;
	s31 =	sshrl.u32 s5, $0x3;
	[sflag:s18] =	ssyncadd.s32 $0xFFFFC000  }
0xe8: {  	s3 =	simm.s32 $0x200;
	s0 =	sshll.u32 s0, $0x6;
	[bflag:$0x0] =	sbarrier.arrive $0xFFFF  }
0xe9: {  	s30 =	sor.u32 $0x1C03, s0;
	s0 =	simm.s32 $0x0;
	s10 =	rddreg [dreg:$0x5]  }
0xea: {  	[hbm:s10], [sflag:s30] =	dma.local [spmem:s31], $0x2800  }
.LBB2_12:
0xeb: {  	p0 =	sne.s32 s3, $0xFE00;
	[tilespmem:s0+$0x2870] =	vst v2  }
0xec: {  	[tilespmem:s0+$0x2800] =	vst v2  }
0xed: {  	[tilespmem:s0+$0x2810] =	vst v2  }
.Ltmp5:
0xee: {  	[tilespmem:s0+$0x2820] =	vst v2;
	(pc) =	sbr.rel @p0 .LBB2_12-.Ltmp5, $4  }
0xef: {  	[tilespmem:s0+$0x2830] =	vst v2  }
0xf0: {  	[tilespmem:s0+$0x2840] =	vst v2  }
0xf1: {  	[tilespmem:s0+$0x2850] =	vst v2  }
0xf2: {  	[tilespmem:s0+$0x2860] =	vst v2;
	s0 =	sshra.s32 s3, $0x2;
	s3 =	sadd.s32 $0x200, s3  }
0xf3: {  	[tilespmem:s0+$0x2870] =	vst v2  }
0xf4: {  	[tilespmem:s0+$0x2800] =	vst v2  }
0xf5: {  	[tilespmem:s0+$0x2810] =	vst v2  }
0xf6: {  	[tilespmem:s0+$0x2820] =	vst v2  }
0xf7: {  	[tilespmem:s0+$0x2830] =	vst v2  }
0xf8: {  	[tilespmem:s0+$0x2840] =	vst v2  }
0xf9: {  	[tilespmem:s0+$0x2850] =	vst v2  }
0xfa: {  	[tilespmem:s0+$0x2860] =	vst v2  }
0xfb: {  	_ =	swait.ge [sflag:s28], $0x2800  }
0xfc: {  	[sflag:s28] =	ssyncset.done $0x0  }
0xfd: {  	[sflag:s28] =	ssyncadd.s32 $0xFFFFD800  }
0xfe: {  	[spmem:s5] =	stream.linear.scatter [tilespmem:s17], [sflag:$0x4], $0x4000, $0x38;
	[tilespmem:$0x1E800] =	vst v63  }
0xff: {  	_ =	swait.ge [sflag:s18], $0x4000  }
0x100: {  	[sflag:s18] =	ssyncset.done $0x0  }
0x101: {  	[sflag:s18] =	ssyncadd.s32 $0xFFFFC000  }
0x102: {  	[spmem:s13] =	stream.linear.scatter [tilespmem:s17], [sflag:$0x4], $0x4000, $0x38;
	[tilespmem:$0x1E800] =	vst v63  }
0x103: {  	_ =	swait.ge [sflag:s18], $0x4000  }
0x104: {  	[sflag:s18] =	ssyncset.done $0x0  }
0x105: {  	[sflag:s18] =	ssyncadd.s32 $0xFFFFC000  }
0x106: {  	[spmem:s14] =	stream.linear.scatter [tilespmem:s17], [sflag:$0x4], $0x4000, $0x38;
	[tilespmem:$0x1E800] =	vst v63  }
0x107: {  	_ =	swait.ge [sflag:s18], $0x4000  }
0x108: {  	[sflag:s18] =	ssyncset.done $0x0  }
0x109: {  	[sflag:s18] =	ssyncadd.s32 $0xFFFFC000  }
0x10a: {  	[spmem:s15] =	stream.linear.scatter [tilespmem:s17], [sflag:$0x4], $0x4000, $0x38;
	[tilespmem:$0x1E800] =	vst v63  }
0x10b: {  	_ =	swait.ge [sflag:s18], $0x4000  }
0x10c: {  	[sflag:s18] =	ssyncset.done $0x0  }
0x10d: {  	[sflag:s18] =	ssyncadd.s32 $0xFFFFC000  }
0x10e: {  	[spmem:s16] =	stream.linear.scatter [tilespmem:s17], [sflag:$0x4], $0x4000, $0x38;
	[tilespmem:$0x1E800] =	vst v63  }
0x10f: {  	_ =	swait.ge [sflag:s18], $0x4000  }
0x110: {  	[sflag:s18] =	ssyncset.done $0x0  }
0x111: {  	[sflag:s18] =	ssyncadd.s32 $0xFFFFC000  }
0x112: {  	[bflag:$0x0] =	sbarrier.arrive $0xFFFF  }
0x113: {  	[tilespmem:s19], [sflag:$0x4] =	stream.linear.gather [hbm4b:s6+s4], $0x1400, $0x38;
	[tilespmem:$0x1E800] =	vst v63  }
0x114: {  	_ =	swait.ge [sflag:s18], $0x1400  }
0x115: {  	[sflag:s18] =	ssyncset.done $0x0  }
0x116: {  	[sflag:s18] =	ssyncadd.s32 $0xFFFFEC00  }
0x117: {  	[tilespmem:s4], [sflag:$0x4] =	stream.linear.gather [hbm4b:s7+s4], $0x1400, $0x38;
	[tilespmem:$0x1E800] =	vst v63  }
0x118: {  	_ =	swait.ge [sflag:s18], $0x1400  }
0x119: {  	[sflag:s18] =	ssyncset.done $0x0  }
0x11a: {  	s0 =	simm.s32 $0x70;
	[sflag:s18] =	ssyncadd.s32 $0xFFFFEC00  }
0x11b: {  	v5 =	vld [tilespmem:s0+$0xFFFFFF90]  }
0x11c: {  	v7 =	vld [tilespmem:s0+$0xFFFFFFA0]  }
0x11d: {  	v6 =	vld [tilespmem:s0+$0xFFFFFFB0]  }
0x11e: {  	v4 =	vld [tilespmem:s0+$0xFFFFFFC0]  }
0x11f: {  	v3 =	vld [tilespmem:s0+$0xFFFFFFD0]  }
0x120: {  	s3 =	simm.s32 $0x3C0;
	v8 =	vadd.s32 v1, v5;
	v5 =	vld [tilespmem:s0+$0xFFFFFFE0]  }
.LBB2_14:
0x121: {  	p0 =	sne.s32 s3, $0x4FC0;
	[tilespmem:s0+$0xFFFFFF90] =	vst v8;
	v7 =	vadd.s32 v1, v7;
	v8 =	vld [tilespmem:s0+$0x0]  }
0x122: {  	s10 =	sshra.s32 s3, $0x2;
	[tilespmem:s0+$0xFFFFFFA0] =	vst v7;
	v6 =	vadd.s32 v1, v6;
	v9 =	vld [tilespmem:s0+$0xFFFFFFF0]  }
0x123: {  	v10 =	vld [tilespmem:s10+$0xFFFFFF90];
	[tilespmem:s0+$0xFFFFFFB0] =	vst v6;
	v4 =	vadd.s32 v1, v4  }
.Ltmp6:
0x124: {  	v7 =	vld [tilespmem:s10+$0xFFFFFFA0];
	[tilespmem:s0+$0xFFFFFFC0] =	vst v4;
	v3 =	vadd.s32 v1, v3;
	(pc) =	sbr.rel @p0 .LBB2_14-.Ltmp6, $4  }
0x125: {  	v6 =	vld [tilespmem:s10+$0xFFFFFFB0];
	[tilespmem:s0+$0xFFFFFFD0] =	vst v3;
	v3 =	vadd.s32 v1, v5  }
0x126: {  	v4 =	vld [tilespmem:s10+$0xFFFFFFC0];
	[tilespmem:s0+$0xFFFFFFE0] =	vst v3;
	v5 =	vadd.s32 v1, v8  }
0x127: {  	v3 =	vld [tilespmem:s10+$0xFFFFFFD0];
	v9 =	vadd.s32 v1, v9;
	[tilespmem:s0+$0x0] =	vst v5  }
0x128: {  	s3 =	sadd.s32 $0x200, s3;
	v8 =	vadd.s32 v1, v10;
	v5 =	vld [tilespmem:s10+$0xFFFFFFE0];
	[tilespmem:s0+$0xFFFFFFF0] =	vst v9;
	s0 =	smov.u32 s10  }
0x129: {  	[tilespmem:s0+$0xFFFFFF90] =	vst v8;
	v7 =	vadd.s32 v1, v7;
	v61 =	vld [tilespmem:s0+$0x0]  }
0x12a: {  	v62 =	vld [tilespmem:s0+$0xFFFFFFF0];
	[tilespmem:s0+$0xFFFFFFA0] =	vst v7;
	v6 =	vadd.s32 v1, v6  }
0x12b: {  	[tilespmem:s0+$0xFFFFFFB0] =	vst v6;
	v4 =	vadd.s32 v1, v4  }
0x12c: {  	[tilespmem:s0+$0xFFFFFFC0] =	vst v4;
	v3 =	vadd.s32 v1, v3  }
0x12d: {  	[tilespmem:s0+$0xFFFFFFD0] =	vst v3;
	v3 =	vadd.s32 v1, v5  }
0x12e: {  	[tilespmem:s0+$0xFFFFFFE0] =	vst v3;
	v3 =	vadd.s32 v1, v61  }
0x12f: {  	v63 =	vadd.s32 v1, v62;
	[tilespmem:s0+$0x0] =	vst v3  }
0x130: {  	s10 =	simm.s32 $0x0;
	[tilespmem:s0+$0xFFFFFFF0] =	vst v63  }
0x131: {  	[tilespmem:s17], [sflag:$0x1] =	stream.indirect.gather [hbm4b:s1+s20], $0x80, s10, s20, $0xb8;
	[tilespmem:$0x1E800] =	vst v63  }
0x132: {  	_ =	swait.ge [sflag:s21], $0x4000  }
0x133: {  	[sflag:s21] =	ssyncset.done $0x0  }
0x134: {  	s3 =	simm.s32 $0x80;
	[sflag:s21] =	ssyncadd.s32 $0xFFFFC000  }
0x135: {  	[tilespmem:s22], [sflag:$0x2] =	stream.indirect.gather [hbm4b:s1+s20], $0x80, s3, s20, $0xb8;
	[tilespmem:$0x1E800] =	vst v63  }
0x136: {  	s10 =	simm.s32 $0x1400  }
0x137: {  	[spmem:s2] =	stream.indirect.scatter.add.f32 [tilespmem:s17], [sflag:$0x4], $0x80, s10, s20, $0xb8;
	[tilespmem:$0x1E800] =	vst v63  }
0x138: {  	_ =	swait.ge [sflag:s18], $0x4000  }
0x139: {  	[sflag:s18] =	ssyncset.done $0x0  }
0x13a: {  	[sflag:s18] =	ssyncadd.s32 $0xFFFFC000  }
0x13b: {  	_ =	swait.ge [sflag:s23], $0x4000  }
0x13c: {  	[sflag:s23] =	ssyncset.done $0x0  }
0x13d: {  	s3 =	simm.s32 $0x100;
	[sflag:s23] =	ssyncadd.s32 $0xFFFFC000  }
0x13e: {  	[tilespmem:s17], [sflag:$0x1] =	stream.indirect.gather [hbm4b:s1+s20], $0x80, s3, s20, $0xb8;
	[tilespmem:$0x1E800] =	vst v63  }
0x13f: {  	s10 =	simm.s32 $0x1480  }
0x140: {  	[spmem:s2] =	stream.indirect.scatter.add.f32 [tilespmem:s22], [sflag:$0x4], $0x80, s10, s20, $0xb8;
	[tilespmem:$0x1E800] =	vst v63  }
0x141: {  	_ =	swait.ge [sflag:s18], $0x4000  }
0x142: {  	s0 =	simm.s32 $0x400;
	[sflag:s18] =	ssyncset.done $0x0  }
.LBB2_16:
0x143: {  	p0 =	sne.s32 s0, $0x4800  }
0x144: {  	[sflag:s18] =	ssyncadd.s32 $0xFFFFC000;
	s3 =	smov.u32 s0;
	s0 =	sadd.s32 $0x400, s0  }
0x145: {  	_ = 	snop  }
0x146: {  	_ =	swait.ge [sflag:s21], $0x4000  }
0x147: {  	s3 =	sshra.s32 s3, $0x2;
	[sflag:s21] =	ssyncset.done $0x0  }
0x148: {  	s10 =	sadd.s32 $0x80, s3;
	[sflag:s21] =	ssyncadd.s32 $0xFFFFC000  }
0x149: {  	[tilespmem:s22], [sflag:$0x2] =	stream.indirect.gather [hbm4b:s1+s20], $0x80, s10, s20, $0xb8;
	[tilespmem:$0x1E800] =	vst v63  }
0x14a: {  	s10 =	sadd.s32 $0x1400, s3  }
0x14b: {  	[spmem:s2] =	stream.indirect.scatter.add.f32 [tilespmem:s17], [sflag:$0x4], $0x80, s10, s20, $0xb8;
	[tilespmem:$0x1E800] =	vst v63  }
0x14c: {  	_ =	swait.ge [sflag:s18], $0x4000  }
0x14d: {  	[sflag:s18] =	ssyncset.done $0x0  }
0x14e: {  	[sflag:s18] =	ssyncadd.s32 $0xFFFFC000  }
0x14f: {  	_ =	swait.ge [sflag:s23], $0x4000  }
0x150: {  	[sflag:s23] =	ssyncset.done $0x0  }
0x151: {  	s10 =	sadd.s32 $0x100, s3;
	[sflag:s23] =	ssyncadd.s32 $0xFFFFC000  }
0x152: {  	[tilespmem:s17], [sflag:$0x1] =	stream.indirect.gather [hbm4b:s1+s20], $0x80, s10, s20, $0xb8;
	[tilespmem:$0x1E800] =	vst v63  }
.Ltmp7:
0x153: {  	_ = 	snop;
	(pc) =	sbr.rel @p0 .LBB2_16-.Ltmp7, $4  }
0x154: {  	s3 =	sadd.s32 $0x1480, s3  }
0x155: {  	[spmem:s2] =	stream.indirect.scatter.add.f32 [tilespmem:s22], [sflag:$0x4], $0x80, s3, s20, $0xb8;
	[tilespmem:$0x1E800] =	vst v63  }
0x156: {  	_ =	swait.ge [sflag:s18], $0x4000  }
0x157: {  	[sflag:s18] =	ssyncset.done $0x0  }
0x158: {  	[sflag:s18] =	ssyncadd.s32 $0xFFFFC000  }
0x159: {  	_ =	swait.ge [sflag:s21], $0x4000  }
0x15a: {  	[sflag:s21] =	ssyncset.done $0x0  }
0x15b: {  	[sflag:s21] =	ssyncadd.s32 $0xFFFFC000  }
0x15c: {  	[tilespmem:s22], [sflag:$0x2] =	stream.indirect.gather [hbm4b:s1+s20], $0x80, s24, s20, $0xb8;
	[tilespmem:$0x1E800] =	vst v63  }
0x15d: {  	_ = 	snop  }
0x15e: {  	[spmem:s2] =	stream.indirect.scatter.add.f32 [tilespmem:s17], [sflag:$0x4], $0x80, s25, s20, $0xb8;
	[tilespmem:$0x1E800] =	vst v63  }
0x15f: {  	_ =	swait.ge [sflag:s18], $0x4000  }
0x160: {  	[sflag:s18] =	ssyncset.done $0x0  }
0x161: {  	[sflag:s18] =	ssyncadd.s32 $0xFFFFC000  }
0x162: {  	_ =	swait.ge [sflag:s23], $0x4000  }
0x163: {  	[sflag:s23] =	ssyncset.done $0x0  }
0x164: {  	[sflag:s23] =	ssyncadd.s32 $0xFFFFC000  }
0x165: {  	[spmem:s2] =	stream.indirect.scatter.add.f32 [tilespmem:s22], [sflag:$0x4], $0x80, s26, s20, $0xb8;
	[tilespmem:$0x1E800] =	vst v63  }
0x166: {  	_ =	swait.ge [sflag:s18], $0x4000  }
0x167: {  	[sflag:s18] =	ssyncset.done $0x0  }
0x168: {  	[sflag:s18] =	ssyncadd.s32 $0xFFFFC000  }
0x169: {  	[tilespmem:s19], [sflag:$0x4] =	stream.linear.gather [hbm4b:s8+s4], $0x1400, $0x38;
	[tilespmem:$0x1E800] =	vst v63  }
0x16a: {  	_ =	swait.ge [sflag:s18], $0x1400  }
0x16b: {  	[sflag:s18] =	ssyncset.done $0x0  }
0x16c: {  	[sflag:s18] =	ssyncadd.s32 $0xFFFFEC00  }
0x16d: {  	[tilespmem:s4], [sflag:$0x4] =	stream.linear.gather [hbm4b:s9+s4], $0x1400, $0x38;
	[tilespmem:$0x1E800] =	vst v63  }
0x16e: {  	_ =	swait.ge [sflag:s18], $0x1400  }
0x16f: {  	[sflag:s18] =	ssyncset.done $0x0  }
0x170: {  	s0 =	simm.s32 $0x70;
	[sflag:s18] =	ssyncadd.s32 $0xFFFFEC00  }
0x171: {  	v5 =	vld [tilespmem:s0+$0xFFFFFF90]  }
0x172: {  	v7 =	vld [tilespmem:s0+$0xFFFFFFA0]  }
0x173: {  	v6 =	vld [tilespmem:s0+$0xFFFFFFB0]  }
0x174: {  	v4 =	vld [tilespmem:s0+$0xFFFFFFC0]  }
0x175: {  	v3 =	vld [tilespmem:s0+$0xFFFFFFD0]  }
0x176: {  	s3 =	simm.s32 $0x3C0;
	v8 =	vadd.s32 v1, v5;
	v5 =	vld [tilespmem:s0+$0xFFFFFFE0]  }
.LBB2_18:
0x177: {  	p0 =	sne.s32 s3, $0x4FC0;
	[tilespmem:s0+$0xFFFFFF90] =	vst v8;
	v7 =	vadd.s32 v1, v7;
	v8 =	vld [tilespmem:s0+$0x0]  }
0x178: {  	s10 =	sshra.s32 s3, $0x2;
	[tilespmem:s0+$0xFFFFFFA0] =	vst v7;
	v6 =	vadd.s32 v1, v6;
	v9 =	vld [tilespmem:s0+$0xFFFFFFF0]  }
0x179: {  	v10 =	vld [tilespmem:s10+$0xFFFFFF90];
	[tilespmem:s0+$0xFFFFFFB0] =	vst v6;
	v4 =	vadd.s32 v1, v4  }
.Ltmp8:
0x17a: {  	v7 =	vld [tilespmem:s10+$0xFFFFFFA0];
	[tilespmem:s0+$0xFFFFFFC0] =	vst v4;
	v3 =	vadd.s32 v1, v3;
	(pc) =	sbr.rel @p0 .LBB2_18-.Ltmp8, $4  }
0x17b: {  	v6 =	vld [tilespmem:s10+$0xFFFFFFB0];
	[tilespmem:s0+$0xFFFFFFD0] =	vst v3;
	v3 =	vadd.s32 v1, v5  }
0x17c: {  	v4 =	vld [tilespmem:s10+$0xFFFFFFC0];
	[tilespmem:s0+$0xFFFFFFE0] =	vst v3;
	v5 =	vadd.s32 v1, v8  }
0x17d: {  	v3 =	vld [tilespmem:s10+$0xFFFFFFD0];
	v9 =	vadd.s32 v1, v9;
	[tilespmem:s0+$0x0] =	vst v5  }
0x17e: {  	s3 =	sadd.s32 $0x200, s3;
	v8 =	vadd.s32 v1, v10;
	v5 =	vld [tilespmem:s10+$0xFFFFFFE0];
	[tilespmem:s0+$0xFFFFFFF0] =	vst v9;
	s0 =	smov.u32 s10  }
0x17f: {  	[tilespmem:s0+$0xFFFFFF90] =	vst v8;
	v7 =	vadd.s32 v1, v7;
	v61 =	vld [tilespmem:s0+$0x0]  }
0x180: {  	v62 =	vld [tilespmem:s0+$0xFFFFFFF0];
	[tilespmem:s0+$0xFFFFFFA0] =	vst v7;
	v6 =	vadd.s32 v1, v6  }
0x181: {  	[tilespmem:s0+$0xFFFFFFB0] =	vst v6;
	v4 =	vadd.s32 v1, v4  }
0x182: {  	[tilespmem:s0+$0xFFFFFFC0] =	vst v4;
	v3 =	vadd.s32 v1, v3  }
0x183: {  	[tilespmem:s0+$0xFFFFFFD0] =	vst v3;
	v3 =	vadd.s32 v1, v5  }
0x184: {  	[tilespmem:s0+$0xFFFFFFE0] =	vst v3;
	v3 =	vadd.s32 v1, v61  }
0x185: {  	v63 =	vadd.s32 v1, v62;
	[tilespmem:s0+$0x0] =	vst v3  }
0x186: {  	s10 =	simm.s32 $0x0;
	[tilespmem:s0+$0xFFFFFFF0] =	vst v63  }
0x187: {  	[tilespmem:s17], [sflag:$0x1] =	stream.indirect.gather [hbm4b:s1+s20], $0x80, s10, s20, $0xb8;
	[tilespmem:$0x1E800] =	vst v63  }
0x188: {  	_ =	swait.ge [sflag:s21], $0x4000  }
0x189: {  	[sflag:s21] =	ssyncset.done $0x0  }
0x18a: {  	s3 =	simm.s32 $0x80;
	[sflag:s21] =	ssyncadd.s32 $0xFFFFC000  }
0x18b: {  	[tilespmem:s22], [sflag:$0x2] =	stream.indirect.gather [hbm4b:s1+s20], $0x80, s3, s20, $0xb8;
	[tilespmem:$0x1E800] =	vst v63  }
0x18c: {  	s10 =	simm.s32 $0x1400  }
0x18d: {  	[spmem:s2] =	stream.indirect.scatter.add.f32 [tilespmem:s17], [sflag:$0x4], $0x80, s10, s20, $0xb8;
	[tilespmem:$0x1E800] =	vst v63  }
0x18e: {  	_ =	swait.ge [sflag:s18], $0x4000  }
0x18f: {  	[sflag:s18] =	ssyncset.done $0x0  }
0x190: {  	[sflag:s18] =	ssyncadd.s32 $0xFFFFC000  }
0x191: {  	_ =	swait.ge [sflag:s23], $0x4000  }
0x192: {  	[sflag:s23] =	ssyncset.done $0x0  }
0x193: {  	s3 =	simm.s32 $0x100;
	[sflag:s23] =	ssyncadd.s32 $0xFFFFC000  }
0x194: {  	[tilespmem:s17], [sflag:$0x1] =	stream.indirect.gather [hbm4b:s1+s20], $0x80, s3, s20, $0xb8;
	[tilespmem:$0x1E800] =	vst v63  }
0x195: {  	s10 =	simm.s32 $0x1480  }
0x196: {  	[spmem:s2] =	stream.indirect.scatter.add.f32 [tilespmem:s22], [sflag:$0x4], $0x80, s10, s20, $0xb8;
	[tilespmem:$0x1E800] =	vst v63  }
0x197: {  	_ =	swait.ge [sflag:s18], $0x4000  }
0x198: {  	s0 =	simm.s32 $0x400;
	[sflag:s18] =	ssyncset.done $0x0  }
.LBB2_20:
0x199: {  	p0 =	sne.s32 s0, $0x4800  }
0x19a: {  	[sflag:s18] =	ssyncadd.s32 $0xFFFFC000;
	s3 =	smov.u32 s0;
	s0 =	sadd.s32 $0x400, s0  }
0x19b: {  	_ = 	snop  }
0x19c: {  	_ =	swait.ge [sflag:s21], $0x4000  }
0x19d: {  	s3 =	sshra.s32 s3, $0x2;
	[sflag:s21] =	ssyncset.done $0x0  }
0x19e: {  	s10 =	sadd.s32 $0x80, s3;
	[sflag:s21] =	ssyncadd.s32 $0xFFFFC000  }
0x19f: {  	[tilespmem:s22], [sflag:$0x2] =	stream.indirect.gather [hbm4b:s1+s20], $0x80, s10, s20, $0xb8;
	[tilespmem:$0x1E800] =	vst v63  }
0x1a0: {  	s10 =	sadd.s32 $0x1400, s3  }
0x1a1: {  	[spmem:s2] =	stream.indirect.scatter.add.f32 [tilespmem:s17], [sflag:$0x4], $0x80, s10, s20, $0xb8;
	[tilespmem:$0x1E800] =	vst v63  }
0x1a2: {  	_ =	swait.ge [sflag:s18], $0x4000  }
0x1a3: {  	[sflag:s18] =	ssyncset.done $0x0  }
0x1a4: {  	[sflag:s18] =	ssyncadd.s32 $0xFFFFC000  }
0x1a5: {  	_ =	swait.ge [sflag:s23], $0x4000  }
0x1a6: {  	[sflag:s23] =	ssyncset.done $0x0  }
0x1a7: {  	s10 =	sadd.s32 $0x100, s3;
	[sflag:s23] =	ssyncadd.s32 $0xFFFFC000  }
0x1a8: {  	[tilespmem:s17], [sflag:$0x1] =	stream.indirect.gather [hbm4b:s1+s20], $0x80, s10, s20, $0xb8;
	[tilespmem:$0x1E800] =	vst v63  }
.Ltmp9:
0x1a9: {  	_ = 	snop;
	(pc) =	sbr.rel @p0 .LBB2_20-.Ltmp9, $4  }
0x1aa: {  	s3 =	sadd.s32 $0x1480, s3  }
0x1ab: {  	[spmem:s2] =	stream.indirect.scatter.add.f32 [tilespmem:s22], [sflag:$0x4], $0x80, s3, s20, $0xb8;
	[tilespmem:$0x1E800] =	vst v63  }
0x1ac: {  	_ =	swait.ge [sflag:s18], $0x4000  }
0x1ad: {  	[sflag:s18] =	ssyncset.done $0x0  }
0x1ae: {  	[sflag:s18] =	ssyncadd.s32 $0xFFFFC000  }
0x1af: {  	_ =	swait.ge [sflag:s21], $0x4000  }
0x1b0: {  	[sflag:s21] =	ssyncset.done $0x0  }
0x1b1: {  	[sflag:s21] =	ssyncadd.s32 $0xFFFFC000  }
0x1b2: {  	[tilespmem:s22], [sflag:$0x2] =	stream.indirect.gather [hbm4b:s1+s20], $0x80, s24, s20, $0xb8;
	[tilespmem:$0x1E800] =	vst v63  }
0x1b3: {  	_ = 	snop  }
0x1b4: {  	[spmem:s2] =	stream.indirect.scatter.add.f32 [tilespmem:s17], [sflag:$0x4], $0x80, s25, s20, $0xb8;
	[tilespmem:$0x1E800] =	vst v63  }
0x1b5: {  	_ =	swait.ge [sflag:s18], $0x4000  }
0x1b6: {  	[sflag:s18] =	ssyncset.done $0x0  }
0x1b7: {  	[sflag:s18] =	ssyncadd.s32 $0xFFFFC000  }
0x1b8: {  	_ =	swait.ge [sflag:s23], $0x4000  }
0x1b9: {  	[sflag:s23] =	ssyncset.done $0x0  }
0x1ba: {  	[sflag:s23] =	ssyncadd.s32 $0xFFFFC000  }
0x1bb: {  	[spmem:s2] =	stream.indirect.scatter.add.f32 [tilespmem:s22], [sflag:$0x4], $0x80, s26, s20, $0xb8;
	[tilespmem:$0x1E800] =	vst v63  }
0x1bc: {  	_ =	swait.ge [sflag:s18], $0x4000  }
0x1bd: {  	[sflag:s18] =	ssyncset.done $0x0  }
0x1be: {  	s29 =	sadd.s32 $0x1, s29;
	[sflag:s18] =	ssyncadd.s32 $0xFFFFC000  }
0x1bf: {  	p0 =	sne.s32 s29, s12;
	[bflag:$0x0] =	sbarrier.arrive $0xFFFF  }
0x1c0: {  	[hbm:s11], [sflag:s30] =	dma.local [spmem:s31], $0x2800  }
.Ltmp10:
0x1c1: {  	_ =	swait.ge [sflag:s28], $0x2800;
	(pc) =	sbr.rel @p0 .LBB2_1-.Ltmp10, $3  }
0x1c2: {  	[sflag:s28] =	ssyncset.done $0x0  }
0x1c3: {  	[sflag:s28] =	ssyncadd.s32 $0xFFFFD800  }
0x1c4: {  	[bflag:$0x0] =	sbarrier.arrive $0xFFFF;
	_ =	sdelay $0x1  }
0x1c5: {  	_ =	sfence.sel $0x180000  }
0x1c6: {  	[bflag:$0x0] =	sbarrier.arrive $0xFFFF  }
0x1c7: {  	_ =	strace $0x9000004A  }
0x1c8: {  	s0 =	stileid.u32;
	[bflag:$0x2] =	sbarrier.arrive $0xFFFF  }
0x1c9: {  	p0 =	sne.s32 s0, $0x0;
	s0 =	rddreg [dreg:$0x4]  }
0x1ca: {  	s0 =	sadd.s32 @!p0 $0x100000, s0  }
0x1cb: {  	[sflag:s0] =	ssyncadd.tile.s32 @!p0 $0x1;
	_ =	shalt  }
.Lfunc_end2:
_tile_overlayer_lowered:
.L_overlay_start_2:
0x1cc: {  	(tag) =	ssettag $0x2  }
0x1cd: {  	s0 =	rddreg [dreg:$0x0];
	s2 =	stileid.u32  }
0x1ce: {  	s1 =	rddreg [dreg:$0x1];
	p0 =	sne.s32 s2, $0x0  }
0x1cf: {  	s3 =	rddreg [dreg:$0x2];
	[bflag:$0x3] =	sbarrier.arrive $0xFFFF;
	s2 =	simm.s32 @!p0 $0x1C04  }
0x1d0: {  	[timem:s3], [sflag:s2] =	dma.local @!p0 [hbm:s0], s1  }
0x1d1: {  	s0 =	simm.s32 @!p0 $0x4  }
0x1d2: {  	_ =	swait.ge @!p0 [sflag:s0], s1  }
0x1d3: {  	s1 =	ssub.s32 @!p0 $0x0, s1;
	[sflag:s0] =	ssyncset.done @!p0 $0x0  }
0x1d4: {  	[sflag:s0] =	ssyncadd.s32 @!p0 s1  }
0x1d5: {  	[bflag:$0x3] =	sbarrier.arrive $0xFFFF  }
0x1d6: {  	_ =	shalt  }

// kernel: kernel.14.cloned.1.call-start
scs
__scs_entry_jumppad:
0x0: {  	(pc) =	sbr.rel $0x88, $3  }
0x1: {  	(tag) =	ssettag $0x0;
	lr =	simm.s32 $0x1  }
0x2: {  	[smem:$0x3F99] =	sst lr;
	_ =	strace $0xD0000000  }
0x3: {  	_ = 	snop  }
0x4: {  	_ = 	snop  }
0x5: {  	_ = 	snop  }
0x6: {  	_ = 	snop  }
0x7: {  	_ = 	snop  }
__scs_overlays_trampoline_lowered:
0x8: {  	[smem:$0x3FA8] =	sst s0  }
0x9: {  	[smem:$0x3FA9] =	sst s1  }
0xa: {  	[smem:$0x3FAA] =	sst s2  }
0xb: {  	[smem:$0x3FAB] =	sst s3  }
0xc: {  	[smem:$0x3FAC] =	sst s4  }
0xd: {  	[smem:$0x3FAD] =	sst s5  }
0xe: {  	[smem:$0x3FAE] =	sst s6  }
0xf: {  	[smem:$0x3FAF] =	sst s7  }
0x10: {  	[smem:$0x3FB0] =	sst s8  }
0x11: {  	[smem:$0x3FB1] =	sst s9;
	s0 =	simm.s32 @!p0 $0x0  }
0x12: {  	s1 =	sld [smem:$0x3F97];
	s0 =	simm.s32 @p0 $0x1  }
0x13: {  	[smem:$0x3FB2] =	sst s0;
	s0 =	simm.s32 @!p1 $0x0  }
0x14: {  	s2 =	sld [smem:$0x3F96];
	s0 =	simm.s32 @p1 $0x1  }
0x15: {  	[smem:$0x3FB3] =	sst s0;
	s0 =	simm.s32 @!p2 $0x0  }
0x16: {  	s3 =	sld [smem:$0x3FDB];
	s0 =	simm.s32 @p2 $0x1  }
0x17: {  	s4 =	simm.s32 $0x1BF5;
	[smem:$0x3FB5] =	sst s0  }
0x18: {  	s0 =	sld [smem:$0x3F98];
	_ =	swait.ge [sflag:s4], $0x0  }
0x19: {  	s7 =	sld [smem:$0x3F99]  }
0x1a: {  	s8 =	sadd.s32 $0xFFFFE003, lr  }
0x1b: {  	s9 =	sadd.s32 $0xFFFFFEF7, lr;
	s5 =	simm.s32 $0xFFFFFFFF;
	p2 =	slt.u32 s8, $0xFFFFF086  }
0x1c: {  	p1 =	slt.u32 s9, $0xF7A;
	s5 =	simm.s32 @!p2 $0x0  }
0x1d: {  	s5 =	simm.s32 @p1 $0x1;
	p0 =	seq.s32 s7, s2  }
0x1e: {  	s7 =	smul.u32 @!p0 $0xF7A, s2;
	p2 =	seq.s32 @!p0 s5, $0x0  }
0x1f: {  	s9 =	smul.u32 $0xF7A, s1;
	s8 =	simm.s32 @!p0 $0x1BF5;
	p2 =	por !p2, p0  }
0x20: {  	[sflag:s8] =	ssyncset.s32 @!p0 $0xFFFFF086;
	s6 =	sadd.s32 @!p0 s3, s7;
	s7 =	simm.s32 @!p0 $0x108  }
0x21: {  	s3 =	sadd.s32 s3, s9;
	s6 =	sadd.s32 @!p0 $0x88, s6;
	s7 =	simm.s32 @p2 $0x1082  }
0x22: {  	[simem:s7], [sflag:s8] =	dma.local @!p0 [hbm:s6], $0xF7A  }
0x23: {  	s9 =	sor.u32 $0xD0000000, s2;
	s6 =	simm.s32 $0x108;
	_ =	swait.ge @!p0 [sflag:s8], $0x0  }
0x24: {  	s3 =	sadd.s32 $0x88, s3;
	s6 =	simm.s32 @!p1 $0x1082;
	[sflag:s4] =	ssyncset.s32 $0xFFFFF086  }
0x25: {  	[simem:s6], [sflag:s4] =	dma.local [hbm:s3], $0xF7A  }
0x26: {  	[smem:$0x3F99] =	sst s1;
	(tag) =	ssettag s2;
	_ =	strace s9  }
0x27: {  	s1 =	sld [smem:$0x3FA9]  }
0x28: {  	s2 =	sld [smem:$0x3FAA]  }
0x29: {  	s4 =	sld [smem:$0x3FAC]  }
0x2a: {  	p0 =	seq.s32 s5, $0x0;
	s5 =	sld [smem:$0x3FAD]  }
0x2b: {  	s6 =	sld [smem:$0x3FAE]  }
0x2c: {  	s7 =	sld [smem:$0x3FAF]  }
0x2d: {  	s3 =	simm.s32 $0x108;
	s8 =	sld [smem:$0x3FB0]  }
0x2e: {  	s3 =	simm.s32 @!p0 $0x1082;
	s9 =	sld [smem:$0x3FB1]  }
0x2f: {  	lr =	sadd.s32 s0, s3;
	s0 =	sld [smem:$0x3FA8]  }
0x30: {  	s3 =	sld [smem:$0x3FAB]  }
0x31: {  	[smem:$0x3FB4] =	sst s10  }
0x32: {  	s10 =	sld [smem:$0x3FB2];
	_ =	sdelay $0x3  }
0x33: {  	p0 =	seq.s32 s10, $0x1;
	s10 =	sld [smem:$0x3FB4];
	_ =	sdelay $0x3  }
0x34: {  	[smem:$0x3FB4] =	sst s10  }
0x35: {  	s10 =	sld [smem:$0x3FB3];
	_ =	sdelay $0x3  }
0x36: {  	p1 =	seq.s32 s10, $0x1;
	s10 =	sld [smem:$0x3FB4];
	_ =	sdelay $0x3  }
0x37: {  	[smem:$0x3FB4] =	sst s10  }
0x38: {  	s10 =	sld [smem:$0x3FB5]  }
0x39: {  	_ = 	snop;
	(pc) =	sbr.ind lr, $3  }
0x3a: {  	_ = 	snop  }
0x3b: {  	_ = 	snop  }
0x3c: {  	p2 =	seq.s32 s10, $0x1;
	s10 =	sld [smem:$0x3FB4]  }
0x3d: {  	_ =	shalt  }
0x3e: {  	_ =	shalt  }
0x3f: {  	_ =	shalt  }
0x40: {  	_ =	shalt  }
0x41: {  	_ =	shalt  }
0x42: {  	_ =	shalt  }
0x43: {  	_ =	shalt  }
0x44: {  	_ =	shalt  }
0x45: {  	_ =	shalt  }
0x46: {  	_ =	shalt  }
0x47: {  	_ =	shalt  }
0x48: {  	_ =	shalt  }
0x49: {  	_ =	shalt  }
0x4a: {  	_ =	shalt  }
0x4b: {  	_ =	shalt  }
0x4c: {  	_ =	shalt  }
0x4d: {  	_ =	shalt  }
0x4e: {  	_ =	shalt  }
0x4f: {  	_ =	shalt  }
0x50: {  	_ =	shalt  }
0x51: {  	_ =	shalt  }
0x52: {  	_ =	shalt  }
0x53: {  	_ =	shalt  }
0x54: {  	_ =	shalt  }
0x55: {  	_ =	shalt  }
0x56: {  	_ =	shalt  }
0x57: {  	_ =	shalt  }
0x58: {  	_ =	shalt  }
0x59: {  	_ =	shalt  }
0x5a: {  	_ =	shalt  }
0x5b: {  	_ =	shalt  }
0x5c: {  	_ =	shalt  }
0x5d: {  	_ =	shalt  }
0x5e: {  	_ =	shalt  }
0x5f: {  	_ =	shalt  }
0x60: {  	_ =	shalt  }
0x61: {  	_ =	shalt  }
0x62: {  	_ =	shalt  }
0x63: {  	_ =	shalt  }
0x64: {  	_ =	shalt  }
0x65: {  	_ =	shalt  }
0x66: {  	_ =	shalt  }
0x67: {  	_ =	shalt  }
0x68: {  	_ =	shalt  }
0x69: {  	_ =	shalt  }
0x6a: {  	_ =	shalt  }
0x6b: {  	_ =	shalt  }
0x6c: {  	_ =	shalt  }
0x6d: {  	_ =	shalt  }
0x6e: {  	_ =	shalt  }
0x6f: {  	_ =	shalt  }
0x70: {  	_ =	shalt  }
0x71: {  	_ =	shalt  }
0x72: {  	_ =	shalt  }
0x73: {  	_ =	shalt  }
0x74: {  	_ =	shalt  }
0x75: {  	_ =	shalt  }
0x76: {  	_ =	shalt  }
0x77: {  	_ =	shalt  }
0x78: {  	_ =	shalt  }
0x79: {  	_ =	shalt  }
0x7a: {  	_ =	shalt  }
0x7b: {  	_ =	shalt  }
0x7c: {  	_ =	shalt  }
0x7d: {  	_ =	shalt  }
0x7e: {  	_ =	shalt  }
0x7f: {  	_ =	shalt  }
0x80: {  	_ =	shalt  }
0x81: {  	_ =	shalt  }
0x82: {  	_ =	shalt  }
0x83: {  	_ =	shalt  }
0x84: {  	_ =	shalt  }
0x85: {  	_ =	shalt  }
0x86: {  	_ =	shalt  }
0x87: {  	_ =	shalt  }
.Lfunc_end0:
.L_simem_size_0:
called_computation.2_lowered:
.L_overlay_start_0:
0x88: {  	s2 =	sld [smem:$0x3FD9]  }
0x89: {  	s3 =	sld [smem:$0x3FFE];
	_ =	sdelay $0x1  }
0x8a: {  	s1 =	srdreg.scid  }
0x8b: {  	s0 =	sand.u32 $0x1, s1  }
0x8c: {  	s14 =	sshll.u32 s0, $0xA;
	s2 =	sadd.s32 s3, s2  }
0x8d: {  	s2 =	sadd.s32 s2, s14  }
0x8e: {  	[smem:$0x3FC0] =	sst s2  }
0x8f: {  	_ = 	snop  }
0x90: {  	s2 =	sld [smem:$0x3FD0];
	_ =	sdelay $0x2  }
0x91: {  	s15 =	simm.s32 $0xA;
	s4 =	simm.s32 $0x10  }
0x92: {  	[smem:s4], [sflag:s15] =	dma.local [hbm:s2], $0x1  }
0x93: {  	_ =	swait.eq [sflag:s15], $0x1  }
0x94: {  	[sflag:s15] =	ssyncset.done $0x0  }
0x95: {  	s16 =	sld [smem:$0x10];
	[sflag:s15] =	ssyncadd.s32 $0xFFFFFFFF  }
0x96: {  	s17 =	sld [smem:$0x11];
	(tm) =	ssettm $0x1  }
0x97: {  	s18 =	sld [smem:$0x3FFB];
	_ =	sdelay $0x3  }
0x98: {  	_ =	strace s18  }
0x99: {  	s4 =	sld [smem:$0x3FFC];
	_ =	sdelay $0x3  }
0x9a: {  	_ =	strace s4  }
0x9b: {  	s4 =	sld [smem:$0x3FFD];
	_ =	sdelay $0x3  }
0x9c: {  	_ =	strace s4  }
0x9d: {  	_ =	strace $0x8FFFFFFF  }
0x9e: {  	s19 =	sld [smem:$0x3FDB];
	_ =	sdelay $0x1  }
0x9f: {  	s5 =	simm.s32 $_scs_section_size  }
0xa0: {  	s6 =	simm.s32 $_size__tile_overlayer_lowered;
	s7 =	simm.s32 $_tile_overlayer_lowered  }
0xa1: {  	s22 =	simm.s32 $0x1BFF;
	s21 =	sshll.u32 s7, $0x1;
	s4 =	sadd.s32 s5, s19  }
0xa2: {  	s8 =	simm.s32 $0x0;
	s20 =	sshll.u32 s6, $0x1;
	s6 =	sadd.s32 s21, s4  }
0xa3: {  	[timem:s8], [sflag:s22] =	dma.local [hbm:s6], s20  }
0xa4: {  	_ =	swait.ge [sflag:s22], s20  }
0xa5: {  	s5 =	ssub.s32 $0x0, s20;
	[sflag:s22] =	ssyncset.done $0x0  }
0xa6: {  	[sflag:s22] =	ssyncadd.s32 s5;
	_ =	sdelay $0x1  }
0xa7: {  	s23 =	simm.s32 $0x1B8B  }
0xa8: {  	_ =	swait.ge [sflag:s23], $0x1  }
0xa9: {  	[sflag:s23] =	ssyncset.done $0x0  }
0xaa: {  	s25 =	simm.s32 $0x1B8E;
	s24 =	sld [smem:$0x3FFE];
	[sflag:s23] =	ssyncadd.s32 $0xFFFFFFFF  }
0xab: {  	s26 =	simm.s32 $execute0_lowered;
	[smem:$0x3FD2] =	sst s25  }
0xac: {  	s6 =	sshll.u32 s26, $0x1;
	_ =	strace $0x8000004C;
	[dreg:$0x1] =	wrdreg $0xFFFFFFFF  }
0xad: {  	s28 =	simm.s32 $_size_execute0_lowered;
	s4 =	sadd.s32 s4, s6;
	[dreg:$0x0] =	wrdreg $0x0  }
0xae: {  	s6 =	sshll.u32 s28, $0x1;
	[dreg:$0x2] =	wrdreg s4  }
0xaf: {  	[dreg:$0x3] =	wrdreg s6  }
0xb0: {  	[dreg:$0x4] =	wrdreg $0xC0  }
0xb1: {  	_ =	task [dreg:s8], $0x5FFFF  }
0xb2: {  	[dreg:$0x1] =	wrdreg $0xFFFFFFFF  }
0xb3: {  	[dreg:$0x0] =	wrdreg $0x60  }
0xb4: {  	[dreg:$0x2] =	wrdreg s16  }
0xb5: {  	[dreg:$0x3] =	wrdreg s24  }
0xb6: {  	[dreg:$0x4] =	wrdreg s17  }
0xb7: {  	[dreg:$0x5] =	wrdreg $0xA8000  }
0xb8: {  	[dreg:$0x6] =	wrdreg $0x9  }
0xb9: {  	_ =	task.clear_ibuf [dreg:s8], $0x7FFFF;
	_ =	strace $0x9000004C  }
0xba: {  	s29 =	simm.s32 $0x9;
	_ =	strace $0x8000004E  }
0xbb: {  	_ =	swait.ge [sflag:s29], $0x1  }
0xbc: {  	[sflag:s29] =	ssyncadd.s32 $0xFFFFFFFF  }
0xbd: {  	_ =	strace $0x9000004E  }
0xbe: {  	_ =	sfence  }
0xbf: {  	s30 =	sld [smem:$0x0];
	_ =	sdelay $0x2  }
0xc0: {  	s31 =	sshll.u32 s1, $0xD;
	s1 =	sshrl.u32 s1, $0x2  }
0xc1: {  	s3 =	sand.u32 $0x4000, s31;
	s1 =	sadd.s32 s1, s30  }
0xc2: {  	s0 =	sor.u32 s3, s0;
	s1 =	sshll.u32 s1, $0x11  }
0xc3: {  	s0 =	sor.u32 s1, s0  }
0xc4: {  	s0 =	sadd.s32 $0x8F2B, s0  }
0xc5: {  	[sflag:s0] =	ssyncadd.remote.s32 $0x1  }
0xc6: {  	_ =	sfence.sel $0xFFFF  }
0xc7: {  	[dreg:$0x0] =	wrdreg $0xFFFFFFFF;
	(pc) =	sbr.abs _section_cstart, $3  }
0xc8: {  	[dreg:$0x1] =	wrdreg $0xFFFFFFFF  }
0xc9: {  	_ =	task.clear_ibuf [dreg:s8], $0x2FFFF;
	_ =	strace $0x9FFFFFFF  }
0xca: {  	(tm) =	ssettm $0x7FFFFFFF  }
0xcb: {  	_ =	shalt  }
tec
execute0_lowered:
.L_overlay_start_1:
0x0: {  	(tag) =	ssettag $0x1  }
0x1: {  	s1 =	rddreg [dreg:$0x0]  }
0x2: {  	s0 =	rddreg [dreg:$0x1]  }
0x3: {  	s3 =	rddreg [dreg:$0x2]  }
0x4: {  	s2 =	rddreg [dreg:$0x3]  }
0x5: {  	s4 =	simm.s32 $0x0;
	s5 =	srdreg.scid;
	s13 =	stileid.u32  }
0x6: {  	s19 =	simm.s32 $0x1400;
	s20 =	simm.s32 $0x80;
	s21 =	simm.s32 $0x1  }
0x7: {  	s22 =	simm.s32 $0x6800;
	s28 =	simm.s32 $0x3;
	s23 =	smul.u32 $0x50000, s13  }
0x8: {  	s29 =	simm.s32 $0x0;
	[smem:$0x7FF] =	sst s4;
	s8 =	smul.u32 $0x500, s13  }
0x9: {  	s9 =	sadd.s32 $0x1A00, s0;
	s0 =	sadd.s32 $0x13F200, s0;
	s11 =	smul.u32 $0x2800, s13  }
0xa: {  	s6 =	sand.u32 $0x1, s5;
	s24 =	smul.u32 $0x280, s13;
	_ =	strace $0x8000004D  }
0xb: {  	s7 =	ssub.s32 $0x2, s6;
	s17 =	sshll.u32 s6, $0x1;
	s25 =	smul.u32 $0x5000, s6  }
0xc: {  	s18 =	sshllo.u32 s6, $0x1;
	s10 =	sshrl.u32 s7, $0x1;
	s5 =	sshrl.u32 s23, $0x2  }
0xd: {  	s6 =	sadd.s32 s3, s8;
	s11 =	sshrl.u32 s11, $0x3;
	s14 =	smul.u32 $0x2800, s18  }
0xe: {  	v0 =	vmov s17;
	v1 =	vmov s18;
	s17 =	simm.s32 $0x2800;
	s18 =	simm.s32 $0x4;
	s23 =	simm.s32 $0x2  }
0xf: {  	s12 =	ssub.s32 s7, s10;
	s5 =	sadd.s32 s5, s2;
	s7 =	sadd.s32 s9, s8  }
0x10: {  	s11 =	sadd.s32 $0x280, s11;
	s13 =	sadd.s32 s24, s25;
	s25 =	simm.s32 $0x2700  }
0x11: {  	s8 =	sadd.s32 s3, s11;
	s26 =	sshll.u32 s13, $0x4;
	s30 =	sadd.s32 s24, s14  }
0x12: {  	v0 =	vmul.u32 $0x2710, v0;
	v1 =	vmul.u32 $0x2710, v1;
	s9 =	sadd.s32 s9, s11;
	s12 =	smax.u32 s12, $0x1;
	s13 =	sadd.s32 $0x4000, s5  }
0x13: {  	s14 =	sadd.s32 $0x8000, s5;
	s15 =	sadd.s32 $0xC000, s5;
	s16 =	sadd.s32 $0x10000, s5  }
0x14: {  	s24 =	simm.s32 $0x1380;
	s3 =	sadd.s32 s0, s26;
	s31 =	sshll.u32 s30, $0x4;
	v0 =	vbroadcast v0, $0x0;
	v1 =	vbroadcast v1, $0x0  }
0x15: {  	v2 =	vimm.f32 $0.0e+00;
	s26 =	simm.s32 $0x2780;
	[dreg:$0x5] =	wrdreg s3;
	s11 =	sadd.s32 s0, s31  }
.LBB2_1:
0x16: {  	s0 =	simm.s32 $0x0;
	s3 =	simm.s32 $0x200  }
.LBB2_2:
0x17: {  	p0 =	sne.s32 s3, $0xFE00;
	[tilespmem:s0+$0x2870] =	vst v2  }
0x18: {  	[tilespmem:s0+$0x2800] =	vst v2  }
0x19: {  	[tilespmem:s0+$0x2810] =	vst v2  }
.Ltmp0:
0x1a: {  	[tilespmem:s0+$0x2820] =	vst v2;
	(pc) =	sbr.rel @p0 .LBB2_2-.Ltmp0, $4  }
0x1b: {  	[tilespmem:s0+$0x2830] =	vst v2  }
0x1c: {  	[tilespmem:s0+$0x2840] =	vst v2  }
0x1d: {  	[tilespmem:s0+$0x2850] =	vst v2  }
0x1e: {  	[tilespmem:s0+$0x2860] =	vst v2;
	s0 =	sshra.s32 s3, $0x2;
	s3 =	sadd.s32 $0x200, s3  }
0x1f: {  	[tilespmem:s0+$0x2870] =	vst v2  }
0x20: {  	[tilespmem:s0+$0x2800] =	vst v2  }
0x21: {  	[tilespmem:s0+$0x2810] =	vst v2  }
0x22: {  	[tilespmem:s0+$0x2820] =	vst v2  }
0x23: {  	[tilespmem:s0+$0x2830] =	vst v2  }
0x24: {  	[tilespmem:s0+$0x2840] =	vst v2  }
0x25: {  	[tilespmem:s0+$0x2850] =	vst v2  }
0x26: {  	[tilespmem:s0+$0x2860] =	vst v2  }
0x27: {  	[spmem:s5] =	stream.linear.scatter [tilespmem:s17], [sflag:$0x4], $0x4000, $0x38;
	[tilespmem:$0x1E800] =	vst v63  }
0x28: {  	_ =	swait.ge [sflag:s18], $0x4000  }
0x29: {  	[sflag:s18] =	ssyncset.done $0x0  }
0x2a: {  	[sflag:s18] =	ssyncadd.s32 $0xFFFFC000  }
0x2b: {  	[spmem:s13] =	stream.linear.scatter [tilespmem:s17], [sflag:$0x4], $0x4000, $0x38;
	[tilespmem:$0x1E800] =	vst v63  }
0x2c: {  	_ =	swait.ge [sflag:s18], $0x4000  }
0x2d: {  	[sflag:s18] =	ssyncset.done $0x0  }
0x2e: {  	[sflag:s18] =	ssyncadd.s32 $0xFFFFC000  }
0x2f: {  	[spmem:s14] =	stream.linear.scatter [tilespmem:s17], [sflag:$0x4], $0x4000, $0x38;
	[tilespmem:$0x1E800] =	vst v63  }
0x30: {  	_ =	swait.ge [sflag:s18], $0x4000  }
0x31: {  	[sflag:s18] =	ssyncset.done $0x0  }
0x32: {  	[sflag:s18] =	ssyncadd.s32 $0xFFFFC000  }
0x33: {  	[spmem:s15] =	stream.linear.scatter [tilespmem:s17], [sflag:$0x4], $0x4000, $0x38;
	[tilespmem:$0x1E800] =	vst v63  }
0x34: {  	_ =	swait.ge [sflag:s18], $0x4000  }
0x35: {  	[sflag:s18] =	ssyncset.done $0x0  }
0x36: {  	[sflag:s18] =	ssyncadd.s32 $0xFFFFC000  }
0x37: {  	[spmem:s16] =	stream.linear.scatter [tilespmem:s17], [sflag:$0x4], $0x4000, $0x38;
	[tilespmem:$0x1E800] =	vst v63  }
0x38: {  	_ =	swait.ge [sflag:s18], $0x4000  }
0x39: {  	[sflag:s18] =	ssyncset.done $0x0  }
0x3a: {  	[sflag:s18] =	ssyncadd.s32 $0xFFFFC000  }
0x3b: {  	[bflag:$0x0] =	sbarrier.arrive $0xFFFF  }
0x3c: {  	[tilespmem:s19], [sflag:$0x4] =	stream.linear.gather [hbm4b:s6+s4], $0x1400, $0x38;
	[tilespmem:$0x1E800] =	vst v63  }
0x3d: {  	_ =	swait.ge [sflag:s18], $0x1400  }
0x3e: {  	[sflag:s18] =	ssyncset.done $0x0  }
0x3f: {  	[sflag:s18] =	ssyncadd.s32 $0xFFFFEC00  }
0x40: {  	[tilespmem:s4], [sflag:$0x4] =	stream.linear.gather [hbm4b:s7+s4], $0x1400, $0x38;
	[tilespmem:$0x1E800] =	vst v63  }
0x41: {  	_ =	swait.ge [sflag:s18], $0x1400  }
0x42: {  	[sflag:s18] =	ssyncset.done $0x0  }
0x43: {  	s30 =	simm.s32 $0x70;
	[sflag:s18] =	ssyncadd.s32 $0xFFFFEC00  }
0x44: {  	v5 =	vld [tilespmem:s30+$0xFFFFFF90]  }
0x45: {  	v7 =	vld [tilespmem:s30+$0xFFFFFFA0]  }
0x46: {  	v6 =	vld [tilespmem:s30+$0xFFFFFFB0]  }
0x47: {  	v4 =	vld [tilespmem:s30+$0xFFFFFFC0]  }
0x48: {  	v3 =	vld [tilespmem:s30+$0xFFFFFFD0]  }
0x49: {  	s0 =	simm.s32 $0x3C0;
	v8 =	vadd.s32 v0, v5;
	v5 =	vld [tilespmem:s30+$0xFFFFFFE0]  }
.LBB2_4:
0x4a: {  	p0 =	sne.s32 s0, $0x4FC0;
	[tilespmem:s30+$0xFFFFFF90] =	vst v8;
	v7 =	vadd.s32 v0, v7;
	v8 =	vld [tilespmem:s30+$0x0]  }
0x4b: {  	s3 =	sshra.s32 s0, $0x2;
	[tilespmem:s30+$0xFFFFFFA0] =	vst v7;
	v6 =	vadd.s32 v0, v6;
	v9 =	vld [tilespmem:s30+$0xFFFFFFF0]  }
0x4c: {  	v10 =	vld [tilespmem:s3+$0xFFFFFF90];
	[tilespmem:s30+$0xFFFFFFB0] =	vst v6;
	v4 =	vadd.s32 v0, v4  }
.Ltmp1:
0x4d: {  	v7 =	vld [tilespmem:s3+$0xFFFFFFA0];
	[tilespmem:s30+$0xFFFFFFC0] =	vst v4;
	v3 =	vadd.s32 v0, v3;
	(pc) =	sbr.rel @p0 .LBB2_4-.Ltmp1, $4  }
0x4e: {  	v6 =	vld [tilespmem:s3+$0xFFFFFFB0];
	[tilespmem:s30+$0xFFFFFFD0] =	vst v3;
	v3 =	vadd.s32 v0, v5  }
0x4f: {  	v4 =	vld [tilespmem:s3+$0xFFFFFFC0];
	[tilespmem:s30+$0xFFFFFFE0] =	vst v3;
	v5 =	vadd.s32 v0, v8  }
0x50: {  	v3 =	vld [tilespmem:s3+$0xFFFFFFD0];
	v9 =	vadd.s32 v0, v9;
	[tilespmem:s30+$0x0] =	vst v5  }
0x51: {  	s0 =	sadd.s32 $0x200, s0;
	v8 =	vadd.s32 v0, v10;
	v5 =	vld [tilespmem:s3+$0xFFFFFFE0];
	[tilespmem:s30+$0xFFFFFFF0] =	vst v9;
	s30 =	smov.u32 s3  }
0x52: {  	[tilespmem:s30+$0xFFFFFF90] =	vst v8;
	v7 =	vadd.s32 v0, v7;
	v61 =	vld [tilespmem:s30+$0x0]  }
0x53: {  	v62 =	vld [tilespmem:s30+$0xFFFFFFF0];
	[tilespmem:s30+$0xFFFFFFA0] =	vst v7;
	v6 =	vadd.s32 v0, v6  }
0x54: {  	[tilespmem:s30+$0xFFFFFFB0] =	vst v6;
	v4 =	vadd.s32 v0, v4  }
0x55: {  	[tilespmem:s30+$0xFFFFFFC0] =	vst v4;
	v3 =	vadd.s32 v0, v3  }
0x56: {  	[tilespmem:s30+$0xFFFFFFD0] =	vst v3;
	v3 =	vadd.s32 v0, v5  }
0x57: {  	[tilespmem:s30+$0xFFFFFFE0] =	vst v3;
	v3 =	vadd.s32 v0, v61  }
0x58: {  	v63 =	vadd.s32 v0, v62;
	[tilespmem:s30+$0x0] =	vst v3  }
0x59: {  	s0 =	simm.s32 $0x0;
	[tilespmem:s30+$0xFFFFFFF0] =	vst v63  }
0x5a: {  	[tilespmem:s17], [sflag:$0x1] =	stream.indirect.gather [hbm4b:s1+s20], $0x80, s0, s20, $0xb8;
	[tilespmem:$0x1E800] =	vst v63  }
0x5b: {  	_ =	swait.ge [sflag:s21], $0x4000  }
0x5c: {  	[sflag:s21] =	ssyncset.done $0x0  }
0x5d: {  	s3 =	simm.s32 $0x80;
	[sflag:s21] =	ssyncadd.s32 $0xFFFFC000  }
0x5e: {  	[tilespmem:s22], [sflag:$0x2] =	stream.indirect.gather [hbm4b:s1+s20], $0x80, s3, s20, $0xb8;
	[tilespmem:$0x1E800] =	vst v63  }
0x5f: {  	s10 =	simm.s32 $0x1400  }
0x60: {  	[spmem:s2] =	stream.indirect.scatter.add.f32 [tilespmem:s17], [sflag:$0x4], $0x80, s10, s20, $0xb8;
	[tilespmem:$0x1E800] =	vst v63  }
0x61: {  	_ =	swait.ge [sflag:s18], $0x4000  }
0x62: {  	[sflag:s18] =	ssyncset.done $0x0  }
0x63: {  	[sflag:s18] =	ssyncadd.s32 $0xFFFFC000  }
0x64: {  	_ =	swait.ge [sflag:s23], $0x4000  }
0x65: {  	[sflag:s23] =	ssyncset.done $0x0  }
0x66: {  	s30 =	simm.s32 $0x100;
	[sflag:s23] =	ssyncadd.s32 $0xFFFFC000  }
0x67: {  	[tilespmem:s17], [sflag:$0x1] =	stream.indirect.gather [hbm4b:s1+s20], $0x80, s30, s20, $0xb8;
	[tilespmem:$0x1E800] =	vst v63  }
0x68: {  	s31 =	simm.s32 $0x1480  }
0x69: {  	[spmem:s2] =	stream.indirect.scatter.add.f32 [tilespmem:s22], [sflag:$0x4], $0x80, s31, s20, $0xb8;
	[tilespmem:$0x1E800] =	vst v63  }
0x6a: {  	_ =	swait.ge [sflag:s18], $0x4000  }
0x6b: {  	s0 =	simm.s32 $0x400;
	[sflag:s18] =	ssyncset.done $0x0  }
.LBB2_6:
0x6c: {  	p0 =	sne.s32 s0, $0x4800  }
0x6d: {  	[sflag:s18] =	ssyncadd.s32 $0xFFFFC000;
	s3 =	smov.u32 s0;
	s0 =	sadd.s32 $0x400, s0  }
0x6e: {  	_ = 	snop  }
0x6f: {  	_ =	swait.ge [sflag:s21], $0x4000  }
0x70: {  	s3 =	sshra.s32 s3, $0x2;
	[sflag:s21] =	ssyncset.done $0x0  }
0x71: {  	s30 =	sadd.s32 $0x80, s3;
	[sflag:s21] =	ssyncadd.s32 $0xFFFFC000  }
0x72: {  	[tilespmem:s22], [sflag:$0x2] =	stream.indirect.gather [hbm4b:s1+s20], $0x80, s30, s20, $0xb8;
	[tilespmem:$0x1E800] =	vst v63  }
0x73: {  	s30 =	sadd.s32 $0x1400, s3  }
0x74: {  	[spmem:s2] =	stream.indirect.scatter.add.f32 [tilespmem:s17], [sflag:$0x4], $0x80, s30, s20, $0xb8;
	[tilespmem:$0x1E800] =	vst v63  }
0x75: {  	_ =	swait.ge [sflag:s18], $0x4000  }
0x76: {  	[sflag:s18] =	ssyncset.done $0x0  }
0x77: {  	[sflag:s18] =	ssyncadd.s32 $0xFFFFC000  }
0x78: {  	_ =	swait.ge [sflag:s23], $0x4000  }
0x79: {  	[sflag:s23] =	ssyncset.done $0x0  }
0x7a: {  	s30 =	sadd.s32 $0x100, s3;
	[sflag:s23] =	ssyncadd.s32 $0xFFFFC000  }
0x7b: {  	[tilespmem:s17], [sflag:$0x1] =	stream.indirect.gather [hbm4b:s1+s20], $0x80, s30, s20, $0xb8;
	[tilespmem:$0x1E800] =	vst v63  }
.Ltmp2:
0x7c: {  	_ = 	snop;
	(pc) =	sbr.rel @p0 .LBB2_6-.Ltmp2, $4  }
0x7d: {  	s3 =	sadd.s32 $0x1480, s3  }
0x7e: {  	[spmem:s2] =	stream.indirect.scatter.add.f32 [tilespmem:s22], [sflag:$0x4], $0x80, s3, s20, $0xb8;
	[tilespmem:$0x1E800] =	vst v63  }
0x7f: {  	_ =	swait.ge [sflag:s18], $0x4000  }
0x80: {  	[sflag:s18] =	ssyncset.done $0x0  }
0x81: {  	[sflag:s18] =	ssyncadd.s32 $0xFFFFC000  }
0x82: {  	_ =	swait.ge [sflag:s21], $0x4000  }
0x83: {  	[sflag:s21] =	ssyncset.done $0x0  }
0x84: {  	[sflag:s21] =	ssyncadd.s32 $0xFFFFC000  }
0x85: {  	[tilespmem:s22], [sflag:$0x2] =	stream.indirect.gather [hbm4b:s1+s20], $0x80, s24, s20, $0xb8;
	[tilespmem:$0x1E800] =	vst v63  }
0x86: {  	_ = 	snop  }
0x87: {  	[spmem:s2] =	stream.indirect.scatter.add.f32 [tilespmem:s17], [sflag:$0x4], $0x80, s25, s20, $0xb8;
	[tilespmem:$0x1E800] =	vst v63  }
0x88: {  	_ =	swait.ge [sflag:s18], $0x4000  }
0x89: {  	[sflag:s18] =	ssyncset.done $0x0  }
0x8a: {  	[sflag:s18] =	ssyncadd.s32 $0xFFFFC000  }
0x8b: {  	_ =	swait.ge [sflag:s23], $0x4000  }
0x8c: {  	[sflag:s23] =	ssyncset.done $0x0  }
0x8d: {  	[sflag:s23] =	ssyncadd.s32 $0xFFFFC000  }
0x8e: {  	[spmem:s2] =	stream.indirect.scatter.add.f32 [tilespmem:s22], [sflag:$0x4], $0x80, s26, s20, $0xb8;
	[tilespmem:$0x1E800] =	vst v63  }
0x8f: {  	_ =	swait.ge [sflag:s18], $0x4000  }
0x90: {  	[sflag:s18] =	ssyncset.done $0x0  }
0x91: {  	[sflag:s18] =	ssyncadd.s32 $0xFFFFC000  }
0x92: {  	[tilespmem:s19], [sflag:$0x4] =	stream.linear.gather [hbm4b:s8+s4], $0x1400, $0x38;
	[tilespmem:$0x1E800] =	vst v63  }
0x93: {  	_ =	swait.ge [sflag:s18], $0x1400  }
0x94: {  	[sflag:s18] =	ssyncset.done $0x0  }
0x95: {  	[sflag:s18] =	ssyncadd.s32 $0xFFFFEC00  }
0x96: {  	[tilespmem:s4], [sflag:$0x4] =	stream.linear.gather [hbm4b:s9+s4], $0x1400, $0x38;
	[tilespmem:$0x1E800] =	vst v63  }
0x97: {  	_ =	swait.ge [sflag:s18], $0x1400  }
0x98: {  	[sflag:s18] =	ssyncset.done $0x0  }
0x99: {  	s30 =	simm.s32 $0x70;
	[sflag:s18] =	ssyncadd.s32 $0xFFFFEC00  }
0x9a: {  	v5 =	vld [tilespmem:s30+$0xFFFFFF90]  }
0x9b: {  	v7 =	vld [tilespmem:s30+$0xFFFFFFA0]  }
0x9c: {  	v6 =	vld [tilespmem:s30+$0xFFFFFFB0]  }
0x9d: {  	v4 =	vld [tilespmem:s30+$0xFFFFFFC0]  }
0x9e: {  	v3 =	vld [tilespmem:s30+$0xFFFFFFD0]  }
0x9f: {  	s0 =	simm.s32 $0x3C0;
	v8 =	vadd.s32 v0, v5;
	v5 =	vld [tilespmem:s30+$0xFFFFFFE0]  }
.LBB2_8:
0xa0: {  	p0 =	sne.s32 s0, $0x4FC0;
	[tilespmem:s30+$0xFFFFFF90] =	vst v8;
	v7 =	vadd.s32 v0, v7;
	v8 =	vld [tilespmem:s30+$0x0]  }
0xa1: {  	s3 =	sshra.s32 s0, $0x2;
	[tilespmem:s30+$0xFFFFFFA0] =	vst v7;
	v6 =	vadd.s32 v0, v6;
	v9 =	vld [tilespmem:s30+$0xFFFFFFF0]  }
0xa2: {  	v10 =	vld [tilespmem:s3+$0xFFFFFF90];
	[tilespmem:s30+$0xFFFFFFB0] =	vst v6;
	v4 =	vadd.s32 v0, v4  }
.Ltmp3:
0xa3: {  	v7 =	vld [tilespmem:s3+$0xFFFFFFA0];
	[tilespmem:s30+$0xFFFFFFC0] =	vst v4;
	v3 =	vadd.s32 v0, v3;
	(pc) =	sbr.rel @p0 .LBB2_8-.Ltmp3, $4  }
0xa4: {  	v6 =	vld [tilespmem:s3+$0xFFFFFFB0];
	[tilespmem:s30+$0xFFFFFFD0] =	vst v3;
	v3 =	vadd.s32 v0, v5  }
0xa5: {  	v4 =	vld [tilespmem:s3+$0xFFFFFFC0];
	[tilespmem:s30+$0xFFFFFFE0] =	vst v3;
	v5 =	vadd.s32 v0, v8  }
0xa6: {  	v3 =	vld [tilespmem:s3+$0xFFFFFFD0];
	v9 =	vadd.s32 v0, v9;
	[tilespmem:s30+$0x0] =	vst v5  }
0xa7: {  	s0 =	sadd.s32 $0x200, s0;
	v8 =	vadd.s32 v0, v10;
	v5 =	vld [tilespmem:s3+$0xFFFFFFE0];
	[tilespmem:s30+$0xFFFFFFF0] =	vst v9;
	s30 =	smov.u32 s3  }
0xa8: {  	[tilespmem:s30+$0xFFFFFF90] =	vst v8;
	v7 =	vadd.s32 v0, v7;
	v61 =	vld [tilespmem:s30+$0x0]  }
0xa9: {  	v62 =	vld [tilespmem:s30+$0xFFFFFFF0];
	[tilespmem:s30+$0xFFFFFFA0] =	vst v7;
	v6 =	vadd.s32 v0, v6  }
0xaa: {  	[tilespmem:s30+$0xFFFFFFB0] =	vst v6;
	v4 =	vadd.s32 v0, v4  }
0xab: {  	[tilespmem:s30+$0xFFFFFFC0] =	vst v4;
	v3 =	vadd.s32 v0, v3  }
0xac: {  	[tilespmem:s30+$0xFFFFFFD0] =	vst v3;
	v3 =	vadd.s32 v0, v5  }
0xad: {  	[tilespmem:s30+$0xFFFFFFE0] =	vst v3;
	v3 =	vadd.s32 v0, v61  }
0xae: {  	v63 =	vadd.s32 v0, v62;
	[tilespmem:s30+$0x0] =	vst v3  }
0xaf: {  	s0 =	simm.s32 $0x0;
	[tilespmem:s30+$0xFFFFFFF0] =	vst v63  }
0xb0: {  	[tilespmem:s17], [sflag:$0x1] =	stream.indirect.gather [hbm4b:s1+s20], $0x80, s0, s20, $0xb8;
	[tilespmem:$0x1E800] =	vst v63  }
0xb1: {  	_ =	swait.ge [sflag:s21], $0x4000  }
0xb2: {  	[sflag:s21] =	ssyncset.done $0x0  }
0xb3: {  	s3 =	simm.s32 $0x80;
	[sflag:s21] =	ssyncadd.s32 $0xFFFFC000  }
0xb4: {  	[tilespmem:s22], [sflag:$0x2] =	stream.indirect.gather [hbm4b:s1+s20], $0x80, s3, s20, $0xb8;
	[tilespmem:$0x1E800] =	vst v63  }
0xb5: {  	s10 =	simm.s32 $0x1400  }
0xb6: {  	[spmem:s2] =	stream.indirect.scatter.add.f32 [tilespmem:s17], [sflag:$0x4], $0x80, s10, s20, $0xb8;
	[tilespmem:$0x1E800] =	vst v63  }
0xb7: {  	_ =	swait.ge [sflag:s18], $0x4000  }
0xb8: {  	[sflag:s18] =	ssyncset.done $0x0  }
0xb9: {  	[sflag:s18] =	ssyncadd.s32 $0xFFFFC000  }
0xba: {  	_ =	swait.ge [sflag:s23], $0x4000  }
0xbb: {  	[sflag:s23] =	ssyncset.done $0x0  }
0xbc: {  	s30 =	simm.s32 $0x100;
	[sflag:s23] =	ssyncadd.s32 $0xFFFFC000  }
0xbd: {  	[tilespmem:s17], [sflag:$0x1] =	stream.indirect.gather [hbm4b:s1+s20], $0x80, s30, s20, $0xb8;
	[tilespmem:$0x1E800] =	vst v63  }
0xbe: {  	s31 =	simm.s32 $0x1480  }
0xbf: {  	[spmem:s2] =	stream.indirect.scatter.add.f32 [tilespmem:s22], [sflag:$0x4], $0x80, s31, s20, $0xb8;
	[tilespmem:$0x1E800] =	vst v63  }
0xc0: {  	_ =	swait.ge [sflag:s18], $0x4000  }
0xc1: {  	s0 =	simm.s32 $0x400;
	[sflag:s18] =	ssyncset.done $0x0  }
.LBB2_10:
0xc2: {  	p0 =	sne.s32 s0, $0x4800  }
0xc3: {  	[sflag:s18] =	ssyncadd.s32 $0xFFFFC000;
	s3 =	smov.u32 s0;
	s0 =	sadd.s32 $0x400, s0  }
0xc4: {  	_ = 	snop  }
0xc5: {  	_ =	swait.ge [sflag:s21], $0x4000  }
0xc6: {  	s3 =	sshra.s32 s3, $0x2;
	[sflag:s21] =	ssyncset.done $0x0  }
0xc7: {  	s30 =	sadd.s32 $0x80, s3;
	[sflag:s21] =	ssyncadd.s32 $0xFFFFC000  }
0xc8: {  	[tilespmem:s22], [sflag:$0x2] =	stream.indirect.gather [hbm4b:s1+s20], $0x80, s30, s20, $0xb8;
	[tilespmem:$0x1E800] =	vst v63  }
0xc9: {  	s30 =	sadd.s32 $0x1400, s3  }
0xca: {  	[spmem:s2] =	stream.indirect.scatter.add.f32 [tilespmem:s17], [sflag:$0x4], $0x80, s30, s20, $0xb8;
	[tilespmem:$0x1E800] =	vst v63  }
0xcb: {  	_ =	swait.ge [sflag:s18], $0x4000  }
0xcc: {  	[sflag:s18] =	ssyncset.done $0x0  }
0xcd: {  	[sflag:s18] =	ssyncadd.s32 $0xFFFFC000  }
0xce: {  	_ =	swait.ge [sflag:s23], $0x4000  }
0xcf: {  	[sflag:s23] =	ssyncset.done $0x0  }
0xd0: {  	s30 =	sadd.s32 $0x100, s3;
	[sflag:s23] =	ssyncadd.s32 $0xFFFFC000  }
0xd1: {  	[tilespmem:s17], [sflag:$0x1] =	stream.indirect.gather [hbm4b:s1+s20], $0x80, s30, s20, $0xb8;
	[tilespmem:$0x1E800] =	vst v63  }
.Ltmp4:
0xd2: {  	_ = 	snop;
	(pc) =	sbr.rel @p0 .LBB2_10-.Ltmp4, $4  }
0xd3: {  	s3 =	sadd.s32 $0x1480, s3  }
0xd4: {  	[spmem:s2] =	stream.indirect.scatter.add.f32 [tilespmem:s22], [sflag:$0x4], $0x80, s3, s20, $0xb8;
	[tilespmem:$0x1E800] =	vst v63  }
0xd5: {  	_ =	swait.ge [sflag:s18], $0x4000  }
0xd6: {  	[sflag:s18] =	ssyncset.done $0x0  }
0xd7: {  	[sflag:s18] =	ssyncadd.s32 $0xFFFFC000  }
0xd8: {  	_ =	swait.ge [sflag:s21], $0x4000  }
0xd9: {  	[sflag:s21] =	ssyncset.done $0x0  }
0xda: {  	[sflag:s21] =	ssyncadd.s32 $0xFFFFC000  }
0xdb: {  	[tilespmem:s22], [sflag:$0x2] =	stream.indirect.gather [hbm4b:s1+s20], $0x80, s24, s20, $0xb8;
	[tilespmem:$0x1E800] =	vst v63  }
0xdc: {  	_ = 	snop  }
0xdd: {  	[spmem:s2] =	stream.indirect.scatter.add.f32 [tilespmem:s17], [sflag:$0x4], $0x80, s25, s20, $0xb8;
	[tilespmem:$0x1E800] =	vst v63  }
0xde: {  	_ =	swait.ge [sflag:s18], $0x4000  }
0xdf: {  	[sflag:s18] =	ssyncset.done $0x0  }
0xe0: {  	[sflag:s18] =	ssyncadd.s32 $0xFFFFC000  }
0xe1: {  	_ =	swait.ge [sflag:s23], $0x4000  }
0xe2: {  	[sflag:s23] =	ssyncset.done $0x0  }
0xe3: {  	[sflag:s23] =	ssyncadd.s32 $0xFFFFC000  }
0xe4: {  	[spmem:s2] =	stream.indirect.scatter.add.f32 [tilespmem:s22], [sflag:$0x4], $0x80, s26, s20, $0xb8;
	[tilespmem:$0x1E800] =	vst v63  }
0xe5: {  	_ =	swait.ge [sflag:s18], $0x4000  }
0xe6: {  	[sflag:s18] =	ssyncset.done $0x0  }
0xe7: {  	s0 =	stileid.u32;
	s31 =	sshrl.u32 s5, $0x3;
	[sflag:s18] =	ssyncadd.s32 $0xFFFFC000  }
0xe8: {  	s3 =	simm.s32 $0x200;
	s0 =	sshll.u32 s0, $0x6;
	[bflag:$0x0] =	sbarrier.arrive $0xFFFF  }
0xe9: {  	s30 =	sor.u32 $0x1C03, s0;
	s0 =	simm.s32 $0x0;
	s10 =	rddreg [dreg:$0x5]  }
0xea: {  	[hbm:s10], [sflag:s30] =	dma.local [spmem:s31], $0x2800  }
.LBB2_12:
0xeb: {  	p0 =	sne.s32 s3, $0xFE00;
	[tilespmem:s0+$0x2870] =	vst v2  }
0xec: {  	[tilespmem:s0+$0x2800] =	vst v2  }
0xed: {  	[tilespmem:s0+$0x2810] =	vst v2  }
.Ltmp5:
0xee: {  	[tilespmem:s0+$0x2820] =	vst v2;
	(pc) =	sbr.rel @p0 .LBB2_12-.Ltmp5, $4  }
0xef: {  	[tilespmem:s0+$0x2830] =	vst v2  }
0xf0: {  	[tilespmem:s0+$0x2840] =	vst v2  }
0xf1: {  	[tilespmem:s0+$0x2850] =	vst v2  }
0xf2: {  	[tilespmem:s0+$0x2860] =	vst v2;
	s0 =	sshra.s32 s3, $0x2;
	s3 =	sadd.s32 $0x200, s3  }
0xf3: {  	[tilespmem:s0+$0x2870] =	vst v2  }
0xf4: {  	[tilespmem:s0+$0x2800] =	vst v2  }
0xf5: {  	[tilespmem:s0+$0x2810] =	vst v2  }
0xf6: {  	[tilespmem:s0+$0x2820] =	vst v2  }
0xf7: {  	[tilespmem:s0+$0x2830] =	vst v2  }
0xf8: {  	[tilespmem:s0+$0x2840] =	vst v2  }
0xf9: {  	[tilespmem:s0+$0x2850] =	vst v2  }
0xfa: {  	[tilespmem:s0+$0x2860] =	vst v2  }
0xfb: {  	_ =	swait.ge [sflag:s28], $0x2800  }
0xfc: {  	[sflag:s28] =	ssyncset.done $0x0  }
0xfd: {  	[sflag:s28] =	ssyncadd.s32 $0xFFFFD800  }
0xfe: {  	[spmem:s5] =	stream.linear.scatter [tilespmem:s17], [sflag:$0x4], $0x4000, $0x38;
	[tilespmem:$0x1E800] =	vst v63  }
0xff: {  	_ =	swait.ge [sflag:s18], $0x4000  }
0x100: {  	[sflag:s18] =	ssyncset.done $0x0  }
0x101: {  	[sflag:s18] =	ssyncadd.s32 $0xFFFFC000  }
0x102: {  	[spmem:s13] =	stream.linear.scatter [tilespmem:s17], [sflag:$0x4], $0x4000, $0x38;
	[tilespmem:$0x1E800] =	vst v63  }
0x103: {  	_ =	swait.ge [sflag:s18], $0x4000  }
0x104: {  	[sflag:s18] =	ssyncset.done $0x0  }
0x105: {  	[sflag:s18] =	ssyncadd.s32 $0xFFFFC000  }
0x106: {  	[spmem:s14] =	stream.linear.scatter [tilespmem:s17], [sflag:$0x4], $0x4000, $0x38;
	[tilespmem:$0x1E800] =	vst v63  }
0x107: {  	_ =	swait.ge [sflag:s18], $0x4000  }
0x108: {  	[sflag:s18] =	ssyncset.done $0x0  }
0x109: {  	[sflag:s18] =	ssyncadd.s32 $0xFFFFC000  }
0x10a: {  	[spmem:s15] =	stream.linear.scatter [tilespmem:s17], [sflag:$0x4], $0x4000, $0x38;
	[tilespmem:$0x1E800] =	vst v63  }
0x10b: {  	_ =	swait.ge [sflag:s18], $0x4000  }
0x10c: {  	[sflag:s18] =	ssyncset.done $0x0  }
0x10d: {  	[sflag:s18] =	ssyncadd.s32 $0xFFFFC000  }
0x10e: {  	[spmem:s16] =	stream.linear.scatter [tilespmem:s17], [sflag:$0x4], $0x4000, $0x38;
	[tilespmem:$0x1E800] =	vst v63  }
0x10f: {  	_ =	swait.ge [sflag:s18], $0x4000  }
0x110: {  	[sflag:s18] =	ssyncset.done $0x0  }
0x111: {  	[sflag:s18] =	ssyncadd.s32 $0xFFFFC000  }
0x112: {  	[bflag:$0x0] =	sbarrier.arrive $0xFFFF  }
0x113: {  	[tilespmem:s19], [sflag:$0x4] =	stream.linear.gather [hbm4b:s6+s4], $0x1400, $0x38;
	[tilespmem:$0x1E800] =	vst v63  }
0x114: {  	_ =	swait.ge [sflag:s18], $0x1400  }
0x115: {  	[sflag:s18] =	ssyncset.done $0x0  }
0x116: {  	[sflag:s18] =	ssyncadd.s32 $0xFFFFEC00  }
0x117: {  	[tilespmem:s4], [sflag:$0x4] =	stream.linear.gather [hbm4b:s7+s4], $0x1400, $0x38;
	[tilespmem:$0x1E800] =	vst v63  }
0x118: {  	_ =	swait.ge [sflag:s18], $0x1400  }
0x119: {  	[sflag:s18] =	ssyncset.done $0x0  }
0x11a: {  	s0 =	simm.s32 $0x70;
	[sflag:s18] =	ssyncadd.s32 $0xFFFFEC00  }
0x11b: {  	v5 =	vld [tilespmem:s0+$0xFFFFFF90]  }
0x11c: {  	v7 =	vld [tilespmem:s0+$0xFFFFFFA0]  }
0x11d: {  	v6 =	vld [tilespmem:s0+$0xFFFFFFB0]  }
0x11e: {  	v4 =	vld [tilespmem:s0+$0xFFFFFFC0]  }
0x11f: {  	v3 =	vld [tilespmem:s0+$0xFFFFFFD0]  }
0x120: {  	s3 =	simm.s32 $0x3C0;
	v8 =	vadd.s32 v1, v5;
	v5 =	vld [tilespmem:s0+$0xFFFFFFE0]  }
.LBB2_14:
0x121: {  	p0 =	sne.s32 s3, $0x4FC0;
	[tilespmem:s0+$0xFFFFFF90] =	vst v8;
	v7 =	vadd.s32 v1, v7;
	v8 =	vld [tilespmem:s0+$0x0]  }
0x122: {  	s10 =	sshra.s32 s3, $0x2;
	[tilespmem:s0+$0xFFFFFFA0] =	vst v7;
	v6 =	vadd.s32 v1, v6;
	v9 =	vld [tilespmem:s0+$0xFFFFFFF0]  }
0x123: {  	v10 =	vld [tilespmem:s10+$0xFFFFFF90];
	[tilespmem:s0+$0xFFFFFFB0] =	vst v6;
	v4 =	vadd.s32 v1, v4  }
.Ltmp6:
0x124: {  	v7 =	vld [tilespmem:s10+$0xFFFFFFA0];
	[tilespmem:s0+$0xFFFFFFC0] =	vst v4;
	v3 =	vadd.s32 v1, v3;
	(pc) =	sbr.rel @p0 .LBB2_14-.Ltmp6, $4  }
0x125: {  	v6 =	vld [tilespmem:s10+$0xFFFFFFB0];
	[tilespmem:s0+$0xFFFFFFD0] =	vst v3;
	v3 =	vadd.s32 v1, v5  }
0x126: {  	v4 =	vld [tilespmem:s10+$0xFFFFFFC0];
	[tilespmem:s0+$0xFFFFFFE0] =	vst v3;
	v5 =	vadd.s32 v1, v8  }
0x127: {  	v3 =	vld [tilespmem:s10+$0xFFFFFFD0];
	v9 =	vadd.s32 v1, v9;
	[tilespmem:s0+$0x0] =	vst v5  }
0x128: {  	s3 =	sadd.s32 $0x200, s3;
	v8 =	vadd.s32 v1, v10;
	v5 =	vld [tilespmem:s10+$0xFFFFFFE0];
	[tilespmem:s0+$0xFFFFFFF0] =	vst v9;
	s0 =	smov.u32 s10  }
0x129: {  	[tilespmem:s0+$0xFFFFFF90] =	vst v8;
	v7 =	vadd.s32 v1, v7;
	v61 =	vld [tilespmem:s0+$0x0]  }
0x12a: {  	v62 =	vld [tilespmem:s0+$0xFFFFFFF0];
	[tilespmem:s0+$0xFFFFFFA0] =	vst v7;
	v6 =	vadd.s32 v1, v6  }
0x12b: {  	[tilespmem:s0+$0xFFFFFFB0] =	vst v6;
	v4 =	vadd.s32 v1, v4  }
0x12c: {  	[tilespmem:s0+$0xFFFFFFC0] =	vst v4;
	v3 =	vadd.s32 v1, v3  }
0x12d: {  	[tilespmem:s0+$0xFFFFFFD0] =	vst v3;
	v3 =	vadd.s32 v1, v5  }
0x12e: {  	[tilespmem:s0+$0xFFFFFFE0] =	vst v3;
	v3 =	vadd.s32 v1, v61  }
0x12f: {  	v63 =	vadd.s32 v1, v62;
	[tilespmem:s0+$0x0] =	vst v3  }
0x130: {  	s10 =	simm.s32 $0x0;
	[tilespmem:s0+$0xFFFFFFF0] =	vst v63  }
0x131: {  	[tilespmem:s17], [sflag:$0x1] =	stream.indirect.gather [hbm4b:s1+s20], $0x80, s10, s20, $0xb8;
	[tilespmem:$0x1E800] =	vst v63  }
0x132: {  	_ =	swait.ge [sflag:s21], $0x4000  }
0x133: {  	[sflag:s21] =	ssyncset.done $0x0  }
0x134: {  	s3 =	simm.s32 $0x80;
	[sflag:s21] =	ssyncadd.s32 $0xFFFFC000  }
0x135: {  	[tilespmem:s22], [sflag:$0x2] =	stream.indirect.gather [hbm4b:s1+s20], $0x80, s3, s20, $0xb8;
	[tilespmem:$0x1E800] =	vst v63  }
0x136: {  	s10 =	simm.s32 $0x1400  }
0x137: {  	[spmem:s2] =	stream.indirect.scatter.add.f32 [tilespmem:s17], [sflag:$0x4], $0x80, s10, s20, $0xb8;
	[tilespmem:$0x1E800] =	vst v63  }
0x138: {  	_ =	swait.ge [sflag:s18], $0x4000  }
0x139: {  	[sflag:s18] =	ssyncset.done $0x0  }
0x13a: {  	[sflag:s18] =	ssyncadd.s32 $0xFFFFC000  }
0x13b: {  	_ =	swait.ge [sflag:s23], $0x4000  }
0x13c: {  	[sflag:s23] =	ssyncset.done $0x0  }
0x13d: {  	s3 =	simm.s32 $0x100;
	[sflag:s23] =	ssyncadd.s32 $0xFFFFC000  }
0x13e: {  	[tilespmem:s17], [sflag:$0x1] =	stream.indirect.gather [hbm4b:s1+s20], $0x80, s3, s20, $0xb8;
	[tilespmem:$0x1E800] =	vst v63  }
0x13f: {  	s10 =	simm.s32 $0x1480  }
0x140: {  	[spmem:s2] =	stream.indirect.scatter.add.f32 [tilespmem:s22], [sflag:$0x4], $0x80, s10, s20, $0xb8;
	[tilespmem:$0x1E800] =	vst v63  }
0x141: {  	_ =	swait.ge [sflag:s18], $0x4000  }
0x142: {  	s0 =	simm.s32 $0x400;
	[sflag:s18] =	ssyncset.done $0x0  }
.LBB2_16:
0x143: {  	p0 =	sne.s32 s0, $0x4800  }
0x144: {  	[sflag:s18] =	ssyncadd.s32 $0xFFFFC000;
	s3 =	smov.u32 s0;
	s0 =	sadd.s32 $0x400, s0  }
0x145: {  	_ = 	snop  }
0x146: {  	_ =	swait.ge [sflag:s21], $0x4000  }
0x147: {  	s3 =	sshra.s32 s3, $0x2;
	[sflag:s21] =	ssyncset.done $0x0  }
0x148: {  	s10 =	sadd.s32 $0x80, s3;
	[sflag:s21] =	ssyncadd.s32 $0xFFFFC000  }
0x149: {  	[tilespmem:s22], [sflag:$0x2] =	stream.indirect.gather [hbm4b:s1+s20], $0x80, s10, s20, $0xb8;
	[tilespmem:$0x1E800] =	vst v63  }
0x14a: {  	s10 =	sadd.s32 $0x1400, s3  }
0x14b: {  	[spmem:s2] =	stream.indirect.scatter.add.f32 [tilespmem:s17], [sflag:$0x4], $0x80, s10, s20, $0xb8;
	[tilespmem:$0x1E800] =	vst v63  }
0x14c: {  	_ =	swait.ge [sflag:s18], $0x4000  }
0x14d: {  	[sflag:s18] =	ssyncset.done $0x0  }
0x14e: {  	[sflag:s18] =	ssyncadd.s32 $0xFFFFC000  }
0x14f: {  	_ =	swait.ge [sflag:s23], $0x4000  }
0x150: {  	[sflag:s23] =	ssyncset.done $0x0  }
0x151: {  	s10 =	sadd.s32 $0x100, s3;
	[sflag:s23] =	ssyncadd.s32 $0xFFFFC000  }
0x152: {  	[tilespmem:s17], [sflag:$0x1] =	stream.indirect.gather [hbm4b:s1+s20], $0x80, s10, s20, $0xb8;
	[tilespmem:$0x1E800] =	vst v63  }
.Ltmp7:
0x153: {  	_ = 	snop;
	(pc) =	sbr.rel @p0 .LBB2_16-.Ltmp7, $4  }
0x154: {  	s3 =	sadd.s32 $0x1480, s3  }
0x155: {  	[spmem:s2] =	stream.indirect.scatter.add.f32 [tilespmem:s22], [sflag:$0x4], $0x80, s3, s20, $0xb8;
	[tilespmem:$0x1E800] =	vst v63  }
0x156: {  	_ =	swait.ge [sflag:s18], $0x4000  }
0x157: {  	[sflag:s18] =	ssyncset.done $0x0  }
0x158: {  	[sflag:s18] =	ssyncadd.s32 $0xFFFFC000  }
0x159: {  	_ =	swait.ge [sflag:s21], $0x4000  }
0x15a: {  	[sflag:s21] =	ssyncset.done $0x0  }
0x15b: {  	[sflag:s21] =	ssyncadd.s32 $0xFFFFC000  }
0x15c: {  	[tilespmem:s22], [sflag:$0x2] =	stream.indirect.gather [hbm4b:s1+s20], $0x80, s24, s20, $0xb8;
	[tilespmem:$0x1E800] =	vst v63  }
0x15d: {  	_ = 	snop  }
0x15e: {  	[spmem:s2] =	stream.indirect.scatter.add.f32 [tilespmem:s17], [sflag:$0x4], $0x80, s25, s20, $0xb8;
	[tilespmem:$0x1E800] =	vst v63  }
0x15f: {  	_ =	swait.ge [sflag:s18], $0x4000  }
0x160: {  	[sflag:s18] =	ssyncset.done $0x0  }
0x161: {  	[sflag:s18] =	ssyncadd.s32 $0xFFFFC000  }
0x162: {  	_ =	swait.ge [sflag:s23], $0x4000  }
0x163: {  	[sflag:s23] =	ssyncset.done $0x0  }
0x164: {  	[sflag:s23] =	ssyncadd.s32 $0xFFFFC000  }
0x165: {  	[spmem:s2] =	stream.indirect.scatter.add.f32 [tilespmem:s22], [sflag:$0x4], $0x80, s26, s20, $0xb8;
	[tilespmem:$0x1E800] =	vst v63  }
0x166: {  	_ =	swait.ge [sflag:s18], $0x4000  }
0x167: {  	[sflag:s18] =	ssyncset.done $0x0  }
0x168: {  	[sflag:s18] =	ssyncadd.s32 $0xFFFFC000  }
0x169: {  	[tilespmem:s19], [sflag:$0x4] =	stream.linear.gather [hbm4b:s8+s4], $0x1400, $0x38;
	[tilespmem:$0x1E800] =	vst v63  }
0x16a: {  	_ =	swait.ge [sflag:s18], $0x1400  }
0x16b: {  	[sflag:s18] =	ssyncset.done $0x0  }
0x16c: {  	[sflag:s18] =	ssyncadd.s32 $0xFFFFEC00  }
0x16d: {  	[tilespmem:s4], [sflag:$0x4] =	stream.linear.gather [hbm4b:s9+s4], $0x1400, $0x38;
	[tilespmem:$0x1E800] =	vst v63  }
0x16e: {  	_ =	swait.ge [sflag:s18], $0x1400  }
0x16f: {  	[sflag:s18] =	ssyncset.done $0x0  }
0x170: {  	s0 =	simm.s32 $0x70;
	[sflag:s18] =	ssyncadd.s32 $0xFFFFEC00  }
0x171: {  	v5 =	vld [tilespmem:s0+$0xFFFFFF90]  }
0x172: {  	v7 =	vld [tilespmem:s0+$0xFFFFFFA0]  }
0x173: {  	v6 =	vld [tilespmem:s0+$0xFFFFFFB0]  }
0x174: {  	v4 =	vld [tilespmem:s0+$0xFFFFFFC0]  }
0x175: {  	v3 =	vld [tilespmem:s0+$0xFFFFFFD0]  }
0x176: {  	s3 =	simm.s32 $0x3C0;
	v8 =	vadd.s32 v1, v5;
	v5 =	vld [tilespmem:s0+$0xFFFFFFE0]  }
.LBB2_18:
0x177: {  	p0 =	sne.s32 s3, $0x4FC0;
	[tilespmem:s0+$0xFFFFFF90] =	vst v8;
	v7 =	vadd.s32 v1, v7;
	v8 =	vld [tilespmem:s0+$0x0]  }
0x178: {  	s10 =	sshra.s32 s3, $0x2;
	[tilespmem:s0+$0xFFFFFFA0] =	vst v7;
	v6 =	vadd.s32 v1, v6;
	v9 =	vld [tilespmem:s0+$0xFFFFFFF0]  }
0x179: {  	v10 =	vld [tilespmem:s10+$0xFFFFFF90];
	[tilespmem:s0+$0xFFFFFFB0] =	vst v6;
	v4 =	vadd.s32 v1, v4  }
.Ltmp8:
0x17a: {  	v7 =	vld [tilespmem:s10+$0xFFFFFFA0];
	[tilespmem:s0+$0xFFFFFFC0] =	vst v4;
	v3 =	vadd.s32 v1, v3;
	(pc) =	sbr.rel @p0 .LBB2_18-.Ltmp8, $4  }
0x17b: {  	v6 =	vld [tilespmem:s10+$0xFFFFFFB0];
	[tilespmem:s0+$0xFFFFFFD0] =	vst v3;
	v3 =	vadd.s32 v1, v5  }
0x17c: {  	v4 =	vld [tilespmem:s10+$0xFFFFFFC0];
	[tilespmem:s0+$0xFFFFFFE0] =	vst v3;
	v5 =	vadd.s32 v1, v8  }
0x17d: {  	v3 =	vld [tilespmem:s10+$0xFFFFFFD0];
	v9 =	vadd.s32 v1, v9;
	[tilespmem:s0+$0x0] =	vst v5  }
0x17e: {  	s3 =	sadd.s32 $0x200, s3;
	v8 =	vadd.s32 v1, v10;
	v5 =	vld [tilespmem:s10+$0xFFFFFFE0];
	[tilespmem:s0+$0xFFFFFFF0] =	vst v9;
	s0 =	smov.u32 s10  }
0x17f: {  	[tilespmem:s0+$0xFFFFFF90] =	vst v8;
	v7 =	vadd.s32 v1, v7;
	v61 =	vld [tilespmem:s0+$0x0]  }
0x180: {  	v62 =	vld [tilespmem:s0+$0xFFFFFFF0];
	[tilespmem:s0+$0xFFFFFFA0] =	vst v7;
	v6 =	vadd.s32 v1, v6  }
0x181: {  	[tilespmem:s0+$0xFFFFFFB0] =	vst v6;
	v4 =	vadd.s32 v1, v4  }
0x182: {  	[tilespmem:s0+$0xFFFFFFC0] =	vst v4;
	v3 =	vadd.s32 v1, v3  }
0x183: {  	[tilespmem:s0+$0xFFFFFFD0] =	vst v3;
	v3 =	vadd.s32 v1, v5  }
0x184: {  	[tilespmem:s0+$0xFFFFFFE0] =	vst v3;
	v3 =	vadd.s32 v1, v61  }
0x185: {  	v63 =	vadd.s32 v1, v62;
	[tilespmem:s0+$0x0] =	vst v3  }
0x186: {  	s10 =	simm.s32 $0x0;
	[tilespmem:s0+$0xFFFFFFF0] =	vst v63  }
0x187: {  	[tilespmem:s17], [sflag:$0x1] =	stream.indirect.gather [hbm4b:s1+s20], $0x80, s10, s20, $0xb8;
	[tilespmem:$0x1E800] =	vst v63  }
0x188: {  	_ =	swait.ge [sflag:s21], $0x4000  }
0x189: {  	[sflag:s21] =	ssyncset.done $0x0  }
0x18a: {  	s3 =	simm.s32 $0x80;
	[sflag:s21] =	ssyncadd.s32 $0xFFFFC000  }
0x18b: {  	[tilespmem:s22], [sflag:$0x2] =	stream.indirect.gather [hbm4b:s1+s20], $0x80, s3, s20, $0xb8;
	[tilespmem:$0x1E800] =	vst v63  }
0x18c: {  	s10 =	simm.s32 $0x1400  }
0x18d: {  	[spmem:s2] =	stream.indirect.scatter.add.f32 [tilespmem:s17], [sflag:$0x4], $0x80, s10, s20, $0xb8;
	[tilespmem:$0x1E800] =	vst v63  }
0x18e: {  	_ =	swait.ge [sflag:s18], $0x4000  }
0x18f: {  	[sflag:s18] =	ssyncset.done $0x0  }
0x190: {  	[sflag:s18] =	ssyncadd.s32 $0xFFFFC000  }
0x191: {  	_ =	swait.ge [sflag:s23], $0x4000  }
0x192: {  	[sflag:s23] =	ssyncset.done $0x0  }
0x193: {  	s3 =	simm.s32 $0x100;
	[sflag:s23] =	ssyncadd.s32 $0xFFFFC000  }
0x194: {  	[tilespmem:s17], [sflag:$0x1] =	stream.indirect.gather [hbm4b:s1+s20], $0x80, s3, s20, $0xb8;
	[tilespmem:$0x1E800] =	vst v63  }
0x195: {  	s10 =	simm.s32 $0x1480  }
0x196: {  	[spmem:s2] =	stream.indirect.scatter.add.f32 [tilespmem:s22], [sflag:$0x4], $0x80, s10, s20, $0xb8;
	[tilespmem:$0x1E800] =	vst v63  }
0x197: {  	_ =	swait.ge [sflag:s18], $0x4000  }
0x198: {  	s0 =	simm.s32 $0x400;
	[sflag:s18] =	ssyncset.done $0x0  }
.LBB2_20:
0x199: {  	p0 =	sne.s32 s0, $0x4800  }
0x19a: {  	[sflag:s18] =	ssyncadd.s32 $0xFFFFC000;
	s3 =	smov.u32 s0;
	s0 =	sadd.s32 $0x400, s0  }
0x19b: {  	_ = 	snop  }
0x19c: {  	_ =	swait.ge [sflag:s21], $0x4000  }
0x19d: {  	s3 =	sshra.s32 s3, $0x2;
	[sflag:s21] =	ssyncset.done $0x0  }
0x19e: {  	s10 =	sadd.s32 $0x80, s3;
	[sflag:s21] =	ssyncadd.s32 $0xFFFFC000  }
0x19f: {  	[tilespmem:s22], [sflag:$0x2] =	stream.indirect.gather [hbm4b:s1+s20], $0x80, s10, s20, $0xb8;
	[tilespmem:$0x1E800] =	vst v63  }
0x1a0: {  	s10 =	sadd.s32 $0x1400, s3  }
0x1a1: {  	[spmem:s2] =	stream.indirect.scatter.add.f32 [tilespmem:s17], [sflag:$0x4], $0x80, s10, s20, $0xb8;
	[tilespmem:$0x1E800] =	vst v63  }
0x1a2: {  	_ =	swait.ge [sflag:s18], $0x4000  }
0x1a3: {  	[sflag:s18] =	ssyncset.done $0x0  }
0x1a4: {  	[sflag:s18] =	ssyncadd.s32 $0xFFFFC000  }
0x1a5: {  	_ =	swait.ge [sflag:s23], $0x4000  }
0x1a6: {  	[sflag:s23] =	ssyncset.done $0x0  }
0x1a7: {  	s10 =	sadd.s32 $0x100, s3;
	[sflag:s23] =	ssyncadd.s32 $0xFFFFC000  }
0x1a8: {  	[tilespmem:s17], [sflag:$0x1] =	stream.indirect.gather [hbm4b:s1+s20], $0x80, s10, s20, $0xb8;
	[tilespmem:$0x1E800] =	vst v63  }
.Ltmp9:
0x1a9: {  	_ = 	snop;
	(pc) =	sbr.rel @p0 .LBB2_20-.Ltmp9, $4  }
0x1aa: {  	s3 =	sadd.s32 $0x1480, s3  }
0x1ab: {  	[spmem:s2] =	stream.indirect.scatter.add.f32 [tilespmem:s22], [sflag:$0x4], $0x80, s3, s20, $0xb8;
	[tilespmem:$0x1E800] =	vst v63  }
0x1ac: {  	_ =	swait.ge [sflag:s18], $0x4000  }
0x1ad: {  	[sflag:s18] =	ssyncset.done $0x0  }
0x1ae: {  	[sflag:s18] =	ssyncadd.s32 $0xFFFFC000  }
0x1af: {  	_ =	swait.ge [sflag:s21], $0x4000  }
0x1b0: {  	[sflag:s21] =	ssyncset.done $0x0  }
0x1b1: {  	[sflag:s21] =	ssyncadd.s32 $0xFFFFC000  }
0x1b2: {  	[tilespmem:s22], [sflag:$0x2] =	stream.indirect.gather [hbm4b:s1+s20], $0x80, s24, s20, $0xb8;
	[tilespmem:$0x1E800] =	vst v63  }
0x1b3: {  	_ = 	snop  }
0x1b4: {  	[spmem:s2] =	stream.indirect.scatter.add.f32 [tilespmem:s17], [sflag:$0x4], $0x80, s25, s20, $0xb8;
	[tilespmem:$0x1E800] =	vst v63  }
0x1b5: {  	_ =	swait.ge [sflag:s18], $0x4000  }
0x1b6: {  	[sflag:s18] =	ssyncset.done $0x0  }
0x1b7: {  	[sflag:s18] =	ssyncadd.s32 $0xFFFFC000  }
0x1b8: {  	_ =	swait.ge [sflag:s23], $0x4000  }
0x1b9: {  	[sflag:s23] =	ssyncset.done $0x0  }
0x1ba: {  	[sflag:s23] =	ssyncadd.s32 $0xFFFFC000  }
0x1bb: {  	[spmem:s2] =	stream.indirect.scatter.add.f32 [tilespmem:s22], [sflag:$0x4], $0x80, s26, s20, $0xb8;
	[tilespmem:$0x1E800] =	vst v63  }
0x1bc: {  	_ =	swait.ge [sflag:s18], $0x4000  }
0x1bd: {  	[sflag:s18] =	ssyncset.done $0x0  }
0x1be: {  	s29 =	sadd.s32 $0x1, s29;
	[sflag:s18] =	ssyncadd.s32 $0xFFFFC000  }
0x1bf: {  	p0 =	sne.s32 s29, s12;
	[bflag:$0x0] =	sbarrier.arrive $0xFFFF  }
0x1c0: {  	[hbm:s11], [sflag:s30] =	dma.local [spmem:s31], $0x2800  }
.Ltmp10:
0x1c1: {  	_ =	swait.ge [sflag:s28], $0x2800;
	(pc) =	sbr.rel @p0 .LBB2_1-.Ltmp10, $3  }
0x1c2: {  	[sflag:s28] =	ssyncset.done $0x0  }
0x1c3: {  	[sflag:s28] =	ssyncadd.s32 $0xFFFFD800  }
0x1c4: {  	[bflag:$0x0] =	sbarrier.arrive $0xFFFF;
	_ =	sdelay $0x1  }
0x1c5: {  	_ =	sfence.sel $0x180000  }
0x1c6: {  	[bflag:$0x0] =	sbarrier.arrive $0xFFFF  }
0x1c7: {  	_ =	strace $0x9000004D  }
0x1c8: {  	s0 =	stileid.u32;
	[bflag:$0x2] =	sbarrier.arrive $0xFFFF  }
0x1c9: {  	p0 =	sne.s32 s0, $0x0;
	s0 =	rddreg [dreg:$0x4]  }
0x1ca: {  	s0 =	sadd.s32 @!p0 $0x100000, s0  }
0x1cb: {  	[sflag:s0] =	ssyncadd.tile.s32 @!p0 $0x1;
	_ =	shalt  }
.Lfunc_end2:
_tile_overlayer_lowered:
.L_overlay_start_2:
0x1cc: {  	(tag) =	ssettag $0x2  }
0x1cd: {  	s0 =	rddreg [dreg:$0x0];
	s2 =	stileid.u32  }
0x1ce: {  	s1 =	rddreg [dreg:$0x1];
	p0 =	sne.s32 s2, $0x0  }
0x1cf: {  	s3 =	rddreg [dreg:$0x2];
	[bflag:$0x3] =	sbarrier.arrive $0xFFFF;
	s2 =	simm.s32 @!p0 $0x1C04  }
0x1d0: {  	[timem:s3], [sflag:s2] =	dma.local @!p0 [hbm:s0], s1  }
0x1d1: {  	s0 =	simm.s32 @!p0 $0x4  }
0x1d2: {  	_ =	swait.ge @!p0 [sflag:s0], s1  }
0x1d3: {  	s1 =	ssub.s32 @!p0 $0x0, s1;
	[sflag:s0] =	ssyncset.done @!p0 $0x0  }
0x1d4: {  	[sflag:s0] =	ssyncadd.s32 @!p0 s1  }
0x1d5: {  	[bflag:$0x3] =	sbarrier.arrive $0xFFFF  }
0x1d6: {  	_ =	shalt  }

// kernel: kernel.8.cloned.1.call-start
scs
__scs_entry_jumppad:
0x0: {  	(pc) =	sbr.rel $0x88, $3  }
0x1: {  	(tag) =	ssettag $0x0;
	lr =	simm.s32 $0x1  }
0x2: {  	[smem:$0x3F99] =	sst lr;
	_ =	strace $0xD0000000  }
0x3: {  	_ = 	snop  }
0x4: {  	_ = 	snop  }
0x5: {  	_ = 	snop  }
0x6: {  	_ = 	snop  }
0x7: {  	_ = 	snop  }
__scs_overlays_trampoline_lowered:
0x8: {  	[smem:$0x3FA8] =	sst s0  }
0x9: {  	[smem:$0x3FA9] =	sst s1  }
0xa: {  	[smem:$0x3FAA] =	sst s2  }
0xb: {  	[smem:$0x3FAB] =	sst s3  }
0xc: {  	[smem:$0x3FAC] =	sst s4  }
0xd: {  	[smem:$0x3FAD] =	sst s5  }
0xe: {  	[smem:$0x3FAE] =	sst s6  }
0xf: {  	[smem:$0x3FAF] =	sst s7  }
0x10: {  	[smem:$0x3FB0] =	sst s8  }
0x11: {  	[smem:$0x3FB1] =	sst s9;
	s0 =	simm.s32 @!p0 $0x0  }
0x12: {  	s1 =	sld [smem:$0x3F97];
	s0 =	simm.s32 @p0 $0x1  }
0x13: {  	[smem:$0x3FB2] =	sst s0;
	s0 =	simm.s32 @!p1 $0x0  }
0x14: {  	s2 =	sld [smem:$0x3F96];
	s0 =	simm.s32 @p1 $0x1  }
0x15: {  	[smem:$0x3FB3] =	sst s0;
	s0 =	simm.s32 @!p2 $0x0  }
0x16: {  	s3 =	sld [smem:$0x3FDB];
	s0 =	simm.s32 @p2 $0x1  }
0x17: {  	s4 =	simm.s32 $0x1BF5;
	[smem:$0x3FB5] =	sst s0  }
0x18: {  	s0 =	sld [smem:$0x3F98];
	_ =	swait.ge [sflag:s4], $0x0  }
0x19: {  	s7 =	sld [smem:$0x3F99]  }
0x1a: {  	s8 =	sadd.s32 $0xFFFFE003, lr  }
0x1b: {  	s9 =	sadd.s32 $0xFFFFFEF7, lr;
	s5 =	simm.s32 $0xFFFFFFFF;
	p2 =	slt.u32 s8, $0xFFFFF086  }
0x1c: {  	p1 =	slt.u32 s9, $0xF7A;
	s5 =	simm.s32 @!p2 $0x0  }
0x1d: {  	s5 =	simm.s32 @p1 $0x1;
	p0 =	seq.s32 s7, s2  }
0x1e: {  	s7 =	smul.u32 @!p0 $0xF7A, s2;
	p2 =	seq.s32 @!p0 s5, $0x0  }
0x1f: {  	s9 =	smul.u32 $0xF7A, s1;
	s8 =	simm.s32 @!p0 $0x1BF5;
	p2 =	por !p2, p0  }
0x20: {  	[sflag:s8] =	ssyncset.s32 @!p0 $0xFFFFF086;
	s6 =	sadd.s32 @!p0 s3, s7;
	s7 =	simm.s32 @!p0 $0x108  }
0x21: {  	s3 =	sadd.s32 s3, s9;
	s6 =	sadd.s32 @!p0 $0x88, s6;
	s7 =	simm.s32 @p2 $0x1082  }
0x22: {  	[simem:s7], [sflag:s8] =	dma.local @!p0 [hbm:s6], $0xF7A  }
0x23: {  	s9 =	sor.u32 $0xD0000000, s2;
	s6 =	simm.s32 $0x108;
	_ =	swait.ge @!p0 [sflag:s8], $0x0  }
0x24: {  	s3 =	sadd.s32 $0x88, s3;
	s6 =	simm.s32 @!p1 $0x1082;
	[sflag:s4] =	ssyncset.s32 $0xFFFFF086  }
0x25: {  	[simem:s6], [sflag:s4] =	dma.local [hbm:s3], $0xF7A  }
0x26: {  	[smem:$0x3F99] =	sst s1;
	(tag) =	ssettag s2;
	_ =	strace s9  }
0x27: {  	s1 =	sld [smem:$0x3FA9]  }
0x28: {  	s2 =	sld [smem:$0x3FAA]  }
0x29: {  	s4 =	sld [smem:$0x3FAC]  }
0x2a: {  	p0 =	seq.s32 s5, $0x0;
	s5 =	sld [smem:$0x3FAD]  }
0x2b: {  	s6 =	sld [smem:$0x3FAE]  }
0x2c: {  	s7 =	sld [smem:$0x3FAF]  }
0x2d: {  	s3 =	simm.s32 $0x108;
	s8 =	sld [smem:$0x3FB0]  }
0x2e: {  	s3 =	simm.s32 @!p0 $0x1082;
	s9 =	sld [smem:$0x3FB1]  }
0x2f: {  	lr =	sadd.s32 s0, s3;
	s0 =	sld [smem:$0x3FA8]  }
0x30: {  	s3 =	sld [smem:$0x3FAB]  }
0x31: {  	[smem:$0x3FB4] =	sst s10  }
0x32: {  	s10 =	sld [smem:$0x3FB2];
	_ =	sdelay $0x3  }
0x33: {  	p0 =	seq.s32 s10, $0x1;
	s10 =	sld [smem:$0x3FB4];
	_ =	sdelay $0x3  }
0x34: {  	[smem:$0x3FB4] =	sst s10  }
0x35: {  	s10 =	sld [smem:$0x3FB3];
	_ =	sdelay $0x3  }
0x36: {  	p1 =	seq.s32 s10, $0x1;
	s10 =	sld [smem:$0x3FB4];
	_ =	sdelay $0x3  }
0x37: {  	[smem:$0x3FB4] =	sst s10  }
0x38: {  	s10 =	sld [smem:$0x3FB5]  }
0x39: {  	_ = 	snop;
	(pc) =	sbr.ind lr, $3  }
0x3a: {  	_ = 	snop  }
0x3b: {  	_ = 	snop  }
0x3c: {  	p2 =	seq.s32 s10, $0x1;
	s10 =	sld [smem:$0x3FB4]  }
0x3d: {  	_ =	shalt  }
0x3e: {  	_ =	shalt  }
0x3f: {  	_ =	shalt  }
0x40: {  	_ =	shalt  }
0x41: {  	_ =	shalt  }
0x42: {  	_ =	shalt  }
0x43: {  	_ =	shalt  }
0x44: {  	_ =	shalt  }
0x45: {  	_ =	shalt  }
0x46: {  	_ =	shalt  }
0x47: {  	_ =	shalt  }
0x48: {  	_ =	shalt  }
0x49: {  	_ =	shalt  }
0x4a: {  	_ =	shalt  }
0x4b: {  	_ =	shalt  }
0x4c: {  	_ =	shalt  }
0x4d: {  	_ =	shalt  }
0x4e: {  	_ =	shalt  }
0x4f: {  	_ =	shalt  }
0x50: {  	_ =	shalt  }
0x51: {  	_ =	shalt  }
0x52: {  	_ =	shalt  }
0x53: {  	_ =	shalt  }
0x54: {  	_ =	shalt  }
0x55: {  	_ =	shalt  }
0x56: {  	_ =	shalt  }
0x57: {  	_ =	shalt  }
0x58: {  	_ =	shalt  }
0x59: {  	_ =	shalt  }
0x5a: {  	_ =	shalt  }
0x5b: {  	_ =	shalt  }
0x5c: {  	_ =	shalt  }
0x5d: {  	_ =	shalt  }
0x5e: {  	_ =	shalt  }
0x5f: {  	_ =	shalt  }
0x60: {  	_ =	shalt  }
0x61: {  	_ =	shalt  }
0x62: {  	_ =	shalt  }
0x63: {  	_ =	shalt  }
0x64: {  	_ =	shalt  }
0x65: {  	_ =	shalt  }
0x66: {  	_ =	shalt  }
0x67: {  	_ =	shalt  }
0x68: {  	_ =	shalt  }
0x69: {  	_ =	shalt  }
0x6a: {  	_ =	shalt  }
0x6b: {  	_ =	shalt  }
0x6c: {  	_ =	shalt  }
0x6d: {  	_ =	shalt  }
0x6e: {  	_ =	shalt  }
0x6f: {  	_ =	shalt  }
0x70: {  	_ =	shalt  }
0x71: {  	_ =	shalt  }
0x72: {  	_ =	shalt  }
0x73: {  	_ =	shalt  }
0x74: {  	_ =	shalt  }
0x75: {  	_ =	shalt  }
0x76: {  	_ =	shalt  }
0x77: {  	_ =	shalt  }
0x78: {  	_ =	shalt  }
0x79: {  	_ =	shalt  }
0x7a: {  	_ =	shalt  }
0x7b: {  	_ =	shalt  }
0x7c: {  	_ =	shalt  }
0x7d: {  	_ =	shalt  }
0x7e: {  	_ =	shalt  }
0x7f: {  	_ =	shalt  }
0x80: {  	_ =	shalt  }
0x81: {  	_ =	shalt  }
0x82: {  	_ =	shalt  }
0x83: {  	_ =	shalt  }
0x84: {  	_ =	shalt  }
0x85: {  	_ =	shalt  }
0x86: {  	_ =	shalt  }
0x87: {  	_ =	shalt  }
.Lfunc_end0:
.L_simem_size_0:
called_computation_lowered:
.L_overlay_start_0:
0x88: {  	s2 =	sld [smem:$0x3FD9]  }
0x89: {  	s3 =	sld [smem:$0x3FFE];
	_ =	sdelay $0x1  }
0x8a: {  	s1 =	srdreg.scid  }
0x8b: {  	s0 =	sand.u32 $0x1, s1  }
0x8c: {  	s15 =	sshll.u32 s0, $0xA;
	s2 =	sadd.s32 s3, s2  }
0x8d: {  	s2 =	sadd.s32 s2, s15  }
0x8e: {  	[smem:$0x3FC0] =	sst s2  }
0x8f: {  	_ = 	snop  }
0x90: {  	s2 =	sld [smem:$0x3FD0];
	_ =	sdelay $0x2  }
0x91: {  	s16 =	simm.s32 $0xA;
	s4 =	simm.s32 $0x10  }
0x92: {  	[smem:s4], [sflag:s16] =	dma.local [hbm:s2], $0x1  }
0x93: {  	_ =	swait.eq [sflag:s16], $0x1  }
0x94: {  	[sflag:s16] =	ssyncset.done $0x0  }
0x95: {  	s17 =	sld [smem:$0x10];
	[sflag:s16] =	ssyncadd.s32 $0xFFFFFFFF  }
0x96: {  	s18 =	sld [smem:$0x11];
	(tm) =	ssettm $0x1  }
0x97: {  	s19 =	sld [smem:$0x3FFB];
	_ =	sdelay $0x3  }
0x98: {  	_ =	strace s19  }
0x99: {  	s4 =	sld [smem:$0x3FFC];
	_ =	sdelay $0x3  }
0x9a: {  	_ =	strace s4  }
0x9b: {  	s4 =	sld [smem:$0x3FFD];
	_ =	sdelay $0x3  }
0x9c: {  	_ =	strace s4  }
0x9d: {  	_ =	strace $0x8FFFFFFF  }
0x9e: {  	s20 =	sld [smem:$0x3FDB];
	_ =	sdelay $0x1  }
0x9f: {  	s5 =	simm.s32 $_scs_section_size  }
0xa0: {  	s6 =	simm.s32 $_size__tile_overlayer_lowered;
	s7 =	simm.s32 $_tile_overlayer_lowered  }
0xa1: {  	s23 =	simm.s32 $0x1BFF;
	s22 =	sshll.u32 s7, $0x1;
	s4 =	sadd.s32 s5, s20  }
0xa2: {  	s8 =	simm.s32 $0x0;
	s21 =	sshll.u32 s6, $0x1;
	s6 =	sadd.s32 s22, s4  }
0xa3: {  	[timem:s8], [sflag:s23] =	dma.local [hbm:s6], s21  }
0xa4: {  	_ =	swait.ge [sflag:s23], s21  }
0xa5: {  	s5 =	ssub.s32 $0x0, s21;
	[sflag:s23] =	ssyncset.done $0x0  }
0xa6: {  	[sflag:s23] =	ssyncadd.s32 s5;
	_ =	sdelay $0x1  }
0xa7: {  	s24 =	simm.s32 $0x1B8B  }
0xa8: {  	_ =	swait.ge [sflag:s24], $0x1  }
0xa9: {  	[sflag:s24] =	ssyncset.done $0x0  }
0xaa: {  	s25 =	simm.s32 $0x1B8E;
	[sflag:s24] =	ssyncadd.s32 $0xFFFFFFFF  }
0xab: {  	s26 =	simm.s32 $execute0_lowered;
	[smem:$0x3FD2] =	sst s25  }
0xac: {  	s5 =	sshll.u32 s26, $0x1;
	_ =	strace $0x80000046;
	[dreg:$0x1] =	wrdreg $0xFFFFFFFF  }
0xad: {  	s28 =	simm.s32 $_size_execute0_lowered;
	s4 =	sadd.s32 s4, s5;
	[dreg:$0x0] =	wrdreg $0x0  }
0xae: {  	s5 =	sshll.u32 s28, $0x1;
	[dreg:$0x2] =	wrdreg s4  }
0xaf: {  	[dreg:$0x3] =	wrdreg s5  }
0xb0: {  	[dreg:$0x4] =	wrdreg $0xC0  }
0xb1: {  	_ =	task [dreg:s8], $0x5FFFF  }
0xb2: {  	[dreg:$0x1] =	wrdreg $0xFFFFFFFF  }
0xb3: {  	[dreg:$0x0] =	wrdreg $0x60  }
0xb4: {  	[dreg:$0x2] =	wrdreg s18  }
0xb5: {  	[dreg:$0x3] =	wrdreg s17  }
0xb6: {  	[dreg:$0x4] =	wrdreg $0x17000  }
0xb7: {  	[dreg:$0x5] =	wrdreg $0x9  }
0xb8: {  	_ =	task.clear_ibuf [dreg:s8], $0x6FFFF;
	_ =	strace $0x90000046  }
0xb9: {  	s29 =	simm.s32 $0x9;
	_ =	strace $0x80000048  }
0xba: {  	_ =	swait.ge [sflag:s29], $0x1  }
0xbb: {  	[sflag:s29] =	ssyncadd.s32 $0xFFFFFFFF  }
0xbc: {  	_ =	strace $0x90000048  }
0xbd: {  	_ =	sfence  }
0xbe: {  	s30 =	sld [smem:$0x0];
	_ =	sdelay $0x2  }
0xbf: {  	s31 =	sshll.u32 s1, $0xD;
	s1 =	sshrl.u32 s1, $0x2  }
0xc0: {  	s3 =	sand.u32 $0x4000, s31;
	s1 =	sadd.s32 s1, s30  }
0xc1: {  	s0 =	sor.u32 s3, s0;
	s1 =	sshll.u32 s1, $0x11  }
0xc2: {  	s0 =	sor.u32 s1, s0  }
0xc3: {  	s0 =	sadd.s32 $0x8F2B, s0  }
0xc4: {  	[sflag:s0] =	ssyncadd.remote.s32 $0x1  }
0xc5: {  	_ =	sfence.sel $0xFFFF  }
0xc6: {  	[dreg:$0x0] =	wrdreg $0xFFFFFFFF;
	(pc) =	sbr.abs _section_cstart, $3  }
0xc7: {  	[dreg:$0x1] =	wrdreg $0xFFFFFFFF  }
0xc8: {  	_ =	task.clear_ibuf [dreg:s8], $0x2FFFF;
	_ =	strace $0x9FFFFFFF  }
0xc9: {  	(tm) =	ssettm $0x7FFFFFFF  }
tec
execute0_lowered:
.L_overlay_start_1:
0x0: {  	(tag) =	ssettag $0x1  }
0x1: {  	s5 =	rddreg [dreg:$0x0]  }
0x2: {  	s6 =	rddreg [dreg:$0x1]  }
0x3: {  	s2 =	rddreg [dreg:$0x2]  }
0x4: {  	s3 =	srdreg.scid;
	s1 =	stileid.u32  }
0x5: {  	s0 =	rddreg [dreg:$0x3];
	s11 =	simm.s32 $0x1400;
	s14 =	simm.s32 $0x0  }
0x6: {  	s4 =	sand.u32 $0x1, s3;
	s7 =	smul.u32 $0x280, s1;
	s3 =	simm.s32 $0x0  }
0x7: {  	s12 =	sshll.u32 s1, $0x6;
	s8 =	sshll.u32 s4, $0x4;
	s9 =	smul.u32 $0x2800, s4  }
0x8: {  	[smem:$0x7FF] =	sst s3;
	s4 =	ssub.s32 $0x2, s4;
	s12 =	sor.u32 $0x1C01, s12  }
0x9: {  	s8 =	sor.u32 s1, s8;
	s10 =	sshrl.u32 s4, $0x1;
	_ =	strace $0x80000047  }
0xa: {  	s8 =	smul.u32 $0x280, s8;
	s9 =	sadd.s32 s7, s9;
	s10 =	ssub.s32 s4, s10  }
0xb: {  	s4 =	sadd.s32 s7, s2;
	s9 =	sshrl.u32 s9, $0x3;
	s7 =	smax.u32 s10, $0x1  }
0xc: {  	s10 =	simm.s32 $0x80;
	s13 =	sshrl.u32 s4, $0x3;
	s5 =	sadd.s32 s5, s8  }
0xd: {  	v0 =	vimm.f32 $0.0e+00;
	v1 =	vimm.f32 $1.000000000e+00;
	s6 =	sadd.s32 s6, s9;
	s8 =	simm.s32 $0x1480;
	s9 =	simm.s32 $0x1  }
.LBB2_1:
0xe: {  	[tilespmem:$0x1480] =	vst v0  }
0xf: {  	[tilespmem:$0x1490] =	vst v0  }
0x10: {  	[tilespmem:$0x14A0] =	vst v0  }
0x11: {  	[tilespmem:$0x14B0] =	vst v0  }
0x12: {  	[tilespmem:$0x14C0] =	vst v0  }
0x13: {  	[tilespmem:$0x14D0] =	vst v0  }
0x14: {  	[tilespmem:$0x14E0] =	vst v0  }
0x15: {  	[tilespmem:$0x14F0] =	vst v0  }
0x16: {  	[tilespmem:$0x1500] =	vst v0  }
0x17: {  	[tilespmem:$0x1510] =	vst v0  }
0x18: {  	[tilespmem:$0x1520] =	vst v0  }
0x19: {  	[tilespmem:$0x1530] =	vst v0  }
0x1a: {  	[tilespmem:$0x1540] =	vst v0  }
0x1b: {  	[tilespmem:$0x1550] =	vst v0  }
0x1c: {  	[tilespmem:$0x1560] =	vst v0  }
0x1d: {  	[tilespmem:$0x1570] =	vst v0  }
0x1e: {  	[tilespmem:$0x1580] =	vst v0  }
0x1f: {  	[tilespmem:$0x1590] =	vst v0  }
0x20: {  	[tilespmem:$0x15A0] =	vst v0  }
0x21: {  	[tilespmem:$0x15B0] =	vst v0  }
0x22: {  	[tilespmem:$0x15C0] =	vst v0  }
0x23: {  	[tilespmem:$0x15D0] =	vst v0  }
0x24: {  	[tilespmem:$0x15E0] =	vst v0  }
0x25: {  	[tilespmem:$0x15F0] =	vst v0  }
0x26: {  	[tilespmem:$0x1600] =	vst v0  }
0x27: {  	[tilespmem:$0x1610] =	vst v0  }
0x28: {  	[tilespmem:$0x1620] =	vst v0  }
0x29: {  	[tilespmem:$0x1630] =	vst v0  }
0x2a: {  	[tilespmem:$0x1640] =	vst v0  }
0x2b: {  	[tilespmem:$0x1650] =	vst v0  }
0x2c: {  	[tilespmem:$0x1660] =	vst v0  }
0x2d: {  	[tilespmem:$0x1670] =	vst v0  }
0x2e: {  	[tilespmem:$0x1680] =	vst v0  }
0x2f: {  	[tilespmem:$0x1690] =	vst v0  }
0x30: {  	[tilespmem:$0x16A0] =	vst v0  }
0x31: {  	[tilespmem:$0x16B0] =	vst v0  }
0x32: {  	[tilespmem:$0x16C0] =	vst v0  }
0x33: {  	[tilespmem:$0x16D0] =	vst v0  }
0x34: {  	[tilespmem:$0x16E0] =	vst v0  }
0x35: {  	[tilespmem:$0x16F0] =	vst v0  }
0x36: {  	[tilespmem:$0x1400] =	vst v1  }
0x37: {  	[tilespmem:$0x1410] =	vst v1  }
0x38: {  	[tilespmem:$0x1420] =	vst v1  }
0x39: {  	[tilespmem:$0x1430] =	vst v1  }
0x3a: {  	[tilespmem:$0x1440] =	vst v1  }
0x3b: {  	[tilespmem:$0x1450] =	vst v1  }
0x3c: {  	[tilespmem:$0x1460] =	vst v1  }
0x3d: {  	[tilespmem:$0x1470] =	vst v1  }
0x3e: {  	[spmem:s4] =	stream.linear.scatter [tilespmem:s8], [sflag:$0x1], $0x280, $0x38;
	[tilespmem:$0x1980] =	vst v63  }
0x3f: {  	_ =	swait.ge [sflag:s9], $0x280  }
0x40: {  	[sflag:s9] =	ssyncset.done $0x0  }
0x41: {  	[sflag:s9] =	ssyncadd.s32 $0xFFFFFD80  }
0x42: {  	[bflag:$0x0] =	sbarrier.arrive $0xFFFF  }
0x43: {  	[tilespmem:s3], [sflag:$0x1] =	stream.linear.gather [hbm4b:s5+s3], $0x1400, $0x38;
	[tilespmem:$0x1980] =	vst v63  }
0x44: {  	_ =	swait.ge [sflag:s9], $0x1400  }
0x45: {  	[sflag:s9] =	ssyncset.done $0x0  }
0x46: {  	s15 =	simm.s32 $0x0;
	[sflag:s9] =	ssyncadd.s32 $0xFFFFEC00  }
0x47: {  	[spmem:s2] =	stream.indirect.scatter.add.f32 [tilespmem:s11], [sflag:$0x1], $0x1, s15, s10, $0xb8;
	[tilespmem:$0x1980] =	vst v63  }
0x48: {  	_ =	swait.ge [sflag:s9], $0x80  }
0x49: {  	s15 =	simm.s32 $0x200;
	[sflag:s9] =	ssyncset.done $0x0  }
.LBB2_2:
0x4a: {  	s16 =	sshra.s32 s15, $0x2;
	[sflag:s9] =	ssyncadd.s32 $0xFFFFFF80;
	p0 =	sne.s32 s15, $0x4E00  }
0x4b: {  	[spmem:s2] =	stream.indirect.scatter.add.f32 [tilespmem:s11], [sflag:$0x1], $0x1, s16, s10, $0xb8;
	[tilespmem:$0x1980] =	vst v63  }
.Ltmp0:
0x4c: {  	_ = 	snop;
	(pc) =	sbr.rel @p0 .LBB2_2-.Ltmp0, $4  }
0x4d: {  	_ = 	snop  }
0x4e: {  	s15 =	sadd.s32 $0x200, s15  }
0x4f: {  	_ =	swait.ge [sflag:s9], $0x80  }
0x50: {  	[sflag:s9] =	ssyncset.done $0x0  }
0x51: {  	s14 =	sadd.s32 $0x1, s14  }
0x52: {  	[sflag:s9] =	ssyncadd.s32 $0xFFFFFF80;
	p0 =	sne.s32 s14, s7  }
.Ltmp1:
0x53: {  	[bflag:$0x0] =	sbarrier.arrive $0xFFFF;
	(pc) =	sbr.rel @p0 .LBB2_1-.Ltmp1, $4  }
0x54: {  	[hbm:s6], [sflag:s12] =	dma.local [spmem:s13], $0x50  }
0x55: {  	_ =	swait.ge [sflag:s9], $0x50  }
0x56: {  	[sflag:s9] =	ssyncset.done $0x0  }
0x57: {  	[sflag:s9] =	ssyncadd.s32 $0xFFFFFFB0  }
0x58: {  	_ =	sfence.sel $0x180000  }
0x59: {  	[bflag:$0x0] =	sbarrier.arrive $0xFFFF  }
0x5a: {  	p0 =	sne.s32 s1, $0x0;
	_ =	strace $0x90000047  }
0x5b: {  	s0 =	sadd.s32 @!p0 $0x100000, s0;
	[bflag:$0x2] =	sbarrier.arrive $0xFFFF  }
0x5c: {  	[sflag:s0] =	ssyncadd.tile.s32 @!p0 $0x1;
	_ =	shalt  }
.Lfunc_end2:
_tile_overlayer_lowered:
.L_overlay_start_2:
0x5d: {  	(tag) =	ssettag $0x2  }
0x5e: {  	s0 =	rddreg [dreg:$0x0];
	s2 =	stileid.u32  }
0x5f: {  	s1 =	rddreg [dreg:$0x1];
	p0 =	sne.s32 s2, $0x0  }
0x60: {  	s3 =	rddreg [dreg:$0x2];
	[bflag:$0x3] =	sbarrier.arrive $0xFFFF;
	s2 =	simm.s32 @!p0 $0x1C01  }
0x61: {  	[timem:s3], [sflag:s2] =	dma.local @!p0 [hbm:s0], s1  }
0x62: {  	s0 =	simm.s32 @!p0 $0x1  }
0x63: {  	_ =	swait.ge @!p0 [sflag:s0], s1  }
0x64: {  	s1 =	ssub.s32 @!p0 $0x0, s1;
	[sflag:s0] =	ssyncset.done @!p0 $0x0  }
0x65: {  	[sflag:s0] =	ssyncadd.s32 @!p0 s1  }
0x66: {  	[bflag:$0x3] =	sbarrier.arrive $0xFFFF  }
0x67: {  	_ =	shalt  }

</sc_bundles>
